<compile_context>
chip_gen: v7x
topology: tpu7x:2x2x1
jax: 0.10.2.dev20260603
libtpu: 0.0.44.dev20260713+nightly
codegen_flags: <defaults>
</compile_context>

<pallas_src>
import functools

import jax
import jax.numpy as jnp
from jax import lax
from jax.experimental import pallas as pl
from jax.experimental.pallas import tpu as pltpu
from jax.experimental.pallas import tpu_sc as plsc

N = 100000
E = 1600000
H = 32
OUT = 16
HH = H // 2

NPAD = 100096
RPT = NPAD // 16
CH = 2000
CHW = 800
VECS = CH // 16
VECSW = CHW // 16

NPK = NPAD // 16
NPKV = N // 16
PW = 16 * H
BR = 368
NB = NPK // BR


def _mesh():
    return plsc.VectorSubcoreMesh(core_axis_name="c", subcore_axis_name="s")


def _zero_fill(buf, nvec):
    zeros = jnp.zeros((16,), jnp.float32)

    def body(i, carry):
        buf[pl.ds(i * 16, 16)] = zeros
        return carry

    lax.fori_loop(0, nvec, body, 0)


def _zero_fill2d(buf, nrows):
    zeros = jnp.zeros((16,), jnp.float32)

    def body(i, carry):
        buf[i, :] = zeros
        return carry

    lax.fori_loop(0, nrows, body, 0)


def _zero_stripe(zbuf, acc, stripe, clen):
    nfull = RPT // clen
    rem = RPT - nfull * clen
    for k in range(nfull):
        pltpu.sync_copy(zbuf, acc.at[pl.ds(stripe + k * clen, clen)])
    if rem:
        pltpu.sync_copy(zbuf.at[pl.ds(0, rem)],
                        acc.at[pl.ds(stripe + nfull * clen, rem)])


def _copy_stripe(src, src_base, dst, dst_base, bounce, clen):
    nfull = RPT // clen
    rem = RPT - nfull * clen
    for k in range(nfull):
        pltpu.sync_copy(src.at[pl.ds(src_base + k * clen, clen)], bounce)
        pltpu.sync_copy(bounce, dst.at[pl.ds(dst_base + k * clen, clen)])
    if rem:
        pltpu.sync_copy(src.at[pl.ds(src_base + nfull * clen, rem)],
                        bounce.at[pl.ds(0, rem)])
        pltpu.sync_copy(bounce.at[pl.ds(0, rem)],
                        dst.at[pl.ds(dst_base + nfull * clen, rem)])


@functools.partial(
    pl.kernel,
    out_type=jax.ShapeDtypeStruct((NPAD,), jnp.float32),
    mesh=_mesh(),
    compiler_params=pltpu.CompilerParams(use_tc_tiling_on_sc=False),
    scratch_types=[
        pltpu.VMEM((CH,), jnp.int32),
        pltpu.VMEM((CH,), jnp.float32),
        pltpu.VMEM_SHARED((NPAD,), jnp.float32),
    ],
)
def _sc_hist(dst_hbm, deg_out, dst_v, val_v, acc):
    c = lax.axis_index("c")
    s = lax.axis_index("s")

    @pl.when(c == 0)
    def _():
        stripe = pl.multiple_of(s * RPT, 8)
        _zero_fill(val_v, VECS)
        _zero_stripe(val_v, acc, stripe, CH)
        ones = jnp.ones((16,), jnp.float32)

        def fill(i, carry):
            val_v[pl.ds(i * 16, 16)] = ones
            return carry

        lax.fori_loop(0, VECS, fill, 0)
        plsc.subcore_barrier()

        ept = E // 16

        def chunk(j, carry):
            base = pl.multiple_of(s * ept + j * CH, 8)
            pltpu.sync_copy(dst_hbm.at[pl.ds(base, CH)], dst_v)
            pltpu.sync_copy(val_v, acc.at[dst_v], add=True)
            return carry

        lax.fori_loop(0, ept // CH, chunk, 0)
        plsc.subcore_barrier()
        _copy_stripe(acc, stripe, deg_out, stripe, val_v, CH)


@functools.partial(
    pl.kernel,
    out_type=jax.ShapeDtypeStruct((2 * NPAD,), jnp.float32),
    mesh=_mesh(),
    compiler_params=pltpu.CompilerParams(use_tc_tiling_on_sc=False),
    scratch_types=[
        pltpu.VMEM((CH,), jnp.int32),
        pltpu.VMEM((CH,), jnp.int32),
        pltpu.VMEM((CH,), jnp.float32),
        pltpu.VMEM_SHARED((NPAD,), jnp.float32),
        pltpu.SemaphoreType.DMA,
    ],
)
def _sc_agg0(src_hbm, dst_hbm, deg_hbm, out, src_v, dst_v, val_v, acc, sem):
    c = lax.axis_index("c")
    s = lax.axis_index("s")
    stripe = pl.multiple_of(s * RPT, 8)

    _zero_fill(val_v, VECS)
    _zero_stripe(val_v, acc, stripe, CH)
    plsc.subcore_barrier()

    epw = E // 32
    wid = c * 16 + s

    def chunk(j, carry):
        base = pl.multiple_of(wid * epw + j * CH, 8)
        pltpu.sync_copy(src_hbm.at[pl.ds(base, CH)], src_v)
        pltpu.sync_copy(dst_hbm.at[pl.ds(base, CH)], dst_v)
        pltpu.async_copy(deg_hbm.at[src_v], val_v, sem).wait()
        pltpu.sync_copy(val_v, acc.at[dst_v], add=True)
        return carry

    lax.fori_loop(0, epw // CH, chunk, 0)
    plsc.subcore_barrier()
    _copy_stripe(acc, stripe, out, c * NPAD + stripe, val_v, CH)


@functools.partial(
    pl.kernel,
    out_type=jax.ShapeDtypeStruct((NPAD, H), jnp.float32),
    mesh=_mesh(),
    compiler_params=pltpu.CompilerParams(use_tc_tiling_on_sc=False),
    scratch_types=[
        pltpu.VMEM((CHW,), jnp.int32),
        pltpu.VMEM((CHW,), jnp.int32),
        pltpu.VMEM((CHW, HH), jnp.float32),
        pltpu.VMEM((CHW,), jnp.int32),
        pltpu.VMEM((CHW,), jnp.int32),
        pltpu.VMEM((CHW, HH), jnp.float32),
        pltpu.VMEM_SHARED((NPAD, HH), jnp.float32),
        pltpu.SemaphoreType.DMA,
    ],
)
def _sc_aggw(h2_hbm, src_hbm, dst_hbm, out, sv_a, dv_a, rv_a, sv_b, dv_b,
             rv_b, acc, sem):
    c = lax.axis_index("c")
    s = lax.axis_index("s")
    stripe = pl.multiple_of(s * RPT, 8)

    _zero_fill2d(rv_a, CHW)
    _zero_stripe(rv_a, acc, stripe, CHW)
    plsc.subcore_barrier()

    ept = E // 16
    nch = ept // CHW

    def load_idx(j, sv, dv):
        base = pl.multiple_of(s * ept + j * CHW, 8)
        pltpu.sync_copy(src_hbm.at[pl.ds(base, CHW)], sv)
        pltpu.sync_copy(dst_hbm.at[pl.ds(base, CHW)], dv)

        def cidx(i, cc):
            v = sv[pl.ds(i * 16, 16)]
            sv[pl.ds(i * 16, 16)] = v + v + c
            return cc

        lax.fori_loop(0, VECSW, cidx, 0)

    load_idx(0, sv_a, dv_a)
    pltpu.async_copy(h2_hbm.at[sv_a], rv_a, sem)

    def pair(t, carry):
        j0 = 2 * t
        load_idx(j0 + 1, sv_b, dv_b)
        pltpu.make_async_copy(h2_hbm.at[sv_a], rv_a, sem).wait()
        pltpu.async_copy(h2_hbm.at[sv_b], rv_b, sem)
        pltpu.sync_copy(rv_a, acc.at[dv_a], add=True)
        load_idx(j0 + 2, sv_a, dv_a)
        pltpu.make_async_copy(h2_hbm.at[sv_b], rv_b, sem).wait()
        pltpu.async_copy(h2_hbm.at[sv_a], rv_a, sem)
        pltpu.sync_copy(rv_b, acc.at[dv_b], add=True)
        return carry

    lax.fori_loop(0, (nch - 1) // 2, pair, 0)
    pltpu.make_async_copy(h2_hbm.at[sv_a], rv_a, sem).wait()
    pltpu.sync_copy(rv_a, acc.at[dv_a], add=True)
    plsc.subcore_barrier()

    col = pl.multiple_of(c * HH, 8)
    nfull = RPT // CHW
    rem = RPT - nfull * CHW
    for k in range(nfull):
        pltpu.sync_copy(acc.at[pl.ds(stripe + k * CHW, CHW)], rv_a)
        pltpu.sync_copy(rv_a,
                        out.at[pl.ds(stripe + k * CHW, CHW), pl.ds(col, HH)])
    if rem:
        pltpu.sync_copy(acc.at[pl.ds(stripe + nfull * CHW, rem)],
                        rv_a.at[pl.ds(0, rem)])
        pltpu.sync_copy(
            rv_a.at[pl.ds(0, rem)],
            out.at[pl.ds(stripe + nfull * CHW, rem), pl.ds(col, HH)])



def _bdot(x, w):
    return jnp.dot(x.astype(jnp.bfloat16), w.astype(jnp.bfloat16),
                   preferred_element_type=jnp.float32)

def _expand32(v, fold):
    return lax.dot_general(v, fold, (((1,), (1,)), ((), ())),
                           preferred_element_type=jnp.float32,
                           precision=lax.Precision.HIGHEST)


def _stats_update(b, z2, fold_ref, z_ref, ssum_ref, ssq_ref, a_ref):
    z_ref[...] = z2
    rows = lax.broadcasted_iota(jnp.int32, (BR, PW), 0) + b * BR
    valid = rows < NPKV
    zm = jnp.where(valid, z2, 0.0)
    cs = jnp.sum(zm, axis=0, keepdims=True)

    @pl.when(b == 0)
    def _():
        ssum_ref[...] = jnp.zeros_like(ssum_ref)
        ssq_ref[...] = jnp.zeros_like(ssq_ref)
        a32 = jnp.dot(cs, fold_ref[...], preferred_element_type=jnp.float32,
                      precision=lax.Precision.HIGHEST) / (16 * BR)
        a_ref[...] = _expand32(a32, fold_ref[...])

    aa = a_ref[...]
    dd = z2 - aa
    sq = jnp.where(valid, dd * dd, 0.0)
    ssum_ref[...] += cs
    ssq_ref[...] += jnp.sum(sq, axis=0, keepdims=True)


def _tca_l0_body(deg_ref, p0_ref, p1_ref, ksel_ref, wa_ref, ba_ref, wb_ref,
                 bb_ref, fold_ref, z_ref, ssum_ref, ssq_ref, a_ref):
    b = pl.program_id(0)
    z0 = deg_ref[...] + p0_ref[0] + p1_ref[0]
    z0x = jnp.dot(z0, ksel_ref[...], preferred_element_type=jnp.float32,
                  precision=lax.Precision.HIGHEST)
    z1 = jnp.maximum(z0x * wa_ref[...] + ba_ref[...], 0.0)
    z2 = _bdot(z1, wb_ref[...])
    z2 = z2 + bb_ref[...]
    _stats_update(b, z2, fold_ref, z_ref, ssum_ref, ssq_ref, a_ref)


_tca_l0 = pl.pallas_call(
    _tca_l0_body,
    grid=(NB,),
    in_specs=[
        pl.BlockSpec((BR, 16), lambda b: (b, 0)),
        pl.BlockSpec((1, BR, 16), lambda b: (0, b, 0)),
        pl.BlockSpec((1, BR, 16), lambda b: (1, b, 0)),
        pl.BlockSpec((16, PW), lambda b: (0, 0)),
        pl.BlockSpec((1, PW), lambda b: (0, 0)),
        pl.BlockSpec((1, PW), lambda b: (0, 0)),
        pl.BlockSpec((PW, PW), lambda b: (0, 0)),
        pl.BlockSpec((1, PW), lambda b: (0, 0)),
        pl.BlockSpec((PW, H), lambda b: (0, 0)),
    ],
    out_specs=[
        pl.BlockSpec((BR, PW), lambda b: (b, 0)),
        pl.BlockSpec((1, PW), lambda b: (0, 0)),
        pl.BlockSpec((1, PW), lambda b: (0, 0)),
        pl.BlockSpec((1, PW), lambda b: (0, 0)),
    ],
    out_shape=[
        jax.ShapeDtypeStruct((NPK, PW), jnp.float32),
        jax.ShapeDtypeStruct((1, PW), jnp.float32),
        jax.ShapeDtypeStruct((1, PW), jnp.float32),
        jax.ShapeDtypeStruct((1, PW), jnp.float32),
    ],
)


def _tca_lw_body(h_ref, agg_ref, wa_ref, ba_ref, wb_ref, bb_ref, fold_ref,
                 z_ref, ssum_ref, ssq_ref, a_ref):
    b = pl.program_id(0)
    z = h_ref[...] + agg_ref[...]
    z1 = jnp.maximum(_bdot(z, wa_ref[...]) + ba_ref[...], 0.0)
    z2 = _bdot(z1, wb_ref[...])
    z2 = z2 + bb_ref[...]
    _stats_update(b, z2, fold_ref, z_ref, ssum_ref, ssq_ref, a_ref)


_tca_lw = pl.pallas_call(
    _tca_lw_body,
    grid=(NB,),
    in_specs=[
        pl.BlockSpec((BR, PW), lambda b: (b, 0)),
        pl.BlockSpec((BR, PW), lambda b: (b, 0)),
        pl.BlockSpec((PW, PW), lambda b: (0, 0)),
        pl.BlockSpec((1, PW), lambda b: (0, 0)),
        pl.BlockSpec((PW, PW), lambda b: (0, 0)),
        pl.BlockSpec((1, PW), lambda b: (0, 0)),
        pl.BlockSpec((PW, H), lambda b: (0, 0)),
    ],
    out_specs=[
        pl.BlockSpec((BR, PW), lambda b: (b, 0)),
        pl.BlockSpec((1, PW), lambda b: (0, 0)),
        pl.BlockSpec((1, PW), lambda b: (0, 0)),
        pl.BlockSpec((1, PW), lambda b: (0, 0)),
    ],
    out_shape=[
        jax.ShapeDtypeStruct((NPK, PW), jnp.float32),
        jax.ShapeDtypeStruct((1, PW), jnp.float32),
        jax.ShapeDtypeStruct((1, PW), jnp.float32),
        jax.ShapeDtypeStruct((1, PW), jnp.float32),
    ],
)


def _bn_coeffs(ssum, ssq, a_pk, fold_ref, g_ref, b_ref):
    fold = fold_ref[...]
    mu = jnp.dot(ssum, fold, preferred_element_type=jnp.float32,
                 precision=lax.Precision.HIGHEST) / N
    msq = jnp.dot(ssq, fold, preferred_element_type=jnp.float32,
                  precision=lax.Precision.HIGHEST) / N
    a32 = jnp.dot(a_pk, fold, preferred_element_type=jnp.float32,
                  precision=lax.Precision.HIGHEST) / 16.0
    dmu = mu - a32
    var = msq - dmu * dmu
    den = jnp.sqrt(var + 1e-5)
    return (_expand32(mu, fold), _expand32(den, fold),
            _expand32(g_ref[...], fold), _expand32(b_ref[...], fold))


def _tcb_body(z_ref, ssum_ref, ssq_ref, a_ref, fold_ref, g_ref, b_ref,
              h_ref):
    mu_pk, den_pk, g_pk, b_pk = _bn_coeffs(
        ssum_ref[...], ssq_ref[...], a_ref[...], fold_ref, g_ref, b_ref)
    h_ref[...] = jnp.maximum(
        (z_ref[...] - mu_pk) / den_pk * g_pk + b_pk, 0.0)


_tcb = pl.pallas_call(
    _tcb_body,
    grid=(NB,),
    in_specs=[
        pl.BlockSpec((BR, PW), lambda b: (b, 0)),
        pl.BlockSpec((1, PW), lambda b: (0, 0)),
        pl.BlockSpec((1, PW), lambda b: (0, 0)),
        pl.BlockSpec((1, PW), lambda b: (0, 0)),
        pl.BlockSpec((PW, H), lambda b: (0, 0)),
        pl.BlockSpec((1, H), lambda b: (0, 0)),
        pl.BlockSpec((1, H), lambda b: (0, 0)),
    ],
    out_specs=pl.BlockSpec((BR, PW), lambda b: (b, 0)),
    out_shape=jax.ShapeDtypeStruct((NPK, PW), jnp.float32),
)


def _tcb_fin_body(z_ref, ssum_ref, ssq_ref, a_ref, fold_ref, g_ref, b_ref,
                  kc_ref, cb_ref, out_ref):
    mu_pk, den_pk, g_pk, b_pk = _bn_coeffs(
        ssum_ref[...], ssq_ref[...], a_ref[...], fold_ref, g_ref, b_ref)
    h = jnp.maximum((z_ref[...] - mu_pk) / den_pk * g_pk + b_pk, 0.0)
    out_ref[...] = _bdot(h, kc_ref[...]) + cb_ref[...]


_tcb_fin = pl.pallas_call(
    _tcb_fin_body,
    grid=(NB,),
    in_specs=[
        pl.BlockSpec((BR, PW), lambda b: (b, 0)),
        pl.BlockSpec((1, PW), lambda b: (0, 0)),
        pl.BlockSpec((1, PW), lambda b: (0, 0)),
        pl.BlockSpec((1, PW), lambda b: (0, 0)),
        pl.BlockSpec((PW, H), lambda b: (0, 0)),
        pl.BlockSpec((1, H), lambda b: (0, 0)),
        pl.BlockSpec((1, H), lambda b: (0, 0)),
        pl.BlockSpec((PW, 16 * OUT), lambda b: (0, 0)),
        pl.BlockSpec((1, 16 * OUT), lambda b: (0, 0)),
    ],
    out_specs=pl.BlockSpec((BR, 16 * OUT), lambda b: (b, 0)),
    out_shape=jax.ShapeDtypeStruct((NPK, 16 * OUT), jnp.float32),
)


def kernel(edge_index, w0a, b0a, w0b, b0b, bn_g0, bn_b0, w1a, b1a, w1b, b1b,
           bn_g1, bn_b1, w2a, b2a, w2b, b2b, bn_g2, bn_b2, w3a, b3a, w3b,
           b3b, bn_g3, bn_b3, cnn_w, cnn_b):
    src = edge_index[0]
    dst = edge_index[1]

    eye16 = jnp.eye(16, dtype=jnp.float32)
    fold = jnp.tile(jnp.eye(H, dtype=jnp.float32), (16, 1))

    def big(w):
        return jnp.kron(eye16, w)

    def tile_row(v):
        return jnp.tile(v, 16).reshape(1, -1)

    deg = _sc_hist(dst)
    aggp0 = _sc_agg0(src, dst, deg)

    ksel = jnp.kron(eye16, jnp.ones((1, H), jnp.float32))
    aggp0_pk = aggp0.reshape(2, NPK, 16)
    z, ssum, ssq, a = _tca_l0(
        deg.reshape(NPK, 16), aggp0_pk, aggp0_pk, ksel,
        tile_row(w0a.reshape(-1)), tile_row(b0a), big(w0b), tile_row(b0b),
        fold)
    h = _tcb(z, ssum, ssq, a, fold, bn_g0.reshape(1, H), bn_b0.reshape(1, H))

    for wa, ba, wb, bb, g, b in (
        (w1a, b1a, w1b, b1b, bn_g1, bn_b1),
        (w2a, b2a, w2b, b2b, bn_g2, bn_b2),
    ):
        agg = _sc_aggw(h.reshape(2 * NPAD, HH), src, dst)
        z, ssum, ssq, a = _tca_lw(h, agg.reshape(NPK, PW), big(wa),
                                  tile_row(ba), big(wb), tile_row(bb), fold)
        h = _tcb(z, ssum, ssq, a, fold, g.reshape(1, H), b.reshape(1, H))

    agg = _sc_aggw(h.reshape(2 * NPAD, HH), src, dst)
    z, ssum, ssq, a = _tca_lw(h, agg.reshape(NPK, PW), big(w3a),
                              tile_row(b3a), big(w3b), tile_row(b3b), fold)
    out = _tcb_fin(z, ssum, ssq, a, fold, bn_g3.reshape(1, H),
                   bn_b3.reshape(1, H), big(cnn_w), tile_row(cnn_b))
    return out.reshape(NPAD, OUT)[:N][None]

# --- scband reference (transcript-rebuilt; emitter-appended) ---
"""Pipeline reference for scband-gin-78975858638933 (READ-ONLY COPY).

The authoritative reference and input builder live on the scoring server;
editing this copy changes nothing except your own understanding.
"""

import jax, jax.numpy as jnp
import numpy as np

N = 100000
E = 1600000
H = 32
OUT = 16
NUM_LAYERS = 4


def setup_inputs(seed: int = 0):
    key = jax.random.key(seed)
    ks = jax.random.split(key, 16)
    edge_index = jax.random.randint(ks[0], (2, E), 0, N, dtype=jnp.int32)
    inp = {"edge_index": edge_index}
    dims = [1, H, H, H]
    ki = 1
    for l in range(NUM_LAYERS):
        fin = dims[l]
        inp["w%da" % l] = jax.random.normal(ks[ki], (fin, H), jnp.float32) / np.sqrt(fin); ki += 1
        inp["b%da" % l] = jnp.zeros((H,), jnp.float32)
        inp["w%db" % l] = jax.random.normal(ks[ki], (H, H), jnp.float32) / np.sqrt(H); ki += 1
        inp["b%db" % l] = jnp.zeros((H,), jnp.float32)
        inp["bn_g%d" % l] = jnp.ones((H,), jnp.float32)
        inp["bn_b%d" % l] = jnp.zeros((H,), jnp.float32)
    inp["cnn_w"] = jax.random.normal(ks[ki], (H, OUT), jnp.float32) / np.sqrt(H)
    inp["cnn_b"] = jnp.zeros((OUT,), jnp.float32)
    return inp


def _gin_forward(edge_index, params):
    src = edge_index[0]
    dst = edge_index[1]
    # h = g.in_degrees().view(-1, 1).float()
    deg = jnp.zeros((N,), jnp.float32).at[dst].add(1.0)
    h = deg[:, None]
    for l in range(NUM_LAYERS):
        wa, ba, wb, bb, g, b = params[l]
        # GINConv, learn_eps=False (eps=0), sum aggregation:
        # h_i <- MLP((1+eps)*h_i + sum_{j in N(i)} h_j)
        agg = jnp.zeros((N, h.shape[1]), h.dtype).at[dst].add(h[src])
        z = h + agg
        # MLP: Linear -> ReLU -> Linear
        z = jnp.maximum(z @ wa + ba, 0.0)
        z = z @ wb + bb
        # BatchNorm1d (training mode: batch statistics)
        mean = jnp.mean(z, axis=0)
        var = jnp.var(z, axis=0)
        z = (z - mean) / jnp.sqrt(var + 1e-5) * g + b
        h = jnp.maximum(z, 0.0)
    cw, cb = params[-1]
    # h -> unsqueeze(0) -> CNN (1x1 projection hidden_dim -> output_dim)
    out = h @ cw + cb
    return out[None]


def reference(edge_index, w0a, b0a, w0b, b0b, bn_g0, bn_b0, w1a, b1a, w1b, b1b, bn_g1, bn_b1, w2a, b2a, w2b, b2b, bn_g2, bn_b2, w3a, b3a, w3b, b3b, bn_g3, bn_b3, cnn_w, cnn_b):
    params = [
        (w0a, b0a, w0b, b0b, bn_g0, bn_b0),
        (w1a, b1a, w1b, b1b, bn_g1, bn_b1),
        (w2a, b2a, w2b, b2b, bn_g2, bn_b2),
        (w3a, b3a, w3b, b3b, bn_g3, bn_b3),
        (cnn_w, cnn_b),
    ]
    return _gin_forward(edge_index, params)

if __name__ == "__main__":
    import jax
    _d = setup_inputs()
    print(jax.jit(kernel)(*tuple(_d.values())))

</pallas_src>

<mosaic_0001>
#map = affine_map<(d0, d1) -> (0)>
module attributes {stable_mosaic.version = 14 : i64} {
  func.func @_sc_agg0(%arg0: i32, %arg1: i32, %arg2: memref<1600000xi32, #tpu.memory_space<hbm>>, %arg3: memref<1600000xi32, #tpu.memory_space<hbm>>, %arg4: memref<100096xf32, #tpu.memory_space<hbm>>, %arg5: memref<200192xf32, #tpu.memory_space<hbm>>, %arg6: memref<2000xi32, #tpu.memory_space<vmem>>, %arg7: memref<2000xi32, #tpu.memory_space<vmem>>, %arg8: memref<2000xf32, #tpu.memory_space<vmem>>, %arg9: memref<100096xf32, #tpu.memory_space<vmem_shared>>, %arg10: memref<!tpu.dma_semaphore, #tpu.memory_space<semaphore_mem>>) attributes {dimension_semantics = [#tpu.dimension_semantics<core_parallel>, #tpu.dimension_semantics<subcore_parallel>], iteration_bounds = array<i64: 2, 16>, scalar_prefetch = 0 : i64, scratch_operands = 5 : i64, tpu.core_type = #tpu.core_type<sc_vector_subcore>, window_params = [{transform_indices = #map}, {transform_indices = #map}, {transform_indices = #map}, {transform_indices = #map}]} {
    %mul3A = arith.constant 6256 : i32
    %mul3A_0 = arith.muli %arg1, %mul3A : i32
    %multiple_of3A = tpu.assume_multiple %mul3A_0, 8 : i32
    %broadcast_in_dim3A = arith.constant 0.000000e+00 : f32
    %broadcast_in_dim3A_1 = vector.broadcast %broadcast_in_dim3A : f32 to vector<16xf32>
    %scan3A = arith.constant 0 : i32
    %scan3A_2 = arith.constant 0 : i32
    %scan3A_3 = arith.constant 125 : i32
    %scan3A_4 = arith.addi %scan3A_2, %scan3A_3 : i32
    %scan3A_5 = arith.constant 1 : i32
    scf.for %scan3A_43 = %scan3A_2 to %scan3A_4 step %scan3A_5  : i32 {
      %mul3A_44 = arith.constant 16 : i32
      %mul3A_45 = arith.muli %scan3A_43, %mul3A_44 : i32
      %swap3A = arith.index_cast %mul3A_45 : i32 to index
      %swap3A_46 = tpu.vector_load %arg8[%swap3A] {strides = array<i32>} : memref<2000xf32, #tpu.memory_space<vmem>>, vector<16xf32>,
      %swap3A_47 = vector.shape_cast %swap3A_46 : vector<16xf32> to vector<16xf32>
      %swap3A_48 = vector.shape_cast %broadcast_in_dim3A_1 : vector<16xf32> to vector<16xf32>
      tpu.vector_store %arg8[%swap3A], %swap3A_48 {strides = array<i32>} : memref<2000xf32, #tpu.memory_space<vmem>>, vector<16xf32>,
    }
    %scan3A_6 = arith.constant 125 : i32
    %add3A = arith.constant 0 : i32
    %add3A_7 = arith.addi %multiple_of3A, %add3A : i32
    "tpu.region"() ({
      %run_scoped3A = tpu.sem_alloc : memref<!tpu.dma_semaphore, #tpu.memory_space<semaphore_mem>>
      %dma_start3A = tpu.memref_slice %arg9[%add3A_7] : memref<100096xf32, #tpu.memory_space<vmem_shared>> -> memref<2000xf32, #tpu.memory_space<vmem_shared>>
      %dma_start3A_43 = tpu.memref_slice %arg9[%add3A_7] : memref<100096xf32, #tpu.memory_space<vmem_shared>> -> memref<2000xf32, #tpu.memory_space<vmem_shared>>
      tpu.enqueue_dma source(%arg8 : memref<2000xf32, #tpu.memory_space<vmem>>) target(%dma_start3A_43 : memref<2000xf32, #tpu.memory_space<vmem_shared>>) target_semaphore(%run_scoped3A : memref<!tpu.dma_semaphore, #tpu.memory_space<semaphore_mem>>)
      %dma_wait3A = tpu.memref_slice %arg9[%add3A_7] : memref<100096xf32, #tpu.memory_space<vmem_shared>> -> memref<2000xf32, #tpu.memory_space<vmem_shared>>
      %dma_wait3A_44 = tpu.memref_slice %arg9[%add3A_7] : memref<100096xf32, #tpu.memory_space<vmem_shared>> -> memref<2000xf32, #tpu.memory_space<vmem_shared>>
      tpu.wait_dma2 semaphore(%run_scoped3A : memref<!tpu.dma_semaphore, #tpu.memory_space<semaphore_mem>>) src(%arg8 : memref<2000xf32, #tpu.memory_space<vmem>>) dst(%dma_wait3A_44 : memref<2000xf32, #tpu.memory_space<vmem_shared>>)
      tpu.yield
    }) : () -> ()
    %add3A_8 = arith.constant 2000 : i32
    %add3A_9 = arith.addi %multiple_of3A, %add3A_8 : i32
    "tpu.region"() ({
      %run_scoped3A = tpu.sem_alloc : memref<!tpu.dma_semaphore, #tpu.memory_space<semaphore_mem>>
      %dma_start3A = tpu.memref_slice %arg9[%add3A_9] : memref<100096xf32, #tpu.memory_space<vmem_shared>> -> memref<2000xf32, #tpu.memory_space<vmem_shared>>
      %dma_start3A_43 = tpu.memref_slice %arg9[%add3A_9] : memref<100096xf32, #tpu.memory_space<vmem_shared>> -> memref<2000xf32, #tpu.memory_space<vmem_shared>>
      tpu.enqueue_dma source(%arg8 : memref<2000xf32, #tpu.memory_space<vmem>>) target(%dma_start3A_43 : memref<2000xf32, #tpu.memory_space<vmem_shared>>) target_semaphore(%run_scoped3A : memref<!tpu.dma_semaphore, #tpu.memory_space<semaphore_mem>>)
      %dma_wait3A = tpu.memref_slice %arg9[%add3A_9] : memref<100096xf32, #tpu.memory_space<vmem_shared>> -> memref<2000xf32, #tpu.memory_space<vmem_shared>>
      %dma_wait3A_44 = tpu.memref_slice %arg9[%add3A_9] : memref<100096xf32, #tpu.memory_space<vmem_shared>> -> memref<2000xf32, #tpu.memory_space<vmem_shared>>
      tpu.wait_dma2 semaphore(%run_scoped3A : memref<!tpu.dma_semaphore, #tpu.memory_space<semaphore_mem>>) src(%arg8 : memref<2000xf32, #tpu.memory_space<vmem>>) dst(%dma_wait3A_44 : memref<2000xf32, #tpu.memory_space<vmem_shared>>)
      tpu.yield
    }) : () -> ()
    %add3A_10 = arith.constant 4000 : i32
    %add3A_11 = arith.addi %multiple_of3A, %add3A_10 : i32
    "tpu.region"() ({
      %run_scoped3A = tpu.sem_alloc : memref<!tpu.dma_semaphore, #tpu.memory_space<semaphore_mem>>
      %dma_start3A = tpu.memref_slice %arg9[%add3A_11] : memref<100096xf32, #tpu.memory_space<vmem_shared>> -> memref<2000xf32, #tpu.memory_space<vmem_shared>>
      %dma_start3A_43 = tpu.memref_slice %arg9[%add3A_11] : memref<100096xf32, #tpu.memory_space<vmem_shared>> -> memref<2000xf32, #tpu.memory_space<vmem_shared>>
      tpu.enqueue_dma source(%arg8 : memref<2000xf32, #tpu.memory_space<vmem>>) target(%dma_start3A_43 : memref<2000xf32, #tpu.memory_space<vmem_shared>>) target_semaphore(%run_scoped3A : memref<!tpu.dma_semaphore, #tpu.memory_space<semaphore_mem>>)
      %dma_wait3A = tpu.memref_slice %arg9[%add3A_11] : memref<100096xf32, #tpu.memory_space<vmem_shared>> -> memref<2000xf32, #tpu.memory_space<vmem_shared>>
      %dma_wait3A_44 = tpu.memref_slice %arg9[%add3A_11] : memref<100096xf32, #tpu.memory_space<vmem_shared>> -> memref<2000xf32, #tpu.memory_space<vmem_shared>>
      tpu.wait_dma2 semaphore(%run_scoped3A : memref<!tpu.dma_semaphore, #tpu.memory_space<semaphore_mem>>) src(%arg8 : memref<2000xf32, #tpu.memory_space<vmem>>) dst(%dma_wait3A_44 : memref<2000xf32, #tpu.memory_space<vmem_shared>>)
      tpu.yield
    }) : () -> ()
    %add3A_12 = arith.constant 6000 : i32
    %add3A_13 = arith.addi %multiple_of3A, %add3A_12 : i32
    "tpu.region"() ({
      %run_scoped3A = tpu.sem_alloc : memref<!tpu.dma_semaphore, #tpu.memory_space<semaphore_mem>>
      %dma_start3A = arith.constant 0 : i32
      %dma_start3A_43 = tpu.memref_slice %arg8[%dma_start3A] : memref<2000xf32, #tpu.memory_space<vmem>> -> memref<256xf32, #tpu.memory_space<vmem>>
      %dma_start3A_44 = tpu.memref_slice %arg9[%add3A_13] : memref<100096xf32, #tpu.memory_space<vmem_shared>> -> memref<256xf32, #tpu.memory_space<vmem_shared>>
      %dma_start3A_45 = tpu.memref_slice %arg9[%add3A_13] : memref<100096xf32, #tpu.memory_space<vmem_shared>> -> memref<256xf32, #tpu.memory_space<vmem_shared>>
      %dma_start3A_46 = arith.constant 0 : i32
      %dma_start3A_47 = tpu.memref_slice %arg8[%dma_start3A_46] : memref<2000xf32, #tpu.memory_space<vmem>> -> memref<256xf32, #tpu.memory_space<vmem>>
      tpu.enqueue_dma source(%dma_start3A_47 : memref<256xf32, #tpu.memory_space<vmem>>) target(%dma_start3A_45 : memref<256xf32, #tpu.memory_space<vmem_shared>>) target_semaphore(%run_scoped3A : memref<!tpu.dma_semaphore, #tpu.memory_space<semaphore_mem>>)
      %dma_wait3A = arith.constant 0 : i32
      %dma_wait3A_48 = tpu.memref_slice %arg8[%dma_wait3A] : memref<2000xf32, #tpu.memory_space<vmem>> -> memref<256xf32, #tpu.memory_space<vmem>>
      %dma_wait3A_49 = tpu.memref_slice %arg9[%add3A_13] : memref<100096xf32, #tpu.memory_space<vmem_shared>> -> memref<256xf32, #tpu.memory_space<vmem_shared>>
      %dma_wait3A_50 = tpu.memref_slice %arg9[%add3A_13] : memref<100096xf32, #tpu.memory_space<vmem_shared>> -> memref<256xf32, #tpu.memory_space<vmem_shared>>
      %dma_wait3A_51 = arith.constant 0 : i32
      %dma_wait3A_52 = tpu.memref_slice %arg8[%dma_wait3A_51] : memref<2000xf32, #tpu.memory_space<vmem>> -> memref<256xf32, #tpu.memory_space<vmem>>
      tpu.wait_dma2 semaphore(%run_scoped3A : memref<!tpu.dma_semaphore, #tpu.memory_space<semaphore_mem>>) src(%dma_wait3A_52 : memref<256xf32, #tpu.memory_space<vmem>>) dst(%dma_wait3A_50 : memref<256xf32, #tpu.memory_space<vmem_shared>>)
      tpu.yield
    }) : () -> ()
    %barrier3A = arith.constant 0 : index
    tpu.barrier barrier_id(%barrier3A)
    %mul3A_14 = arith.constant 16 : i32
    %mul3A_15 = arith.muli %arg0, %mul3A_14 : i32
    %add3A_16 = arith.addi %mul3A_15, %arg1 : i32
    %scan3A_17 = arith.constant 0 : i32
    %scan3A_18 = arith.constant 0 : i32
    %scan3A_19 = arith.constant 25 : i32
    %scan3A_20 = arith.addi %scan3A_18, %scan3A_19 : i32
    %scan3A_21 = arith.constant 1 : i32
    scf.for %scan3A_43 = %scan3A_18 to %scan3A_20 step %scan3A_21  : i32 {
      %mul3A_44 = arith.constant 50000 : i32
      %mul3A_45 = arith.muli %add3A_16, %mul3A_44 : i32
      %mul3A_46 = arith.constant 2000 : i32
      %mul3A_47 = arith.muli %scan3A_43, %mul3A_46 : i32
      %add3A_48 = arith.addi %mul3A_45, %mul3A_47 : i32
      %multiple_of3A_49 = tpu.assume_multiple %add3A_48, 8 : i32
      "tpu.region"() ({
        %run_scoped3A = tpu.sem_alloc : memref<!tpu.dma_semaphore, #tpu.memory_space<semaphore_mem>>
        %dma_start3A_52 = tpu.memref_slice %arg2[%multiple_of3A_49] : memref<1600000xi32, #tpu.memory_space<hbm>> -> memref<2000xi32, #tpu.memory_space<hbm>>
        %dma_start3A_53 = tpu.memref_slice %arg2[%multiple_of3A_49] : memref<1600000xi32, #tpu.memory_space<hbm>> -> memref<2000xi32, #tpu.memory_space<hbm>>
        tpu.enqueue_dma source(%dma_start3A_53 : memref<2000xi32, #tpu.memory_space<hbm>>) target(%arg6 : memref<2000xi32, #tpu.memory_space<vmem>>) target_semaphore(%run_scoped3A : memref<!tpu.dma_semaphore, #tpu.memory_space<semaphore_mem>>)
        %dma_wait3A_54 = tpu.memref_slice %arg2[%multiple_of3A_49] : memref<1600000xi32, #tpu.memory_space<hbm>> -> memref<2000xi32, #tpu.memory_space<hbm>>
        %dma_wait3A_55 = tpu.memref_slice %arg2[%multiple_of3A_49] : memref<1600000xi32, #tpu.memory_space<hbm>> -> memref<2000xi32, #tpu.memory_space<hbm>>
        tpu.wait_dma2 semaphore(%run_scoped3A : memref<!tpu.dma_semaphore, #tpu.memory_space<semaphore_mem>>) src(%dma_wait3A_55 : memref<2000xi32, #tpu.memory_space<hbm>>) dst(%arg6 : memref<2000xi32, #tpu.memory_space<vmem>>)
        tpu.yield
      }) : () -> ()
      "tpu.region"() ({
        %run_scoped3A = tpu.sem_alloc : memref<!tpu.dma_semaphore, #tpu.memory_space<semaphore_mem>>
        %dma_start3A_52 = tpu.memref_slice %arg3[%multiple_of3A_49] : memref<1600000xi32, #tpu.memory_space<hbm>> -> memref<2000xi32, #tpu.memory_space<hbm>>
        %dma_start3A_53 = tpu.memref_slice %arg3[%multiple_of3A_49] : memref<1600000xi32, #tpu.memory_space<hbm>> -> memref<2000xi32, #tpu.memory_space<hbm>>
        tpu.enqueue_dma source(%dma_start3A_53 : memref<2000xi32, #tpu.memory_space<hbm>>) target(%arg7 : memref<2000xi32, #tpu.memory_space<vmem>>) target_semaphore(%run_scoped3A : memref<!tpu.dma_semaphore, #tpu.memory_space<semaphore_mem>>)
        %dma_wait3A_54 = tpu.memref_slice %arg3[%multiple_of3A_49] : memref<1600000xi32, #tpu.memory_space<hbm>> -> memref<2000xi32, #tpu.memory_space<hbm>>
        %dma_wait3A_55 = tpu.memref_slice %arg3[%multiple_of3A_49] : memref<1600000xi32, #tpu.memory_space<hbm>> -> memref<2000xi32, #tpu.memory_space<hbm>>
        tpu.wait_dma2 semaphore(%run_scoped3A : memref<!tpu.dma_semaphore, #tpu.memory_space<semaphore_mem>>) src(%dma_wait3A_55 : memref<2000xi32, #tpu.memory_space<hbm>>) dst(%arg7 : memref<2000xi32, #tpu.memory_space<vmem>>)
        tpu.yield
      }) : () -> ()
      %dma_start3A = arith.constant 0 : i32
      %dma_start3A_50 = tpu.memref_slice %arg4[%dma_start3A] : memref<100096xf32, #tpu.memory_space<hbm>> -> memref<100096xf32, #tpu.memory_space<hbm>>
      tpu.enqueue_indirect_dma source(%dma_start3A_50 : memref<100096xf32, #tpu.memory_space<hbm>>) target(%arg8 : memref<2000xf32, #tpu.memory_space<vmem>>) offsets(%arg6 : memref<2000xi32, #tpu.memory_space<vmem>>) semaphore(%arg10 : memref<!tpu.dma_semaphore, #tpu.memory_space<semaphore_mem>>)
      %dma_wait3A = arith.constant 0 : i32
      %dma_wait3A_51 = tpu.memref_slice %arg4[%dma_wait3A] : memref<100096xf32, #tpu.memory_space<hbm>> -> memref<100096xf32, #tpu.memory_space<hbm>>
      tpu.wait_indirect_dma semaphore(%arg10 : memref<!tpu.dma_semaphore, #tpu.memory_space<semaphore_mem>>) src(%dma_wait3A_51 : memref<100096xf32, #tpu.memory_space<hbm>>) dst(%arg8 : memref<2000xf32, #tpu.memory_space<vmem>>)
      "tpu.region"() ({
        %run_scoped3A = tpu.sem_alloc : memref<!tpu.dma_semaphore, #tpu.memory_space<semaphore_mem>>
        %dma_start3A_52 = arith.constant 0 : i32
        %dma_start3A_53 = tpu.memref_slice %arg9[%dma_start3A_52] : memref<100096xf32, #tpu.memory_space<vmem_shared>> -> memref<100096xf32, #tpu.memory_space<vmem_shared>>
        tpu.enqueue_indirect_dma source(%arg8 : memref<2000xf32, #tpu.memory_space<vmem>>) target(%dma_start3A_53 : memref<100096xf32, #tpu.memory_space<vmem_shared>>) offsets(%arg7 : memref<2000xi32, #tpu.memory_space<vmem>>) semaphore(%run_scoped3A : memref<!tpu.dma_semaphore, #tpu.memory_space<semaphore_mem>>) {add = true}
        %dma_wait3A_54 = arith.constant 0 : i32
        %dma_wait3A_55 = tpu.memref_slice %arg9[%dma_wait3A_54] : memref<100096xf32, #tpu.memory_space<vmem_shared>> -> memref<100096xf32, #tpu.memory_space<vmem_shared>>
        tpu.wait_indirect_dma semaphore(%run_scoped3A : memref<!tpu.dma_semaphore, #tpu.memory_space<semaphore_mem>>) src(%arg8 : memref<2000xf32, #tpu.memory_space<vmem>>) dst(%dma_wait3A_55 : memref<100096xf32, #tpu.memory_space<vmem_shared>>)
        tpu.yield
      }) : () -> ()
    }
    %scan3A_22 = arith.constant 25 : i32
    %barrier3A_23 = arith.constant 0 : index
    tpu.barrier barrier_id(%barrier3A_23)
    %mul3A_24 = arith.constant 100096 : i32
    %mul3A_25 = arith.muli %arg0, %mul3A_24 : i32
    %add3A_26 = arith.addi %mul3A_25, %multiple_of3A : i32
    %add3A_27 = arith.constant 0 : i32
    %add3A_28 = arith.addi %multiple_of3A, %add3A_27 : i32
    "tpu.region"() ({
      %run_scoped3A = tpu.sem_alloc : memref<!tpu.dma_semaphore, #tpu.memory_space<semaphore_mem>>
      %dma_start3A = tpu.memref_slice %arg9[%add3A_28] : memref<100096xf32, #tpu.memory_space<vmem_shared>> -> memref<2000xf32, #tpu.memory_space<vmem_shared>>
      %dma_start3A_43 = tpu.memref_slice %arg9[%add3A_28] : memref<100096xf32, #tpu.memory_space<vmem_shared>> -> memref<2000xf32, #tpu.memory_space<vmem_shared>>
      tpu.enqueue_dma source(%dma_start3A_43 : memref<2000xf32, #tpu.memory_space<vmem_shared>>) target(%arg8 : memref<2000xf32, #tpu.memory_space<vmem>>) target_semaphore(%run_scoped3A : memref<!tpu.dma_semaphore, #tpu.memory_space<semaphore_mem>>)
      %dma_wait3A = tpu.memref_slice %arg9[%add3A_28] : memref<100096xf32, #tpu.memory_space<vmem_shared>> -> memref<2000xf32, #tpu.memory_space<vmem_shared>>
      %dma_wait3A_44 = tpu.memref_slice %arg9[%add3A_28] : memref<100096xf32, #tpu.memory_space<vmem_shared>> -> memref<2000xf32, #tpu.memory_space<vmem_shared>>
      tpu.wait_dma2 semaphore(%run_scoped3A : memref<!tpu.dma_semaphore, #tpu.memory_space<semaphore_mem>>) src(%dma_wait3A_44 : memref<2000xf32, #tpu.memory_space<vmem_shared>>) dst(%arg8 : memref<2000xf32, #tpu.memory_space<vmem>>)
      tpu.yield
    }) : () -> ()
    %add3A_29 = arith.constant 0 : i32
    %add3A_30 = arith.addi %add3A_26, %add3A_29 : i32
    "tpu.region"() ({
      %run_scoped3A = tpu.sem_alloc : memref<!tpu.dma_semaphore, #tpu.memory_space<semaphore_mem>>
      %dma_start3A = tpu.memref_slice %arg5[%add3A_30] : memref<200192xf32, #tpu.memory_space<hbm>> -> memref<2000xf32, #tpu.memory_space<hbm>>
      %dma_start3A_43 = tpu.memref_slice %arg5[%add3A_30] : memref<200192xf32, #tpu.memory_space<hbm>> -> memref<2000xf32, #tpu.memory_space<hbm>>
      tpu.enqueue_dma source(%arg8 : memref<2000xf32, #tpu.memory_space<vmem>>) target(%dma_start3A_43 : memref<2000xf32, #tpu.memory_space<hbm>>) target_semaphore(%run_scoped3A : memref<!tpu.dma_semaphore, #tpu.memory_space<semaphore_mem>>)
      %dma_wait3A = tpu.memref_slice %arg5[%add3A_30] : memref<200192xf32, #tpu.memory_space<hbm>> -> memref<2000xf32, #tpu.memory_space<hbm>>
      %dma_wait3A_44 = tpu.memref_slice %arg5[%add3A_30] : memref<200192xf32, #tpu.memory_space<hbm>> -> memref<2000xf32, #tpu.memory_space<hbm>>
      tpu.wait_dma2 semaphore(%run_scoped3A : memref<!tpu.dma_semaphore, #tpu.memory_space<semaphore_mem>>) src(%arg8 : memref<2000xf32, #tpu.memory_space<vmem>>) dst(%dma_wait3A_44 : memref<2000xf32, #tpu.memory_space<hbm>>)
      tpu.yield
    }) : () -> ()
    %add3A_31 = arith.constant 2000 : i32
    %add3A_32 = arith.addi %multiple_of3A, %add3A_31 : i32
    "tpu.region"() ({
      %run_scoped3A = tpu.sem_alloc : memref<!tpu.dma_semaphore, #tpu.memory_space<semaphore_mem>>
      %dma_start3A = tpu.memref_slice %arg9[%add3A_32] : memref<100096xf32, #tpu.memory_space<vmem_shared>> -> memref<2000xf32, #tpu.memory_space<vmem_shared>>
      %dma_start3A_43 = tpu.memref_slice %arg9[%add3A_32] : memref<100096xf32, #tpu.memory_space<vmem_shared>> -> memref<2000xf32, #tpu.memory_space<vmem_shared>>
      tpu.enqueue_dma source(%dma_start3A_43 : memref<2000xf32, #tpu.memory_space<vmem_shared>>) target(%arg8 : memref<2000xf32, #tpu.memory_space<vmem>>) target_semaphore(%run_scoped3A : memref<!tpu.dma_semaphore, #tpu.memory_space<semaphore_mem>>)
      %dma_wait3A = tpu.memref_slice %arg9[%add3A_32] : memref<100096xf32, #tpu.memory_space<vmem_shared>> -> memref<2000xf32, #tpu.memory_space<vmem_shared>>
      %dma_wait3A_44 = tpu.memref_slice %arg9[%add3A_32] : memref<100096xf32, #tpu.memory_space<vmem_shared>> -> memref<2000xf32, #tpu.memory_space<vmem_shared>>
      tpu.wait_dma2 semaphore(%run_scoped3A : memref<!tpu.dma_semaphore, #tpu.memory_space<semaphore_mem>>) src(%dma_wait3A_44 : memref<2000xf32, #tpu.memory_space<vmem_shared>>) dst(%arg8 : memref<2000xf32, #tpu.memory_space<vmem>>)
      tpu.yield
    }) : () -> ()
    %add3A_33 = arith.constant 2000 : i32
    %add3A_34 = arith.addi %add3A_26, %add3A_33 : i32
    "tpu.region"() ({
      %run_scoped3A = tpu.sem_alloc : memref<!tpu.dma_semaphore, #tpu.memory_space<semaphore_mem>>
      %dma_start3A = tpu.memref_slice %arg5[%add3A_34] : memref<200192xf32, #tpu.memory_space<hbm>> -> memref<2000xf32, #tpu.memory_space<hbm>>
      %dma_start3A_43 = tpu.memref_slice %arg5[%add3A_34] : memref<200192xf32, #tpu.memory_space<hbm>> -> memref<2000xf32, #tpu.memory_space<hbm>>
      tpu.enqueue_dma source(%arg8 : memref<2000xf32, #tpu.memory_space<vmem>>) target(%dma_start3A_43 : memref<2000xf32, #tpu.memory_space<hbm>>) target_semaphore(%run_scoped3A : memref<!tpu.dma_semaphore, #tpu.memory_space<semaphore_mem>>)
      %dma_wait3A = tpu.memref_slice %arg5[%add3A_34] : memref<200192xf32, #tpu.memory_space<hbm>> -> memref<2000xf32, #tpu.memory_space<hbm>>
      %dma_wait3A_44 = tpu.memref_slice %arg5[%add3A_34] : memref<200192xf32, #tpu.memory_space<hbm>> -> memref<2000xf32, #tpu.memory_space<hbm>>
      tpu.wait_dma2 semaphore(%run_scoped3A : memref<!tpu.dma_semaphore, #tpu.memory_space<semaphore_mem>>) src(%arg8 : memref<2000xf32, #tpu.memory_space<vmem>>) dst(%dma_wait3A_44 : memref<2000xf32, #tpu.memory_space<hbm>>)
      tpu.yield
    }) : () -> ()
    %add3A_35 = arith.constant 4000 : i32
    %add3A_36 = arith.addi %multiple_of3A, %add3A_35 : i32
    "tpu.region"() ({
      %run_scoped3A = tpu.sem_alloc : memref<!tpu.dma_semaphore, #tpu.memory_space<semaphore_mem>>
      %dma_start3A = tpu.memref_slice %arg9[%add3A_36] : memref<100096xf32, #tpu.memory_space<vmem_shared>> -> memref<2000xf32, #tpu.memory_space<vmem_shared>>
      %dma_start3A_43 = tpu.memref_slice %arg9[%add3A_36] : memref<100096xf32, #tpu.memory_space<vmem_shared>> -> memref<2000xf32, #tpu.memory_space<vmem_shared>>
      tpu.enqueue_dma source(%dma_start3A_43 : memref<2000xf32, #tpu.memory_space<vmem_shared>>) target(%arg8 : memref<2000xf32, #tpu.memory_space<vmem>>) target_semaphore(%run_scoped3A : memref<!tpu.dma_semaphore, #tpu.memory_space<semaphore_mem>>)
      %dma_wait3A = tpu.memref_slice %arg9[%add3A_36] : memref<100096xf32, #tpu.memory_space<vmem_shared>> -> memref<2000xf32, #tpu.memory_space<vmem_shared>>
      %dma_wait3A_44 = tpu.memref_slice %arg9[%add3A_36] : memref<100096xf32, #tpu.memory_space<vmem_shared>> -> memref<2000xf32, #tpu.memory_space<vmem_shared>>
      tpu.wait_dma2 semaphore(%run_scoped3A : memref<!tpu.dma_semaphore, #tpu.memory_space<semaphore_mem>>) src(%dma_wait3A_44 : memref<2000xf32, #tpu.memory_space<vmem_shared>>) dst(%arg8 : memref<2000xf32, #tpu.memory_space<vmem>>)
      tpu.yield
    }) : () -> ()
    %add3A_37 = arith.constant 4000 : i32
    %add3A_38 = arith.addi %add3A_26, %add3A_37 : i32
    "tpu.region"() ({
      %run_scoped3A = tpu.sem_alloc : memref<!tpu.dma_semaphore, #tpu.memory_space<semaphore_mem>>
      %dma_start3A = tpu.memref_slice %arg5[%add3A_38] : memref<200192xf32, #tpu.memory_space<hbm>> -> memref<2000xf32, #tpu.memory_space<hbm>>
      %dma_start3A_43 = tpu.memref_slice %arg5[%add3A_38] : memref<200192xf32, #tpu.memory_space<hbm>> -> memref<2000xf32, #tpu.memory_space<hbm>>
      tpu.enqueue_dma source(%arg8 : memref<2000xf32, #tpu.memory_space<vmem>>) target(%dma_start3A_43 : memref<2000xf32, #tpu.memory_space<hbm>>) target_semaphore(%run_scoped3A : memref<!tpu.dma_semaphore, #tpu.memory_space<semaphore_mem>>)
      %dma_wait3A = tpu.memref_slice %arg5[%add3A_38] : memref<200192xf32, #tpu.memory_space<hbm>> -> memref<2000xf32, #tpu.memory_space<hbm>>
      %dma_wait3A_44 = tpu.memref_slice %arg5[%add3A_38] : memref<200192xf32, #tpu.memory_space<hbm>> -> memref<2000xf32, #tpu.memory_space<hbm>>
      tpu.wait_dma2 semaphore(%run_scoped3A : memref<!tpu.dma_semaphore, #tpu.memory_space<semaphore_mem>>) src(%arg8 : memref<2000xf32, #tpu.memory_space<vmem>>) dst(%dma_wait3A_44 : memref<2000xf32, #tpu.memory_space<hbm>>)
      tpu.yield
    }) : () -> ()
    %add3A_39 = arith.constant 6000 : i32
    %add3A_40 = arith.addi %multiple_of3A, %add3A_39 : i32
    "tpu.region"() ({
      %run_scoped3A = tpu.sem_alloc : memref<!tpu.dma_semaphore, #tpu.memory_space<semaphore_mem>>
      %dma_start3A = arith.constant 0 : i32
      %dma_start3A_43 = tpu.memref_slice %arg8[%dma_start3A] : memref<2000xf32, #tpu.memory_space<vmem>> -> memref<256xf32, #tpu.memory_space<vmem>>
      %dma_start3A_44 = tpu.memref_slice %arg9[%add3A_40] : memref<100096xf32, #tpu.memory_space<vmem_shared>> -> memref<256xf32, #tpu.memory_space<vmem_shared>>
      %dma_start3A_45 = arith.constant 0 : i32
      %dma_start3A_46 = tpu.memref_slice %arg8[%dma_start3A_45] : memref<2000xf32, #tpu.memory_space<vmem>> -> memref<256xf32, #tpu.memory_space<vmem>>
      %dma_start3A_47 = tpu.memref_slice %arg9[%add3A_40] : memref<100096xf32, #tpu.memory_space<vmem_shared>> -> memref<256xf32, #tpu.memory_space<vmem_shared>>
      tpu.enqueue_dma source(%dma_start3A_47 : memref<256xf32, #tpu.memory_space<vmem_shared>>) target(%dma_start3A_46 : memref<256xf32, #tpu.memory_space<vmem>>) target_semaphore(%run_scoped3A : memref<!tpu.dma_semaphore, #tpu.memory_space<semaphore_mem>>)
      %dma_wait3A = arith.constant 0 : i32
      %dma_wait3A_48 = tpu.memref_slice %arg8[%dma_wait3A] : memref<2000xf32, #tpu.memory_space<vmem>> -> memref<256xf32, #tpu.memory_space<vmem>>
      %dma_wait3A_49 = tpu.memref_slice %arg9[%add3A_40] : memref<100096xf32, #tpu.memory_space<vmem_shared>> -> memref<256xf32, #tpu.memory_space<vmem_shared>>
      %dma_wait3A_50 = arith.constant 0 : i32
      %dma_wait3A_51 = tpu.memref_slice %arg8[%dma_wait3A_50] : memref<2000xf32, #tpu.memory_space<vmem>> -> memref<256xf32, #tpu.memory_space<vmem>>
      %dma_wait3A_52 = tpu.memref_slice %arg9[%add3A_40] : memref<100096xf32, #tpu.memory_space<vmem_shared>> -> memref<256xf32, #tpu.memory_space<vmem_shared>>
      tpu.wait_dma2 semaphore(%run_scoped3A : memref<!tpu.dma_semaphore, #tpu.memory_space<semaphore_mem>>) src(%dma_wait3A_52 : memref<256xf32, #tpu.memory_space<vmem_shared>>) dst(%dma_wait3A_51 : memref<256xf32, #tpu.memory_space<vmem>>)
      tpu.yield
    }) : () -> ()
    %add3A_41 = arith.constant 6000 : i32
    %add3A_42 = arith.addi %add3A_26, %add3A_41 : i32
    "tpu.region"() ({
      %run_scoped3A = tpu.sem_alloc : memref<!tpu.dma_semaphore, #tpu.memory_space<semaphore_mem>>
      %dma_start3A = arith.constant 0 : i32
      %dma_start3A_43 = tpu.memref_slice %arg8[%dma_start3A] : memref<2000xf32, #tpu.memory_space<vmem>> -> memref<256xf32, #tpu.memory_space<vmem>>
      %dma_start3A_44 = tpu.memref_slice %arg5[%add3A_42] : memref<200192xf32, #tpu.memory_space<hbm>> -> memref<256xf32, #tpu.memory_space<hbm>>
      %dma_start3A_45 = tpu.memref_slice %arg5[%add3A_42] : memref<200192xf32, #tpu.memory_space<hbm>> -> memref<256xf32, #tpu.memory_space<hbm>>
      %dma_start3A_46 = arith.constant 0 : i32
      %dma_start3A_47 = tpu.memref_slice %arg8[%dma_start3A_46] : memref<2000xf32, #tpu.memory_space<vmem>> -> memref<256xf32, #tpu.memory_space<vmem>>
      tpu.enqueue_dma source(%dma_start3A_47 : memref<256xf32, #tpu.memory_space<vmem>>) target(%dma_start3A_45 : memref<256xf32, #tpu.memory_space<hbm>>) target_semaphore(%run_scoped3A : memref<!tpu.dma_semaphore, #tpu.memory_space<semaphore_mem>>)
      %dma_wait3A = arith.constant 0 : i32
      %dma_wait3A_48 = tpu.memref_slice %arg8[%dma_wait3A] : memref<2000xf32, #tpu.memory_space<vmem>> -> memref<256xf32, #tpu.memory_space<vmem>>
      %dma_wait3A_49 = tpu.memref_slice %arg5[%add3A_42] : memref<200192xf32, #tpu.memory_space<hbm>> -> memref<256xf32, #tpu.memory_space<hbm>>
      %dma_wait3A_50 = tpu.memref_slice %arg5[%add3A_42] : memref<200192xf32, #tpu.memory_space<hbm>> -> memref<256xf32, #tpu.memory_space<hbm>>
      %dma_wait3A_51 = arith.constant 0 : i32
      %dma_wait3A_52 = tpu.memref_slice %arg8[%dma_wait3A_51] : memref<2000xf32, #tpu.memory_space<vmem>> -> memref<256xf32, #tpu.memory_space<vmem>>
      tpu.wait_dma2 semaphore(%run_scoped3A : memref<!tpu.dma_semaphore, #tpu.memory_space<semaphore_mem>>) src(%dma_wait3A_52 : memref<256xf32, #tpu.memory_space<vmem>>) dst(%dma_wait3A_50 : memref<256xf32, #tpu.memory_space<hbm>>)
      tpu.yield
    }) : () -> ()
    return
  }
}

#map = affine_map<(d0, d1) -> (0, 0)>
#map1 = affine_map<(d0, d1) -> (0)>
module attributes {stable_mosaic.version = 14 : i64} {
  func.func @_sc_aggw(%arg0: i32, %arg1: i32, %arg2: memref<200192x16xf32, #tpu.memory_space<hbm>>, %arg3: memref<1600000xi32, #tpu.memory_space<hbm>>, %arg4: memref<1600000xi32, #tpu.memory_space<hbm>>, %arg5: memref<100096x32xf32, #tpu.memory_space<hbm>>, %arg6: memref<800xi32, #tpu.memory_space<vmem>>, %arg7: memref<800xi32, #tpu.memory_space<vmem>>, %arg8: memref<800x16xf32, #tpu.memory_space<vmem>>, %arg9: memref<800xi32, #tpu.memory_space<vmem>>, %arg10: memref<800xi32, #tpu.memory_space<vmem>>, %arg11: memref<800x16xf32, #tpu.memory_space<vmem>>, %arg12: memref<100096x16xf32, #tpu.memory_space<vmem_shared>>, %arg13: memref<!tpu.dma_semaphore, #tpu.memory_space<semaphore_mem>>) attributes {dimension_semantics = [#tpu.dimension_semantics<core_parallel>, #tpu.dimension_semantics<subcore_parallel>], iteration_bounds = array<i64: 2, 16>, scalar_prefetch = 0 : i64, scratch_operands = 8 : i64, tpu.core_type = #tpu.core_type<sc_vector_subcore>, window_params = [{transform_indices = #map}, {transform_indices = #map1}, {transform_indices = #map1}, {transform_indices = #map}]} {
    %mul3A = arith.constant 6256 : i32
    %mul3A_0 = arith.muli %arg1, %mul3A : i32
    %multiple_of3A = tpu.assume_multiple %mul3A_0, 8 : i32
    %broadcast_in_dim3A = arith.constant 0.000000e+00 : f32
    %broadcast_in_dim3A_1 = vector.broadcast %broadcast_in_dim3A : f32 to vector<16xf32>
    %scan3A = arith.constant 0 : i32
    %scan3A_2 = arith.constant 0 : i32
    %scan3A_3 = arith.constant 800 : i32
    %scan3A_4 = arith.addi %scan3A_2, %scan3A_3 : i32
    %scan3A_5 = arith.constant 1 : i32
    scf.for %scan3A_79 = %scan3A_2 to %scan3A_4 step %scan3A_5  : i32 {
      %swap3A = arith.index_cast %scan3A_79 : i32 to index
      %swap3A_80 = arith.constant 0 : index
      %swap3A_81 = tpu.vector_load %arg8[%swap3A, %swap3A_80] {strides = array<i32>} : memref<800x16xf32, #tpu.memory_space<vmem>>, vector<1x16xf32>,
      %swap3A_82 = vector.shape_cast %swap3A_81 : vector<1x16xf32> to vector<16xf32>
      %swap3A_83 = vector.shape_cast %broadcast_in_dim3A_1 : vector<16xf32> to vector<1x16xf32>
      tpu.vector_store %arg8[%swap3A, %swap3A_80], %swap3A_83 {strides = array<i32>} : memref<800x16xf32, #tpu.memory_space<vmem>>, vector<1x16xf32>,
    }
    %scan3A_6 = arith.constant 800 : i32
    %add3A = arith.constant 0 : i32
    %add3A_7 = arith.addi %multiple_of3A, %add3A : i32
    "tpu.region"() ({
      %run_scoped3A = tpu.sem_alloc : memref<!tpu.dma_semaphore, #tpu.memory_space<semaphore_mem>>
      %dma_start3A_79 = arith.constant 0 : i32
      %dma_start3A_80 = tpu.memref_slice %arg12[%add3A_7, %dma_start3A_79] : memref<100096x16xf32, #tpu.memory_space<vmem_shared>> -> memref<800x16xf32, #tpu.memory_space<vmem_shared>>
      %dma_start3A_81 = arith.constant 0 : i32
      %dma_start3A_82 = tpu.memref_slice %arg12[%add3A_7, %dma_start3A_81] : memref<100096x16xf32, #tpu.memory_space<vmem_shared>> -> memref<800x16xf32, #tpu.memory_space<vmem_shared>>
      tpu.enqueue_dma source(%arg8 : memref<800x16xf32, #tpu.memory_space<vmem>>) target(%dma_start3A_82 : memref<800x16xf32, #tpu.memory_space<vmem_shared>>) target_semaphore(%run_scoped3A : memref<!tpu.dma_semaphore, #tpu.memory_space<semaphore_mem>>)
      %dma_wait3A_83 = arith.constant 0 : i32
      %dma_wait3A_84 = tpu.memref_slice %arg12[%add3A_7, %dma_wait3A_83] : memref<100096x16xf32, #tpu.memory_space<vmem_shared>> -> memref<800x16xf32, #tpu.memory_space<vmem_shared>>
      %dma_wait3A_85 = arith.constant 0 : i32
      %dma_wait3A_86 = tpu.memref_slice %arg12[%add3A_7, %dma_wait3A_85] : memref<100096x16xf32, #tpu.memory_space<vmem_shared>> -> memref<800x16xf32, #tpu.memory_space<vmem_shared>>
      tpu.wait_dma2 semaphore(%run_scoped3A : memref<!tpu.dma_semaphore, #tpu.memory_space<semaphore_mem>>) src(%arg8 : memref<800x16xf32, #tpu.memory_space<vmem>>) dst(%dma_wait3A_86 : memref<800x16xf32, #tpu.memory_space<vmem_shared>>)
      tpu.yield
    }) : () -> ()
    %add3A_8 = arith.constant 800 : i32
    %add3A_9 = arith.addi %multiple_of3A, %add3A_8 : i32
    "tpu.region"() ({
      %run_scoped3A = tpu.sem_alloc : memref<!tpu.dma_semaphore, #tpu.memory_space<semaphore_mem>>
      %dma_start3A_79 = arith.constant 0 : i32
      %dma_start3A_80 = tpu.memref_slice %arg12[%add3A_9, %dma_start3A_79] : memref<100096x16xf32, #tpu.memory_space<vmem_shared>> -> memref<800x16xf32, #tpu.memory_space<vmem_shared>>
      %dma_start3A_81 = arith.constant 0 : i32
      %dma_start3A_82 = tpu.memref_slice %arg12[%add3A_9, %dma_start3A_81] : memref<100096x16xf32, #tpu.memory_space<vmem_shared>> -> memref<800x16xf32, #tpu.memory_space<vmem_shared>>
      tpu.enqueue_dma source(%arg8 : memref<800x16xf32, #tpu.memory_space<vmem>>) target(%dma_start3A_82 : memref<800x16xf32, #tpu.memory_space<vmem_shared>>) target_semaphore(%run_scoped3A : memref<!tpu.dma_semaphore, #tpu.memory_space<semaphore_mem>>)
      %dma_wait3A_83 = arith.constant 0 : i32
      %dma_wait3A_84 = tpu.memref_slice %arg12[%add3A_9, %dma_wait3A_83] : memref<100096x16xf32, #tpu.memory_space<vmem_shared>> -> memref<800x16xf32, #tpu.memory_space<vmem_shared>>
      %dma_wait3A_85 = arith.constant 0 : i32
      %dma_wait3A_86 = tpu.memref_slice %arg12[%add3A_9, %dma_wait3A_85] : memref<100096x16xf32, #tpu.memory_space<vmem_shared>> -> memref<800x16xf32, #tpu.memory_space<vmem_shared>>
      tpu.wait_dma2 semaphore(%run_scoped3A : memref<!tpu.dma_semaphore, #tpu.memory_space<semaphore_mem>>) src(%arg8 : memref<800x16xf32, #tpu.memory_space<vmem>>) dst(%dma_wait3A_86 : memref<800x16xf32, #tpu.memory_space<vmem_shared>>)
      tpu.yield
    }) : () -> ()
    %add3A_10 = arith.constant 1600 : i32
    %add3A_11 = arith.addi %multiple_of3A, %add3A_10 : i32
    "tpu.region"() ({
      %run_scoped3A = tpu.sem_alloc : memref<!tpu.dma_semaphore, #tpu.memory_space<semaphore_mem>>
      %dma_start3A_79 = arith.constant 0 : i32
      %dma_start3A_80 = tpu.memref_slice %arg12[%add3A_11, %dma_start3A_79] : memref<100096x16xf32, #tpu.memory_space<vmem_shared>> -> memref<800x16xf32, #tpu.memory_space<vmem_shared>>
      %dma_start3A_81 = arith.constant 0 : i32
      %dma_start3A_82 = tpu.memref_slice %arg12[%add3A_11, %dma_start3A_81] : memref<100096x16xf32, #tpu.memory_space<vmem_shared>> -> memref<800x16xf32, #tpu.memory_space<vmem_shared>>
      tpu.enqueue_dma source(%arg8 : memref<800x16xf32, #tpu.memory_space<vmem>>) target(%dma_start3A_82 : memref<800x16xf32, #tpu.memory_space<vmem_shared>>) target_semaphore(%run_scoped3A : memref<!tpu.dma_semaphore, #tpu.memory_space<semaphore_mem>>)
      %dma_wait3A_83 = arith.constant 0 : i32
      %dma_wait3A_84 = tpu.memref_slice %arg12[%add3A_11, %dma_wait3A_83] : memref<100096x16xf32, #tpu.memory_space<vmem_shared>> -> memref<800x16xf32, #tpu.memory_space<vmem_shared>>
      %dma_wait3A_85 = arith.constant 0 : i32
      %dma_wait3A_86 = tpu.memref_slice %arg12[%add3A_11, %dma_wait3A_85] : memref<100096x16xf32, #tpu.memory_space<vmem_shared>> -> memref<800x16xf32, #tpu.memory_space<vmem_shared>>
      tpu.wait_dma2 semaphore(%run_scoped3A : memref<!tpu.dma_semaphore, #tpu.memory_space<semaphore_mem>>) src(%arg8 : memref<800x16xf32, #tpu.memory_space<vmem>>) dst(%dma_wait3A_86 : memref<800x16xf32, #tpu.memory_space<vmem_shared>>)
      tpu.yield
    }) : () -> ()
    %add3A_12 = arith.constant 2400 : i32
    %add3A_13 = arith.addi %multiple_of3A, %add3A_12 : i32
    "tpu.region"() ({
      %run_scoped3A = tpu.sem_alloc : memref<!tpu.dma_semaphore, #tpu.memory_space<semaphore_mem>>
      %dma_start3A_79 = arith.constant 0 : i32
      %dma_start3A_80 = tpu.memref_slice %arg12[%add3A_13, %dma_start3A_79] : memref<100096x16xf32, #tpu.memory_space<vmem_shared>> -> memref<800x16xf32, #tpu.memory_space<vmem_shared>>
      %dma_start3A_81 = arith.constant 0 : i32
      %dma_start3A_82 = tpu.memref_slice %arg12[%add3A_13, %dma_start3A_81] : memref<100096x16xf32, #tpu.memory_space<vmem_shared>> -> memref<800x16xf32, #tpu.memory_space<vmem_shared>>
      tpu.enqueue_dma source(%arg8 : memref<800x16xf32, #tpu.memory_space<vmem>>) target(%dma_start3A_82 : memref<800x16xf32, #tpu.memory_space<vmem_shared>>) target_semaphore(%run_scoped3A : memref<!tpu.dma_semaphore, #tpu.memory_space<semaphore_mem>>)
      %dma_wait3A_83 = arith.constant 0 : i32
      %dma_wait3A_84 = tpu.memref_slice %arg12[%add3A_13, %dma_wait3A_83] : memref<100096x16xf32, #tpu.memory_space<vmem_shared>> -> memref<800x16xf32, #tpu.memory_space<vmem_shared>>
      %dma_wait3A_85 = arith.constant 0 : i32
      %dma_wait3A_86 = tpu.memref_slice %arg12[%add3A_13, %dma_wait3A_85] : memref<100096x16xf32, #tpu.memory_space<vmem_shared>> -> memref<800x16xf32, #tpu.memory_space<vmem_shared>>
      tpu.wait_dma2 semaphore(%run_scoped3A : memref<!tpu.dma_semaphore, #tpu.memory_space<semaphore_mem>>) src(%arg8 : memref<800x16xf32, #tpu.memory_space<vmem>>) dst(%dma_wait3A_86 : memref<800x16xf32, #tpu.memory_space<vmem_shared>>)
      tpu.yield
    }) : () -> ()
    %add3A_14 = arith.constant 3200 : i32
    %add3A_15 = arith.addi %multiple_of3A, %add3A_14 : i32
    "tpu.region"() ({
      %run_scoped3A = tpu.sem_alloc : memref<!tpu.dma_semaphore, #tpu.memory_space<semaphore_mem>>
      %dma_start3A_79 = arith.constant 0 : i32
      %dma_start3A_80 = tpu.memref_slice %arg12[%add3A_15, %dma_start3A_79] : memref<100096x16xf32, #tpu.memory_space<vmem_shared>> -> memref<800x16xf32, #tpu.memory_space<vmem_shared>>
      %dma_start3A_81 = arith.constant 0 : i32
      %dma_start3A_82 = tpu.memref_slice %arg12[%add3A_15, %dma_start3A_81] : memref<100096x16xf32, #tpu.memory_space<vmem_shared>> -> memref<800x16xf32, #tpu.memory_space<vmem_shared>>
      tpu.enqueue_dma source(%arg8 : memref<800x16xf32, #tpu.memory_space<vmem>>) target(%dma_start3A_82 : memref<800x16xf32, #tpu.memory_space<vmem_shared>>) target_semaphore(%run_scoped3A : memref<!tpu.dma_semaphore, #tpu.memory_space<semaphore_mem>>)
      %dma_wait3A_83 = arith.constant 0 : i32
      %dma_wait3A_84 = tpu.memref_slice %arg12[%add3A_15, %dma_wait3A_83] : memref<100096x16xf32, #tpu.memory_space<vmem_shared>> -> memref<800x16xf32, #tpu.memory_space<vmem_shared>>
      %dma_wait3A_85 = arith.constant 0 : i32
      %dma_wait3A_86 = tpu.memref_slice %arg12[%add3A_15, %dma_wait3A_85] : memref<100096x16xf32, #tpu.memory_space<vmem_shared>> -> memref<800x16xf32, #tpu.memory_space<vmem_shared>>
      tpu.wait_dma2 semaphore(%run_scoped3A : memref<!tpu.dma_semaphore, #tpu.memory_space<semaphore_mem>>) src(%arg8 : memref<800x16xf32, #tpu.memory_space<vmem>>) dst(%dma_wait3A_86 : memref<800x16xf32, #tpu.memory_space<vmem_shared>>)
      tpu.yield
    }) : () -> ()
    %add3A_16 = arith.constant 4000 : i32
    %add3A_17 = arith.addi %multiple_of3A, %add3A_16 : i32
    "tpu.region"() ({
      %run_scoped3A = tpu.sem_alloc : memref<!tpu.dma_semaphore, #tpu.memory_space<semaphore_mem>>
      %dma_start3A_79 = arith.constant 0 : i32
      %dma_start3A_80 = tpu.memref_slice %arg12[%add3A_17, %dma_start3A_79] : memref<100096x16xf32, #tpu.memory_space<vmem_shared>> -> memref<800x16xf32, #tpu.memory_space<vmem_shared>>
      %dma_start3A_81 = arith.constant 0 : i32
      %dma_start3A_82 = tpu.memref_slice %arg12[%add3A_17, %dma_start3A_81] : memref<100096x16xf32, #tpu.memory_space<vmem_shared>> -> memref<800x16xf32, #tpu.memory_space<vmem_shared>>
      tpu.enqueue_dma source(%arg8 : memref<800x16xf32, #tpu.memory_space<vmem>>) target(%dma_start3A_82 : memref<800x16xf32, #tpu.memory_space<vmem_shared>>) target_semaphore(%run_scoped3A : memref<!tpu.dma_semaphore, #tpu.memory_space<semaphore_mem>>)
      %dma_wait3A_83 = arith.constant 0 : i32
      %dma_wait3A_84 = tpu.memref_slice %arg12[%add3A_17, %dma_wait3A_83] : memref<100096x16xf32, #tpu.memory_space<vmem_shared>> -> memref<800x16xf32, #tpu.memory_space<vmem_shared>>
      %dma_wait3A_85 = arith.constant 0 : i32
      %dma_wait3A_86 = tpu.memref_slice %arg12[%add3A_17, %dma_wait3A_85] : memref<100096x16xf32, #tpu.memory_space<vmem_shared>> -> memref<800x16xf32, #tpu.memory_space<vmem_shared>>
      tpu.wait_dma2 semaphore(%run_scoped3A : memref<!tpu.dma_semaphore, #tpu.memory_space<semaphore_mem>>) src(%arg8 : memref<800x16xf32, #tpu.memory_space<vmem>>) dst(%dma_wait3A_86 : memref<800x16xf32, #tpu.memory_space<vmem_shared>>)
      tpu.yield
    }) : () -> ()
    %add3A_18 = arith.constant 4800 : i32
    %add3A_19 = arith.addi %multiple_of3A, %add3A_18 : i32
    "tpu.region"() ({
      %run_scoped3A = tpu.sem_alloc : memref<!tpu.dma_semaphore, #tpu.memory_space<semaphore_mem>>
      %dma_start3A_79 = arith.constant 0 : i32
      %dma_start3A_80 = tpu.memref_slice %arg12[%add3A_19, %dma_start3A_79] : memref<100096x16xf32, #tpu.memory_space<vmem_shared>> -> memref<800x16xf32, #tpu.memory_space<vmem_shared>>
      %dma_start3A_81 = arith.constant 0 : i32
      %dma_start3A_82 = tpu.memref_slice %arg12[%add3A_19, %dma_start3A_81] : memref<100096x16xf32, #tpu.memory_space<vmem_shared>> -> memref<800x16xf32, #tpu.memory_space<vmem_shared>>
      tpu.enqueue_dma source(%arg8 : memref<800x16xf32, #tpu.memory_space<vmem>>) target(%dma_start3A_82 : memref<800x16xf32, #tpu.memory_space<vmem_shared>>) target_semaphore(%run_scoped3A : memref<!tpu.dma_semaphore, #tpu.memory_space<semaphore_mem>>)
      %dma_wait3A_83 = arith.constant 0 : i32
      %dma_wait3A_84 = tpu.memref_slice %arg12[%add3A_19, %dma_wait3A_83] : memref<100096x16xf32, #tpu.memory_space<vmem_shared>> -> memref<800x16xf32, #tpu.memory_space<vmem_shared>>
      %dma_wait3A_85 = arith.constant 0 : i32
      %dma_wait3A_86 = tpu.memref_slice %arg12[%add3A_19, %dma_wait3A_85] : memref<100096x16xf32, #tpu.memory_space<vmem_shared>> -> memref<800x16xf32, #tpu.memory_space<vmem_shared>>
      tpu.wait_dma2 semaphore(%run_scoped3A : memref<!tpu.dma_semaphore, #tpu.memory_space<semaphore_mem>>) src(%arg8 : memref<800x16xf32, #tpu.memory_space<vmem>>) dst(%dma_wait3A_86 : memref<800x16xf32, #tpu.memory_space<vmem_shared>>)
      tpu.yield
    }) : () -> ()
    %add3A_20 = arith.constant 5600 : i32
    %add3A_21 = arith.addi %multiple_of3A, %add3A_20 : i32
    "tpu.region"() ({
      %run_scoped3A = tpu.sem_alloc : memref<!tpu.dma_semaphore, #tpu.memory_space<semaphore_mem>>
      %dma_start3A_79 = arith.constant 0 : i32
      %dma_start3A_80 = arith.constant 0 : i32
      %dma_start3A_81 = tpu.memref_slice %arg8[%dma_start3A_79, %dma_start3A_80] : memref<800x16xf32, #tpu.memory_space<vmem>> -> memref<656x16xf32, #tpu.memory_space<vmem>>
      %dma_start3A_82 = arith.constant 0 : i32
      %dma_start3A_83 = tpu.memref_slice %arg12[%add3A_21, %dma_start3A_82] : memref<100096x16xf32, #tpu.memory_space<vmem_shared>> -> memref<656x16xf32, #tpu.memory_space<vmem_shared>>
      %dma_start3A_84 = arith.constant 0 : i32
      %dma_start3A_85 = tpu.memref_slice %arg12[%add3A_21, %dma_start3A_84] : memref<100096x16xf32, #tpu.memory_space<vmem_shared>> -> memref<656x16xf32, #tpu.memory_space<vmem_shared>>
      %dma_start3A_86 = arith.constant 0 : i32
      %dma_start3A_87 = arith.constant 0 : i32
      %dma_start3A_88 = tpu.memref_slice %arg8[%dma_start3A_86, %dma_start3A_87] : memref<800x16xf32, #tpu.memory_space<vmem>> -> memref<656x16xf32, #tpu.memory_space<vmem>>
      tpu.enqueue_dma source(%dma_start3A_88 : memref<656x16xf32, #tpu.memory_space<vmem>>) target(%dma_start3A_85 : memref<656x16xf32, #tpu.memory_space<vmem_shared>>) target_semaphore(%run_scoped3A : memref<!tpu.dma_semaphore, #tpu.memory_space<semaphore_mem>>)
      %dma_wait3A_89 = arith.constant 0 : i32
      %dma_wait3A_90 = arith.constant 0 : i32
      %dma_wait3A_91 = tpu.memref_slice %arg8[%dma_wait3A_89, %dma_wait3A_90] : memref<800x16xf32, #tpu.memory_space<vmem>> -> memref<656x16xf32, #tpu.memory_space<vmem>>
      %dma_wait3A_92 = arith.constant 0 : i32
      %dma_wait3A_93 = tpu.memref_slice %arg12[%add3A_21, %dma_wait3A_92] : memref<100096x16xf32, #tpu.memory_space<vmem_shared>> -> memref<656x16xf32, #tpu.memory_space<vmem_shared>>
      %dma_wait3A_94 = arith.constant 0 : i32
      %dma_wait3A_95 = tpu.memref_slice %arg12[%add3A_21, %dma_wait3A_94] : memref<100096x16xf32, #tpu.memory_space<vmem_shared>> -> memref<656x16xf32, #tpu.memory_space<vmem_shared>>
      %dma_wait3A_96 = arith.constant 0 : i32
      %dma_wait3A_97 = arith.constant 0 : i32
      %dma_wait3A_98 = tpu.memref_slice %arg8[%dma_wait3A_96, %dma_wait3A_97] : memref<800x16xf32, #tpu.memory_space<vmem>> -> memref<656x16xf32, #tpu.memory_space<vmem>>
      tpu.wait_dma2 semaphore(%run_scoped3A : memref<!tpu.dma_semaphore, #tpu.memory_space<semaphore_mem>>) src(%dma_wait3A_98 : memref<656x16xf32, #tpu.memory_space<vmem>>) dst(%dma_wait3A_95 : memref<656x16xf32, #tpu.memory_space<vmem_shared>>)
      tpu.yield
    }) : () -> ()
    %barrier3A = arith.constant 0 : index
    tpu.barrier barrier_id(%barrier3A)
    %mul3A_22 = arith.constant 100000 : i32
    %mul3A_23 = arith.muli %arg1, %mul3A_22 : i32
    %add3A_24 = arith.constant 0 : i32
    %add3A_25 = arith.addi %mul3A_23, %add3A_24 : i32
    %multiple_of3A_26 = tpu.assume_multiple %add3A_25, 8 : i32
    "tpu.region"() ({
      %run_scoped3A = tpu.sem_alloc : memref<!tpu.dma_semaphore, #tpu.memory_space<semaphore_mem>>
      %dma_start3A_79 = tpu.memref_slice %arg3[%multiple_of3A_26] : memref<1600000xi32, #tpu.memory_space<hbm>> -> memref<800xi32, #tpu.memory_space<hbm>>
      %dma_start3A_80 = tpu.memref_slice %arg3[%multiple_of3A_26] : memref<1600000xi32, #tpu.memory_space<hbm>> -> memref<800xi32, #tpu.memory_space<hbm>>
      tpu.enqueue_dma source(%dma_start3A_80 : memref<800xi32, #tpu.memory_space<hbm>>) target(%arg6 : memref<800xi32, #tpu.memory_space<vmem>>) target_semaphore(%run_scoped3A : memref<!tpu.dma_semaphore, #tpu.memory_space<semaphore_mem>>)
      %dma_wait3A_81 = tpu.memref_slice %arg3[%multiple_of3A_26] : memref<1600000xi32, #tpu.memory_space<hbm>> -> memref<800xi32, #tpu.memory_space<hbm>>
      %dma_wait3A_82 = tpu.memref_slice %arg3[%multiple_of3A_26] : memref<1600000xi32, #tpu.memory_space<hbm>> -> memref<800xi32, #tpu.memory_space<hbm>>
      tpu.wait_dma2 semaphore(%run_scoped3A : memref<!tpu.dma_semaphore, #tpu.memory_space<semaphore_mem>>) src(%dma_wait3A_82 : memref<800xi32, #tpu.memory_space<hbm>>) dst(%arg6 : memref<800xi32, #tpu.memory_space<vmem>>)
      tpu.yield
    }) : () -> ()
    "tpu.region"() ({
      %run_scoped3A = tpu.sem_alloc : memref<!tpu.dma_semaphore, #tpu.memory_space<semaphore_mem>>
      %dma_start3A_79 = tpu.memref_slice %arg4[%multiple_of3A_26] : memref<1600000xi32, #tpu.memory_space<hbm>> -> memref<800xi32, #tpu.memory_space<hbm>>
      %dma_start3A_80 = tpu.memref_slice %arg4[%multiple_of3A_26] : memref<1600000xi32, #tpu.memory_space<hbm>> -> memref<800xi32, #tpu.memory_space<hbm>>
      tpu.enqueue_dma source(%dma_start3A_80 : memref<800xi32, #tpu.memory_space<hbm>>) target(%arg7 : memref<800xi32, #tpu.memory_space<vmem>>) target_semaphore(%run_scoped3A : memref<!tpu.dma_semaphore, #tpu.memory_space<semaphore_mem>>)
      %dma_wait3A_81 = tpu.memref_slice %arg4[%multiple_of3A_26] : memref<1600000xi32, #tpu.memory_space<hbm>> -> memref<800xi32, #tpu.memory_space<hbm>>
      %dma_wait3A_82 = tpu.memref_slice %arg4[%multiple_of3A_26] : memref<1600000xi32, #tpu.memory_space<hbm>> -> memref<800xi32, #tpu.memory_space<hbm>>
      tpu.wait_dma2 semaphore(%run_scoped3A : memref<!tpu.dma_semaphore, #tpu.memory_space<semaphore_mem>>) src(%dma_wait3A_82 : memref<800xi32, #tpu.memory_space<hbm>>) dst(%arg7 : memref<800xi32, #tpu.memory_space<vmem>>)
      tpu.yield
    }) : () -> ()
    %scan3A_27 = arith.constant 0 : i32
    %scan3A_28 = arith.constant 0 : i32
    %scan3A_29 = arith.constant 50 : i32
    %scan3A_30 = arith.addi %scan3A_28, %scan3A_29 : i32
    %scan3A_31 = arith.constant 1 : i32
    scf.for %scan3A_79 = %scan3A_28 to %scan3A_30 step %scan3A_31  : i32 {
      %mul3A_80 = arith.constant 16 : i32
      %mul3A_81 = arith.muli %scan3A_79, %mul3A_80 : i32
      %get3A = arith.index_cast %mul3A_81 : i32 to index
      %get3A_82 = tpu.vector_load %arg6[%get3A] {strides = array<i32>} : memref<800xi32, #tpu.memory_space<vmem>>, vector<16xi32>,
      %get3A_83 = vector.shape_cast %get3A_82 : vector<16xi32> to vector<16xi32>
      %add3A_84 = arith.addi %get3A_83, %get3A_83 : vector<16xi32>
      %add3A_85 = vector.broadcast %arg0 : i32 to vector<16xi32>
      %add3A_86 = arith.addi %add3A_84, %add3A_85 : vector<16xi32>
      %mul3A_87 = arith.constant 16 : i32
      %mul3A_88 = arith.muli %scan3A_79, %mul3A_87 : i32
      %swap3A = arith.index_cast %mul3A_88 : i32 to index
      %swap3A_89 = tpu.vector_load %arg6[%swap3A] {strides = array<i32>} : memref<800xi32, #tpu.memory_space<vmem>>, vector<16xi32>,
      %swap3A_90 = vector.shape_cast %swap3A_89 : vector<16xi32> to vector<16xi32>
      %swap3A_91 = vector.shape_cast %add3A_86 : vector<16xi32> to vector<16xi32>
      tpu.vector_store %arg6[%swap3A], %swap3A_91 {strides = array<i32>} : memref<800xi32, #tpu.memory_space<vmem>>, vector<16xi32>,
    }
    %scan3A_32 = arith.constant 50 : i32
    %dma_start3A = arith.constant 0 : i32
    %dma_start3A_33 = arith.constant 0 : i32
    %dma_start3A_34 = tpu.memref_slice %arg2[%dma_start3A, %dma_start3A_33] : memref<200192x16xf32, #tpu.memory_space<hbm>> -> memref<200192x16xf32, #tpu.memory_space<hbm>>
    tpu.enqueue_indirect_dma source(%dma_start3A_34 : memref<200192x16xf32, #tpu.memory_space<hbm>>) target(%arg8 : memref<800x16xf32, #tpu.memory_space<vmem>>) offsets(%arg6 : memref<800xi32, #tpu.memory_space<vmem>>) semaphore(%arg13 : memref<!tpu.dma_semaphore, #tpu.memory_space<semaphore_mem>>)
    %scan3A_35 = arith.constant 0 : i32
    %scan3A_36 = arith.constant 0 : i32
    %scan3A_37 = arith.constant 62 : i32
    %scan3A_38 = arith.addi %scan3A_36, %scan3A_37 : i32
    %scan3A_39 = arith.constant 1 : i32
    scf.for %scan3A_79 = %scan3A_36 to %scan3A_38 step %scan3A_39  : i32 {
      %mul3A_80 = arith.constant 2 : i32
      %mul3A_81 = arith.muli %mul3A_80, %scan3A_79 : i32
      %add3A_82 = arith.constant 1 : i32
      %add3A_83 = arith.addi %mul3A_81, %add3A_82 : i32
      %mul3A_84 = arith.constant 100000 : i32
      %mul3A_85 = arith.muli %arg1, %mul3A_84 : i32
      %mul3A_86 = arith.constant 800 : i32
      %mul3A_87 = arith.muli %add3A_83, %mul3A_86 : i32
      %add3A_88 = arith.addi %mul3A_85, %mul3A_87 : i32
      %multiple_of3A_89 = tpu.assume_multiple %add3A_88, 8 : i32
      "tpu.region"() ({
        %run_scoped3A = tpu.sem_alloc : memref<!tpu.dma_semaphore, #tpu.memory_space<semaphore_mem>>
        %dma_start3A_122 = tpu.memref_slice %arg3[%multiple_of3A_89] : memref<1600000xi32, #tpu.memory_space<hbm>> -> memref<800xi32, #tpu.memory_space<hbm>>
        %dma_start3A_123 = tpu.memref_slice %arg3[%multiple_of3A_89] : memref<1600000xi32, #tpu.memory_space<hbm>> -> memref<800xi32, #tpu.memory_space<hbm>>
        tpu.enqueue_dma source(%dma_start3A_123 : memref<800xi32, #tpu.memory_space<hbm>>) target(%arg9 : memref<800xi32, #tpu.memory_space<vmem>>) target_semaphore(%run_scoped3A : memref<!tpu.dma_semaphore, #tpu.memory_space<semaphore_mem>>)
        %dma_wait3A_124 = tpu.memref_slice %arg3[%multiple_of3A_89] : memref<1600000xi32, #tpu.memory_space<hbm>> -> memref<800xi32, #tpu.memory_space<hbm>>
        %dma_wait3A_125 = tpu.memref_slice %arg3[%multiple_of3A_89] : memref<1600000xi32, #tpu.memory_space<hbm>> -> memref<800xi32, #tpu.memory_space<hbm>>
        tpu.wait_dma2 semaphore(%run_scoped3A : memref<!tpu.dma_semaphore, #tpu.memory_space<semaphore_mem>>) src(%dma_wait3A_125 : memref<800xi32, #tpu.memory_space<hbm>>) dst(%arg9 : memref<800xi32, #tpu.memory_space<vmem>>)
        tpu.yield
      }) : () -> ()
      "tpu.region"() ({
        %run_scoped3A = tpu.sem_alloc : memref<!tpu.dma_semaphore, #tpu.memory_space<semaphore_mem>>
        %dma_start3A_122 = tpu.memref_slice %arg4[%multiple_of3A_89] : memref<1600000xi32, #tpu.memory_space<hbm>> -> memref<800xi32, #tpu.memory_space<hbm>>
        %dma_start3A_123 = tpu.memref_slice %arg4[%multiple_of3A_89] : memref<1600000xi32, #tpu.memory_space<hbm>> -> memref<800xi32, #tpu.memory_space<hbm>>
        tpu.enqueue_dma source(%dma_start3A_123 : memref<800xi32, #tpu.memory_space<hbm>>) target(%arg10 : memref<800xi32, #tpu.memory_space<vmem>>) target_semaphore(%run_scoped3A : memref<!tpu.dma_semaphore, #tpu.memory_space<semaphore_mem>>)
        %dma_wait3A_124 = tpu.memref_slice %arg4[%multiple_of3A_89] : memref<1600000xi32, #tpu.memory_space<hbm>> -> memref<800xi32, #tpu.memory_space<hbm>>
        %dma_wait3A_125 = tpu.memref_slice %arg4[%multiple_of3A_89] : memref<1600000xi32, #tpu.memory_space<hbm>> -> memref<800xi32, #tpu.memory_space<hbm>>
        tpu.wait_dma2 semaphore(%run_scoped3A : memref<!tpu.dma_semaphore, #tpu.memory_space<semaphore_mem>>) src(%dma_wait3A_125 : memref<800xi32, #tpu.memory_space<hbm>>) dst(%arg10 : memref<800xi32, #tpu.memory_space<vmem>>)
        tpu.yield
      }) : () -> ()
      %scan3A_90 = arith.constant 0 : i32
      %scan3A_91 = arith.constant 0 : i32
      %scan3A_92 = arith.constant 50 : i32
      %scan3A_93 = arith.addi %scan3A_91, %scan3A_92 : i32
      %scan3A_94 = arith.constant 1 : i32
      scf.for %scan3A_122 = %scan3A_91 to %scan3A_93 step %scan3A_94  : i32 {
        %mul3A_123 = arith.constant 16 : i32
        %mul3A_124 = arith.muli %scan3A_122, %mul3A_123 : i32
        %get3A = arith.index_cast %mul3A_124 : i32 to index
        %get3A_125 = tpu.vector_load %arg9[%get3A] {strides = array<i32>} : memref<800xi32, #tpu.memory_space<vmem>>, vector<16xi32>,
        %get3A_126 = vector.shape_cast %get3A_125 : vector<16xi32> to vector<16xi32>
        %add3A_127 = arith.addi %get3A_126, %get3A_126 : vector<16xi32>
        %add3A_128 = vector.broadcast %arg0 : i32 to vector<16xi32>
        %add3A_129 = arith.addi %add3A_127, %add3A_128 : vector<16xi32>
        %mul3A_130 = arith.constant 16 : i32
        %mul3A_131 = arith.muli %scan3A_122, %mul3A_130 : i32
        %swap3A = arith.index_cast %mul3A_131 : i32 to index
        %swap3A_132 = tpu.vector_load %arg9[%swap3A] {strides = array<i32>} : memref<800xi32, #tpu.memory_space<vmem>>, vector<16xi32>,
        %swap3A_133 = vector.shape_cast %swap3A_132 : vector<16xi32> to vector<16xi32>
        %swap3A_134 = vector.shape_cast %add3A_129 : vector<16xi32> to vector<16xi32>
        tpu.vector_store %arg9[%swap3A], %swap3A_134 {strides = array<i32>} : memref<800xi32, #tpu.memory_space<vmem>>, vector<16xi32>,
      }
      %scan3A_95 = arith.constant 50 : i32
      %dma_wait3A_96 = arith.constant 0 : i32
      %dma_wait3A_97 = arith.constant 0 : i32
      %dma_wait3A_98 = tpu.memref_slice %arg2[%dma_wait3A_96, %dma_wait3A_97] : memref<200192x16xf32, #tpu.memory_space<hbm>> -> memref<200192x16xf32, #tpu.memory_space<hbm>>
      tpu.wait_indirect_dma semaphore(%arg13 : memref<!tpu.dma_semaphore, #tpu.memory_space<semaphore_mem>>) src(%dma_wait3A_98 : memref<200192x16xf32, #tpu.memory_space<hbm>>) dst(%arg8 : memref<800x16xf32, #tpu.memory_space<vmem>>)
      %dma_start3A_99 = arith.constant 0 : i32
      %dma_start3A_100 = arith.constant 0 : i32
      %dma_start3A_101 = tpu.memref_slice %arg2[%dma_start3A_99, %dma_start3A_100] : memref<200192x16xf32, #tpu.memory_space<hbm>> -> memref<200192x16xf32, #tpu.memory_space<hbm>>
      tpu.enqueue_indirect_dma source(%dma_start3A_101 : memref<200192x16xf32, #tpu.memory_space<hbm>>) target(%arg11 : memref<800x16xf32, #tpu.memory_space<vmem>>) offsets(%arg9 : memref<800xi32, #tpu.memory_space<vmem>>) semaphore(%arg13 : memref<!tpu.dma_semaphore, #tpu.memory_space<semaphore_mem>>)
      "tpu.region"() ({
        %run_scoped3A = tpu.sem_alloc : memref<!tpu.dma_semaphore, #tpu.memory_space<semaphore_mem>>
        %dma_start3A_122 = arith.constant 0 : i32
        %dma_start3A_123 = arith.constant 0 : i32
        %dma_start3A_124 = tpu.memref_slice %arg12[%dma_start3A_122, %dma_start3A_123] : memref<100096x16xf32, #tpu.memory_space<vmem_shared>> -> memref<100096x16xf32, #tpu.memory_space<vmem_shared>>
        tpu.enqueue_indirect_dma source(%arg8 : memref<800x16xf32, #tpu.memory_space<vmem>>) target(%dma_start3A_124 : memref<100096x16xf32, #tpu.memory_space<vmem_shared>>) offsets(%arg7 : memref<800xi32, #tpu.memory_space<vmem>>) semaphore(%run_scoped3A : memref<!tpu.dma_semaphore, #tpu.memory_space<semaphore_mem>>) {add = true}
        %dma_wait3A_125 = arith.constant 0 : i32
        %dma_wait3A_126 = arith.constant 0 : i32
        %dma_wait3A_127 = tpu.memref_slice %arg12[%dma_wait3A_125, %dma_wait3A_126] : memref<100096x16xf32, #tpu.memory_space<vmem_shared>> -> memref<100096x16xf32, #tpu.memory_space<vmem_shared>>
        tpu.wait_indirect_dma semaphore(%run_scoped3A : memref<!tpu.dma_semaphore, #tpu.memory_space<semaphore_mem>>) src(%arg8 : memref<800x16xf32, #tpu.memory_space<vmem>>) dst(%dma_wait3A_127 : memref<100096x16xf32, #tpu.memory_space<vmem_shared>>)
        tpu.yield
      }) : () -> ()
      %add3A_102 = arith.constant 2 : i32
      %add3A_103 = arith.addi %mul3A_81, %add3A_102 : i32
      %mul3A_104 = arith.constant 100000 : i32
      %mul3A_105 = arith.muli %arg1, %mul3A_104 : i32
      %mul3A_106 = arith.constant 800 : i32
      %mul3A_107 = arith.muli %add3A_103, %mul3A_106 : i32
      %add3A_108 = arith.addi %mul3A_105, %mul3A_107 : i32
      %multiple_of3A_109 = tpu.assume_multiple %add3A_108, 8 : i32
      "tpu.region"() ({
        %run_scoped3A = tpu.sem_alloc : memref<!tpu.dma_semaphore, #tpu.memory_space<semaphore_mem>>
        %dma_start3A_122 = tpu.memref_slice %arg3[%multiple_of3A_109] : memref<1600000xi32, #tpu.memory_space<hbm>> -> memref<800xi32, #tpu.memory_space<hbm>>
        %dma_start3A_123 = tpu.memref_slice %arg3[%multiple_of3A_109] : memref<1600000xi32, #tpu.memory_space<hbm>> -> memref<800xi32, #tpu.memory_space<hbm>>
        tpu.enqueue_dma source(%dma_start3A_123 : memref<800xi32, #tpu.memory_space<hbm>>) target(%arg6 : memref<800xi32, #tpu.memory_space<vmem>>) target_semaphore(%run_scoped3A : memref<!tpu.dma_semaphore, #tpu.memory_space<semaphore_mem>>)
        %dma_wait3A_124 = tpu.memref_slice %arg3[%multiple_of3A_109] : memref<1600000xi32, #tpu.memory_space<hbm>> -> memref<800xi32, #tpu.memory_space<hbm>>
        %dma_wait3A_125 = tpu.memref_slice %arg3[%multiple_of3A_109] : memref<1600000xi32, #tpu.memory_space<hbm>> -> memref<800xi32, #tpu.memory_space<hbm>>
        tpu.wait_dma2 semaphore(%run_scoped3A : memref<!tpu.dma_semaphore, #tpu.memory_space<semaphore_mem>>) src(%dma_wait3A_125 : memref<800xi32, #tpu.memory_space<hbm>>) dst(%arg6 : memref<800xi32, #tpu.memory_space<vmem>>)
        tpu.yield
      }) : () -> ()
      "tpu.region"() ({
        %run_scoped3A = tpu.sem_alloc : memref<!tpu.dma_semaphore, #tpu.memory_space<semaphore_mem>>
        %dma_start3A_122 = tpu.memref_slice %arg4[%multiple_of3A_109] : memref<1600000xi32, #tpu.memory_space<hbm>> -> memref<800xi32, #tpu.memory_space<hbm>>
        %dma_start3A_123 = tpu.memref_slice %arg4[%multiple_of3A_109] : memref<1600000xi32, #tpu.memory_space<hbm>> -> memref<800xi32, #tpu.memory_space<hbm>>
        tpu.enqueue_dma source(%dma_start3A_123 : memref<800xi32, #tpu.memory_space<hbm>>) target(%arg7 : memref<800xi32, #tpu.memory_space<vmem>>) target_semaphore(%run_scoped3A : memref<!tpu.dma_semaphore, #tpu.memory_space<semaphore_mem>>)
        %dma_wait3A_124 = tpu.memref_slice %arg4[%multiple_of3A_109] : memref<1600000xi32, #tpu.memory_space<hbm>> -> memref<800xi32, #tpu.memory_space<hbm>>
        %dma_wait3A_125 = tpu.memref_slice %arg4[%multiple_of3A_109] : memref<1600000xi32, #tpu.memory_space<hbm>> -> memref<800xi32, #tpu.memory_space<hbm>>
        tpu.wait_dma2 semaphore(%run_scoped3A : memref<!tpu.dma_semaphore, #tpu.memory_space<semaphore_mem>>) src(%dma_wait3A_125 : memref<800xi32, #tpu.memory_space<hbm>>) dst(%arg7 : memref<800xi32, #tpu.memory_space<vmem>>)
        tpu.yield
      }) : () -> ()
      %scan3A_110 = arith.constant 0 : i32
      %scan3A_111 = arith.constant 0 : i32
      %scan3A_112 = arith.constant 50 : i32
      %scan3A_113 = arith.addi %scan3A_111, %scan3A_112 : i32
      %scan3A_114 = arith.constant 1 : i32
      scf.for %scan3A_122 = %scan3A_111 to %scan3A_113 step %scan3A_114  : i32 {
        %mul3A_123 = arith.constant 16 : i32
        %mul3A_124 = arith.muli %scan3A_122, %mul3A_123 : i32
        %get3A = arith.index_cast %mul3A_124 : i32 to index
        %get3A_125 = tpu.vector_load %arg6[%get3A] {strides = array<i32>} : memref<800xi32, #tpu.memory_space<vmem>>, vector<16xi32>,
        %get3A_126 = vector.shape_cast %get3A_125 : vector<16xi32> to vector<16xi32>
        %add3A_127 = arith.addi %get3A_126, %get3A_126 : vector<16xi32>
        %add3A_128 = vector.broadcast %arg0 : i32 to vector<16xi32>
        %add3A_129 = arith.addi %add3A_127, %add3A_128 : vector<16xi32>
        %mul3A_130 = arith.constant 16 : i32
        %mul3A_131 = arith.muli %scan3A_122, %mul3A_130 : i32
        %swap3A = arith.index_cast %mul3A_131 : i32 to index
        %swap3A_132 = tpu.vector_load %arg6[%swap3A] {strides = array<i32>} : memref<800xi32, #tpu.memory_space<vmem>>, vector<16xi32>,
        %swap3A_133 = vector.shape_cast %swap3A_132 : vector<16xi32> to vector<16xi32>
        %swap3A_134 = vector.shape_cast %add3A_129 : vector<16xi32> to vector<16xi32>
        tpu.vector_store %arg6[%swap3A], %swap3A_134 {strides = array<i32>} : memref<800xi32, #tpu.memory_space<vmem>>, vector<16xi32>,
      }
      %scan3A_115 = arith.constant 50 : i32
      %dma_wait3A_116 = arith.constant 0 : i32
      %dma_wait3A_117 = arith.constant 0 : i32
      %dma_wait3A_118 = tpu.memref_slice %arg2[%dma_wait3A_116, %dma_wait3A_117] : memref<200192x16xf32, #tpu.memory_space<hbm>> -> memref<200192x16xf32, #tpu.memory_space<hbm>>
      tpu.wait_indirect_dma semaphore(%arg13 : memref<!tpu.dma_semaphore, #tpu.memory_space<semaphore_mem>>) src(%dma_wait3A_118 : memref<200192x16xf32, #tpu.memory_space<hbm>>) dst(%arg11 : memref<800x16xf32, #tpu.memory_space<vmem>>)
      %dma_start3A_119 = arith.constant 0 : i32
      %dma_start3A_120 = arith.constant 0 : i32
      %dma_start3A_121 = tpu.memref_slice %arg2[%dma_start3A_119, %dma_start3A_120] : memref<200192x16xf32, #tpu.memory_space<hbm>> -> memref<200192x16xf32, #tpu.memory_space<hbm>>
      tpu.enqueue_indirect_dma source(%dma_start3A_121 : memref<200192x16xf32, #tpu.memory_space<hbm>>) target(%arg8 : memref<800x16xf32, #tpu.memory_space<vmem>>) offsets(%arg6 : memref<800xi32, #tpu.memory_space<vmem>>) semaphore(%arg13 : memref<!tpu.dma_semaphore, #tpu.memory_space<semaphore_mem>>)
      "tpu.region"() ({
        %run_scoped3A = tpu.sem_alloc : memref<!tpu.dma_semaphore, #tpu.memory_space<semaphore_mem>>
        %dma_start3A_122 = arith.constant 0 : i32
        %dma_start3A_123 = arith.constant 0 : i32
        %dma_start3A_124 = tpu.memref_slice %arg12[%dma_start3A_122, %dma_start3A_123] : memref<100096x16xf32, #tpu.memory_space<vmem_shared>> -> memref<100096x16xf32, #tpu.memory_space<vmem_shared>>
        tpu.enqueue_indirect_dma source(%arg11 : memref<800x16xf32, #tpu.memory_space<vmem>>) target(%dma_start3A_124 : memref<100096x16xf32, #tpu.memory_space<vmem_shared>>) offsets(%arg10 : memref<800xi32, #tpu.memory_space<vmem>>) semaphore(%run_scoped3A : memref<!tpu.dma_semaphore, #tpu.memory_space<semaphore_mem>>) {add = true}
        %dma_wait3A_125 = arith.constant 0 : i32
        %dma_wait3A_126 = arith.constant 0 : i32
        %dma_wait3A_127 = tpu.memref_slice %arg12[%dma_wait3A_125, %dma_wait3A_126] : memref<100096x16xf32, #tpu.memory_space<vmem_shared>> -> memref<100096x16xf32, #tpu.memory_space<vmem_shared>>
        tpu.wait_indirect_dma semaphore(%run_scoped3A : memref<!tpu.dma_semaphore, #tpu.memory_space<semaphore_mem>>) src(%arg11 : memref<800x16xf32, #tpu.memory_space<vmem>>) dst(%dma_wait3A_127 : memref<100096x16xf32, #tpu.memory_space<vmem_shared>>)
        tpu.yield
      }) : () -> ()
    }
    %scan3A_40 = arith.constant 62 : i32
    %dma_wait3A = arith.constant 0 : i32
    %dma_wait3A_41 = arith.constant 0 : i32
    %dma_wait3A_42 = tpu.memref_slice %arg2[%dma_wait3A, %dma_wait3A_41] : memref<200192x16xf32, #tpu.memory_space<hbm>> -> memref<200192x16xf32, #tpu.memory_space<hbm>>
    tpu.wait_indirect_dma semaphore(%arg13 : memref<!tpu.dma_semaphore, #tpu.memory_space<semaphore_mem>>) src(%dma_wait3A_42 : memref<200192x16xf32, #tpu.memory_space<hbm>>) dst(%arg8 : memref<800x16xf32, #tpu.memory_space<vmem>>)
    "tpu.region"() ({
      %run_scoped3A = tpu.sem_alloc : memref<!tpu.dma_semaphore, #tpu.memory_space<semaphore_mem>>
      %dma_start3A_79 = arith.constant 0 : i32
      %dma_start3A_80 = arith.constant 0 : i32
      %dma_start3A_81 = tpu.memref_slice %arg12[%dma_start3A_79, %dma_start3A_80] : memref<100096x16xf32, #tpu.memory_space<vmem_shared>> -> memref<100096x16xf32, #tpu.memory_space<vmem_shared>>
      tpu.enqueue_indirect_dma source(%arg8 : memref<800x16xf32, #tpu.memory_space<vmem>>) target(%dma_start3A_81 : memref<100096x16xf32, #tpu.memory_space<vmem_shared>>) offsets(%arg7 : memref<800xi32, #tpu.memory_space<vmem>>) semaphore(%run_scoped3A : memref<!tpu.dma_semaphore, #tpu.memory_space<semaphore_mem>>) {add = true}
      %dma_wait3A_82 = arith.constant 0 : i32
      %dma_wait3A_83 = arith.constant 0 : i32
      %dma_wait3A_84 = tpu.memref_slice %arg12[%dma_wait3A_82, %dma_wait3A_83] : memref<100096x16xf32, #tpu.memory_space<vmem_shared>> -> memref<100096x16xf32, #tpu.memory_space<vmem_shared>>
      tpu.wait_indirect_dma semaphore(%run_scoped3A : memref<!tpu.dma_semaphore, #tpu.memory_space<semaphore_mem>>) src(%arg8 : memref<800x16xf32, #tpu.memory_space<vmem>>) dst(%dma_wait3A_84 : memref<100096x16xf32, #tpu.memory_space<vmem_shared>>)
      tpu.yield
    }) : () -> ()
    %barrier3A_43 = arith.constant 0 : index
    tpu.barrier barrier_id(%barrier3A_43)
    %mul3A_44 = arith.constant 16 : i32
    %mul3A_45 = arith.muli %arg0, %mul3A_44 : i32
    %multiple_of3A_46 = tpu.assume_multiple %mul3A_45, 8 : i32
    %add3A_47 = arith.constant 0 : i32
    %add3A_48 = arith.addi %multiple_of3A, %add3A_47 : i32
    "tpu.region"() ({
      %run_scoped3A = tpu.sem_alloc : memref<!tpu.dma_semaphore, #tpu.memory_space<semaphore_mem>>
      %dma_start3A_79 = arith.constant 0 : i32
      %dma_start3A_80 = tpu.memref_slice %arg12[%add3A_48, %dma_start3A_79] : memref<100096x16xf32, #tpu.memory_space<vmem_shared>> -> memref<800x16xf32, #tpu.memory_space<vmem_shared>>
      %dma_start3A_81 = arith.constant 0 : i32
      %dma_start3A_82 = tpu.memref_slice %arg12[%add3A_48, %dma_start3A_81] : memref<100096x16xf32, #tpu.memory_space<vmem_shared>> -> memref<800x16xf32, #tpu.memory_space<vmem_shared>>
      tpu.enqueue_dma source(%dma_start3A_82 : memref<800x16xf32, #tpu.memory_space<vmem_shared>>) target(%arg8 : memref<800x16xf32, #tpu.memory_space<vmem>>) target_semaphore(%run_scoped3A : memref<!tpu.dma_semaphore, #tpu.memory_space<semaphore_mem>>)
      %dma_wait3A_83 = arith.constant 0 : i32
      %dma_wait3A_84 = tpu.memref_slice %arg12[%add3A_48, %dma_wait3A_83] : memref<100096x16xf32, #tpu.memory_space<vmem_shared>> -> memref<800x16xf32, #tpu.memory_space<vmem_shared>>
      %dma_wait3A_85 = arith.constant 0 : i32
      %dma_wait3A_86 = tpu.memref_slice %arg12[%add3A_48, %dma_wait3A_85] : memref<100096x16xf32, #tpu.memory_space<vmem_shared>> -> memref<800x16xf32, #tpu.memory_space<vmem_shared>>
      tpu.wait_dma2 semaphore(%run_scoped3A : memref<!tpu.dma_semaphore, #tpu.memory_space<semaphore_mem>>) src(%dma_wait3A_86 : memref<800x16xf32, #tpu.memory_space<vmem_shared>>) dst(%arg8 : memref<800x16xf32, #tpu.memory_space<vmem>>)
      tpu.yield
    }) : () -> ()
    %add3A_49 = arith.constant 0 : i32
    %add3A_50 = arith.addi %multiple_of3A, %add3A_49 : i32
    "tpu.region"() ({
      %run_scoped3A = tpu.sem_alloc : memref<!tpu.dma_semaphore, #tpu.memory_space<semaphore_mem>>
      %dma_start3A_79 = tpu.memref_slice %arg5[%add3A_50, %multiple_of3A_46] : memref<100096x32xf32, #tpu.memory_space<hbm>> -> memref<800x16xf32, #tpu.memory_space<hbm>>
      %dma_start3A_80 = tpu.memref_slice %arg5[%add3A_50, %multiple_of3A_46] : memref<100096x32xf32, #tpu.memory_space<hbm>> -> memref<800x16xf32, #tpu.memory_space<hbm>>
      tpu.enqueue_dma source(%arg8 : memref<800x16xf32, #tpu.memory_space<vmem>>) target(%dma_start3A_80 : memref<800x16xf32, #tpu.memory_space<hbm>>) target_semaphore(%run_scoped3A : memref<!tpu.dma_semaphore, #tpu.memory_space<semaphore_mem>>)
      %dma_wait3A_81 = tpu.memref_slice %arg5[%add3A_50, %multiple_of3A_46] : memref<100096x32xf32, #tpu.memory_space<hbm>> -> memref<800x16xf32, #tpu.memory_space<hbm>>
      %dma_wait3A_82 = tpu.memref_slice %arg5[%add3A_50, %multiple_of3A_46] : memref<100096x32xf32, #tpu.memory_space<hbm>> -> memref<800x16xf32, #tpu.memory_space<hbm>>
      tpu.wait_dma2 semaphore(%run_scoped3A : memref<!tpu.dma_semaphore, #tpu.memory_space<semaphore_mem>>) src(%arg8 : memref<800x16xf32, #tpu.memory_space<vmem>>) dst(%dma_wait3A_82 : memref<800x16xf32, #tpu.memory_space<hbm>>)
      tpu.yield
    }) : () -> ()
    %add3A_51 = arith.constant 800 : i32
    %add3A_52 = arith.addi %multiple_of3A, %add3A_51 : i32
    "tpu.region"() ({
      %run_scoped3A = tpu.sem_alloc : memref<!tpu.dma_semaphore, #tpu.memory_space<semaphore_mem>>
      %dma_start3A_79 = arith.constant 0 : i32
      %dma_start3A_80 = tpu.memref_slice %arg12[%add3A_52, %dma_start3A_79] : memref<100096x16xf32, #tpu.memory_space<vmem_shared>> -> memref<800x16xf32, #tpu.memory_space<vmem_shared>>
      %dma_start3A_81 = arith.constant 0 : i32
      %dma_start3A_82 = tpu.memref_slice %arg12[%add3A_52, %dma_start3A_81] : memref<100096x16xf32, #tpu.memory_space<vmem_shared>> -> memref<800x16xf32, #tpu.memory_space<vmem_shared>>
      tpu.enqueue_dma source(%dma_start3A_82 : memref<800x16xf32, #tpu.memory_space<vmem_shared>>) target(%arg8 : memref<800x16xf32, #tpu.memory_space<vmem>>) target_semaphore(%run_scoped3A : memref<!tpu.dma_semaphore, #tpu.memory_space<semaphore_mem>>)
      %dma_wait3A_83 = arith.constant 0 : i32
      %dma_wait3A_84 = tpu.memref_slice %arg12[%add3A_52, %dma_wait3A_83] : memref<100096x16xf32, #tpu.memory_space<vmem_shared>> -> memref<800x16xf32, #tpu.memory_space<vmem_shared>>
      %dma_wait3A_85 = arith.constant 0 : i32
      %dma_wait3A_86 = tpu.memref_slice %arg12[%add3A_52, %dma_wait3A_85] : memref<100096x16xf32, #tpu.memory_space<vmem_shared>> -> memref<800x16xf32, #tpu.memory_space<vmem_shared>>
      tpu.wait_dma2 semaphore(%run_scoped3A : memref<!tpu.dma_semaphore, #tpu.memory_space<semaphore_mem>>) src(%dma_wait3A_86 : memref<800x16xf32, #tpu.memory_space<vmem_shared>>) dst(%arg8 : memref<800x16xf32, #tpu.memory_space<vmem>>)
      tpu.yield
    }) : () -> ()
    %add3A_53 = arith.constant 800 : i32
    %add3A_54 = arith.addi %multiple_of3A, %add3A_53 : i32
    "tpu.region"() ({
      %run_scoped3A = tpu.sem_alloc : memref<!tpu.dma_semaphore, #tpu.memory_space<semaphore_mem>>
      %dma_start3A_79 = tpu.memref_slice %arg5[%add3A_54, %multiple_of3A_46] : memref<100096x32xf32, #tpu.memory_space<hbm>> -> memref<800x16xf32, #tpu.memory_space<hbm>>
      %dma_start3A_80 = tpu.memref_slice %arg5[%add3A_54, %multiple_of3A_46] : memref<100096x32xf32, #tpu.memory_space<hbm>> -> memref<800x16xf32, #tpu.memory_space<hbm>>
      tpu.enqueue_dma source(%arg8 : memref<800x16xf32, #tpu.memory_space<vmem>>) target(%dma_start3A_80 : memref<800x16xf32, #tpu.memory_space<hbm>>) target_semaphore(%run_scoped3A : memref<!tpu.dma_semaphore, #tpu.memory_space<semaphore_mem>>)
      %dma_wait3A_81 = tpu.memref_slice %arg5[%add3A_54, %multiple_of3A_46] : memref<100096x32xf32, #tpu.memory_space<hbm>> -> memref<800x16xf32, #tpu.memory_space<hbm>>
      %dma_wait3A_82 = tpu.memref_slice %arg5[%add3A_54, %multiple_of3A_46] : memref<100096x32xf32, #tpu.memory_space<hbm>> -> memref<800x16xf32, #tpu.memory_space<hbm>>
      tpu.wait_dma2 semaphore(%run_scoped3A : memref<!tpu.dma_semaphore, #tpu.memory_space<semaphore_mem>>) src(%arg8 : memref<800x16xf32, #tpu.memory_space<vmem>>) dst(%dma_wait3A_82 : memref<800x16xf32, #tpu.memory_space<hbm>>)
      tpu.yield
    }) : () -> ()
    %add3A_55 = arith.constant 1600 : i32
    %add3A_56 = arith.addi %multiple_of3A, %add3A_55 : i32
    "tpu.region"() ({
      %run_scoped3A = tpu.sem_alloc : memref<!tpu.dma_semaphore, #tpu.memory_space<semaphore_mem>>
      %dma_start3A_79 = arith.constant 0 : i32
      %dma_start3A_80 = tpu.memref_slice %arg12[%add3A_56, %dma_start3A_79] : memref<100096x16xf32, #tpu.memory_space<vmem_shared>> -> memref<800x16xf32, #tpu.memory_space<vmem_shared>>
      %dma_start3A_81 = arith.constant 0 : i32
      %dma_start3A_82 = tpu.memref_slice %arg12[%add3A_56, %dma_start3A_81] : memref<100096x16xf32, #tpu.memory_space<vmem_shared>> -> memref<800x16xf32, #tpu.memory_space<vmem_shared>>
      tpu.enqueue_dma source(%dma_start3A_82 : memref<800x16xf32, #tpu.memory_space<vmem_shared>>) target(%arg8 : memref<800x16xf32, #tpu.memory_space<vmem>>) target_semaphore(%run_scoped3A : memref<!tpu.dma_semaphore, #tpu.memory_space<semaphore_mem>>)
      %dma_wait3A_83 = arith.constant 0 : i32
      %dma_wait3A_84 = tpu.memref_slice %arg12[%add3A_56, %dma_wait3A_83] : memref<100096x16xf32, #tpu.memory_space<vmem_shared>> -> memref<800x16xf32, #tpu.memory_space<vmem_shared>>
      %dma_wait3A_85 = arith.constant 0 : i32
      %dma_wait3A_86 = tpu.memref_slice %arg12[%add3A_56, %dma_wait3A_85] : memref<100096x16xf32, #tpu.memory_space<vmem_shared>> -> memref<800x16xf32, #tpu.memory_space<vmem_shared>>
      tpu.wait_dma2 semaphore(%run_scoped3A : memref<!tpu.dma_semaphore, #tpu.memory_space<semaphore_mem>>) src(%dma_wait3A_86 : memref<800x16xf32, #tpu.memory_space<vmem_shared>>) dst(%arg8 : memref<800x16xf32, #tpu.memory_space<vmem>>)
      tpu.yield
    }) : () -> ()
    %add3A_57 = arith.constant 1600 : i32
    %add3A_58 = arith.addi %multiple_of3A, %add3A_57 : i32
    "tpu.region"() ({
      %run_scoped3A = tpu.sem_alloc : memref<!tpu.dma_semaphore, #tpu.memory_space<semaphore_mem>>
      %dma_start3A_79 = tpu.memref_slice %arg5[%add3A_58, %multiple_of3A_46] : memref<100096x32xf32, #tpu.memory_space<hbm>> -> memref<800x16xf32, #tpu.memory_space<hbm>>
      %dma_start3A_80 = tpu.memref_slice %arg5[%add3A_58, %multiple_of3A_46] : memref<100096x32xf32, #tpu.memory_space<hbm>> -> memref<800x16xf32, #tpu.memory_space<hbm>>
      tpu.enqueue_dma source(%arg8 : memref<800x16xf32, #tpu.memory_space<vmem>>) target(%dma_start3A_80 : memref<800x16xf32, #tpu.memory_space<hbm>>) target_semaphore(%run_scoped3A : memref<!tpu.dma_semaphore, #tpu.memory_space<semaphore_mem>>)
      %dma_wait3A_81 = tpu.memref_slice %arg5[%add3A_58, %multiple_of3A_46] : memref<100096x32xf32, #tpu.memory_space<hbm>> -> memref<800x16xf32, #tpu.memory_space<hbm>>
      %dma_wait3A_82 = tpu.memref_slice %arg5[%add3A_58, %multiple_of3A_46] : memref<100096x32xf32, #tpu.memory_space<hbm>> -> memref<800x16xf32, #tpu.memory_space<hbm>>
      tpu.wait_dma2 semaphore(%run_scoped3A : memref<!tpu.dma_semaphore, #tpu.memory_space<semaphore_mem>>) src(%arg8 : memref<800x16xf32, #tpu.memory_space<vmem>>) dst(%dma_wait3A_82 : memref<800x16xf32, #tpu.memory_space<hbm>>)
      tpu.yield
    }) : () -> ()
    %add3A_59 = arith.constant 2400 : i32
    %add3A_60 = arith.addi %multiple_of3A, %add3A_59 : i32
    "tpu.region"() ({
      %run_scoped3A = tpu.sem_alloc : memref<!tpu.dma_semaphore, #tpu.memory_space<semaphore_mem>>
      %dma_start3A_79 = arith.constant 0 : i32
      %dma_start3A_80 = tpu.memref_slice %arg12[%add3A_60, %dma_start3A_79] : memref<100096x16xf32, #tpu.memory_space<vmem_shared>> -> memref<800x16xf32, #tpu.memory_space<vmem_shared>>
      %dma_start3A_81 = arith.constant 0 : i32
      %dma_start3A_82 = tpu.memref_slice %arg12[%add3A_60, %dma_start3A_81] : memref<100096x16xf32, #tpu.memory_space<vmem_shared>> -> memref<800x16xf32, #tpu.memory_space<vmem_shared>>
      tpu.enqueue_dma source(%dma_start3A_82 : memref<800x16xf32, #tpu.memory_space<vmem_shared>>) target(%arg8 : memref<800x16xf32, #tpu.memory_space<vmem>>) target_semaphore(%run_scoped3A : memref<!tpu.dma_semaphore, #tpu.memory_space<semaphore_mem>>)
      %dma_wait3A_83 = arith.constant 0 : i32
      %dma_wait3A_84 = tpu.memref_slice %arg12[%add3A_60, %dma_wait3A_83] : memref<100096x16xf32, #tpu.memory_space<vmem_shared>> -> memref<800x16xf32, #tpu.memory_space<vmem_shared>>
      %dma_wait3A_85 = arith.constant 0 : i32
      %dma_wait3A_86 = tpu.memref_slice %arg12[%add3A_60, %dma_wait3A_85] : memref<100096x16xf32, #tpu.memory_space<vmem_shared>> -> memref<800x16xf32, #tpu.memory_space<vmem_shared>>
      tpu.wait_dma2 semaphore(%run_scoped3A : memref<!tpu.dma_semaphore, #tpu.memory_space<semaphore_mem>>) src(%dma_wait3A_86 : memref<800x16xf32, #tpu.memory_space<vmem_shared>>) dst(%arg8 : memref<800x16xf32, #tpu.memory_space<vmem>>)
      tpu.yield
    }) : () -> ()
    %add3A_61 = arith.constant 2400 : i32
    %add3A_62 = arith.addi %multiple_of3A, %add3A_61 : i32
    "tpu.region"() ({
      %run_scoped3A = tpu.sem_alloc : memref<!tpu.dma_semaphore, #tpu.memory_space<semaphore_mem>>
      %dma_start3A_79 = tpu.memref_slice %arg5[%add3A_62, %multiple_of3A_46] : memref<100096x32xf32, #tpu.memory_space<hbm>> -> memref<800x16xf32, #tpu.memory_space<hbm>>
      %dma_start3A_80 = tpu.memref_slice %arg5[%add3A_62, %multiple_of3A_46] : memref<100096x32xf32, #tpu.memory_space<hbm>> -> memref<800x16xf32, #tpu.memory_space<hbm>>
      tpu.enqueue_dma source(%arg8 : memref<800x16xf32, #tpu.memory_space<vmem>>) target(%dma_start3A_80 : memref<800x16xf32, #tpu.memory_space<hbm>>) target_semaphore(%run_scoped3A : memref<!tpu.dma_semaphore, #tpu.memory_space<semaphore_mem>>)
      %dma_wait3A_81 = tpu.memref_slice %arg5[%add3A_62, %multiple_of3A_46] : memref<100096x32xf32, #tpu.memory_space<hbm>> -> memref<800x16xf32, #tpu.memory_space<hbm>>
      %dma_wait3A_82 = tpu.memref_slice %arg5[%add3A_62, %multiple_of3A_46] : memref<100096x32xf32, #tpu.memory_space<hbm>> -> memref<800x16xf32, #tpu.memory_space<hbm>>
      tpu.wait_dma2 semaphore(%run_scoped3A : memref<!tpu.dma_semaphore, #tpu.memory_space<semaphore_mem>>) src(%arg8 : memref<800x16xf32, #tpu.memory_space<vmem>>) dst(%dma_wait3A_82 : memref<800x16xf32, #tpu.memory_space<hbm>>)
      tpu.yield
    }) : () -> ()
    %add3A_63 = arith.constant 3200 : i32
    %add3A_64 = arith.addi %multiple_of3A, %add3A_63 : i32
    "tpu.region"() ({
      %run_scoped3A = tpu.sem_alloc : memref<!tpu.dma_semaphore, #tpu.memory_space<semaphore_mem>>
      %dma_start3A_79 = arith.constant 0 : i32
      %dma_start3A_80 = tpu.memref_slice %arg12[%add3A_64, %dma_start3A_79] : memref<100096x16xf32, #tpu.memory_space<vmem_shared>> -> memref<800x16xf32, #tpu.memory_space<vmem_shared>>
      %dma_start3A_81 = arith.constant 0 : i32
      %dma_start3A_82 = tpu.memref_slice %arg12[%add3A_64, %dma_start3A_81] : memref<100096x16xf32, #tpu.memory_space<vmem_shared>> -> memref<800x16xf32, #tpu.memory_space<vmem_shared>>
      tpu.enqueue_dma source(%dma_start3A_82 : memref<800x16xf32, #tpu.memory_space<vmem_shared>>) target(%arg8 : memref<800x16xf32, #tpu.memory_space<vmem>>) target_semaphore(%run_scoped3A : memref<!tpu.dma_semaphore, #tpu.memory_space<semaphore_mem>>)
      %dma_wait3A_83 = arith.constant 0 : i32
      %dma_wait3A_84 = tpu.memref_slice %arg12[%add3A_64, %dma_wait3A_83] : memref<100096x16xf32, #tpu.memory_space<vmem_shared>> -> memref<800x16xf32, #tpu.memory_space<vmem_shared>>
      %dma_wait3A_85 = arith.constant 0 : i32
      %dma_wait3A_86 = tpu.memref_slice %arg12[%add3A_64, %dma_wait3A_85] : memref<100096x16xf32, #tpu.memory_space<vmem_shared>> -> memref<800x16xf32, #tpu.memory_space<vmem_shared>>
      tpu.wait_dma2 semaphore(%run_scoped3A : memref<!tpu.dma_semaphore, #tpu.memory_space<semaphore_mem>>) src(%dma_wait3A_86 : memref<800x16xf32, #tpu.memory_space<vmem_shared>>) dst(%arg8 : memref<800x16xf32, #tpu.memory_space<vmem>>)
      tpu.yield
    }) : () -> ()
    %add3A_65 = arith.constant 3200 : i32
    %add3A_66 = arith.addi %multiple_of3A, %add3A_65 : i32
    "tpu.region"() ({
      %run_scoped3A = tpu.sem_alloc : memref<!tpu.dma_semaphore, #tpu.memory_space<semaphore_mem>>
      %dma_start3A_79 = tpu.memref_slice %arg5[%add3A_66, %multiple_of3A_46] : memref<100096x32xf32, #tpu.memory_space<hbm>> -> memref<800x16xf32, #tpu.memory_space<hbm>>
      %dma_start3A_80 = tpu.memref_slice %arg5[%add3A_66, %multiple_of3A_46] : memref<100096x32xf32, #tpu.memory_space<hbm>> -> memref<800x16xf32, #tpu.memory_space<hbm>>
      tpu.enqueue_dma source(%arg8 : memref<800x16xf32, #tpu.memory_space<vmem>>) target(%dma_start3A_80 : memref<800x16xf32, #tpu.memory_space<hbm>>) target_semaphore(%run_scoped3A : memref<!tpu.dma_semaphore, #tpu.memory_space<semaphore_mem>>)
      %dma_wait3A_81 = tpu.memref_slice %arg5[%add3A_66, %multiple_of3A_46] : memref<100096x32xf32, #tpu.memory_space<hbm>> -> memref<800x16xf32, #tpu.memory_space<hbm>>
      %dma_wait3A_82 = tpu.memref_slice %arg5[%add3A_66, %multiple_of3A_46] : memref<100096x32xf32, #tpu.memory_space<hbm>> -> memref<800x16xf32, #tpu.memory_space<hbm>>
      tpu.wait_dma2 semaphore(%run_scoped3A : memref<!tpu.dma_semaphore, #tpu.memory_space<semaphore_mem>>) src(%arg8 : memref<800x16xf32, #tpu.memory_space<vmem>>) dst(%dma_wait3A_82 : memref<800x16xf32, #tpu.memory_space<hbm>>)
      tpu.yield
    }) : () -> ()
    %add3A_67 = arith.constant 4000 : i32
    %add3A_68 = arith.addi %multiple_of3A, %add3A_67 : i32
    "tpu.region"() ({
      %run_scoped3A = tpu.sem_alloc : memref<!tpu.dma_semaphore, #tpu.memory_space<semaphore_mem>>
      %dma_start3A_79 = arith.constant 0 : i32
      %dma_start3A_80 = tpu.memref_slice %arg12[%add3A_68, %dma_start3A_79] : memref<100096x16xf32, #tpu.memory_space<vmem_shared>> -> memref<800x16xf32, #tpu.memory_space<vmem_shared>>
      %dma_start3A_81 = arith.constant 0 : i32
      %dma_start3A_82 = tpu.memref_slice %arg12[%add3A_68, %dma_start3A_81] : memref<100096x16xf32, #tpu.memory_space<vmem_shared>> -> memref<800x16xf32, #tpu.memory_space<vmem_shared>>
      tpu.enqueue_dma source(%dma_start3A_82 : memref<800x16xf32, #tpu.memory_space<vmem_shared>>) target(%arg8 : memref<800x16xf32, #tpu.memory_space<vmem>>) target_semaphore(%run_scoped3A : memref<!tpu.dma_semaphore, #tpu.memory_space<semaphore_mem>>)
      %dma_wait3A_83 = arith.constant 0 : i32
      %dma_wait3A_84 = tpu.memref_slice %arg12[%add3A_68, %dma_wait3A_83] : memref<100096x16xf32, #tpu.memory_space<vmem_shared>> -> memref<800x16xf32, #tpu.memory_space<vmem_shared>>
      %dma_wait3A_85 = arith.constant 0 : i32
      %dma_wait3A_86 = tpu.memref_slice %arg12[%add3A_68, %dma_wait3A_85] : memref<100096x16xf32, #tpu.memory_space<vmem_shared>> -> memref<800x16xf32, #tpu.memory_space<vmem_shared>>
      tpu.wait_dma2 semaphore(%run_scoped3A : memref<!tpu.dma_semaphore, #tpu.memory_space<semaphore_mem>>) src(%dma_wait3A_86 : memref<800x16xf32, #tpu.memory_space<vmem_shared>>) dst(%arg8 : memref<800x16xf32, #tpu.memory_space<vmem>>)
      tpu.yield
    }) : () -> ()
    %add3A_69 = arith.constant 4000 : i32
    %add3A_70 = arith.addi %multiple_of3A, %add3A_69 : i32
    "tpu.region"() ({
      %run_scoped3A = tpu.sem_alloc : memref<!tpu.dma_semaphore, #tpu.memory_space<semaphore_mem>>
      %dma_start3A_79 = tpu.memref_slice %arg5[%add3A_70, %multiple_of3A_46] : memref<100096x32xf32, #tpu.memory_space<hbm>> -> memref<800x16xf32, #tpu.memory_space<hbm>>
      %dma_start3A_80 = tpu.memref_slice %arg5[%add3A_70, %multiple_of3A_46] : memref<100096x32xf32, #tpu.memory_space<hbm>> -> memref<800x16xf32, #tpu.memory_space<hbm>>
      tpu.enqueue_dma source(%arg8 : memref<800x16xf32, #tpu.memory_space<vmem>>) target(%dma_start3A_80 : memref<800x16xf32, #tpu.memory_space<hbm>>) target_semaphore(%run_scoped3A : memref<!tpu.dma_semaphore, #tpu.memory_space<semaphore_mem>>)
      %dma_wait3A_81 = tpu.memref_slice %arg5[%add3A_70, %multiple_of3A_46] : memref<100096x32xf32, #tpu.memory_space<hbm>> -> memref<800x16xf32, #tpu.memory_space<hbm>>
      %dma_wait3A_82 = tpu.memref_slice %arg5[%add3A_70, %multiple_of3A_46] : memref<100096x32xf32, #tpu.memory_space<hbm>> -> memref<800x16xf32, #tpu.memory_space<hbm>>
      tpu.wait_dma2 semaphore(%run_scoped3A : memref<!tpu.dma_semaphore, #tpu.memory_space<semaphore_mem>>) src(%arg8 : memref<800x16xf32, #tpu.memory_space<vmem>>) dst(%dma_wait3A_82 : memref<800x16xf32, #tpu.memory_space<hbm>>)
      tpu.yield
    }) : () -> ()
    %add3A_71 = arith.constant 4800 : i32
    %add3A_72 = arith.addi %multiple_of3A, %add3A_71 : i32
    "tpu.region"() ({
      %run_scoped3A = tpu.sem_alloc : memref<!tpu.dma_semaphore, #tpu.memory_space<semaphore_mem>>
      %dma_start3A_79 = arith.constant 0 : i32
      %dma_start3A_80 = tpu.memref_slice %arg12[%add3A_72, %dma_start3A_79] : memref<100096x16xf32, #tpu.memory_space<vmem_shared>> -> memref<800x16xf32, #tpu.memory_space<vmem_shared>>
      %dma_start3A_81 = arith.constant 0 : i32
      %dma_start3A_82 = tpu.memref_slice %arg12[%add3A_72, %dma_start3A_81] : memref<100096x16xf32, #tpu.memory_space<vmem_shared>> -> memref<800x16xf32, #tpu.memory_space<vmem_shared>>
      tpu.enqueue_dma source(%dma_start3A_82 : memref<800x16xf32, #tpu.memory_space<vmem_shared>>) target(%arg8 : memref<800x16xf32, #tpu.memory_space<vmem>>) target_semaphore(%run_scoped3A : memref<!tpu.dma_semaphore, #tpu.memory_space<semaphore_mem>>)
      %dma_wait3A_83 = arith.constant 0 : i32
      %dma_wait3A_84 = tpu.memref_slice %arg12[%add3A_72, %dma_wait3A_83] : memref<100096x16xf32, #tpu.memory_space<vmem_shared>> -> memref<800x16xf32, #tpu.memory_space<vmem_shared>>
      %dma_wait3A_85 = arith.constant 0 : i32
      %dma_wait3A_86 = tpu.memref_slice %arg12[%add3A_72, %dma_wait3A_85] : memref<100096x16xf32, #tpu.memory_space<vmem_shared>> -> memref<800x16xf32, #tpu.memory_space<vmem_shared>>
      tpu.wait_dma2 semaphore(%run_scoped3A : memref<!tpu.dma_semaphore, #tpu.memory_space<semaphore_mem>>) src(%dma_wait3A_86 : memref<800x16xf32, #tpu.memory_space<vmem_shared>>) dst(%arg8 : memref<800x16xf32, #tpu.memory_space<vmem>>)
      tpu.yield
    }) : () -> ()
    %add3A_73 = arith.constant 4800 : i32
    %add3A_74 = arith.addi %multiple_of3A, %add3A_73 : i32
    "tpu.region"() ({
      %run_scoped3A = tpu.sem_alloc : memref<!tpu.dma_semaphore, #tpu.memory_space<semaphore_mem>>
      %dma_start3A_79 = tpu.memref_slice %arg5[%add3A_74, %multiple_of3A_46] : memref<100096x32xf32, #tpu.memory_space<hbm>> -> memref<800x16xf32, #tpu.memory_space<hbm>>
      %dma_start3A_80 = tpu.memref_slice %arg5[%add3A_74, %multiple_of3A_46] : memref<100096x32xf32, #tpu.memory_space<hbm>> -> memref<800x16xf32, #tpu.memory_space<hbm>>
      tpu.enqueue_dma source(%arg8 : memref<800x16xf32, #tpu.memory_space<vmem>>) target(%dma_start3A_80 : memref<800x16xf32, #tpu.memory_space<hbm>>) target_semaphore(%run_scoped3A : memref<!tpu.dma_semaphore, #tpu.memory_space<semaphore_mem>>)
      %dma_wait3A_81 = tpu.memref_slice %arg5[%add3A_74, %multiple_of3A_46] : memref<100096x32xf32, #tpu.memory_space<hbm>> -> memref<800x16xf32, #tpu.memory_space<hbm>>
      %dma_wait3A_82 = tpu.memref_slice %arg5[%add3A_74, %multiple_of3A_46] : memref<100096x32xf32, #tpu.memory_space<hbm>> -> memref<800x16xf32, #tpu.memory_space<hbm>>
      tpu.wait_dma2 semaphore(%run_scoped3A : memref<!tpu.dma_semaphore, #tpu.memory_space<semaphore_mem>>) src(%arg8 : memref<800x16xf32, #tpu.memory_space<vmem>>) dst(%dma_wait3A_82 : memref<800x16xf32, #tpu.memory_space<hbm>>)
      tpu.yield
    }) : () -> ()
    %add3A_75 = arith.constant 5600 : i32
    %add3A_76 = arith.addi %multiple_of3A, %add3A_75 : i32
    "tpu.region"() ({
      %run_scoped3A = tpu.sem_alloc : memref<!tpu.dma_semaphore, #tpu.memory_space<semaphore_mem>>
      %dma_start3A_79 = arith.constant 0 : i32
      %dma_start3A_80 = arith.constant 0 : i32
      %dma_start3A_81 = tpu.memref_slice %arg8[%dma_start3A_79, %dma_start3A_80] : memref<800x16xf32, #tpu.memory_space<vmem>> -> memref<656x16xf32, #tpu.memory_space<vmem>>
      %dma_start3A_82 = arith.constant 0 : i32
      %dma_start3A_83 = tpu.memref_slice %arg12[%add3A_76, %dma_start3A_82] : memref<100096x16xf32, #tpu.memory_space<vmem_shared>> -> memref<656x16xf32, #tpu.memory_space<vmem_shared>>
      %dma_start3A_84 = arith.constant 0 : i32
      %dma_start3A_85 = arith.constant 0 : i32
      %dma_start3A_86 = tpu.memref_slice %arg8[%dma_start3A_84, %dma_start3A_85] : memref<800x16xf32, #tpu.memory_space<vmem>> -> memref<656x16xf32, #tpu.memory_space<vmem>>
      %dma_start3A_87 = arith.constant 0 : i32
      %dma_start3A_88 = tpu.memref_slice %arg12[%add3A_76, %dma_start3A_87] : memref<100096x16xf32, #tpu.memory_space<vmem_shared>> -> memref<656x16xf32, #tpu.memory_space<vmem_shared>>
      tpu.enqueue_dma source(%dma_start3A_88 : memref<656x16xf32, #tpu.memory_space<vmem_shared>>) target(%dma_start3A_86 : memref<656x16xf32, #tpu.memory_space<vmem>>) target_semaphore(%run_scoped3A : memref<!tpu.dma_semaphore, #tpu.memory_space<semaphore_mem>>)
      %dma_wait3A_89 = arith.constant 0 : i32
      %dma_wait3A_90 = arith.constant 0 : i32
      %dma_wait3A_91 = tpu.memref_slice %arg8[%dma_wait3A_89, %dma_wait3A_90] : memref<800x16xf32, #tpu.memory_space<vmem>> -> memref<656x16xf32, #tpu.memory_space<vmem>>
      %dma_wait3A_92 = arith.constant 0 : i32
      %dma_wait3A_93 = tpu.memref_slice %arg12[%add3A_76, %dma_wait3A_92] : memref<100096x16xf32, #tpu.memory_space<vmem_shared>> -> memref<656x16xf32, #tpu.memory_space<vmem_shared>>
      %dma_wait3A_94 = arith.constant 0 : i32
      %dma_wait3A_95 = arith.constant 0 : i32
      %dma_wait3A_96 = tpu.memref_slice %arg8[%dma_wait3A_94, %dma_wait3A_95] : memref<800x16xf32, #tpu.memory_space<vmem>> -> memref<656x16xf32, #tpu.memory_space<vmem>>
      %dma_wait3A_97 = arith.constant 0 : i32
      %dma_wait3A_98 = tpu.memref_slice %arg12[%add3A_76, %dma_wait3A_97] : memref<100096x16xf32, #tpu.memory_space<vmem_shared>> -> memref<656x16xf32, #tpu.memory_space<vmem_shared>>
      tpu.wait_dma2 semaphore(%run_scoped3A : memref<!tpu.dma_semaphore, #tpu.memory_space<semaphore_mem>>) src(%dma_wait3A_98 : memref<656x16xf32, #tpu.memory_space<vmem_shared>>) dst(%dma_wait3A_96 : memref<656x16xf32, #tpu.memory_space<vmem>>)
      tpu.yield
    }) : () -> ()
    %add3A_77 = arith.constant 5600 : i32
    %add3A_78 = arith.addi %multiple_of3A, %add3A_77 : i32
    "tpu.region"() ({
      %run_scoped3A = tpu.sem_alloc : memref<!tpu.dma_semaphore, #tpu.memory_space<semaphore_mem>>
      %dma_start3A_79 = arith.constant 0 : i32
      %dma_start3A_80 = arith.constant 0 : i32
      %dma_start3A_81 = tpu.memref_slice %arg8[%dma_start3A_79, %dma_start3A_80] : memref<800x16xf32, #tpu.memory_space<vmem>> -> memref<656x16xf32, #tpu.memory_space<vmem>>
      %dma_start3A_82 = tpu.memref_slice %arg5[%add3A_78, %multiple_of3A_46] : memref<100096x32xf32, #tpu.memory_space<hbm>> -> memref<656x16xf32, #tpu.memory_space<hbm>>
      %dma_start3A_83 = tpu.memref_slice %arg5[%add3A_78, %multiple_of3A_46] : memref<100096x32xf32, #tpu.memory_space<hbm>> -> memref<656x16xf32, #tpu.memory_space<hbm>>
      %dma_start3A_84 = arith.constant 0 : i32
      %dma_start3A_85 = arith.constant 0 : i32
      %dma_start3A_86 = tpu.memref_slice %arg8[%dma_start3A_84, %dma_start3A_85] : memref<800x16xf32, #tpu.memory_space<vmem>> -> memref<656x16xf32, #tpu.memory_space<vmem>>
      tpu.enqueue_dma source(%dma_start3A_86 : memref<656x16xf32, #tpu.memory_space<vmem>>) target(%dma_start3A_83 : memref<656x16xf32, #tpu.memory_space<hbm>>) target_semaphore(%run_scoped3A : memref<!tpu.dma_semaphore, #tpu.memory_space<semaphore_mem>>)
      %dma_wait3A_87 = arith.constant 0 : i32
      %dma_wait3A_88 = arith.constant 0 : i32
      %dma_wait3A_89 = tpu.memref_slice %arg8[%dma_wait3A_87, %dma_wait3A_88] : memref<800x16xf32, #tpu.memory_space<vmem>> -> memref<656x16xf32, #tpu.memory_space<vmem>>
      %dma_wait3A_90 = tpu.memref_slice %arg5[%add3A_78, %multiple_of3A_46] : memref<100096x32xf32, #tpu.memory_space<hbm>> -> memref<656x16xf32, #tpu.memory_space<hbm>>
      %dma_wait3A_91 = tpu.memref_slice %arg5[%add3A_78, %multiple_of3A_46] : memref<100096x32xf32, #tpu.memory_space<hbm>> -> memref<656x16xf32, #tpu.memory_space<hbm>>
      %dma_wait3A_92 = arith.constant 0 : i32
      %dma_wait3A_93 = arith.constant 0 : i32
      %dma_wait3A_94 = tpu.memref_slice %arg8[%dma_wait3A_92, %dma_wait3A_93] : memref<800x16xf32, #tpu.memory_space<vmem>> -> memref<656x16xf32, #tpu.memory_space<vmem>>
      tpu.wait_dma2 semaphore(%run_scoped3A : memref<!tpu.dma_semaphore, #tpu.memory_space<semaphore_mem>>) src(%dma_wait3A_94 : memref<656x16xf32, #tpu.memory_space<vmem>>) dst(%dma_wait3A_91 : memref<656x16xf32, #tpu.memory_space<hbm>>)
      tpu.yield
    }) : () -> ()
    return
  }
}

#map = affine_map<(d0, d1) -> (0)>
module attributes {stable_mosaic.version = 14 : i64} {
  func.func @_sc_hist(%arg0: i32, %arg1: i32, %arg2: memref<1600000xi32, #tpu.memory_space<hbm>>, %arg3: memref<100096xf32, #tpu.memory_space<hbm>>, %arg4: memref<2000xi32, #tpu.memory_space<vmem>>, %arg5: memref<2000xf32, #tpu.memory_space<vmem>>, %arg6: memref<100096xf32, #tpu.memory_space<vmem_shared>>) attributes {dimension_semantics = [#tpu.dimension_semantics<core_parallel>, #tpu.dimension_semantics<subcore_parallel>], iteration_bounds = array<i64: 2, 16>, scalar_prefetch = 0 : i64, scratch_operands = 3 : i64, tpu.core_type = #tpu.core_type<sc_vector_subcore>, window_params = [{transform_indices = #map}, {transform_indices = #map}]} {
    %eq3A = arith.constant 0 : i32
    %eq3A_0 = arith.cmpi eq, %arg0, %eq3A : i32
    %convert_element_type3A = arith.extui %eq3A_0 : i1 to i32
    %cond3A = arith.constant 0 : i32
    %cond3A_1 = arith.cmpi ne, %convert_element_type3A, %cond3A : i32
    scf.if %cond3A_1 {
      %mul3A = arith.constant 6256 : i32
      %mul3A_2 = arith.muli %arg1, %mul3A : i32
      %multiple_of3A = tpu.assume_multiple %mul3A_2, 8 : i32
      %broadcast_in_dim3A = arith.constant 0.000000e+00 : f32
      %broadcast_in_dim3A_3 = vector.broadcast %broadcast_in_dim3A : f32 to vector<16xf32>
      %scan3A = arith.constant 0 : i32
      %scan3A_4 = arith.constant 0 : i32
      %scan3A_5 = arith.constant 125 : i32
      %scan3A_6 = arith.addi %scan3A_4, %scan3A_5 : i32
      %scan3A_7 = arith.constant 1 : i32
      scf.for %scan3A_47 = %scan3A_4 to %scan3A_6 step %scan3A_7  : i32 {
        %mul3A_48 = arith.constant 16 : i32
        %mul3A_49 = arith.muli %scan3A_47, %mul3A_48 : i32
        %swap3A = arith.index_cast %mul3A_49 : i32 to index
        %swap3A_50 = tpu.vector_load %arg5[%swap3A] {strides = array<i32>} : memref<2000xf32, #tpu.memory_space<vmem>>, vector<16xf32>,
        %swap3A_51 = vector.shape_cast %swap3A_50 : vector<16xf32> to vector<16xf32>
        %swap3A_52 = vector.shape_cast %broadcast_in_dim3A_3 : vector<16xf32> to vector<16xf32>
        tpu.vector_store %arg5[%swap3A], %swap3A_52 {strides = array<i32>} : memref<2000xf32, #tpu.memory_space<vmem>>, vector<16xf32>,
      }
      %scan3A_8 = arith.constant 125 : i32
      %add3A = arith.constant 0 : i32
      %add3A_9 = arith.addi %multiple_of3A, %add3A : i32
      "tpu.region"() ({
        %run_scoped3A = tpu.sem_alloc : memref<!tpu.dma_semaphore, #tpu.memory_space<semaphore_mem>>
        %dma_start3A = tpu.memref_slice %arg6[%add3A_9] : memref<100096xf32, #tpu.memory_space<vmem_shared>> -> memref<2000xf32, #tpu.memory_space<vmem_shared>>
        %dma_start3A_47 = tpu.memref_slice %arg6[%add3A_9] : memref<100096xf32, #tpu.memory_space<vmem_shared>> -> memref<2000xf32, #tpu.memory_space<vmem_shared>>
        tpu.enqueue_dma source(%arg5 : memref<2000xf32, #tpu.memory_space<vmem>>) target(%dma_start3A_47 : memref<2000xf32, #tpu.memory_space<vmem_shared>>) target_semaphore(%run_scoped3A : memref<!tpu.dma_semaphore, #tpu.memory_space<semaphore_mem>>)
        %dma_wait3A = tpu.memref_slice %arg6[%add3A_9] : memref<100096xf32, #tpu.memory_space<vmem_shared>> -> memref<2000xf32, #tpu.memory_space<vmem_shared>>
        %dma_wait3A_48 = tpu.memref_slice %arg6[%add3A_9] : memref<100096xf32, #tpu.memory_space<vmem_shared>> -> memref<2000xf32, #tpu.memory_space<vmem_shared>>
        tpu.wait_dma2 semaphore(%run_scoped3A : memref<!tpu.dma_semaphore, #tpu.memory_space<semaphore_mem>>) src(%arg5 : memref<2000xf32, #tpu.memory_space<vmem>>) dst(%dma_wait3A_48 : memref<2000xf32, #tpu.memory_space<vmem_shared>>)
        tpu.yield
      }) : () -> ()
      %add3A_10 = arith.constant 2000 : i32
      %add3A_11 = arith.addi %multiple_of3A, %add3A_10 : i32
      "tpu.region"() ({
        %run_scoped3A = tpu.sem_alloc : memref<!tpu.dma_semaphore, #tpu.memory_space<semaphore_mem>>
        %dma_start3A = tpu.memref_slice %arg6[%add3A_11] : memref<100096xf32, #tpu.memory_space<vmem_shared>> -> memref<2000xf32, #tpu.memory_space<vmem_shared>>
        %dma_start3A_47 = tpu.memref_slice %arg6[%add3A_11] : memref<100096xf32, #tpu.memory_space<vmem_shared>> -> memref<2000xf32, #tpu.memory_space<vmem_shared>>
        tpu.enqueue_dma source(%arg5 : memref<2000xf32, #tpu.memory_space<vmem>>) target(%dma_start3A_47 : memref<2000xf32, #tpu.memory_space<vmem_shared>>) target_semaphore(%run_scoped3A : memref<!tpu.dma_semaphore, #tpu.memory_space<semaphore_mem>>)
        %dma_wait3A = tpu.memref_slice %arg6[%add3A_11] : memref<100096xf32, #tpu.memory_space<vmem_shared>> -> memref<2000xf32, #tpu.memory_space<vmem_shared>>
        %dma_wait3A_48 = tpu.memref_slice %arg6[%add3A_11] : memref<100096xf32, #tpu.memory_space<vmem_shared>> -> memref<2000xf32, #tpu.memory_space<vmem_shared>>
        tpu.wait_dma2 semaphore(%run_scoped3A : memref<!tpu.dma_semaphore, #tpu.memory_space<semaphore_mem>>) src(%arg5 : memref<2000xf32, #tpu.memory_space<vmem>>) dst(%dma_wait3A_48 : memref<2000xf32, #tpu.memory_space<vmem_shared>>)
        tpu.yield
      }) : () -> ()
      %add3A_12 = arith.constant 4000 : i32
      %add3A_13 = arith.addi %multiple_of3A, %add3A_12 : i32
      "tpu.region"() ({
        %run_scoped3A = tpu.sem_alloc : memref<!tpu.dma_semaphore, #tpu.memory_space<semaphore_mem>>
        %dma_start3A = tpu.memref_slice %arg6[%add3A_13] : memref<100096xf32, #tpu.memory_space<vmem_shared>> -> memref<2000xf32, #tpu.memory_space<vmem_shared>>
        %dma_start3A_47 = tpu.memref_slice %arg6[%add3A_13] : memref<100096xf32, #tpu.memory_space<vmem_shared>> -> memref<2000xf32, #tpu.memory_space<vmem_shared>>
        tpu.enqueue_dma source(%arg5 : memref<2000xf32, #tpu.memory_space<vmem>>) target(%dma_start3A_47 : memref<2000xf32, #tpu.memory_space<vmem_shared>>) target_semaphore(%run_scoped3A : memref<!tpu.dma_semaphore, #tpu.memory_space<semaphore_mem>>)
        %dma_wait3A = tpu.memref_slice %arg6[%add3A_13] : memref<100096xf32, #tpu.memory_space<vmem_shared>> -> memref<2000xf32, #tpu.memory_space<vmem_shared>>
        %dma_wait3A_48 = tpu.memref_slice %arg6[%add3A_13] : memref<100096xf32, #tpu.memory_space<vmem_shared>> -> memref<2000xf32, #tpu.memory_space<vmem_shared>>
        tpu.wait_dma2 semaphore(%run_scoped3A : memref<!tpu.dma_semaphore, #tpu.memory_space<semaphore_mem>>) src(%arg5 : memref<2000xf32, #tpu.memory_space<vmem>>) dst(%dma_wait3A_48 : memref<2000xf32, #tpu.memory_space<vmem_shared>>)
        tpu.yield
      }) : () -> ()
      %add3A_14 = arith.constant 6000 : i32
      %add3A_15 = arith.addi %multiple_of3A, %add3A_14 : i32
      "tpu.region"() ({
        %run_scoped3A = tpu.sem_alloc : memref<!tpu.dma_semaphore, #tpu.memory_space<semaphore_mem>>
        %dma_start3A = arith.constant 0 : i32
        %dma_start3A_47 = tpu.memref_slice %arg5[%dma_start3A] : memref<2000xf32, #tpu.memory_space<vmem>> -> memref<256xf32, #tpu.memory_space<vmem>>
        %dma_start3A_48 = tpu.memref_slice %arg6[%add3A_15] : memref<100096xf32, #tpu.memory_space<vmem_shared>> -> memref<256xf32, #tpu.memory_space<vmem_shared>>
        %dma_start3A_49 = tpu.memref_slice %arg6[%add3A_15] : memref<100096xf32, #tpu.memory_space<vmem_shared>> -> memref<256xf32, #tpu.memory_space<vmem_shared>>
        %dma_start3A_50 = arith.constant 0 : i32
        %dma_start3A_51 = tpu.memref_slice %arg5[%dma_start3A_50] : memref<2000xf32, #tpu.memory_space<vmem>> -> memref<256xf32, #tpu.memory_space<vmem>>
        tpu.enqueue_dma source(%dma_start3A_51 : memref<256xf32, #tpu.memory_space<vmem>>) target(%dma_start3A_49 : memref<256xf32, #tpu.memory_space<vmem_shared>>) target_semaphore(%run_scoped3A : memref<!tpu.dma_semaphore, #tpu.memory_space<semaphore_mem>>)
        %dma_wait3A = arith.constant 0 : i32
        %dma_wait3A_52 = tpu.memref_slice %arg5[%dma_wait3A] : memref<2000xf32, #tpu.memory_space<vmem>> -> memref<256xf32, #tpu.memory_space<vmem>>
        %dma_wait3A_53 = tpu.memref_slice %arg6[%add3A_15] : memref<100096xf32, #tpu.memory_space<vmem_shared>> -> memref<256xf32, #tpu.memory_space<vmem_shared>>
        %dma_wait3A_54 = tpu.memref_slice %arg6[%add3A_15] : memref<100096xf32, #tpu.memory_space<vmem_shared>> -> memref<256xf32, #tpu.memory_space<vmem_shared>>
        %dma_wait3A_55 = arith.constant 0 : i32
        %dma_wait3A_56 = tpu.memref_slice %arg5[%dma_wait3A_55] : memref<2000xf32, #tpu.memory_space<vmem>> -> memref<256xf32, #tpu.memory_space<vmem>>
        tpu.wait_dma2 semaphore(%run_scoped3A : memref<!tpu.dma_semaphore, #tpu.memory_space<semaphore_mem>>) src(%dma_wait3A_56 : memref<256xf32, #tpu.memory_space<vmem>>) dst(%dma_wait3A_54 : memref<256xf32, #tpu.memory_space<vmem_shared>>)
        tpu.yield
      }) : () -> ()
      %broadcast_in_dim3A_16 = arith.constant 1.000000e+00 : f32
      %broadcast_in_dim3A_17 = vector.broadcast %broadcast_in_dim3A_16 : f32 to vector<16xf32>
      %scan3A_18 = arith.constant 0 : i32
      %scan3A_19 = arith.constant 0 : i32
      %scan3A_20 = arith.constant 125 : i32
      %scan3A_21 = arith.addi %scan3A_19, %scan3A_20 : i32
      %scan3A_22 = arith.constant 1 : i32
      scf.for %scan3A_47 = %scan3A_19 to %scan3A_21 step %scan3A_22  : i32 {
        %mul3A_48 = arith.constant 16 : i32
        %mul3A_49 = arith.muli %scan3A_47, %mul3A_48 : i32
        %swap3A = arith.index_cast %mul3A_49 : i32 to index
        %swap3A_50 = tpu.vector_load %arg5[%swap3A] {strides = array<i32>} : memref<2000xf32, #tpu.memory_space<vmem>>, vector<16xf32>,
        %swap3A_51 = vector.shape_cast %swap3A_50 : vector<16xf32> to vector<16xf32>
        %swap3A_52 = vector.shape_cast %broadcast_in_dim3A_17 : vector<16xf32> to vector<16xf32>
        tpu.vector_store %arg5[%swap3A], %swap3A_52 {strides = array<i32>} : memref<2000xf32, #tpu.memory_space<vmem>>, vector<16xf32>,
      }
      %scan3A_23 = arith.constant 125 : i32
      %barrier3A = arith.constant 0 : index
      tpu.barrier barrier_id(%barrier3A)
      %scan3A_24 = arith.constant 0 : i32
      %scan3A_25 = arith.constant 0 : i32
      %scan3A_26 = arith.constant 50 : i32
      %scan3A_27 = arith.addi %scan3A_25, %scan3A_26 : i32
      %scan3A_28 = arith.constant 1 : i32
      scf.for %scan3A_47 = %scan3A_25 to %scan3A_27 step %scan3A_28  : i32 {
        %mul3A_48 = arith.constant 100000 : i32
        %mul3A_49 = arith.muli %arg1, %mul3A_48 : i32
        %mul3A_50 = arith.constant 2000 : i32
        %mul3A_51 = arith.muli %scan3A_47, %mul3A_50 : i32
        %add3A_52 = arith.addi %mul3A_49, %mul3A_51 : i32
        %multiple_of3A_53 = tpu.assume_multiple %add3A_52, 8 : i32
        "tpu.region"() ({
          %run_scoped3A = tpu.sem_alloc : memref<!tpu.dma_semaphore, #tpu.memory_space<semaphore_mem>>
          %dma_start3A = tpu.memref_slice %arg2[%multiple_of3A_53] : memref<1600000xi32, #tpu.memory_space<hbm>> -> memref<2000xi32, #tpu.memory_space<hbm>>
          %dma_start3A_54 = tpu.memref_slice %arg2[%multiple_of3A_53] : memref<1600000xi32, #tpu.memory_space<hbm>> -> memref<2000xi32, #tpu.memory_space<hbm>>
          tpu.enqueue_dma source(%dma_start3A_54 : memref<2000xi32, #tpu.memory_space<hbm>>) target(%arg4 : memref<2000xi32, #tpu.memory_space<vmem>>) target_semaphore(%run_scoped3A : memref<!tpu.dma_semaphore, #tpu.memory_space<semaphore_mem>>)
          %dma_wait3A = tpu.memref_slice %arg2[%multiple_of3A_53] : memref<1600000xi32, #tpu.memory_space<hbm>> -> memref<2000xi32, #tpu.memory_space<hbm>>
          %dma_wait3A_55 = tpu.memref_slice %arg2[%multiple_of3A_53] : memref<1600000xi32, #tpu.memory_space<hbm>> -> memref<2000xi32, #tpu.memory_space<hbm>>
          tpu.wait_dma2 semaphore(%run_scoped3A : memref<!tpu.dma_semaphore, #tpu.memory_space<semaphore_mem>>) src(%dma_wait3A_55 : memref<2000xi32, #tpu.memory_space<hbm>>) dst(%arg4 : memref<2000xi32, #tpu.memory_space<vmem>>)
          tpu.yield
        }) : () -> ()
        "tpu.region"() ({
          %run_scoped3A = tpu.sem_alloc : memref<!tpu.dma_semaphore, #tpu.memory_space<semaphore_mem>>
          %dma_start3A = arith.constant 0 : i32
          %dma_start3A_54 = tpu.memref_slice %arg6[%dma_start3A] : memref<100096xf32, #tpu.memory_space<vmem_shared>> -> memref<100096xf32, #tpu.memory_space<vmem_shared>>
          tpu.enqueue_indirect_dma source(%arg5 : memref<2000xf32, #tpu.memory_space<vmem>>) target(%dma_start3A_54 : memref<100096xf32, #tpu.memory_space<vmem_shared>>) offsets(%arg4 : memref<2000xi32, #tpu.memory_space<vmem>>) semaphore(%run_scoped3A : memref<!tpu.dma_semaphore, #tpu.memory_space<semaphore_mem>>) {add = true}
          %dma_wait3A = arith.constant 0 : i32
          %dma_wait3A_55 = tpu.memref_slice %arg6[%dma_wait3A] : memref<100096xf32, #tpu.memory_space<vmem_shared>> -> memref<100096xf32, #tpu.memory_space<vmem_shared>>
          tpu.wait_indirect_dma semaphore(%run_scoped3A : memref<!tpu.dma_semaphore, #tpu.memory_space<semaphore_mem>>) src(%arg5 : memref<2000xf32, #tpu.memory_space<vmem>>) dst(%dma_wait3A_55 : memref<100096xf32, #tpu.memory_space<vmem_shared>>)
          tpu.yield
        }) : () -> ()
      }
      %scan3A_29 = arith.constant 50 : i32
      %barrier3A_30 = arith.constant 0 : index
      tpu.barrier barrier_id(%barrier3A_30)
      %add3A_31 = arith.constant 0 : i32
      %add3A_32 = arith.addi %multiple_of3A, %add3A_31 : i32
      "tpu.region"() ({
        %run_scoped3A = tpu.sem_alloc : memref<!tpu.dma_semaphore, #tpu.memory_space<semaphore_mem>>
        %dma_start3A = tpu.memref_slice %arg6[%add3A_32] : memref<100096xf32, #tpu.memory_space<vmem_shared>> -> memref<2000xf32, #tpu.memory_space<vmem_shared>>
        %dma_start3A_47 = tpu.memref_slice %arg6[%add3A_32] : memref<100096xf32, #tpu.memory_space<vmem_shared>> -> memref<2000xf32, #tpu.memory_space<vmem_shared>>
        tpu.enqueue_dma source(%dma_start3A_47 : memref<2000xf32, #tpu.memory_space<vmem_shared>>) target(%arg5 : memref<2000xf32, #tpu.memory_space<vmem>>) target_semaphore(%run_scoped3A : memref<!tpu.dma_semaphore, #tpu.memory_space<semaphore_mem>>)
        %dma_wait3A = tpu.memref_slice %arg6[%add3A_32] : memref<100096xf32, #tpu.memory_space<vmem_shared>> -> memref<2000xf32, #tpu.memory_space<vmem_shared>>
        %dma_wait3A_48 = tpu.memref_slice %arg6[%add3A_32] : memref<100096xf32, #tpu.memory_space<vmem_shared>> -> memref<2000xf32, #tpu.memory_space<vmem_shared>>
        tpu.wait_dma2 semaphore(%run_scoped3A : memref<!tpu.dma_semaphore, #tpu.memory_space<semaphore_mem>>) src(%dma_wait3A_48 : memref<2000xf32, #tpu.memory_space<vmem_shared>>) dst(%arg5 : memref<2000xf32, #tpu.memory_space<vmem>>)
        tpu.yield
      }) : () -> ()
      %add3A_33 = arith.constant 0 : i32
      %add3A_34 = arith.addi %multiple_of3A, %add3A_33 : i32
      "tpu.region"() ({
        %run_scoped3A = tpu.sem_alloc : memref<!tpu.dma_semaphore, #tpu.memory_space<semaphore_mem>>
        %dma_start3A = tpu.memref_slice %arg3[%add3A_34] : memref<100096xf32, #tpu.memory_space<hbm>> -> memref<2000xf32, #tpu.memory_space<hbm>>
        %dma_start3A_47 = tpu.memref_slice %arg3[%add3A_34] : memref<100096xf32, #tpu.memory_space<hbm>> -> memref<2000xf32, #tpu.memory_space<hbm>>
        tpu.enqueue_dma source(%arg5 : memref<2000xf32, #tpu.memory_space<vmem>>) target(%dma_start3A_47 : memref<2000xf32, #tpu.memory_space<hbm>>) target_semaphore(%run_scoped3A : memref<!tpu.dma_semaphore, #tpu.memory_space<semaphore_mem>>)
        %dma_wait3A = tpu.memref_slice %arg3[%add3A_34] : memref<100096xf32, #tpu.memory_space<hbm>> -> memref<2000xf32, #tpu.memory_space<hbm>>
        %dma_wait3A_48 = tpu.memref_slice %arg3[%add3A_34] : memref<100096xf32, #tpu.memory_space<hbm>> -> memref<2000xf32, #tpu.memory_space<hbm>>
        tpu.wait_dma2 semaphore(%run_scoped3A : memref<!tpu.dma_semaphore, #tpu.memory_space<semaphore_mem>>) src(%arg5 : memref<2000xf32, #tpu.memory_space<vmem>>) dst(%dma_wait3A_48 : memref<2000xf32, #tpu.memory_space<hbm>>)
        tpu.yield
      }) : () -> ()
      %add3A_35 = arith.constant 2000 : i32
      %add3A_36 = arith.addi %multiple_of3A, %add3A_35 : i32
      "tpu.region"() ({
        %run_scoped3A = tpu.sem_alloc : memref<!tpu.dma_semaphore, #tpu.memory_space<semaphore_mem>>
        %dma_start3A = tpu.memref_slice %arg6[%add3A_36] : memref<100096xf32, #tpu.memory_space<vmem_shared>> -> memref<2000xf32, #tpu.memory_space<vmem_shared>>
        %dma_start3A_47 = tpu.memref_slice %arg6[%add3A_36] : memref<100096xf32, #tpu.memory_space<vmem_shared>> -> memref<2000xf32, #tpu.memory_space<vmem_shared>>
        tpu.enqueue_dma source(%dma_start3A_47 : memref<2000xf32, #tpu.memory_space<vmem_shared>>) target(%arg5 : memref<2000xf32, #tpu.memory_space<vmem>>) target_semaphore(%run_scoped3A : memref<!tpu.dma_semaphore, #tpu.memory_space<semaphore_mem>>)
        %dma_wait3A = tpu.memref_slice %arg6[%add3A_36] : memref<100096xf32, #tpu.memory_space<vmem_shared>> -> memref<2000xf32, #tpu.memory_space<vmem_shared>>
        %dma_wait3A_48 = tpu.memref_slice %arg6[%add3A_36] : memref<100096xf32, #tpu.memory_space<vmem_shared>> -> memref<2000xf32, #tpu.memory_space<vmem_shared>>
        tpu.wait_dma2 semaphore(%run_scoped3A : memref<!tpu.dma_semaphore, #tpu.memory_space<semaphore_mem>>) src(%dma_wait3A_48 : memref<2000xf32, #tpu.memory_space<vmem_shared>>) dst(%arg5 : memref<2000xf32, #tpu.memory_space<vmem>>)
        tpu.yield
      }) : () -> ()
      %add3A_37 = arith.constant 2000 : i32
      %add3A_38 = arith.addi %multiple_of3A, %add3A_37 : i32
      "tpu.region"() ({
        %run_scoped3A = tpu.sem_alloc : memref<!tpu.dma_semaphore, #tpu.memory_space<semaphore_mem>>
        %dma_start3A = tpu.memref_slice %arg3[%add3A_38] : memref<100096xf32, #tpu.memory_space<hbm>> -> memref<2000xf32, #tpu.memory_space<hbm>>
        %dma_start3A_47 = tpu.memref_slice %arg3[%add3A_38] : memref<100096xf32, #tpu.memory_space<hbm>> -> memref<2000xf32, #tpu.memory_space<hbm>>
        tpu.enqueue_dma source(%arg5 : memref<2000xf32, #tpu.memory_space<vmem>>) target(%dma_start3A_47 : memref<2000xf32, #tpu.memory_space<hbm>>) target_semaphore(%run_scoped3A : memref<!tpu.dma_semaphore, #tpu.memory_space<semaphore_mem>>)
        %dma_wait3A = tpu.memref_slice %arg3[%add3A_38] : memref<100096xf32, #tpu.memory_space<hbm>> -> memref<2000xf32, #tpu.memory_space<hbm>>
        %dma_wait3A_48 = tpu.memref_slice %arg3[%add3A_38] : memref<100096xf32, #tpu.memory_space<hbm>> -> memref<2000xf32, #tpu.memory_space<hbm>>
        tpu.wait_dma2 semaphore(%run_scoped3A : memref<!tpu.dma_semaphore, #tpu.memory_space<semaphore_mem>>) src(%arg5 : memref<2000xf32, #tpu.memory_space<vmem>>) dst(%dma_wait3A_48 : memref<2000xf32, #tpu.memory_space<hbm>>)
        tpu.yield
      }) : () -> ()
      %add3A_39 = arith.constant 4000 : i32
      %add3A_40 = arith.addi %multiple_of3A, %add3A_39 : i32
      "tpu.region"() ({
        %run_scoped3A = tpu.sem_alloc : memref<!tpu.dma_semaphore, #tpu.memory_space<semaphore_mem>>
        %dma_start3A = tpu.memref_slice %arg6[%add3A_40] : memref<100096xf32, #tpu.memory_space<vmem_shared>> -> memref<2000xf32, #tpu.memory_space<vmem_shared>>
        %dma_start3A_47 = tpu.memref_slice %arg6[%add3A_40] : memref<100096xf32, #tpu.memory_space<vmem_shared>> -> memref<2000xf32, #tpu.memory_space<vmem_shared>>
        tpu.enqueue_dma source(%dma_start3A_47 : memref<2000xf32, #tpu.memory_space<vmem_shared>>) target(%arg5 : memref<2000xf32, #tpu.memory_space<vmem>>) target_semaphore(%run_scoped3A : memref<!tpu.dma_semaphore, #tpu.memory_space<semaphore_mem>>)
        %dma_wait3A = tpu.memref_slice %arg6[%add3A_40] : memref<100096xf32, #tpu.memory_space<vmem_shared>> -> memref<2000xf32, #tpu.memory_space<vmem_shared>>
        %dma_wait3A_48 = tpu.memref_slice %arg6[%add3A_40] : memref<100096xf32, #tpu.memory_space<vmem_shared>> -> memref<2000xf32, #tpu.memory_space<vmem_shared>>
        tpu.wait_dma2 semaphore(%run_scoped3A : memref<!tpu.dma_semaphore, #tpu.memory_space<semaphore_mem>>) src(%dma_wait3A_48 : memref<2000xf32, #tpu.memory_space<vmem_shared>>) dst(%arg5 : memref<2000xf32, #tpu.memory_space<vmem>>)
        tpu.yield
      }) : () -> ()
      %add3A_41 = arith.constant 4000 : i32
      %add3A_42 = arith.addi %multiple_of3A, %add3A_41 : i32
      "tpu.region"() ({
        %run_scoped3A = tpu.sem_alloc : memref<!tpu.dma_semaphore, #tpu.memory_space<semaphore_mem>>
        %dma_start3A = tpu.memref_slice %arg3[%add3A_42] : memref<100096xf32, #tpu.memory_space<hbm>> -> memref<2000xf32, #tpu.memory_space<hbm>>
        %dma_start3A_47 = tpu.memref_slice %arg3[%add3A_42] : memref<100096xf32, #tpu.memory_space<hbm>> -> memref<2000xf32, #tpu.memory_space<hbm>>
        tpu.enqueue_dma source(%arg5 : memref<2000xf32, #tpu.memory_space<vmem>>) target(%dma_start3A_47 : memref<2000xf32, #tpu.memory_space<hbm>>) target_semaphore(%run_scoped3A : memref<!tpu.dma_semaphore, #tpu.memory_space<semaphore_mem>>)
        %dma_wait3A = tpu.memref_slice %arg3[%add3A_42] : memref<100096xf32, #tpu.memory_space<hbm>> -> memref<2000xf32, #tpu.memory_space<hbm>>
        %dma_wait3A_48 = tpu.memref_slice %arg3[%add3A_42] : memref<100096xf32, #tpu.memory_space<hbm>> -> memref<2000xf32, #tpu.memory_space<hbm>>
        tpu.wait_dma2 semaphore(%run_scoped3A : memref<!tpu.dma_semaphore, #tpu.memory_space<semaphore_mem>>) src(%arg5 : memref<2000xf32, #tpu.memory_space<vmem>>) dst(%dma_wait3A_48 : memref<2000xf32, #tpu.memory_space<hbm>>)
        tpu.yield
      }) : () -> ()
      %add3A_43 = arith.constant 6000 : i32
      %add3A_44 = arith.addi %multiple_of3A, %add3A_43 : i32
      "tpu.region"() ({
        %run_scoped3A = tpu.sem_alloc : memref<!tpu.dma_semaphore, #tpu.memory_space<semaphore_mem>>
        %dma_start3A = arith.constant 0 : i32
        %dma_start3A_47 = tpu.memref_slice %arg5[%dma_start3A] : memref<2000xf32, #tpu.memory_space<vmem>> -> memref<256xf32, #tpu.memory_space<vmem>>
        %dma_start3A_48 = tpu.memref_slice %arg6[%add3A_44] : memref<100096xf32, #tpu.memory_space<vmem_shared>> -> memref<256xf32, #tpu.memory_space<vmem_shared>>
        %dma_start3A_49 = arith.constant 0 : i32
        %dma_start3A_50 = tpu.memref_slice %arg5[%dma_start3A_49] : memref<2000xf32, #tpu.memory_space<vmem>> -> memref<256xf32, #tpu.memory_space<vmem>>
        %dma_start3A_51 = tpu.memref_slice %arg6[%add3A_44] : memref<100096xf32, #tpu.memory_space<vmem_shared>> -> memref<256xf32, #tpu.memory_space<vmem_shared>>
        tpu.enqueue_dma source(%dma_start3A_51 : memref<256xf32, #tpu.memory_space<vmem_shared>>) target(%dma_start3A_50 : memref<256xf32, #tpu.memory_space<vmem>>) target_semaphore(%run_scoped3A : memref<!tpu.dma_semaphore, #tpu.memory_space<semaphore_mem>>)
        %dma_wait3A = arith.constant 0 : i32
        %dma_wait3A_52 = tpu.memref_slice %arg5[%dma_wait3A] : memref<2000xf32, #tpu.memory_space<vmem>> -> memref<256xf32, #tpu.memory_space<vmem>>
        %dma_wait3A_53 = tpu.memref_slice %arg6[%add3A_44] : memref<100096xf32, #tpu.memory_space<vmem_shared>> -> memref<256xf32, #tpu.memory_space<vmem_shared>>
        %dma_wait3A_54 = arith.constant 0 : i32
        %dma_wait3A_55 = tpu.memref_slice %arg5[%dma_wait3A_54] : memref<2000xf32, #tpu.memory_space<vmem>> -> memref<256xf32, #tpu.memory_space<vmem>>
        %dma_wait3A_56 = tpu.memref_slice %arg6[%add3A_44] : memref<100096xf32, #tpu.memory_space<vmem_shared>> -> memref<256xf32, #tpu.memory_space<vmem_shared>>
        tpu.wait_dma2 semaphore(%run_scoped3A : memref<!tpu.dma_semaphore, #tpu.memory_space<semaphore_mem>>) src(%dma_wait3A_56 : memref<256xf32, #tpu.memory_space<vmem_shared>>) dst(%dma_wait3A_55 : memref<256xf32, #tpu.memory_space<vmem>>)
        tpu.yield
      }) : () -> ()
      %add3A_45 = arith.constant 6000 : i32
      %add3A_46 = arith.addi %multiple_of3A, %add3A_45 : i32
      "tpu.region"() ({
        %run_scoped3A = tpu.sem_alloc : memref<!tpu.dma_semaphore, #tpu.memory_space<semaphore_mem>>
        %dma_start3A = arith.constant 0 : i32
        %dma_start3A_47 = tpu.memref_slice %arg5[%dma_start3A] : memref<2000xf32, #tpu.memory_space<vmem>> -> memref<256xf32, #tpu.memory_space<vmem>>
        %dma_start3A_48 = tpu.memref_slice %arg3[%add3A_46] : memref<100096xf32, #tpu.memory_space<hbm>> -> memref<256xf32, #tpu.memory_space<hbm>>
        %dma_start3A_49 = tpu.memref_slice %arg3[%add3A_46] : memref<100096xf32, #tpu.memory_space<hbm>> -> memref<256xf32, #tpu.memory_space<hbm>>
        %dma_start3A_50 = arith.constant 0 : i32
        %dma_start3A_51 = tpu.memref_slice %arg5[%dma_start3A_50] : memref<2000xf32, #tpu.memory_space<vmem>> -> memref<256xf32, #tpu.memory_space<vmem>>
        tpu.enqueue_dma source(%dma_start3A_51 : memref<256xf32, #tpu.memory_space<vmem>>) target(%dma_start3A_49 : memref<256xf32, #tpu.memory_space<hbm>>) target_semaphore(%run_scoped3A : memref<!tpu.dma_semaphore, #tpu.memory_space<semaphore_mem>>)
        %dma_wait3A = arith.constant 0 : i32
        %dma_wait3A_52 = tpu.memref_slice %arg5[%dma_wait3A] : memref<2000xf32, #tpu.memory_space<vmem>> -> memref<256xf32, #tpu.memory_space<vmem>>
        %dma_wait3A_53 = tpu.memref_slice %arg3[%add3A_46] : memref<100096xf32, #tpu.memory_space<hbm>> -> memref<256xf32, #tpu.memory_space<hbm>>
        %dma_wait3A_54 = tpu.memref_slice %arg3[%add3A_46] : memref<100096xf32, #tpu.memory_space<hbm>> -> memref<256xf32, #tpu.memory_space<hbm>>
        %dma_wait3A_55 = arith.constant 0 : i32
        %dma_wait3A_56 = tpu.memref_slice %arg5[%dma_wait3A_55] : memref<2000xf32, #tpu.memory_space<vmem>> -> memref<256xf32, #tpu.memory_space<vmem>>
        tpu.wait_dma2 semaphore(%run_scoped3A : memref<!tpu.dma_semaphore, #tpu.memory_space<semaphore_mem>>) src(%dma_wait3A_56 : memref<256xf32, #tpu.memory_space<vmem>>) dst(%dma_wait3A_54 : memref<256xf32, #tpu.memory_space<hbm>>)
        tpu.yield
      }) : () -> ()
    } else {
    }
    return
  }
}

#map = affine_map<(d0, d1) -> (0, 0)>
#map1 = affine_map<(d0, d1) -> (0)>
module attributes {stable_mosaic.version = 14 : i64} {
  func.func @_sc_aggw(%arg0: i32, %arg1: i32, %arg2: memref<200192x16xf32, #tpu.memory_space<hbm>>, %arg3: memref<1600000xi32, #tpu.memory_space<hbm>>, %arg4: memref<1600000xi32, #tpu.memory_space<hbm>>, %arg5: memref<100096x32xf32, #tpu.memory_space<hbm>>, %arg6: memref<800xi32, #tpu.memory_space<vmem>>, %arg7: memref<800xi32, #tpu.memory_space<vmem>>, %arg8: memref<800x16xf32, #tpu.memory_space<vmem>>, %arg9: memref<800xi32, #tpu.memory_space<vmem>>, %arg10: memref<800xi32, #tpu.memory_space<vmem>>, %arg11: memref<800x16xf32, #tpu.memory_space<vmem>>, %arg12: memref<100096x16xf32, #tpu.memory_space<vmem_shared>>, %arg13: memref<!tpu.dma_semaphore, #tpu.memory_space<semaphore_mem>>) attributes {dimension_semantics = [#tpu.dimension_semantics<core_parallel>, #tpu.dimension_semantics<subcore_parallel>], iteration_bounds = array<i64: 2, 16>, scalar_prefetch = 0 : i64, scratch_operands = 8 : i64, tpu.core_type = #tpu.core_type<sc_vector_subcore>, window_params = [{transform_indices = #map}, {transform_indices = #map1}, {transform_indices = #map1}, {transform_indices = #map}]} {
    %mul3A = arith.constant 6256 : i32
    %mul3A_0 = arith.muli %arg1, %mul3A : i32
    %multiple_of3A = tpu.assume_multiple %mul3A_0, 8 : i32
    %broadcast_in_dim3A = arith.constant 0.000000e+00 : f32
    %broadcast_in_dim3A_1 = vector.broadcast %broadcast_in_dim3A : f32 to vector<16xf32>
    %scan3A = arith.constant 0 : i32
    %scan3A_2 = arith.constant 0 : i32
    %scan3A_3 = arith.constant 800 : i32
    %scan3A_4 = arith.addi %scan3A_2, %scan3A_3 : i32
    %scan3A_5 = arith.constant 1 : i32
    scf.for %scan3A_79 = %scan3A_2 to %scan3A_4 step %scan3A_5  : i32 {
      %swap3A = arith.index_cast %scan3A_79 : i32 to index
      %swap3A_80 = arith.constant 0 : index
      %swap3A_81 = tpu.vector_load %arg8[%swap3A, %swap3A_80] {strides = array<i32>} : memref<800x16xf32, #tpu.memory_space<vmem>>, vector<1x16xf32>,
      %swap3A_82 = vector.shape_cast %swap3A_81 : vector<1x16xf32> to vector<16xf32>
      %swap3A_83 = vector.shape_cast %broadcast_in_dim3A_1 : vector<16xf32> to vector<1x16xf32>
      tpu.vector_store %arg8[%swap3A, %swap3A_80], %swap3A_83 {strides = array<i32>} : memref<800x16xf32, #tpu.memory_space<vmem>>, vector<1x16xf32>,
    }
    %scan3A_6 = arith.constant 800 : i32
    %add3A = arith.constant 0 : i32
    %add3A_7 = arith.addi %multiple_of3A, %add3A : i32
    "tpu.region"() ({
      %run_scoped3A = tpu.sem_alloc : memref<!tpu.dma_semaphore, #tpu.memory_space<semaphore_mem>>
      %dma_start3A_79 = arith.constant 0 : i32
      %dma_start3A_80 = tpu.memref_slice %arg12[%add3A_7, %dma_start3A_79] : memref<100096x16xf32, #tpu.memory_space<vmem_shared>> -> memref<800x16xf32, #tpu.memory_space<vmem_shared>>
      %dma_start3A_81 = arith.constant 0 : i32
      %dma_start3A_82 = tpu.memref_slice %arg12[%add3A_7, %dma_start3A_81] : memref<100096x16xf32, #tpu.memory_space<vmem_shared>> -> memref<800x16xf32, #tpu.memory_space<vmem_shared>>
      tpu.enqueue_dma source(%arg8 : memref<800x16xf32, #tpu.memory_space<vmem>>) target(%dma_start3A_82 : memref<800x16xf32, #tpu.memory_space<vmem_shared>>) target_semaphore(%run_scoped3A : memref<!tpu.dma_semaphore, #tpu.memory_space<semaphore_mem>>)
      %dma_wait3A_83 = arith.constant 0 : i32
      %dma_wait3A_84 = tpu.memref_slice %arg12[%add3A_7, %dma_wait3A_83] : memref<100096x16xf32, #tpu.memory_space<vmem_shared>> -> memref<800x16xf32, #tpu.memory_space<vmem_shared>>
      %dma_wait3A_85 = arith.constant 0 : i32
      %dma_wait3A_86 = tpu.memref_slice %arg12[%add3A_7, %dma_wait3A_85] : memref<100096x16xf32, #tpu.memory_space<vmem_shared>> -> memref<800x16xf32, #tpu.memory_space<vmem_shared>>
      tpu.wait_dma2 semaphore(%run_scoped3A : memref<!tpu.dma_semaphore, #tpu.memory_space<semaphore_mem>>) src(%arg8 : memref<800x16xf32, #tpu.memory_space<vmem>>) dst(%dma_wait3A_86 : memref<800x16xf32, #tpu.memory_space<vmem_shared>>)
      tpu.yield
    }) : () -> ()
    %add3A_8 = arith.constant 800 : i32
    %add3A_9 = arith.addi %multiple_of3A, %add3A_8 : i32
    "tpu.region"() ({
      %run_scoped3A = tpu.sem_alloc : memref<!tpu.dma_semaphore, #tpu.memory_space<semaphore_mem>>
      %dma_start3A_79 = arith.constant 0 : i32
      %dma_start3A_80 = tpu.memref_slice %arg12[%add3A_9, %dma_start3A_79] : memref<100096x16xf32, #tpu.memory_space<vmem_shared>> -> memref<800x16xf32, #tpu.memory_space<vmem_shared>>
      %dma_start3A_81 = arith.constant 0 : i32
      %dma_start3A_82 = tpu.memref_slice %arg12[%add3A_9, %dma_start3A_81] : memref<100096x16xf32, #tpu.memory_space<vmem_shared>> -> memref<800x16xf32, #tpu.memory_space<vmem_shared>>
      tpu.enqueue_dma source(%arg8 : memref<800x16xf32, #tpu.memory_space<vmem>>) target(%dma_start3A_82 : memref<800x16xf32, #tpu.memory_space<vmem_shared>>) target_semaphore(%run_scoped3A : memref<!tpu.dma_semaphore, #tpu.memory_space<semaphore_mem>>)
      %dma_wait3A_83 = arith.constant 0 : i32
      %dma_wait3A_84 = tpu.memref_slice %arg12[%add3A_9, %dma_wait3A_83] : memref<100096x16xf32, #tpu.memory_space<vmem_shared>> -> memref<800x16xf32, #tpu.memory_space<vmem_shared>>
      %dma_wait3A_85 = arith.constant 0 : i32
      %dma_wait3A_86 = tpu.memref_slice %arg12[%add3A_9, %dma_wait3A_85] : memref<100096x16xf32, #tpu.memory_space<vmem_shared>> -> memref<800x16xf32, #tpu.memory_space<vmem_shared>>
      tpu.wait_dma2 semaphore(%run_scoped3A : memref<!tpu.dma_semaphore, #tpu.memory_space<semaphore_mem>>) src(%arg8 : memref<800x16xf32, #tpu.memory_space<vmem>>) dst(%dma_wait3A_86 : memref<800x16xf32, #tpu.memory_space<vmem_shared>>)
      tpu.yield
    }) : () -> ()
    %add3A_10 = arith.constant 1600 : i32
    %add3A_11 = arith.addi %multiple_of3A, %add3A_10 : i32
    "tpu.region"() ({
      %run_scoped3A = tpu.sem_alloc : memref<!tpu.dma_semaphore, #tpu.memory_space<semaphore_mem>>
      %dma_start3A_79 = arith.constant 0 : i32
      %dma_start3A_80 = tpu.memref_slice %arg12[%add3A_11, %dma_start3A_79] : memref<100096x16xf32, #tpu.memory_space<vmem_shared>> -> memref<800x16xf32, #tpu.memory_space<vmem_shared>>
      %dma_start3A_81 = arith.constant 0 : i32
      %dma_start3A_82 = tpu.memref_slice %arg12[%add3A_11, %dma_start3A_81] : memref<100096x16xf32, #tpu.memory_space<vmem_shared>> -> memref<800x16xf32, #tpu.memory_space<vmem_shared>>
      tpu.enqueue_dma source(%arg8 : memref<800x16xf32, #tpu.memory_space<vmem>>) target(%dma_start3A_82 : memref<800x16xf32, #tpu.memory_space<vmem_shared>>) target_semaphore(%run_scoped3A : memref<!tpu.dma_semaphore, #tpu.memory_space<semaphore_mem>>)
      %dma_wait3A_83 = arith.constant 0 : i32
      %dma_wait3A_84 = tpu.memref_slice %arg12[%add3A_11, %dma_wait3A_83] : memref<100096x16xf32, #tpu.memory_space<vmem_shared>> -> memref<800x16xf32, #tpu.memory_space<vmem_shared>>
      %dma_wait3A_85 = arith.constant 0 : i32
      %dma_wait3A_86 = tpu.memref_slice %arg12[%add3A_11, %dma_wait3A_85] : memref<100096x16xf32, #tpu.memory_space<vmem_shared>> -> memref<800x16xf32, #tpu.memory_space<vmem_shared>>
      tpu.wait_dma2 semaphore(%run_scoped3A : memref<!tpu.dma_semaphore, #tpu.memory_space<semaphore_mem>>) src(%arg8 : memref<800x16xf32, #tpu.memory_space<vmem>>) dst(%dma_wait3A_86 : memref<800x16xf32, #tpu.memory_space<vmem_shared>>)
      tpu.yield
    }) : () -> ()
    %add3A_12 = arith.constant 2400 : i32
    %add3A_13 = arith.addi %multiple_of3A, %add3A_12 : i32
    "tpu.region"() ({
      %run_scoped3A = tpu.sem_alloc : memref<!tpu.dma_semaphore, #tpu.memory_space<semaphore_mem>>
      %dma_start3A_79 = arith.constant 0 : i32
      %dma_start3A_80 = tpu.memref_slice %arg12[%add3A_13, %dma_start3A_79] : memref<100096x16xf32, #tpu.memory_space<vmem_shared>> -> memref<800x16xf32, #tpu.memory_space<vmem_shared>>
      %dma_start3A_81 = arith.constant 0 : i32
      %dma_start3A_82 = tpu.memref_slice %arg12[%add3A_13, %dma_start3A_81] : memref<100096x16xf32, #tpu.memory_space<vmem_shared>> -> memref<800x16xf32, #tpu.memory_space<vmem_shared>>
      tpu.enqueue_dma source(%arg8 : memref<800x16xf32, #tpu.memory_space<vmem>>) target(%dma_start3A_82 : memref<800x16xf32, #tpu.memory_space<vmem_shared>>) target_semaphore(%run_scoped3A : memref<!tpu.dma_semaphore, #tpu.memory_space<semaphore_mem>>)
      %dma_wait3A_83 = arith.constant 0 : i32
      %dma_wait3A_84 = tpu.memref_slice %arg12[%add3A_13, %dma_wait3A_83] : memref<100096x16xf32, #tpu.memory_space<vmem_shared>> -> memref<800x16xf32, #tpu.memory_space<vmem_shared>>
      %dma_wait3A_85 = arith.constant 0 : i32
      %dma_wait3A_86 = tpu.memref_slice %arg12[%add3A_13, %dma_wait3A_85] : memref<100096x16xf32, #tpu.memory_space<vmem_shared>> -> memref<800x16xf32, #tpu.memory_space<vmem_shared>>
      tpu.wait_dma2 semaphore(%run_scoped3A : memref<!tpu.dma_semaphore, #tpu.memory_space<semaphore_mem>>) src(%arg8 : memref<800x16xf32, #tpu.memory_space<vmem>>) dst(%dma_wait3A_86 : memref<800x16xf32, #tpu.memory_space<vmem_shared>>)
      tpu.yield
    }) : () -> ()
    %add3A_14 = arith.constant 3200 : i32
    %add3A_15 = arith.addi %multiple_of3A, %add3A_14 : i32
    "tpu.region"() ({
      %run_scoped3A = tpu.sem_alloc : memref<!tpu.dma_semaphore, #tpu.memory_space<semaphore_mem>>
      %dma_start3A_79 = arith.constant 0 : i32
      %dma_start3A_80 = tpu.memref_slice %arg12[%add3A_15, %dma_start3A_79] : memref<100096x16xf32, #tpu.memory_space<vmem_shared>> -> memref<800x16xf32, #tpu.memory_space<vmem_shared>>
      %dma_start3A_81 = arith.constant 0 : i32
      %dma_start3A_82 = tpu.memref_slice %arg12[%add3A_15, %dma_start3A_81] : memref<100096x16xf32, #tpu.memory_space<vmem_shared>> -> memref<800x16xf32, #tpu.memory_space<vmem_shared>>
      tpu.enqueue_dma source(%arg8 : memref<800x16xf32, #tpu.memory_space<vmem>>) target(%dma_start3A_82 : memref<800x16xf32, #tpu.memory_space<vmem_shared>>) target_semaphore(%run_scoped3A : memref<!tpu.dma_semaphore, #tpu.memory_space<semaphore_mem>>)
      %dma_wait3A_83 = arith.constant 0 : i32
      %dma_wait3A_84 = tpu.memref_slice %arg12[%add3A_15, %dma_wait3A_83] : memref<100096x16xf32, #tpu.memory_space<vmem_shared>> -> memref<800x16xf32, #tpu.memory_space<vmem_shared>>
      %dma_wait3A_85 = arith.constant 0 : i32
      %dma_wait3A_86 = tpu.memref_slice %arg12[%add3A_15, %dma_wait3A_85] : memref<100096x16xf32, #tpu.memory_space<vmem_shared>> -> memref<800x16xf32, #tpu.memory_space<vmem_shared>>
      tpu.wait_dma2 semaphore(%run_scoped3A : memref<!tpu.dma_semaphore, #tpu.memory_space<semaphore_mem>>) src(%arg8 : memref<800x16xf32, #tpu.memory_space<vmem>>) dst(%dma_wait3A_86 : memref<800x16xf32, #tpu.memory_space<vmem_shared>>)
      tpu.yield
    }) : () -> ()
    %add3A_16 = arith.constant 4000 : i32
    %add3A_17 = arith.addi %multiple_of3A, %add3A_16 : i32
    "tpu.region"() ({
      %run_scoped3A = tpu.sem_alloc : memref<!tpu.dma_semaphore, #tpu.memory_space<semaphore_mem>>
      %dma_start3A_79 = arith.constant 0 : i32
      %dma_start3A_80 = tpu.memref_slice %arg12[%add3A_17, %dma_start3A_79] : memref<100096x16xf32, #tpu.memory_space<vmem_shared>> -> memref<800x16xf32, #tpu.memory_space<vmem_shared>>
      %dma_start3A_81 = arith.constant 0 : i32
      %dma_start3A_82 = tpu.memref_slice %arg12[%add3A_17, %dma_start3A_81] : memref<100096x16xf32, #tpu.memory_space<vmem_shared>> -> memref<800x16xf32, #tpu.memory_space<vmem_shared>>
      tpu.enqueue_dma source(%arg8 : memref<800x16xf32, #tpu.memory_space<vmem>>) target(%dma_start3A_82 : memref<800x16xf32, #tpu.memory_space<vmem_shared>>) target_semaphore(%run_scoped3A : memref<!tpu.dma_semaphore, #tpu.memory_space<semaphore_mem>>)
      %dma_wait3A_83 = arith.constant 0 : i32
      %dma_wait3A_84 = tpu.memref_slice %arg12[%add3A_17, %dma_wait3A_83] : memref<100096x16xf32, #tpu.memory_space<vmem_shared>> -> memref<800x16xf32, #tpu.memory_space<vmem_shared>>
      %dma_wait3A_85 = arith.constant 0 : i32
      %dma_wait3A_86 = tpu.memref_slice %arg12[%add3A_17, %dma_wait3A_85] : memref<100096x16xf32, #tpu.memory_space<vmem_shared>> -> memref<800x16xf32, #tpu.memory_space<vmem_shared>>
      tpu.wait_dma2 semaphore(%run_scoped3A : memref<!tpu.dma_semaphore, #tpu.memory_space<semaphore_mem>>) src(%arg8 : memref<800x16xf32, #tpu.memory_space<vmem>>) dst(%dma_wait3A_86 : memref<800x16xf32, #tpu.memory_space<vmem_shared>>)
      tpu.yield
    }) : () -> ()
    %add3A_18 = arith.constant 4800 : i32
    %add3A_19 = arith.addi %multiple_of3A, %add3A_18 : i32
    "tpu.region"() ({
      %run_scoped3A = tpu.sem_alloc : memref<!tpu.dma_semaphore, #tpu.memory_space<semaphore_mem>>
      %dma_start3A_79 = arith.constant 0 : i32
      %dma_start3A_80 = tpu.memref_slice %arg12[%add3A_19, %dma_start3A_79] : memref<100096x16xf32, #tpu.memory_space<vmem_shared>> -> memref<800x16xf32, #tpu.memory_space<vmem_shared>>
      %dma_start3A_81 = arith.constant 0 : i32
      %dma_start3A_82 = tpu.memref_slice %arg12[%add3A_19, %dma_start3A_81] : memref<100096x16xf32, #tpu.memory_space<vmem_shared>> -> memref<800x16xf32, #tpu.memory_space<vmem_shared>>
      tpu.enqueue_dma source(%arg8 : memref<800x16xf32, #tpu.memory_space<vmem>>) target(%dma_start3A_82 : memref<800x16xf32, #tpu.memory_space<vmem_shared>>) target_semaphore(%run_scoped3A : memref<!tpu.dma_semaphore, #tpu.memory_space<semaphore_mem>>)
      %dma_wait3A_83 = arith.constant 0 : i32
      %dma_wait3A_84 = tpu.memref_slice %arg12[%add3A_19, %dma_wait3A_83] : memref<100096x16xf32, #tpu.memory_space<vmem_shared>> -> memref<800x16xf32, #tpu.memory_space<vmem_shared>>
      %dma_wait3A_85 = arith.constant 0 : i32
      %dma_wait3A_86 = tpu.memref_slice %arg12[%add3A_19, %dma_wait3A_85] : memref<100096x16xf32, #tpu.memory_space<vmem_shared>> -> memref<800x16xf32, #tpu.memory_space<vmem_shared>>
      tpu.wait_dma2 semaphore(%run_scoped3A : memref<!tpu.dma_semaphore, #tpu.memory_space<semaphore_mem>>) src(%arg8 : memref<800x16xf32, #tpu.memory_space<vmem>>) dst(%dma_wait3A_86 : memref<800x16xf32, #tpu.memory_space<vmem_shared>>)
      tpu.yield
    }) : () -> ()
    %add3A_20 = arith.constant 5600 : i32
    %add3A_21 = arith.addi %multiple_of3A, %add3A_20 : i32
    "tpu.region"() ({
      %run_scoped3A = tpu.sem_alloc : memref<!tpu.dma_semaphore, #tpu.memory_space<semaphore_mem>>
      %dma_start3A_79 = arith.constant 0 : i32
      %dma_start3A_80 = arith.constant 0 : i32
      %dma_start3A_81 = tpu.memref_slice %arg8[%dma_start3A_79, %dma_start3A_80] : memref<800x16xf32, #tpu.memory_space<vmem>> -> memref<656x16xf32, #tpu.memory_space<vmem>>
      %dma_start3A_82 = arith.constant 0 : i32
      %dma_start3A_83 = tpu.memref_slice %arg12[%add3A_21, %dma_start3A_82] : memref<100096x16xf32, #tpu.memory_space<vmem_shared>> -> memref<656x16xf32, #tpu.memory_space<vmem_shared>>
      %dma_start3A_84 = arith.constant 0 : i32
      %dma_start3A_85 = tpu.memref_slice %arg12[%add3A_21, %dma_start3A_84] : memref<100096x16xf32, #tpu.memory_space<vmem_shared>> -> memref<656x16xf32, #tpu.memory_space<vmem_shared>>
      %dma_start3A_86 = arith.constant 0 : i32
      %dma_start3A_87 = arith.constant 0 : i32
      %dma_start3A_88 = tpu.memref_slice %arg8[%dma_start3A_86, %dma_start3A_87] : memref<800x16xf32, #tpu.memory_space<vmem>> -> memref<656x16xf32, #tpu.memory_space<vmem>>
      tpu.enqueue_dma source(%dma_start3A_88 : memref<656x16xf32, #tpu.memory_space<vmem>>) target(%dma_start3A_85 : memref<656x16xf32, #tpu.memory_space<vmem_shared>>) target_semaphore(%run_scoped3A : memref<!tpu.dma_semaphore, #tpu.memory_space<semaphore_mem>>)
      %dma_wait3A_89 = arith.constant 0 : i32
      %dma_wait3A_90 = arith.constant 0 : i32
      %dma_wait3A_91 = tpu.memref_slice %arg8[%dma_wait3A_89, %dma_wait3A_90] : memref<800x16xf32, #tpu.memory_space<vmem>> -> memref<656x16xf32, #tpu.memory_space<vmem>>
      %dma_wait3A_92 = arith.constant 0 : i32
      %dma_wait3A_93 = tpu.memref_slice %arg12[%add3A_21, %dma_wait3A_92] : memref<100096x16xf32, #tpu.memory_space<vmem_shared>> -> memref<656x16xf32, #tpu.memory_space<vmem_shared>>
      %dma_wait3A_94 = arith.constant 0 : i32
      %dma_wait3A_95 = tpu.memref_slice %arg12[%add3A_21, %dma_wait3A_94] : memref<100096x16xf32, #tpu.memory_space<vmem_shared>> -> memref<656x16xf32, #tpu.memory_space<vmem_shared>>
      %dma_wait3A_96 = arith.constant 0 : i32
      %dma_wait3A_97 = arith.constant 0 : i32
      %dma_wait3A_98 = tpu.memref_slice %arg8[%dma_wait3A_96, %dma_wait3A_97] : memref<800x16xf32, #tpu.memory_space<vmem>> -> memref<656x16xf32, #tpu.memory_space<vmem>>
      tpu.wait_dma2 semaphore(%run_scoped3A : memref<!tpu.dma_semaphore, #tpu.memory_space<semaphore_mem>>) src(%dma_wait3A_98 : memref<656x16xf32, #tpu.memory_space<vmem>>) dst(%dma_wait3A_95 : memref<656x16xf32, #tpu.memory_space<vmem_shared>>)
      tpu.yield
    }) : () -> ()
    %barrier3A = arith.constant 0 : index
    tpu.barrier barrier_id(%barrier3A)
    %mul3A_22 = arith.constant 100000 : i32
    %mul3A_23 = arith.muli %arg1, %mul3A_22 : i32
    %add3A_24 = arith.constant 0 : i32
    %add3A_25 = arith.addi %mul3A_23, %add3A_24 : i32
    %multiple_of3A_26 = tpu.assume_multiple %add3A_25, 8 : i32
    "tpu.region"() ({
      %run_scoped3A = tpu.sem_alloc : memref<!tpu.dma_semaphore, #tpu.memory_space<semaphore_mem>>
      %dma_start3A_79 = tpu.memref_slice %arg3[%multiple_of3A_26] : memref<1600000xi32, #tpu.memory_space<hbm>> -> memref<800xi32, #tpu.memory_space<hbm>>
      %dma_start3A_80 = tpu.memref_slice %arg3[%multiple_of3A_26] : memref<1600000xi32, #tpu.memory_space<hbm>> -> memref<800xi32, #tpu.memory_space<hbm>>
      tpu.enqueue_dma source(%dma_start3A_80 : memref<800xi32, #tpu.memory_space<hbm>>) target(%arg6 : memref<800xi32, #tpu.memory_space<vmem>>) target_semaphore(%run_scoped3A : memref<!tpu.dma_semaphore, #tpu.memory_space<semaphore_mem>>)
      %dma_wait3A_81 = tpu.memref_slice %arg3[%multiple_of3A_26] : memref<1600000xi32, #tpu.memory_space<hbm>> -> memref<800xi32, #tpu.memory_space<hbm>>
      %dma_wait3A_82 = tpu.memref_slice %arg3[%multiple_of3A_26] : memref<1600000xi32, #tpu.memory_space<hbm>> -> memref<800xi32, #tpu.memory_space<hbm>>
      tpu.wait_dma2 semaphore(%run_scoped3A : memref<!tpu.dma_semaphore, #tpu.memory_space<semaphore_mem>>) src(%dma_wait3A_82 : memref<800xi32, #tpu.memory_space<hbm>>) dst(%arg6 : memref<800xi32, #tpu.memory_space<vmem>>)
      tpu.yield
    }) : () -> ()
    "tpu.region"() ({
      %run_scoped3A = tpu.sem_alloc : memref<!tpu.dma_semaphore, #tpu.memory_space<semaphore_mem>>
      %dma_start3A_79 = tpu.memref_slice %arg4[%multiple_of3A_26] : memref<1600000xi32, #tpu.memory_space<hbm>> -> memref<800xi32, #tpu.memory_space<hbm>>
      %dma_start3A_80 = tpu.memref_slice %arg4[%multiple_of3A_26] : memref<1600000xi32, #tpu.memory_space<hbm>> -> memref<800xi32, #tpu.memory_space<hbm>>
      tpu.enqueue_dma source(%dma_start3A_80 : memref<800xi32, #tpu.memory_space<hbm>>) target(%arg7 : memref<800xi32, #tpu.memory_space<vmem>>) target_semaphore(%run_scoped3A : memref<!tpu.dma_semaphore, #tpu.memory_space<semaphore_mem>>)
      %dma_wait3A_81 = tpu.memref_slice %arg4[%multiple_of3A_26] : memref<1600000xi32, #tpu.memory_space<hbm>> -> memref<800xi32, #tpu.memory_space<hbm>>
      %dma_wait3A_82 = tpu.memref_slice %arg4[%multiple_of3A_26] : memref<1600000xi32, #tpu.memory_space<hbm>> -> memref<800xi32, #tpu.memory_space<hbm>>
      tpu.wait_dma2 semaphore(%run_scoped3A : memref<!tpu.dma_semaphore, #tpu.memory_space<semaphore_mem>>) src(%dma_wait3A_82 : memref<800xi32, #tpu.memory_space<hbm>>) dst(%arg7 : memref<800xi32, #tpu.memory_space<vmem>>)
      tpu.yield
    }) : () -> ()
    %scan3A_27 = arith.constant 0 : i32
    %scan3A_28 = arith.constant 0 : i32
    %scan3A_29 = arith.constant 50 : i32
    %scan3A_30 = arith.addi %scan3A_28, %scan3A_29 : i32
    %scan3A_31 = arith.constant 1 : i32
    scf.for %scan3A_79 = %scan3A_28 to %scan3A_30 step %scan3A_31  : i32 {
      %mul3A_80 = arith.constant 16 : i32
      %mul3A_81 = arith.muli %scan3A_79, %mul3A_80 : i32
      %get3A = arith.index_cast %mul3A_81 : i32 to index
      %get3A_82 = tpu.vector_load %arg6[%get3A] {strides = array<i32>} : memref<800xi32, #tpu.memory_space<vmem>>, vector<16xi32>,
      %get3A_83 = vector.shape_cast %get3A_82 : vector<16xi32> to vector<16xi32>
      %add3A_84 = arith.addi %get3A_83, %get3A_83 : vector<16xi32>
      %add3A_85 = vector.broadcast %arg0 : i32 to vector<16xi32>
      %add3A_86 = arith.addi %add3A_84, %add3A_85 : vector<16xi32>
      %mul3A_87 = arith.constant 16 : i32
      %mul3A_88 = arith.muli %scan3A_79, %mul3A_87 : i32
      %swap3A = arith.index_cast %mul3A_88 : i32 to index
      %swap3A_89 = tpu.vector_load %arg6[%swap3A] {strides = array<i32>} : memref<800xi32, #tpu.memory_space<vmem>>, vector<16xi32>,
      %swap3A_90 = vector.shape_cast %swap3A_89 : vector<16xi32> to vector<16xi32>
      %swap3A_91 = vector.shape_cast %add3A_86 : vector<16xi32> to vector<16xi32>
      tpu.vector_store %arg6[%swap3A], %swap3A_91 {strides = array<i32>} : memref<800xi32, #tpu.memory_space<vmem>>, vector<16xi32>,
    }
    %scan3A_32 = arith.constant 50 : i32
    %dma_start3A = arith.constant 0 : i32
    %dma_start3A_33 = arith.constant 0 : i32
    %dma_start3A_34 = tpu.memref_slice %arg2[%dma_start3A, %dma_start3A_33] : memref<200192x16xf32, #tpu.memory_space<hbm>> -> memref<200192x16xf32, #tpu.memory_space<hbm>>
    tpu.enqueue_indirect_dma source(%dma_start3A_34 : memref<200192x16xf32, #tpu.memory_space<hbm>>) target(%arg8 : memref<800x16xf32, #tpu.memory_space<vmem>>) offsets(%arg6 : memref<800xi32, #tpu.memory_space<vmem>>) semaphore(%arg13 : memref<!tpu.dma_semaphore, #tpu.memory_space<semaphore_mem>>)
    %scan3A_35 = arith.constant 0 : i32
    %scan3A_36 = arith.constant 0 : i32
    %scan3A_37 = arith.constant 62 : i32
    %scan3A_38 = arith.addi %scan3A_36, %scan3A_37 : i32
    %scan3A_39 = arith.constant 1 : i32
    scf.for %scan3A_79 = %scan3A_36 to %scan3A_38 step %scan3A_39  : i32 {
      %mul3A_80 = arith.constant 2 : i32
      %mul3A_81 = arith.muli %mul3A_80, %scan3A_79 : i32
      %add3A_82 = arith.constant 1 : i32
      %add3A_83 = arith.addi %mul3A_81, %add3A_82 : i32
      %mul3A_84 = arith.constant 100000 : i32
      %mul3A_85 = arith.muli %arg1, %mul3A_84 : i32
      %mul3A_86 = arith.constant 800 : i32
      %mul3A_87 = arith.muli %add3A_83, %mul3A_86 : i32
      %add3A_88 = arith.addi %mul3A_85, %mul3A_87 : i32
      %multiple_of3A_89 = tpu.assume_multiple %add3A_88, 8 : i32
      "tpu.region"() ({
        %run_scoped3A = tpu.sem_alloc : memref<!tpu.dma_semaphore, #tpu.memory_space<semaphore_mem>>
        %dma_start3A_122 = tpu.memref_slice %arg3[%multiple_of3A_89] : memref<1600000xi32, #tpu.memory_space<hbm>> -> memref<800xi32, #tpu.memory_space<hbm>>
        %dma_start3A_123 = tpu.memref_slice %arg3[%multiple_of3A_89] : memref<1600000xi32, #tpu.memory_space<hbm>> -> memref<800xi32, #tpu.memory_space<hbm>>
        tpu.enqueue_dma source(%dma_start3A_123 : memref<800xi32, #tpu.memory_space<hbm>>) target(%arg9 : memref<800xi32, #tpu.memory_space<vmem>>) target_semaphore(%run_scoped3A : memref<!tpu.dma_semaphore, #tpu.memory_space<semaphore_mem>>)
        %dma_wait3A_124 = tpu.memref_slice %arg3[%multiple_of3A_89] : memref<1600000xi32, #tpu.memory_space<hbm>> -> memref<800xi32, #tpu.memory_space<hbm>>
        %dma_wait3A_125 = tpu.memref_slice %arg3[%multiple_of3A_89] : memref<1600000xi32, #tpu.memory_space<hbm>> -> memref<800xi32, #tpu.memory_space<hbm>>
        tpu.wait_dma2 semaphore(%run_scoped3A : memref<!tpu.dma_semaphore, #tpu.memory_space<semaphore_mem>>) src(%dma_wait3A_125 : memref<800xi32, #tpu.memory_space<hbm>>) dst(%arg9 : memref<800xi32, #tpu.memory_space<vmem>>)
        tpu.yield
      }) : () -> ()
      "tpu.region"() ({
        %run_scoped3A = tpu.sem_alloc : memref<!tpu.dma_semaphore, #tpu.memory_space<semaphore_mem>>
        %dma_start3A_122 = tpu.memref_slice %arg4[%multiple_of3A_89] : memref<1600000xi32, #tpu.memory_space<hbm>> -> memref<800xi32, #tpu.memory_space<hbm>>
        %dma_start3A_123 = tpu.memref_slice %arg4[%multiple_of3A_89] : memref<1600000xi32, #tpu.memory_space<hbm>> -> memref<800xi32, #tpu.memory_space<hbm>>
        tpu.enqueue_dma source(%dma_start3A_123 : memref<800xi32, #tpu.memory_space<hbm>>) target(%arg10 : memref<800xi32, #tpu.memory_space<vmem>>) target_semaphore(%run_scoped3A : memref<!tpu.dma_semaphore, #tpu.memory_space<semaphore_mem>>)
        %dma_wait3A_124 = tpu.memref_slice %arg4[%multiple_of3A_89] : memref<1600000xi32, #tpu.memory_space<hbm>> -> memref<800xi32, #tpu.memory_space<hbm>>
        %dma_wait3A_125 = tpu.memref_slice %arg4[%multiple_of3A_89] : memref<1600000xi32, #tpu.memory_space<hbm>> -> memref<800xi32, #tpu.memory_space<hbm>>
        tpu.wait_dma2 semaphore(%run_scoped3A : memref<!tpu.dma_semaphore, #tpu.memory_space<semaphore_mem>>) src(%dma_wait3A_125 : memref<800xi32, #tpu.memory_space<hbm>>) dst(%arg10 : memref<800xi32, #tpu.memory_space<vmem>>)
        tpu.yield
      }) : () -> ()
      %scan3A_90 = arith.constant 0 : i32
      %scan3A_91 = arith.constant 0 : i32
      %scan3A_92 = arith.constant 50 : i32
      %scan3A_93 = arith.addi %scan3A_91, %scan3A_92 : i32
      %scan3A_94 = arith.constant 1 : i32
      scf.for %scan3A_122 = %scan3A_91 to %scan3A_93 step %scan3A_94  : i32 {
        %mul3A_123 = arith.constant 16 : i32
        %mul3A_124 = arith.muli %scan3A_122, %mul3A_123 : i32
        %get3A = arith.index_cast %mul3A_124 : i32 to index
        %get3A_125 = tpu.vector_load %arg9[%get3A] {strides = array<i32>} : memref<800xi32, #tpu.memory_space<vmem>>, vector<16xi32>,
        %get3A_126 = vector.shape_cast %get3A_125 : vector<16xi32> to vector<16xi32>
        %add3A_127 = arith.addi %get3A_126, %get3A_126 : vector<16xi32>
        %add3A_128 = vector.broadcast %arg0 : i32 to vector<16xi32>
        %add3A_129 = arith.addi %add3A_127, %add3A_128 : vector<16xi32>
        %mul3A_130 = arith.constant 16 : i32
        %mul3A_131 = arith.muli %scan3A_122, %mul3A_130 : i32
        %swap3A = arith.index_cast %mul3A_131 : i32 to index
        %swap3A_132 = tpu.vector_load %arg9[%swap3A] {strides = array<i32>} : memref<800xi32, #tpu.memory_space<vmem>>, vector<16xi32>,
        %swap3A_133 = vector.shape_cast %swap3A_132 : vector<16xi32> to vector<16xi32>
        %swap3A_134 = vector.shape_cast %add3A_129 : vector<16xi32> to vector<16xi32>
        tpu.vector_store %arg9[%swap3A], %swap3A_134 {strides = array<i32>} : memref<800xi32, #tpu.memory_space<vmem>>, vector<16xi32>,
      }
      %scan3A_95 = arith.constant 50 : i32
      %dma_wait3A_96 = arith.constant 0 : i32
      %dma_wait3A_97 = arith.constant 0 : i32
      %dma_wait3A_98 = tpu.memref_slice %arg2[%dma_wait3A_96, %dma_wait3A_97] : memref<200192x16xf32, #tpu.memory_space<hbm>> -> memref<200192x16xf32, #tpu.memory_space<hbm>>
      tpu.wait_indirect_dma semaphore(%arg13 : memref<!tpu.dma_semaphore, #tpu.memory_space<semaphore_mem>>) src(%dma_wait3A_98 : memref<200192x16xf32, #tpu.memory_space<hbm>>) dst(%arg8 : memref<800x16xf32, #tpu.memory_space<vmem>>)
      %dma_start3A_99 = arith.constant 0 : i32
      %dma_start3A_100 = arith.constant 0 : i32
      %dma_start3A_101 = tpu.memref_slice %arg2[%dma_start3A_99, %dma_start3A_100] : memref<200192x16xf32, #tpu.memory_space<hbm>> -> memref<200192x16xf32, #tpu.memory_space<hbm>>
      tpu.enqueue_indirect_dma source(%dma_start3A_101 : memref<200192x16xf32, #tpu.memory_space<hbm>>) target(%arg11 : memref<800x16xf32, #tpu.memory_space<vmem>>) offsets(%arg9 : memref<800xi32, #tpu.memory_space<vmem>>) semaphore(%arg13 : memref<!tpu.dma_semaphore, #tpu.memory_space<semaphore_mem>>)
      "tpu.region"() ({
        %run_scoped3A = tpu.sem_alloc : memref<!tpu.dma_semaphore, #tpu.memory_space<semaphore_mem>>
        %dma_start3A_122 = arith.constant 0 : i32
        %dma_start3A_123 = arith.constant 0 : i32
        %dma_start3A_124 = tpu.memref_slice %arg12[%dma_start3A_122, %dma_start3A_123] : memref<100096x16xf32, #tpu.memory_space<vmem_shared>> -> memref<100096x16xf32, #tpu.memory_space<vmem_shared>>
        tpu.enqueue_indirect_dma source(%arg8 : memref<800x16xf32, #tpu.memory_space<vmem>>) target(%dma_start3A_124 : memref<100096x16xf32, #tpu.memory_space<vmem_shared>>) offsets(%arg7 : memref<800xi32, #tpu.memory_space<vmem>>) semaphore(%run_scoped3A : memref<!tpu.dma_semaphore, #tpu.memory_space<semaphore_mem>>) {add = true}
        %dma_wait3A_125 = arith.constant 0 : i32
        %dma_wait3A_126 = arith.constant 0 : i32
        %dma_wait3A_127 = tpu.memref_slice %arg12[%dma_wait3A_125, %dma_wait3A_126] : memref<100096x16xf32, #tpu.memory_space<vmem_shared>> -> memref<100096x16xf32, #tpu.memory_space<vmem_shared>>
        tpu.wait_indirect_dma semaphore(%run_scoped3A : memref<!tpu.dma_semaphore, #tpu.memory_space<semaphore_mem>>) src(%arg8 : memref<800x16xf32, #tpu.memory_space<vmem>>) dst(%dma_wait3A_127 : memref<100096x16xf32, #tpu.memory_space<vmem_shared>>)
        tpu.yield
      }) : () -> ()
      %add3A_102 = arith.constant 2 : i32
      %add3A_103 = arith.addi %mul3A_81, %add3A_102 : i32
      %mul3A_104 = arith.constant 100000 : i32
      %mul3A_105 = arith.muli %arg1, %mul3A_104 : i32
      %mul3A_106 = arith.constant 800 : i32
      %mul3A_107 = arith.muli %add3A_103, %mul3A_106 : i32
      %add3A_108 = arith.addi %mul3A_105, %mul3A_107 : i32
      %multiple_of3A_109 = tpu.assume_multiple %add3A_108, 8 : i32
      "tpu.region"() ({
        %run_scoped3A = tpu.sem_alloc : memref<!tpu.dma_semaphore, #tpu.memory_space<semaphore_mem>>
        %dma_start3A_122 = tpu.memref_slice %arg3[%multiple_of3A_109] : memref<1600000xi32, #tpu.memory_space<hbm>> -> memref<800xi32, #tpu.memory_space<hbm>>
        %dma_start3A_123 = tpu.memref_slice %arg3[%multiple_of3A_109] : memref<1600000xi32, #tpu.memory_space<hbm>> -> memref<800xi32, #tpu.memory_space<hbm>>
        tpu.enqueue_dma source(%dma_start3A_123 : memref<800xi32, #tpu.memory_space<hbm>>) target(%arg6 : memref<800xi32, #tpu.memory_space<vmem>>) target_semaphore(%run_scoped3A : memref<!tpu.dma_semaphore, #tpu.memory_space<semaphore_mem>>)
        %dma_wait3A_124 = tpu.memref_slice %arg3[%multiple_of3A_109] : memref<1600000xi32, #tpu.memory_space<hbm>> -> memref<800xi32, #tpu.memory_space<hbm>>
        %dma_wait3A_125 = tpu.memref_slice %arg3[%multiple_of3A_109] : memref<1600000xi32, #tpu.memory_space<hbm>> -> memref<800xi32, #tpu.memory_space<hbm>>
        tpu.wait_dma2 semaphore(%run_scoped3A : memref<!tpu.dma_semaphore, #tpu.memory_space<semaphore_mem>>) src(%dma_wait3A_125 : memref<800xi32, #tpu.memory_space<hbm>>) dst(%arg6 : memref<800xi32, #tpu.memory_space<vmem>>)
        tpu.yield
      }) : () -> ()
      "tpu.region"() ({
        %run_scoped3A = tpu.sem_alloc : memref<!tpu.dma_semaphore, #tpu.memory_space<semaphore_mem>>
        %dma_start3A_122 = tpu.memref_slice %arg4[%multiple_of3A_109] : memref<1600000xi32, #tpu.memory_space<hbm>> -> memref<800xi32, #tpu.memory_space<hbm>>
        %dma_start3A_123 = tpu.memref_slice %arg4[%multiple_of3A_109] : memref<1600000xi32, #tpu.memory_space<hbm>> -> memref<800xi32, #tpu.memory_space<hbm>>
        tpu.enqueue_dma source(%dma_start3A_123 : memref<800xi32, #tpu.memory_space<hbm>>) target(%arg7 : memref<800xi32, #tpu.memory_space<vmem>>) target_semaphore(%run_scoped3A : memref<!tpu.dma_semaphore, #tpu.memory_space<semaphore_mem>>)
        %dma_wait3A_124 = tpu.memref_slice %arg4[%multiple_of3A_109] : memref<1600000xi32, #tpu.memory_space<hbm>> -> memref<800xi32, #tpu.memory_space<hbm>>
        %dma_wait3A_125 = tpu.memref_slice %arg4[%multiple_of3A_109] : memref<1600000xi32, #tpu.memory_space<hbm>> -> memref<800xi32, #tpu.memory_space<hbm>>
        tpu.wait_dma2 semaphore(%run_scoped3A : memref<!tpu.dma_semaphore, #tpu.memory_space<semaphore_mem>>) src(%dma_wait3A_125 : memref<800xi32, #tpu.memory_space<hbm>>) dst(%arg7 : memref<800xi32, #tpu.memory_space<vmem>>)
        tpu.yield
      }) : () -> ()
      %scan3A_110 = arith.constant 0 : i32
      %scan3A_111 = arith.constant 0 : i32
      %scan3A_112 = arith.constant 50 : i32
      %scan3A_113 = arith.addi %scan3A_111, %scan3A_112 : i32
      %scan3A_114 = arith.constant 1 : i32
      scf.for %scan3A_122 = %scan3A_111 to %scan3A_113 step %scan3A_114  : i32 {
        %mul3A_123 = arith.constant 16 : i32
        %mul3A_124 = arith.muli %scan3A_122, %mul3A_123 : i32
        %get3A = arith.index_cast %mul3A_124 : i32 to index
        %get3A_125 = tpu.vector_load %arg6[%get3A] {strides = array<i32>} : memref<800xi32, #tpu.memory_space<vmem>>, vector<16xi32>,
        %get3A_126 = vector.shape_cast %get3A_125 : vector<16xi32> to vector<16xi32>
        %add3A_127 = arith.addi %get3A_126, %get3A_126 : vector<16xi32>
        %add3A_128 = vector.broadcast %arg0 : i32 to vector<16xi32>
        %add3A_129 = arith.addi %add3A_127, %add3A_128 : vector<16xi32>
        %mul3A_130 = arith.constant 16 : i32
        %mul3A_131 = arith.muli %scan3A_122, %mul3A_130 : i32
        %swap3A = arith.index_cast %mul3A_131 : i32 to index
        %swap3A_132 = tpu.vector_load %arg6[%swap3A] {strides = array<i32>} : memref<800xi32, #tpu.memory_space<vmem>>, vector<16xi32>,
        %swap3A_133 = vector.shape_cast %swap3A_132 : vector<16xi32> to vector<16xi32>
        %swap3A_134 = vector.shape_cast %add3A_129 : vector<16xi32> to vector<16xi32>
        tpu.vector_store %arg6[%swap3A], %swap3A_134 {strides = array<i32>} : memref<800xi32, #tpu.memory_space<vmem>>, vector<16xi32>,
      }
      %scan3A_115 = arith.constant 50 : i32
      %dma_wait3A_116 = arith.constant 0 : i32
      %dma_wait3A_117 = arith.constant 0 : i32
      %dma_wait3A_118 = tpu.memref_slice %arg2[%dma_wait3A_116, %dma_wait3A_117] : memref<200192x16xf32, #tpu.memory_space<hbm>> -> memref<200192x16xf32, #tpu.memory_space<hbm>>
      tpu.wait_indirect_dma semaphore(%arg13 : memref<!tpu.dma_semaphore, #tpu.memory_space<semaphore_mem>>) src(%dma_wait3A_118 : memref<200192x16xf32, #tpu.memory_space<hbm>>) dst(%arg11 : memref<800x16xf32, #tpu.memory_space<vmem>>)
      %dma_start3A_119 = arith.constant 0 : i32
      %dma_start3A_120 = arith.constant 0 : i32
      %dma_start3A_121 = tpu.memref_slice %arg2[%dma_start3A_119, %dma_start3A_120] : memref<200192x16xf32, #tpu.memory_space<hbm>> -> memref<200192x16xf32, #tpu.memory_space<hbm>>
      tpu.enqueue_indirect_dma source(%dma_start3A_121 : memref<200192x16xf32, #tpu.memory_space<hbm>>) target(%arg8 : memref<800x16xf32, #tpu.memory_space<vmem>>) offsets(%arg6 : memref<800xi32, #tpu.memory_space<vmem>>) semaphore(%arg13 : memref<!tpu.dma_semaphore, #tpu.memory_space<semaphore_mem>>)
      "tpu.region"() ({
        %run_scoped3A = tpu.sem_alloc : memref<!tpu.dma_semaphore, #tpu.memory_space<semaphore_mem>>
        %dma_start3A_122 = arith.constant 0 : i32
        %dma_start3A_123 = arith.constant 0 : i32
        %dma_start3A_124 = tpu.memref_slice %arg12[%dma_start3A_122, %dma_start3A_123] : memref<100096x16xf32, #tpu.memory_space<vmem_shared>> -> memref<100096x16xf32, #tpu.memory_space<vmem_shared>>
        tpu.enqueue_indirect_dma source(%arg11 : memref<800x16xf32, #tpu.memory_space<vmem>>) target(%dma_start3A_124 : memref<100096x16xf32, #tpu.memory_space<vmem_shared>>) offsets(%arg10 : memref<800xi32, #tpu.memory_space<vmem>>) semaphore(%run_scoped3A : memref<!tpu.dma_semaphore, #tpu.memory_space<semaphore_mem>>) {add = true}
        %dma_wait3A_125 = arith.constant 0 : i32
        %dma_wait3A_126 = arith.constant 0 : i32
        %dma_wait3A_127 = tpu.memref_slice %arg12[%dma_wait3A_125, %dma_wait3A_126] : memref<100096x16xf32, #tpu.memory_space<vmem_shared>> -> memref<100096x16xf32, #tpu.memory_space<vmem_shared>>
        tpu.wait_indirect_dma semaphore(%run_scoped3A : memref<!tpu.dma_semaphore, #tpu.memory_space<semaphore_mem>>) src(%arg11 : memref<800x16xf32, #tpu.memory_space<vmem>>) dst(%dma_wait3A_127 : memref<100096x16xf32, #tpu.memory_space<vmem_shared>>)
        tpu.yield
      }) : () -> ()
    }
    %scan3A_40 = arith.constant 62 : i32
    %dma_wait3A = arith.constant 0 : i32
    %dma_wait3A_41 = arith.constant 0 : i32
    %dma_wait3A_42 = tpu.memref_slice %arg2[%dma_wait3A, %dma_wait3A_41] : memref<200192x16xf32, #tpu.memory_space<hbm>> -> memref<200192x16xf32, #tpu.memory_space<hbm>>
    tpu.wait_indirect_dma semaphore(%arg13 : memref<!tpu.dma_semaphore, #tpu.memory_space<semaphore_mem>>) src(%dma_wait3A_42 : memref<200192x16xf32, #tpu.memory_space<hbm>>) dst(%arg8 : memref<800x16xf32, #tpu.memory_space<vmem>>)
    "tpu.region"() ({
      %run_scoped3A = tpu.sem_alloc : memref<!tpu.dma_semaphore, #tpu.memory_space<semaphore_mem>>
      %dma_start3A_79 = arith.constant 0 : i32
      %dma_start3A_80 = arith.constant 0 : i32
      %dma_start3A_81 = tpu.memref_slice %arg12[%dma_start3A_79, %dma_start3A_80] : memref<100096x16xf32, #tpu.memory_space<vmem_shared>> -> memref<100096x16xf32, #tpu.memory_space<vmem_shared>>
      tpu.enqueue_indirect_dma source(%arg8 : memref<800x16xf32, #tpu.memory_space<vmem>>) target(%dma_start3A_81 : memref<100096x16xf32, #tpu.memory_space<vmem_shared>>) offsets(%arg7 : memref<800xi32, #tpu.memory_space<vmem>>) semaphore(%run_scoped3A : memref<!tpu.dma_semaphore, #tpu.memory_space<semaphore_mem>>) {add = true}
      %dma_wait3A_82 = arith.constant 0 : i32
      %dma_wait3A_83 = arith.constant 0 : i32
      %dma_wait3A_84 = tpu.memref_slice %arg12[%dma_wait3A_82, %dma_wait3A_83] : memref<100096x16xf32, #tpu.memory_space<vmem_shared>> -> memref<100096x16xf32, #tpu.memory_space<vmem_shared>>
      tpu.wait_indirect_dma semaphore(%run_scoped3A : memref<!tpu.dma_semaphore, #tpu.memory_space<semaphore_mem>>) src(%arg8 : memref<800x16xf32, #tpu.memory_space<vmem>>) dst(%dma_wait3A_84 : memref<100096x16xf32, #tpu.memory_space<vmem_shared>>)
      tpu.yield
    }) : () -> ()
    %barrier3A_43 = arith.constant 0 : index
    tpu.barrier barrier_id(%barrier3A_43)
    %mul3A_44 = arith.constant 16 : i32
    %mul3A_45 = arith.muli %arg0, %mul3A_44 : i32
    %multiple_of3A_46 = tpu.assume_multiple %mul3A_45, 8 : i32
    %add3A_47 = arith.constant 0 : i32
    %add3A_48 = arith.addi %multiple_of3A, %add3A_47 : i32
    "tpu.region"() ({
      %run_scoped3A = tpu.sem_alloc : memref<!tpu.dma_semaphore, #tpu.memory_space<semaphore_mem>>
      %dma_start3A_79 = arith.constant 0 : i32
      %dma_start3A_80 = tpu.memref_slice %arg12[%add3A_48, %dma_start3A_79] : memref<100096x16xf32, #tpu.memory_space<vmem_shared>> -> memref<800x16xf32, #tpu.memory_space<vmem_shared>>
      %dma_start3A_81 = arith.constant 0 : i32
      %dma_start3A_82 = tpu.memref_slice %arg12[%add3A_48, %dma_start3A_81] : memref<100096x16xf32, #tpu.memory_space<vmem_shared>> -> memref<800x16xf32, #tpu.memory_space<vmem_shared>>
      tpu.enqueue_dma source(%dma_start3A_82 : memref<800x16xf32, #tpu.memory_space<vmem_shared>>) target(%arg8 : memref<800x16xf32, #tpu.memory_space<vmem>>) target_semaphore(%run_scoped3A : memref<!tpu.dma_semaphore, #tpu.memory_space<semaphore_mem>>)
      %dma_wait3A_83 = arith.constant 0 : i32
      %dma_wait3A_84 = tpu.memref_slice %arg12[%add3A_48, %dma_wait3A_83] : memref<100096x16xf32, #tpu.memory_space<vmem_shared>> -> memref<800x16xf32, #tpu.memory_space<vmem_shared>>
      %dma_wait3A_85 = arith.constant 0 : i32
      %dma_wait3A_86 = tpu.memref_slice %arg12[%add3A_48, %dma_wait3A_85] : memref<100096x16xf32, #tpu.memory_space<vmem_shared>> -> memref<800x16xf32, #tpu.memory_space<vmem_shared>>
      tpu.wait_dma2 semaphore(%run_scoped3A : memref<!tpu.dma_semaphore, #tpu.memory_space<semaphore_mem>>) src(%dma_wait3A_86 : memref<800x16xf32, #tpu.memory_space<vmem_shared>>) dst(%arg8 : memref<800x16xf32, #tpu.memory_space<vmem>>)
      tpu.yield
    }) : () -> ()
    %add3A_49 = arith.constant 0 : i32
    %add3A_50 = arith.addi %multiple_of3A, %add3A_49 : i32
    "tpu.region"() ({
      %run_scoped3A = tpu.sem_alloc : memref<!tpu.dma_semaphore, #tpu.memory_space<semaphore_mem>>
      %dma_start3A_79 = tpu.memref_slice %arg5[%add3A_50, %multiple_of3A_46] : memref<100096x32xf32, #tpu.memory_space<hbm>> -> memref<800x16xf32, #tpu.memory_space<hbm>>
      %dma_start3A_80 = tpu.memref_slice %arg5[%add3A_50, %multiple_of3A_46] : memref<100096x32xf32, #tpu.memory_space<hbm>> -> memref<800x16xf32, #tpu.memory_space<hbm>>
      tpu.enqueue_dma source(%arg8 : memref<800x16xf32, #tpu.memory_space<vmem>>) target(%dma_start3A_80 : memref<800x16xf32, #tpu.memory_space<hbm>>) target_semaphore(%run_scoped3A : memref<!tpu.dma_semaphore, #tpu.memory_space<semaphore_mem>>)
      %dma_wait3A_81 = tpu.memref_slice %arg5[%add3A_50, %multiple_of3A_46] : memref<100096x32xf32, #tpu.memory_space<hbm>> -> memref<800x16xf32, #tpu.memory_space<hbm>>
      %dma_wait3A_82 = tpu.memref_slice %arg5[%add3A_50, %multiple_of3A_46] : memref<100096x32xf32, #tpu.memory_space<hbm>> -> memref<800x16xf32, #tpu.memory_space<hbm>>
      tpu.wait_dma2 semaphore(%run_scoped3A : memref<!tpu.dma_semaphore, #tpu.memory_space<semaphore_mem>>) src(%arg8 : memref<800x16xf32, #tpu.memory_space<vmem>>) dst(%dma_wait3A_82 : memref<800x16xf32, #tpu.memory_space<hbm>>)
      tpu.yield
    }) : () -> ()
    %add3A_51 = arith.constant 800 : i32
    %add3A_52 = arith.addi %multiple_of3A, %add3A_51 : i32
    "tpu.region"() ({
      %run_scoped3A = tpu.sem_alloc : memref<!tpu.dma_semaphore, #tpu.memory_space<semaphore_mem>>
      %dma_start3A_79 = arith.constant 0 : i32
      %dma_start3A_80 = tpu.memref_slice %arg12[%add3A_52, %dma_start3A_79] : memref<100096x16xf32, #tpu.memory_space<vmem_shared>> -> memref<800x16xf32, #tpu.memory_space<vmem_shared>>
      %dma_start3A_81 = arith.constant 0 : i32
      %dma_start3A_82 = tpu.memref_slice %arg12[%add3A_52, %dma_start3A_81] : memref<100096x16xf32, #tpu.memory_space<vmem_shared>> -> memref<800x16xf32, #tpu.memory_space<vmem_shared>>
      tpu.enqueue_dma source(%dma_start3A_82 : memref<800x16xf32, #tpu.memory_space<vmem_shared>>) target(%arg8 : memref<800x16xf32, #tpu.memory_space<vmem>>) target_semaphore(%run_scoped3A : memref<!tpu.dma_semaphore, #tpu.memory_space<semaphore_mem>>)
      %dma_wait3A_83 = arith.constant 0 : i32
      %dma_wait3A_84 = tpu.memref_slice %arg12[%add3A_52, %dma_wait3A_83] : memref<100096x16xf32, #tpu.memory_space<vmem_shared>> -> memref<800x16xf32, #tpu.memory_space<vmem_shared>>
      %dma_wait3A_85 = arith.constant 0 : i32
      %dma_wait3A_86 = tpu.memref_slice %arg12[%add3A_52, %dma_wait3A_85] : memref<100096x16xf32, #tpu.memory_space<vmem_shared>> -> memref<800x16xf32, #tpu.memory_space<vmem_shared>>
      tpu.wait_dma2 semaphore(%run_scoped3A : memref<!tpu.dma_semaphore, #tpu.memory_space<semaphore_mem>>) src(%dma_wait3A_86 : memref<800x16xf32, #tpu.memory_space<vmem_shared>>) dst(%arg8 : memref<800x16xf32, #tpu.memory_space<vmem>>)
      tpu.yield
    }) : () -> ()
    %add3A_53 = arith.constant 800 : i32
    %add3A_54 = arith.addi %multiple_of3A, %add3A_53 : i32
    "tpu.region"() ({
      %run_scoped3A = tpu.sem_alloc : memref<!tpu.dma_semaphore, #tpu.memory_space<semaphore_mem>>
      %dma_start3A_79 = tpu.memref_slice %arg5[%add3A_54, %multiple_of3A_46] : memref<100096x32xf32, #tpu.memory_space<hbm>> -> memref<800x16xf32, #tpu.memory_space<hbm>>
      %dma_start3A_80 = tpu.memref_slice %arg5[%add3A_54, %multiple_of3A_46] : memref<100096x32xf32, #tpu.memory_space<hbm>> -> memref<800x16xf32, #tpu.memory_space<hbm>>
      tpu.enqueue_dma source(%arg8 : memref<800x16xf32, #tpu.memory_space<vmem>>) target(%dma_start3A_80 : memref<800x16xf32, #tpu.memory_space<hbm>>) target_semaphore(%run_scoped3A : memref<!tpu.dma_semaphore, #tpu.memory_space<semaphore_mem>>)
      %dma_wait3A_81 = tpu.memref_slice %arg5[%add3A_54, %multiple_of3A_46] : memref<100096x32xf32, #tpu.memory_space<hbm>> -> memref<800x16xf32, #tpu.memory_space<hbm>>
      %dma_wait3A_82 = tpu.memref_slice %arg5[%add3A_54, %multiple_of3A_46] : memref<100096x32xf32, #tpu.memory_space<hbm>> -> memref<800x16xf32, #tpu.memory_space<hbm>>
      tpu.wait_dma2 semaphore(%run_scoped3A : memref<!tpu.dma_semaphore, #tpu.memory_space<semaphore_mem>>) src(%arg8 : memref<800x16xf32, #tpu.memory_space<vmem>>) dst(%dma_wait3A_82 : memref<800x16xf32, #tpu.memory_space<hbm>>)
      tpu.yield
    }) : () -> ()
    %add3A_55 = arith.constant 1600 : i32
    %add3A_56 = arith.addi %multiple_of3A, %add3A_55 : i32
    "tpu.region"() ({
      %run_scoped3A = tpu.sem_alloc : memref<!tpu.dma_semaphore, #tpu.memory_space<semaphore_mem>>
      %dma_start3A_79 = arith.constant 0 : i32
      %dma_start3A_80 = tpu.memref_slice %arg12[%add3A_56, %dma_start3A_79] : memref<100096x16xf32, #tpu.memory_space<vmem_shared>> -> memref<800x16xf32, #tpu.memory_space<vmem_shared>>
      %dma_start3A_81 = arith.constant 0 : i32
      %dma_start3A_82 = tpu.memref_slice %arg12[%add3A_56, %dma_start3A_81] : memref<100096x16xf32, #tpu.memory_space<vmem_shared>> -> memref<800x16xf32, #tpu.memory_space<vmem_shared>>
      tpu.enqueue_dma source(%dma_start3A_82 : memref<800x16xf32, #tpu.memory_space<vmem_shared>>) target(%arg8 : memref<800x16xf32, #tpu.memory_space<vmem>>) target_semaphore(%run_scoped3A : memref<!tpu.dma_semaphore, #tpu.memory_space<semaphore_mem>>)
      %dma_wait3A_83 = arith.constant 0 : i32
      %dma_wait3A_84 = tpu.memref_slice %arg12[%add3A_56, %dma_wait3A_83] : memref<100096x16xf32, #tpu.memory_space<vmem_shared>> -> memref<800x16xf32, #tpu.memory_space<vmem_shared>>
      %dma_wait3A_85 = arith.constant 0 : i32
      %dma_wait3A_86 = tpu.memref_slice %arg12[%add3A_56, %dma_wait3A_85] : memref<100096x16xf32, #tpu.memory_space<vmem_shared>> -> memref<800x16xf32, #tpu.memory_space<vmem_shared>>
      tpu.wait_dma2 semaphore(%run_scoped3A : memref<!tpu.dma_semaphore, #tpu.memory_space<semaphore_mem>>) src(%dma_wait3A_86 : memref<800x16xf32, #tpu.memory_space<vmem_shared>>) dst(%arg8 : memref<800x16xf32, #tpu.memory_space<vmem>>)
      tpu.yield
    }) : () -> ()
    %add3A_57 = arith.constant 1600 : i32
    %add3A_58 = arith.addi %multiple_of3A, %add3A_57 : i32
    "tpu.region"() ({
      %run_scoped3A = tpu.sem_alloc : memref<!tpu.dma_semaphore, #tpu.memory_space<semaphore_mem>>
      %dma_start3A_79 = tpu.memref_slice %arg5[%add3A_58, %multiple_of3A_46] : memref<100096x32xf32, #tpu.memory_space<hbm>> -> memref<800x16xf32, #tpu.memory_space<hbm>>
      %dma_start3A_80 = tpu.memref_slice %arg5[%add3A_58, %multiple_of3A_46] : memref<100096x32xf32, #tpu.memory_space<hbm>> -> memref<800x16xf32, #tpu.memory_space<hbm>>
      tpu.enqueue_dma source(%arg8 : memref<800x16xf32, #tpu.memory_space<vmem>>) target(%dma_start3A_80 : memref<800x16xf32, #tpu.memory_space<hbm>>) target_semaphore(%run_scoped3A : memref<!tpu.dma_semaphore, #tpu.memory_space<semaphore_mem>>)
      %dma_wait3A_81 = tpu.memref_slice %arg5[%add3A_58, %multiple_of3A_46] : memref<100096x32xf32, #tpu.memory_space<hbm>> -> memref<800x16xf32, #tpu.memory_space<hbm>>
      %dma_wait3A_82 = tpu.memref_slice %arg5[%add3A_58, %multiple_of3A_46] : memref<100096x32xf32, #tpu.memory_space<hbm>> -> memref<800x16xf32, #tpu.memory_space<hbm>>
      tpu.wait_dma2 semaphore(%run_scoped3A : memref<!tpu.dma_semaphore, #tpu.memory_space<semaphore_mem>>) src(%arg8 : memref<800x16xf32, #tpu.memory_space<vmem>>) dst(%dma_wait3A_82 : memref<800x16xf32, #tpu.memory_space<hbm>>)
      tpu.yield
    }) : () -> ()
    %add3A_59 = arith.constant 2400 : i32
    %add3A_60 = arith.addi %multiple_of3A, %add3A_59 : i32
    "tpu.region"() ({
      %run_scoped3A = tpu.sem_alloc : memref<!tpu.dma_semaphore, #tpu.memory_space<semaphore_mem>>
      %dma_start3A_79 = arith.constant 0 : i32
      %dma_start3A_80 = tpu.memref_slice %arg12[%add3A_60, %dma_start3A_79] : memref<100096x16xf32, #tpu.memory_space<vmem_shared>> -> memref<800x16xf32, #tpu.memory_space<vmem_shared>>
      %dma_start3A_81 = arith.constant 0 : i32
      %dma_start3A_82 = tpu.memref_slice %arg12[%add3A_60, %dma_start3A_81] : memref<100096x16xf32, #tpu.memory_space<vmem_shared>> -> memref<800x16xf32, #tpu.memory_space<vmem_shared>>
      tpu.enqueue_dma source(%dma_start3A_82 : memref<800x16xf32, #tpu.memory_space<vmem_shared>>) target(%arg8 : memref<800x16xf32, #tpu.memory_space<vmem>>) target_semaphore(%run_scoped3A : memref<!tpu.dma_semaphore, #tpu.memory_space<semaphore_mem>>)
      %dma_wait3A_83 = arith.constant 0 : i32
      %dma_wait3A_84 = tpu.memref_slice %arg12[%add3A_60, %dma_wait3A_83] : memref<100096x16xf32, #tpu.memory_space<vmem_shared>> -> memref<800x16xf32, #tpu.memory_space<vmem_shared>>
      %dma_wait3A_85 = arith.constant 0 : i32
      %dma_wait3A_86 = tpu.memref_slice %arg12[%add3A_60, %dma_wait3A_85] : memref<100096x16xf32, #tpu.memory_space<vmem_shared>> -> memref<800x16xf32, #tpu.memory_space<vmem_shared>>
      tpu.wait_dma2 semaphore(%run_scoped3A : memref<!tpu.dma_semaphore, #tpu.memory_space<semaphore_mem>>) src(%dma_wait3A_86 : memref<800x16xf32, #tpu.memory_space<vmem_shared>>) dst(%arg8 : memref<800x16xf32, #tpu.memory_space<vmem>>)
      tpu.yield
    }) : () -> ()
    %add3A_61 = arith.constant 2400 : i32
    %add3A_62 = arith.addi %multiple_of3A, %add3A_61 : i32
    "tpu.region"() ({
      %run_scoped3A = tpu.sem_alloc : memref<!tpu.dma_semaphore, #tpu.memory_space<semaphore_mem>>
      %dma_start3A_79 = tpu.memref_slice %arg5[%add3A_62, %multiple_of3A_46] : memref<100096x32xf32, #tpu.memory_space<hbm>> -> memref<800x16xf32, #tpu.memory_space<hbm>>
      %dma_start3A_80 = tpu.memref_slice %arg5[%add3A_62, %multiple_of3A_46] : memref<100096x32xf32, #tpu.memory_space<hbm>> -> memref<800x16xf32, #tpu.memory_space<hbm>>
      tpu.enqueue_dma source(%arg8 : memref<800x16xf32, #tpu.memory_space<vmem>>) target(%dma_start3A_80 : memref<800x16xf32, #tpu.memory_space<hbm>>) target_semaphore(%run_scoped3A : memref<!tpu.dma_semaphore, #tpu.memory_space<semaphore_mem>>)
      %dma_wait3A_81 = tpu.memref_slice %arg5[%add3A_62, %multiple_of3A_46] : memref<100096x32xf32, #tpu.memory_space<hbm>> -> memref<800x16xf32, #tpu.memory_space<hbm>>
      %dma_wait3A_82 = tpu.memref_slice %arg5[%add3A_62, %multiple_of3A_46] : memref<100096x32xf32, #tpu.memory_space<hbm>> -> memref<800x16xf32, #tpu.memory_space<hbm>>
      tpu.wait_dma2 semaphore(%run_scoped3A : memref<!tpu.dma_semaphore, #tpu.memory_space<semaphore_mem>>) src(%arg8 : memref<800x16xf32, #tpu.memory_space<vmem>>) dst(%dma_wait3A_82 : memref<800x16xf32, #tpu.memory_space<hbm>>)
      tpu.yield
    }) : () -> ()
    %add3A_63 = arith.constant 3200 : i32
    %add3A_64 = arith.addi %multiple_of3A, %add3A_63 : i32
    "tpu.region"() ({
      %run_scoped3A = tpu.sem_alloc : memref<!tpu.dma_semaphore, #tpu.memory_space<semaphore_mem>>
      %dma_start3A_79 = arith.constant 0 : i32
      %dma_start3A_80 = tpu.memref_slice %arg12[%add3A_64, %dma_start3A_79] : memref<100096x16xf32, #tpu.memory_space<vmem_shared>> -> memref<800x16xf32, #tpu.memory_space<vmem_shared>>
      %dma_start3A_81 = arith.constant 0 : i32
      %dma_start3A_82 = tpu.memref_slice %arg12[%add3A_64, %dma_start3A_81] : memref<100096x16xf32, #tpu.memory_space<vmem_shared>> -> memref<800x16xf32, #tpu.memory_space<vmem_shared>>
      tpu.enqueue_dma source(%dma_start3A_82 : memref<800x16xf32, #tpu.memory_space<vmem_shared>>) target(%arg8 : memref<800x16xf32, #tpu.memory_space<vmem>>) target_semaphore(%run_scoped3A : memref<!tpu.dma_semaphore, #tpu.memory_space<semaphore_mem>>)
      %dma_wait3A_83 = arith.constant 0 : i32
      %dma_wait3A_84 = tpu.memref_slice %arg12[%add3A_64, %dma_wait3A_83] : memref<100096x16xf32, #tpu.memory_space<vmem_shared>> -> memref<800x16xf32, #tpu.memory_space<vmem_shared>>
      %dma_wait3A_85 = arith.constant 0 : i32
      %dma_wait3A_86 = tpu.memref_slice %arg12[%add3A_64, %dma_wait3A_85] : memref<100096x16xf32, #tpu.memory_space<vmem_shared>> -> memref<800x16xf32, #tpu.memory_space<vmem_shared>>
      tpu.wait_dma2 semaphore(%run_scoped3A : memref<!tpu.dma_semaphore, #tpu.memory_space<semaphore_mem>>) src(%dma_wait3A_86 : memref<800x16xf32, #tpu.memory_space<vmem_shared>>) dst(%arg8 : memref<800x16xf32, #tpu.memory_space<vmem>>)
      tpu.yield
    }) : () -> ()
    %add3A_65 = arith.constant 3200 : i32
    %add3A_66 = arith.addi %multiple_of3A, %add3A_65 : i32
    "tpu.region"() ({
      %run_scoped3A = tpu.sem_alloc : memref<!tpu.dma_semaphore, #tpu.memory_space<semaphore_mem>>
      %dma_start3A_79 = tpu.memref_slice %arg5[%add3A_66, %multiple_of3A_46] : memref<100096x32xf32, #tpu.memory_space<hbm>> -> memref<800x16xf32, #tpu.memory_space<hbm>>
      %dma_start3A_80 = tpu.memref_slice %arg5[%add3A_66, %multiple_of3A_46] : memref<100096x32xf32, #tpu.memory_space<hbm>> -> memref<800x16xf32, #tpu.memory_space<hbm>>
      tpu.enqueue_dma source(%arg8 : memref<800x16xf32, #tpu.memory_space<vmem>>) target(%dma_start3A_80 : memref<800x16xf32, #tpu.memory_space<hbm>>) target_semaphore(%run_scoped3A : memref<!tpu.dma_semaphore, #tpu.memory_space<semaphore_mem>>)
      %dma_wait3A_81 = tpu.memref_slice %arg5[%add3A_66, %multiple_of3A_46] : memref<100096x32xf32, #tpu.memory_space<hbm>> -> memref<800x16xf32, #tpu.memory_space<hbm>>
      %dma_wait3A_82 = tpu.memref_slice %arg5[%add3A_66, %multiple_of3A_46] : memref<100096x32xf32, #tpu.memory_space<hbm>> -> memref<800x16xf32, #tpu.memory_space<hbm>>
      tpu.wait_dma2 semaphore(%run_scoped3A : memref<!tpu.dma_semaphore, #tpu.memory_space<semaphore_mem>>) src(%arg8 : memref<800x16xf32, #tpu.memory_space<vmem>>) dst(%dma_wait3A_82 : memref<800x16xf32, #tpu.memory_space<hbm>>)
      tpu.yield
    }) : () -> ()
    %add3A_67 = arith.constant 4000 : i32
    %add3A_68 = arith.addi %multiple_of3A, %add3A_67 : i32
    "tpu.region"() ({
      %run_scoped3A = tpu.sem_alloc : memref<!tpu.dma_semaphore, #tpu.memory_space<semaphore_mem>>
      %dma_start3A_79 = arith.constant 0 : i32
      %dma_start3A_80 = tpu.memref_slice %arg12[%add3A_68, %dma_start3A_79] : memref<100096x16xf32, #tpu.memory_space<vmem_shared>> -> memref<800x16xf32, #tpu.memory_space<vmem_shared>>
      %dma_start3A_81 = arith.constant 0 : i32
      %dma_start3A_82 = tpu.memref_slice %arg12[%add3A_68, %dma_start3A_81] : memref<100096x16xf32, #tpu.memory_space<vmem_shared>> -> memref<800x16xf32, #tpu.memory_space<vmem_shared>>
      tpu.enqueue_dma source(%dma_start3A_82 : memref<800x16xf32, #tpu.memory_space<vmem_shared>>) target(%arg8 : memref<800x16xf32, #tpu.memory_space<vmem>>) target_semaphore(%run_scoped3A : memref<!tpu.dma_semaphore, #tpu.memory_space<semaphore_mem>>)
      %dma_wait3A_83 = arith.constant 0 : i32
      %dma_wait3A_84 = tpu.memref_slice %arg12[%add3A_68, %dma_wait3A_83] : memref<100096x16xf32, #tpu.memory_space<vmem_shared>> -> memref<800x16xf32, #tpu.memory_space<vmem_shared>>
      %dma_wait3A_85 = arith.constant 0 : i32
      %dma_wait3A_86 = tpu.memref_slice %arg12[%add3A_68, %dma_wait3A_85] : memref<100096x16xf32, #tpu.memory_space<vmem_shared>> -> memref<800x16xf32, #tpu.memory_space<vmem_shared>>
      tpu.wait_dma2 semaphore(%run_scoped3A : memref<!tpu.dma_semaphore, #tpu.memory_space<semaphore_mem>>) src(%dma_wait3A_86 : memref<800x16xf32, #tpu.memory_space<vmem_shared>>) dst(%arg8 : memref<800x16xf32, #tpu.memory_space<vmem>>)
      tpu.yield
    }) : () -> ()
    %add3A_69 = arith.constant 4000 : i32
    %add3A_70 = arith.addi %multiple_of3A, %add3A_69 : i32
    "tpu.region"() ({
      %run_scoped3A = tpu.sem_alloc : memref<!tpu.dma_semaphore, #tpu.memory_space<semaphore_mem>>
      %dma_start3A_79 = tpu.memref_slice %arg5[%add3A_70, %multiple_of3A_46] : memref<100096x32xf32, #tpu.memory_space<hbm>> -> memref<800x16xf32, #tpu.memory_space<hbm>>
      %dma_start3A_80 = tpu.memref_slice %arg5[%add3A_70, %multiple_of3A_46] : memref<100096x32xf32, #tpu.memory_space<hbm>> -> memref<800x16xf32, #tpu.memory_space<hbm>>
      tpu.enqueue_dma source(%arg8 : memref<800x16xf32, #tpu.memory_space<vmem>>) target(%dma_start3A_80 : memref<800x16xf32, #tpu.memory_space<hbm>>) target_semaphore(%run_scoped3A : memref<!tpu.dma_semaphore, #tpu.memory_space<semaphore_mem>>)
      %dma_wait3A_81 = tpu.memref_slice %arg5[%add3A_70, %multiple_of3A_46] : memref<100096x32xf32, #tpu.memory_space<hbm>> -> memref<800x16xf32, #tpu.memory_space<hbm>>
      %dma_wait3A_82 = tpu.memref_slice %arg5[%add3A_70, %multiple_of3A_46] : memref<100096x32xf32, #tpu.memory_space<hbm>> -> memref<800x16xf32, #tpu.memory_space<hbm>>
      tpu.wait_dma2 semaphore(%run_scoped3A : memref<!tpu.dma_semaphore, #tpu.memory_space<semaphore_mem>>) src(%arg8 : memref<800x16xf32, #tpu.memory_space<vmem>>) dst(%dma_wait3A_82 : memref<800x16xf32, #tpu.memory_space<hbm>>)
      tpu.yield
    }) : () -> ()
    %add3A_71 = arith.constant 4800 : i32
    %add3A_72 = arith.addi %multiple_of3A, %add3A_71 : i32
    "tpu.region"() ({
      %run_scoped3A = tpu.sem_alloc : memref<!tpu.dma_semaphore, #tpu.memory_space<semaphore_mem>>
      %dma_start3A_79 = arith.constant 0 : i32
      %dma_start3A_80 = tpu.memref_slice %arg12[%add3A_72, %dma_start3A_79] : memref<100096x16xf32, #tpu.memory_space<vmem_shared>> -> memref<800x16xf32, #tpu.memory_space<vmem_shared>>
      %dma_start3A_81 = arith.constant 0 : i32
      %dma_start3A_82 = tpu.memref_slice %arg12[%add3A_72, %dma_start3A_81] : memref<100096x16xf32, #tpu.memory_space<vmem_shared>> -> memref<800x16xf32, #tpu.memory_space<vmem_shared>>
      tpu.enqueue_dma source(%dma_start3A_82 : memref<800x16xf32, #tpu.memory_space<vmem_shared>>) target(%arg8 : memref<800x16xf32, #tpu.memory_space<vmem>>) target_semaphore(%run_scoped3A : memref<!tpu.dma_semaphore, #tpu.memory_space<semaphore_mem>>)
      %dma_wait3A_83 = arith.constant 0 : i32
      %dma_wait3A_84 = tpu.memref_slice %arg12[%add3A_72, %dma_wait3A_83] : memref<100096x16xf32, #tpu.memory_space<vmem_shared>> -> memref<800x16xf32, #tpu.memory_space<vmem_shared>>
      %dma_wait3A_85 = arith.constant 0 : i32
      %dma_wait3A_86 = tpu.memref_slice %arg12[%add3A_72, %dma_wait3A_85] : memref<100096x16xf32, #tpu.memory_space<vmem_shared>> -> memref<800x16xf32, #tpu.memory_space<vmem_shared>>
      tpu.wait_dma2 semaphore(%run_scoped3A : memref<!tpu.dma_semaphore, #tpu.memory_space<semaphore_mem>>) src(%dma_wait3A_86 : memref<800x16xf32, #tpu.memory_space<vmem_shared>>) dst(%arg8 : memref<800x16xf32, #tpu.memory_space<vmem>>)
      tpu.yield
    }) : () -> ()
    %add3A_73 = arith.constant 4800 : i32
    %add3A_74 = arith.addi %multiple_of3A, %add3A_73 : i32
    "tpu.region"() ({
      %run_scoped3A = tpu.sem_alloc : memref<!tpu.dma_semaphore, #tpu.memory_space<semaphore_mem>>
      %dma_start3A_79 = tpu.memref_slice %arg5[%add3A_74, %multiple_of3A_46] : memref<100096x32xf32, #tpu.memory_space<hbm>> -> memref<800x16xf32, #tpu.memory_space<hbm>>
      %dma_start3A_80 = tpu.memref_slice %arg5[%add3A_74, %multiple_of3A_46] : memref<100096x32xf32, #tpu.memory_space<hbm>> -> memref<800x16xf32, #tpu.memory_space<hbm>>
      tpu.enqueue_dma source(%arg8 : memref<800x16xf32, #tpu.memory_space<vmem>>) target(%dma_start3A_80 : memref<800x16xf32, #tpu.memory_space<hbm>>) target_semaphore(%run_scoped3A : memref<!tpu.dma_semaphore, #tpu.memory_space<semaphore_mem>>)
      %dma_wait3A_81 = tpu.memref_slice %arg5[%add3A_74, %multiple_of3A_46] : memref<100096x32xf32, #tpu.memory_space<hbm>> -> memref<800x16xf32, #tpu.memory_space<hbm>>
      %dma_wait3A_82 = tpu.memref_slice %arg5[%add3A_74, %multiple_of3A_46] : memref<100096x32xf32, #tpu.memory_space<hbm>> -> memref<800x16xf32, #tpu.memory_space<hbm>>
      tpu.wait_dma2 semaphore(%run_scoped3A : memref<!tpu.dma_semaphore, #tpu.memory_space<semaphore_mem>>) src(%arg8 : memref<800x16xf32, #tpu.memory_space<vmem>>) dst(%dma_wait3A_82 : memref<800x16xf32, #tpu.memory_space<hbm>>)
      tpu.yield
    }) : () -> ()
    %add3A_75 = arith.constant 5600 : i32
    %add3A_76 = arith.addi %multiple_of3A, %add3A_75 : i32
    "tpu.region"() ({
      %run_scoped3A = tpu.sem_alloc : memref<!tpu.dma_semaphore, #tpu.memory_space<semaphore_mem>>
      %dma_start3A_79 = arith.constant 0 : i32
      %dma_start3A_80 = arith.constant 0 : i32
      %dma_start3A_81 = tpu.memref_slice %arg8[%dma_start3A_79, %dma_start3A_80] : memref<800x16xf32, #tpu.memory_space<vmem>> -> memref<656x16xf32, #tpu.memory_space<vmem>>
      %dma_start3A_82 = arith.constant 0 : i32
      %dma_start3A_83 = tpu.memref_slice %arg12[%add3A_76, %dma_start3A_82] : memref<100096x16xf32, #tpu.memory_space<vmem_shared>> -> memref<656x16xf32, #tpu.memory_space<vmem_shared>>
      %dma_start3A_84 = arith.constant 0 : i32
      %dma_start3A_85 = arith.constant 0 : i32
      %dma_start3A_86 = tpu.memref_slice %arg8[%dma_start3A_84, %dma_start3A_85] : memref<800x16xf32, #tpu.memory_space<vmem>> -> memref<656x16xf32, #tpu.memory_space<vmem>>
      %dma_start3A_87 = arith.constant 0 : i32
      %dma_start3A_88 = tpu.memref_slice %arg12[%add3A_76, %dma_start3A_87] : memref<100096x16xf32, #tpu.memory_space<vmem_shared>> -> memref<656x16xf32, #tpu.memory_space<vmem_shared>>
      tpu.enqueue_dma source(%dma_start3A_88 : memref<656x16xf32, #tpu.memory_space<vmem_shared>>) target(%dma_start3A_86 : memref<656x16xf32, #tpu.memory_space<vmem>>) target_semaphore(%run_scoped3A : memref<!tpu.dma_semaphore, #tpu.memory_space<semaphore_mem>>)
      %dma_wait3A_89 = arith.constant 0 : i32
      %dma_wait3A_90 = arith.constant 0 : i32
      %dma_wait3A_91 = tpu.memref_slice %arg8[%dma_wait3A_89, %dma_wait3A_90] : memref<800x16xf32, #tpu.memory_space<vmem>> -> memref<656x16xf32, #tpu.memory_space<vmem>>
      %dma_wait3A_92 = arith.constant 0 : i32
      %dma_wait3A_93 = tpu.memref_slice %arg12[%add3A_76, %dma_wait3A_92] : memref<100096x16xf32, #tpu.memory_space<vmem_shared>> -> memref<656x16xf32, #tpu.memory_space<vmem_shared>>
      %dma_wait3A_94 = arith.constant 0 : i32
      %dma_wait3A_95 = arith.constant 0 : i32
      %dma_wait3A_96 = tpu.memref_slice %arg8[%dma_wait3A_94, %dma_wait3A_95] : memref<800x16xf32, #tpu.memory_space<vmem>> -> memref<656x16xf32, #tpu.memory_space<vmem>>
      %dma_wait3A_97 = arith.constant 0 : i32
      %dma_wait3A_98 = tpu.memref_slice %arg12[%add3A_76, %dma_wait3A_97] : memref<100096x16xf32, #tpu.memory_space<vmem_shared>> -> memref<656x16xf32, #tpu.memory_space<vmem_shared>>
      tpu.wait_dma2 semaphore(%run_scoped3A : memref<!tpu.dma_semaphore, #tpu.memory_space<semaphore_mem>>) src(%dma_wait3A_98 : memref<656x16xf32, #tpu.memory_space<vmem_shared>>) dst(%dma_wait3A_96 : memref<656x16xf32, #tpu.memory_space<vmem>>)
      tpu.yield
    }) : () -> ()
    %add3A_77 = arith.constant 5600 : i32
    %add3A_78 = arith.addi %multiple_of3A, %add3A_77 : i32
    "tpu.region"() ({
      %run_scoped3A = tpu.sem_alloc : memref<!tpu.dma_semaphore, #tpu.memory_space<semaphore_mem>>
      %dma_start3A_79 = arith.constant 0 : i32
      %dma_start3A_80 = arith.constant 0 : i32
      %dma_start3A_81 = tpu.memref_slice %arg8[%dma_start3A_79, %dma_start3A_80] : memref<800x16xf32, #tpu.memory_space<vmem>> -> memref<656x16xf32, #tpu.memory_space<vmem>>
      %dma_start3A_82 = tpu.memref_slice %arg5[%add3A_78, %multiple_of3A_46] : memref<100096x32xf32, #tpu.memory_space<hbm>> -> memref<656x16xf32, #tpu.memory_space<hbm>>
      %dma_start3A_83 = tpu.memref_slice %arg5[%add3A_78, %multiple_of3A_46] : memref<100096x32xf32, #tpu.memory_space<hbm>> -> memref<656x16xf32, #tpu.memory_space<hbm>>
      %dma_start3A_84 = arith.constant 0 : i32
      %dma_start3A_85 = arith.constant 0 : i32
      %dma_start3A_86 = tpu.memref_slice %arg8[%dma_start3A_84, %dma_start3A_85] : memref<800x16xf32, #tpu.memory_space<vmem>> -> memref<656x16xf32, #tpu.memory_space<vmem>>
      tpu.enqueue_dma source(%dma_start3A_86 : memref<656x16xf32, #tpu.memory_space<vmem>>) target(%dma_start3A_83 : memref<656x16xf32, #tpu.memory_space<hbm>>) target_semaphore(%run_scoped3A : memref<!tpu.dma_semaphore, #tpu.memory_space<semaphore_mem>>)
      %dma_wait3A_87 = arith.constant 0 : i32
      %dma_wait3A_88 = arith.constant 0 : i32
      %dma_wait3A_89 = tpu.memref_slice %arg8[%dma_wait3A_87, %dma_wait3A_88] : memref<800x16xf32, #tpu.memory_space<vmem>> -> memref<656x16xf32, #tpu.memory_space<vmem>>
      %dma_wait3A_90 = tpu.memref_slice %arg5[%add3A_78, %multiple_of3A_46] : memref<100096x32xf32, #tpu.memory_space<hbm>> -> memref<656x16xf32, #tpu.memory_space<hbm>>
      %dma_wait3A_91 = tpu.memref_slice %arg5[%add3A_78, %multiple_of3A_46] : memref<100096x32xf32, #tpu.memory_space<hbm>> -> memref<656x16xf32, #tpu.memory_space<hbm>>
      %dma_wait3A_92 = arith.constant 0 : i32
      %dma_wait3A_93 = arith.constant 0 : i32
      %dma_wait3A_94 = tpu.memref_slice %arg8[%dma_wait3A_92, %dma_wait3A_93] : memref<800x16xf32, #tpu.memory_space<vmem>> -> memref<656x16xf32, #tpu.memory_space<vmem>>
      tpu.wait_dma2 semaphore(%run_scoped3A : memref<!tpu.dma_semaphore, #tpu.memory_space<semaphore_mem>>) src(%dma_wait3A_94 : memref<656x16xf32, #tpu.memory_space<vmem>>) dst(%dma_wait3A_91 : memref<656x16xf32, #tpu.memory_space<hbm>>)
      tpu.yield
    }) : () -> ()
    return
  }
}

#map = affine_map<(d0, d1) -> (0, 0)>
#map1 = affine_map<(d0, d1) -> (0)>
module attributes {stable_mosaic.version = 14 : i64} {
  func.func @_sc_aggw(%arg0: i32, %arg1: i32, %arg2: memref<200192x16xf32, #tpu.memory_space<hbm>>, %arg3: memref<1600000xi32, #tpu.memory_space<hbm>>, %arg4: memref<1600000xi32, #tpu.memory_space<hbm>>, %arg5: memref<100096x32xf32, #tpu.memory_space<hbm>>, %arg6: memref<800xi32, #tpu.memory_space<vmem>>, %arg7: memref<800xi32, #tpu.memory_space<vmem>>, %arg8: memref<800x16xf32, #tpu.memory_space<vmem>>, %arg9: memref<800xi32, #tpu.memory_space<vmem>>, %arg10: memref<800xi32, #tpu.memory_space<vmem>>, %arg11: memref<800x16xf32, #tpu.memory_space<vmem>>, %arg12: memref<100096x16xf32, #tpu.memory_space<vmem_shared>>, %arg13: memref<!tpu.dma_semaphore, #tpu.memory_space<semaphore_mem>>) attributes {dimension_semantics = [#tpu.dimension_semantics<core_parallel>, #tpu.dimension_semantics<subcore_parallel>], iteration_bounds = array<i64: 2, 16>, scalar_prefetch = 0 : i64, scratch_operands = 8 : i64, tpu.core_type = #tpu.core_type<sc_vector_subcore>, window_params = [{transform_indices = #map}, {transform_indices = #map1}, {transform_indices = #map1}, {transform_indices = #map}]} {
    %mul3A = arith.constant 6256 : i32
    %mul3A_0 = arith.muli %arg1, %mul3A : i32
    %multiple_of3A = tpu.assume_multiple %mul3A_0, 8 : i32
    %broadcast_in_dim3A = arith.constant 0.000000e+00 : f32
    %broadcast_in_dim3A_1 = vector.broadcast %broadcast_in_dim3A : f32 to vector<16xf32>
    %scan3A = arith.constant 0 : i32
    %scan3A_2 = arith.constant 0 : i32
    %scan3A_3 = arith.constant 800 : i32
    %scan3A_4 = arith.addi %scan3A_2, %scan3A_3 : i32
    %scan3A_5 = arith.constant 1 : i32
    scf.for %scan3A_79 = %scan3A_2 to %scan3A_4 step %scan3A_5  : i32 {
      %swap3A = arith.index_cast %scan3A_79 : i32 to index
      %swap3A_80 = arith.constant 0 : index
      %swap3A_81 = tpu.vector_load %arg8[%swap3A, %swap3A_80] {strides = array<i32>} : memref<800x16xf32, #tpu.memory_space<vmem>>, vector<1x16xf32>,
      %swap3A_82 = vector.shape_cast %swap3A_81 : vector<1x16xf32> to vector<16xf32>
      %swap3A_83 = vector.shape_cast %broadcast_in_dim3A_1 : vector<16xf32> to vector<1x16xf32>
      tpu.vector_store %arg8[%swap3A, %swap3A_80], %swap3A_83 {strides = array<i32>} : memref<800x16xf32, #tpu.memory_space<vmem>>, vector<1x16xf32>,
    }
    %scan3A_6 = arith.constant 800 : i32
    %add3A = arith.constant 0 : i32
    %add3A_7 = arith.addi %multiple_of3A, %add3A : i32
    "tpu.region"() ({
      %run_scoped3A = tpu.sem_alloc : memref<!tpu.dma_semaphore, #tpu.memory_space<semaphore_mem>>
      %dma_start3A_79 = arith.constant 0 : i32
      %dma_start3A_80 = tpu.memref_slice %arg12[%add3A_7, %dma_start3A_79] : memref<100096x16xf32, #tpu.memory_space<vmem_shared>> -> memref<800x16xf32, #tpu.memory_space<vmem_shared>>
      %dma_start3A_81 = arith.constant 0 : i32
      %dma_start3A_82 = tpu.memref_slice %arg12[%add3A_7, %dma_start3A_81] : memref<100096x16xf32, #tpu.memory_space<vmem_shared>> -> memref<800x16xf32, #tpu.memory_space<vmem_shared>>
      tpu.enqueue_dma source(%arg8 : memref<800x16xf32, #tpu.memory_space<vmem>>) target(%dma_start3A_82 : memref<800x16xf32, #tpu.memory_space<vmem_shared>>) target_semaphore(%run_scoped3A : memref<!tpu.dma_semaphore, #tpu.memory_space<semaphore_mem>>)
      %dma_wait3A_83 = arith.constant 0 : i32
      %dma_wait3A_84 = tpu.memref_slice %arg12[%add3A_7, %dma_wait3A_83] : memref<100096x16xf32, #tpu.memory_space<vmem_shared>> -> memref<800x16xf32, #tpu.memory_space<vmem_shared>>
      %dma_wait3A_85 = arith.constant 0 : i32
      %dma_wait3A_86 = tpu.memref_slice %arg12[%add3A_7, %dma_wait3A_85] : memref<100096x16xf32, #tpu.memory_space<vmem_shared>> -> memref<800x16xf32, #tpu.memory_space<vmem_shared>>
      tpu.wait_dma2 semaphore(%run_scoped3A : memref<!tpu.dma_semaphore, #tpu.memory_space<semaphore_mem>>) src(%arg8 : memref<800x16xf32, #tpu.memory_space<vmem>>) dst(%dma_wait3A_86 : memref<800x16xf32, #tpu.memory_space<vmem_shared>>)
      tpu.yield
    }) : () -> ()
    %add3A_8 = arith.constant 800 : i32
    %add3A_9 = arith.addi %multiple_of3A, %add3A_8 : i32
    "tpu.region"() ({
      %run_scoped3A = tpu.sem_alloc : memref<!tpu.dma_semaphore, #tpu.memory_space<semaphore_mem>>
      %dma_start3A_79 = arith.constant 0 : i32
      %dma_start3A_80 = tpu.memref_slice %arg12[%add3A_9, %dma_start3A_79] : memref<100096x16xf32, #tpu.memory_space<vmem_shared>> -> memref<800x16xf32, #tpu.memory_space<vmem_shared>>
      %dma_start3A_81 = arith.constant 0 : i32
      %dma_start3A_82 = tpu.memref_slice %arg12[%add3A_9, %dma_start3A_81] : memref<100096x16xf32, #tpu.memory_space<vmem_shared>> -> memref<800x16xf32, #tpu.memory_space<vmem_shared>>
      tpu.enqueue_dma source(%arg8 : memref<800x16xf32, #tpu.memory_space<vmem>>) target(%dma_start3A_82 : memref<800x16xf32, #tpu.memory_space<vmem_shared>>) target_semaphore(%run_scoped3A : memref<!tpu.dma_semaphore, #tpu.memory_space<semaphore_mem>>)
      %dma_wait3A_83 = arith.constant 0 : i32
      %dma_wait3A_84 = tpu.memref_slice %arg12[%add3A_9, %dma_wait3A_83] : memref<100096x16xf32, #tpu.memory_space<vmem_shared>> -> memref<800x16xf32, #tpu.memory_space<vmem_shared>>
      %dma_wait3A_85 = arith.constant 0 : i32
      %dma_wait3A_86 = tpu.memref_slice %arg12[%add3A_9, %dma_wait3A_85] : memref<100096x16xf32, #tpu.memory_space<vmem_shared>> -> memref<800x16xf32, #tpu.memory_space<vmem_shared>>
      tpu.wait_dma2 semaphore(%run_scoped3A : memref<!tpu.dma_semaphore, #tpu.memory_space<semaphore_mem>>) src(%arg8 : memref<800x16xf32, #tpu.memory_space<vmem>>) dst(%dma_wait3A_86 : memref<800x16xf32, #tpu.memory_space<vmem_shared>>)
      tpu.yield
    }) : () -> ()
    %add3A_10 = arith.constant 1600 : i32
    %add3A_11 = arith.addi %multiple_of3A, %add3A_10 : i32
    "tpu.region"() ({
      %run_scoped3A = tpu.sem_alloc : memref<!tpu.dma_semaphore, #tpu.memory_space<semaphore_mem>>
      %dma_start3A_79 = arith.constant 0 : i32
      %dma_start3A_80 = tpu.memref_slice %arg12[%add3A_11, %dma_start3A_79] : memref<100096x16xf32, #tpu.memory_space<vmem_shared>> -> memref<800x16xf32, #tpu.memory_space<vmem_shared>>
      %dma_start3A_81 = arith.constant 0 : i32
      %dma_start3A_82 = tpu.memref_slice %arg12[%add3A_11, %dma_start3A_81] : memref<100096x16xf32, #tpu.memory_space<vmem_shared>> -> memref<800x16xf32, #tpu.memory_space<vmem_shared>>
      tpu.enqueue_dma source(%arg8 : memref<800x16xf32, #tpu.memory_space<vmem>>) target(%dma_start3A_82 : memref<800x16xf32, #tpu.memory_space<vmem_shared>>) target_semaphore(%run_scoped3A : memref<!tpu.dma_semaphore, #tpu.memory_space<semaphore_mem>>)
      %dma_wait3A_83 = arith.constant 0 : i32
      %dma_wait3A_84 = tpu.memref_slice %arg12[%add3A_11, %dma_wait3A_83] : memref<100096x16xf32, #tpu.memory_space<vmem_shared>> -> memref<800x16xf32, #tpu.memory_space<vmem_shared>>
      %dma_wait3A_85 = arith.constant 0 : i32
      %dma_wait3A_86 = tpu.memref_slice %arg12[%add3A_11, %dma_wait3A_85] : memref<100096x16xf32, #tpu.memory_space<vmem_shared>> -> memref<800x16xf32, #tpu.memory_space<vmem_shared>>
      tpu.wait_dma2 semaphore(%run_scoped3A : memref<!tpu.dma_semaphore, #tpu.memory_space<semaphore_mem>>) src(%arg8 : memref<800x16xf32, #tpu.memory_space<vmem>>) dst(%dma_wait3A_86 : memref<800x16xf32, #tpu.memory_space<vmem_shared>>)
      tpu.yield
    }) : () -> ()
    %add3A_12 = arith.constant 2400 : i32
    %add3A_13 = arith.addi %multiple_of3A, %add3A_12 : i32
    "tpu.region"() ({
      %run_scoped3A = tpu.sem_alloc : memref<!tpu.dma_semaphore, #tpu.memory_space<semaphore_mem>>
      %dma_start3A_79 = arith.constant 0 : i32
      %dma_start3A_80 = tpu.memref_slice %arg12[%add3A_13, %dma_start3A_79] : memref<100096x16xf32, #tpu.memory_space<vmem_shared>> -> memref<800x16xf32, #tpu.memory_space<vmem_shared>>
      %dma_start3A_81 = arith.constant 0 : i32
      %dma_start3A_82 = tpu.memref_slice %arg12[%add3A_13, %dma_start3A_81] : memref<100096x16xf32, #tpu.memory_space<vmem_shared>> -> memref<800x16xf32, #tpu.memory_space<vmem_shared>>
      tpu.enqueue_dma source(%arg8 : memref<800x16xf32, #tpu.memory_space<vmem>>) target(%dma_start3A_82 : memref<800x16xf32, #tpu.memory_space<vmem_shared>>) target_semaphore(%run_scoped3A : memref<!tpu.dma_semaphore, #tpu.memory_space<semaphore_mem>>)
      %dma_wait3A_83 = arith.constant 0 : i32
      %dma_wait3A_84 = tpu.memref_slice %arg12[%add3A_13, %dma_wait3A_83] : memref<100096x16xf32, #tpu.memory_space<vmem_shared>> -> memref<800x16xf32, #tpu.memory_space<vmem_shared>>
      %dma_wait3A_85 = arith.constant 0 : i32
      %dma_wait3A_86 = tpu.memref_slice %arg12[%add3A_13, %dma_wait3A_85] : memref<100096x16xf32, #tpu.memory_space<vmem_shared>> -> memref<800x16xf32, #tpu.memory_space<vmem_shared>>
      tpu.wait_dma2 semaphore(%run_scoped3A : memref<!tpu.dma_semaphore, #tpu.memory_space<semaphore_mem>>) src(%arg8 : memref<800x16xf32, #tpu.memory_space<vmem>>) dst(%dma_wait3A_86 : memref<800x16xf32, #tpu.memory_space<vmem_shared>>)
      tpu.yield
    }) : () -> ()
    %add3A_14 = arith.constant 3200 : i32
    %add3A_15 = arith.addi %multiple_of3A, %add3A_14 : i32
    "tpu.region"() ({
      %run_scoped3A = tpu.sem_alloc : memref<!tpu.dma_semaphore, #tpu.memory_space<semaphore_mem>>
      %dma_start3A_79 = arith.constant 0 : i32
      %dma_start3A_80 = tpu.memref_slice %arg12[%add3A_15, %dma_start3A_79] : memref<100096x16xf32, #tpu.memory_space<vmem_shared>> -> memref<800x16xf32, #tpu.memory_space<vmem_shared>>
      %dma_start3A_81 = arith.constant 0 : i32
      %dma_start3A_82 = tpu.memref_slice %arg12[%add3A_15, %dma_start3A_81] : memref<100096x16xf32, #tpu.memory_space<vmem_shared>> -> memref<800x16xf32, #tpu.memory_space<vmem_shared>>
      tpu.enqueue_dma source(%arg8 : memref<800x16xf32, #tpu.memory_space<vmem>>) target(%dma_start3A_82 : memref<800x16xf32, #tpu.memory_space<vmem_shared>>) target_semaphore(%run_scoped3A : memref<!tpu.dma_semaphore, #tpu.memory_space<semaphore_mem>>)
      %dma_wait3A_83 = arith.constant 0 : i32
      %dma_wait3A_84 = tpu.memref_slice %arg12[%add3A_15, %dma_wait3A_83] : memref<100096x16xf32, #tpu.memory_space<vmem_shared>> -> memref<800x16xf32, #tpu.memory_space<vmem_shared>>
      %dma_wait3A_85 = arith.constant 0 : i32
      %dma_wait3A_86 = tpu.memref_slice %arg12[%add3A_15, %dma_wait3A_85] : memref<100096x16xf32, #tpu.memory_space<vmem_shared>> -> memref<800x16xf32, #tpu.memory_space<vmem_shared>>
      tpu.wait_dma2 semaphore(%run_scoped3A : memref<!tpu.dma_semaphore, #tpu.memory_space<semaphore_mem>>) src(%arg8 : memref<800x16xf32, #tpu.memory_space<vmem>>) dst(%dma_wait3A_86 : memref<800x16xf32, #tpu.memory_space<vmem_shared>>)
      tpu.yield
    }) : () -> ()
    %add3A_16 = arith.constant 4000 : i32
    %add3A_17 = arith.addi %multiple_of3A, %add3A_16 : i32
    "tpu.region"() ({
      %run_scoped3A = tpu.sem_alloc : memref<!tpu.dma_semaphore, #tpu.memory_space<semaphore_mem>>
      %dma_start3A_79 = arith.constant 0 : i32
      %dma_start3A_80 = tpu.memref_slice %arg12[%add3A_17, %dma_start3A_79] : memref<100096x16xf32, #tpu.memory_space<vmem_shared>> -> memref<800x16xf32, #tpu.memory_space<vmem_shared>>
      %dma_start3A_81 = arith.constant 0 : i32
      %dma_start3A_82 = tpu.memref_slice %arg12[%add3A_17, %dma_start3A_81] : memref<100096x16xf32, #tpu.memory_space<vmem_shared>> -> memref<800x16xf32, #tpu.memory_space<vmem_shared>>
      tpu.enqueue_dma source(%arg8 : memref<800x16xf32, #tpu.memory_space<vmem>>) target(%dma_start3A_82 : memref<800x16xf32, #tpu.memory_space<vmem_shared>>) target_semaphore(%run_scoped3A : memref<!tpu.dma_semaphore, #tpu.memory_space<semaphore_mem>>)
      %dma_wait3A_83 = arith.constant 0 : i32
      %dma_wait3A_84 = tpu.memref_slice %arg12[%add3A_17, %dma_wait3A_83] : memref<100096x16xf32, #tpu.memory_space<vmem_shared>> -> memref<800x16xf32, #tpu.memory_space<vmem_shared>>
      %dma_wait3A_85 = arith.constant 0 : i32
      %dma_wait3A_86 = tpu.memref_slice %arg12[%add3A_17, %dma_wait3A_85] : memref<100096x16xf32, #tpu.memory_space<vmem_shared>> -> memref<800x16xf32, #tpu.memory_space<vmem_shared>>
      tpu.wait_dma2 semaphore(%run_scoped3A : memref<!tpu.dma_semaphore, #tpu.memory_space<semaphore_mem>>) src(%arg8 : memref<800x16xf32, #tpu.memory_space<vmem>>) dst(%dma_wait3A_86 : memref<800x16xf32, #tpu.memory_space<vmem_shared>>)
      tpu.yield
    }) : () -> ()
    %add3A_18 = arith.constant 4800 : i32
    %add3A_19 = arith.addi %multiple_of3A, %add3A_18 : i32
    "tpu.region"() ({
      %run_scoped3A = tpu.sem_alloc : memref<!tpu.dma_semaphore, #tpu.memory_space<semaphore_mem>>
      %dma_start3A_79 = arith.constant 0 : i32
      %dma_start3A_80 = tpu.memref_slice %arg12[%add3A_19, %dma_start3A_79] : memref<100096x16xf32, #tpu.memory_space<vmem_shared>> -> memref<800x16xf32, #tpu.memory_space<vmem_shared>>
      %dma_start3A_81 = arith.constant 0 : i32
      %dma_start3A_82 = tpu.memref_slice %arg12[%add3A_19, %dma_start3A_81] : memref<100096x16xf32, #tpu.memory_space<vmem_shared>> -> memref<800x16xf32, #tpu.memory_space<vmem_shared>>
      tpu.enqueue_dma source(%arg8 : memref<800x16xf32, #tpu.memory_space<vmem>>) target(%dma_start3A_82 : memref<800x16xf32, #tpu.memory_space<vmem_shared>>) target_semaphore(%run_scoped3A : memref<!tpu.dma_semaphore, #tpu.memory_space<semaphore_mem>>)
      %dma_wait3A_83 = arith.constant 0 : i32
      %dma_wait3A_84 = tpu.memref_slice %arg12[%add3A_19, %dma_wait3A_83] : memref<100096x16xf32, #tpu.memory_space<vmem_shared>> -> memref<800x16xf32, #tpu.memory_space<vmem_shared>>
      %dma_wait3A_85 = arith.constant 0 : i32
      %dma_wait3A_86 = tpu.memref_slice %arg12[%add3A_19, %dma_wait3A_85] : memref<100096x16xf32, #tpu.memory_space<vmem_shared>> -> memref<800x16xf32, #tpu.memory_space<vmem_shared>>
      tpu.wait_dma2 semaphore(%run_scoped3A : memref<!tpu.dma_semaphore, #tpu.memory_space<semaphore_mem>>) src(%arg8 : memref<800x16xf32, #tpu.memory_space<vmem>>) dst(%dma_wait3A_86 : memref<800x16xf32, #tpu.memory_space<vmem_shared>>)
      tpu.yield
    }) : () -> ()
    %add3A_20 = arith.constant 5600 : i32
    %add3A_21 = arith.addi %multiple_of3A, %add3A_20 : i32
    "tpu.region"() ({
      %run_scoped3A = tpu.sem_alloc : memref<!tpu.dma_semaphore, #tpu.memory_space<semaphore_mem>>
      %dma_start3A_79 = arith.constant 0 : i32
      %dma_start3A_80 = arith.constant 0 : i32
      %dma_start3A_81 = tpu.memref_slice %arg8[%dma_start3A_79, %dma_start3A_80] : memref<800x16xf32, #tpu.memory_space<vmem>> -> memref<656x16xf32, #tpu.memory_space<vmem>>
      %dma_start3A_82 = arith.constant 0 : i32
      %dma_start3A_83 = tpu.memref_slice %arg12[%add3A_21, %dma_start3A_82] : memref<100096x16xf32, #tpu.memory_space<vmem_shared>> -> memref<656x16xf32, #tpu.memory_space<vmem_shared>>
      %dma_start3A_84 = arith.constant 0 : i32
      %dma_start3A_85 = tpu.memref_slice %arg12[%add3A_21, %dma_start3A_84] : memref<100096x16xf32, #tpu.memory_space<vmem_shared>> -> memref<656x16xf32, #tpu.memory_space<vmem_shared>>
      %dma_start3A_86 = arith.constant 0 : i32
      %dma_start3A_87 = arith.constant 0 : i32
      %dma_start3A_88 = tpu.memref_slice %arg8[%dma_start3A_86, %dma_start3A_87] : memref<800x16xf32, #tpu.memory_space<vmem>> -> memref<656x16xf32, #tpu.memory_space<vmem>>
      tpu.enqueue_dma source(%dma_start3A_88 : memref<656x16xf32, #tpu.memory_space<vmem>>) target(%dma_start3A_85 : memref<656x16xf32, #tpu.memory_space<vmem_shared>>) target_semaphore(%run_scoped3A : memref<!tpu.dma_semaphore, #tpu.memory_space<semaphore_mem>>)
      %dma_wait3A_89 = arith.constant 0 : i32
      %dma_wait3A_90 = arith.constant 0 : i32
      %dma_wait3A_91 = tpu.memref_slice %arg8[%dma_wait3A_89, %dma_wait3A_90] : memref<800x16xf32, #tpu.memory_space<vmem>> -> memref<656x16xf32, #tpu.memory_space<vmem>>
      %dma_wait3A_92 = arith.constant 0 : i32
      %dma_wait3A_93 = tpu.memref_slice %arg12[%add3A_21, %dma_wait3A_92] : memref<100096x16xf32, #tpu.memory_space<vmem_shared>> -> memref<656x16xf32, #tpu.memory_space<vmem_shared>>
      %dma_wait3A_94 = arith.constant 0 : i32
      %dma_wait3A_95 = tpu.memref_slice %arg12[%add3A_21, %dma_wait3A_94] : memref<100096x16xf32, #tpu.memory_space<vmem_shared>> -> memref<656x16xf32, #tpu.memory_space<vmem_shared>>
      %dma_wait3A_96 = arith.constant 0 : i32
      %dma_wait3A_97 = arith.constant 0 : i32
      %dma_wait3A_98 = tpu.memref_slice %arg8[%dma_wait3A_96, %dma_wait3A_97] : memref<800x16xf32, #tpu.memory_space<vmem>> -> memref<656x16xf32, #tpu.memory_space<vmem>>
      tpu.wait_dma2 semaphore(%run_scoped3A : memref<!tpu.dma_semaphore, #tpu.memory_space<semaphore_mem>>) src(%dma_wait3A_98 : memref<656x16xf32, #tpu.memory_space<vmem>>) dst(%dma_wait3A_95 : memref<656x16xf32, #tpu.memory_space<vmem_shared>>)
      tpu.yield
    }) : () -> ()
    %barrier3A = arith.constant 0 : index
    tpu.barrier barrier_id(%barrier3A)
    %mul3A_22 = arith.constant 100000 : i32
    %mul3A_23 = arith.muli %arg1, %mul3A_22 : i32
    %add3A_24 = arith.constant 0 : i32
    %add3A_25 = arith.addi %mul3A_23, %add3A_24 : i32
    %multiple_of3A_26 = tpu.assume_multiple %add3A_25, 8 : i32
    "tpu.region"() ({
      %run_scoped3A = tpu.sem_alloc : memref<!tpu.dma_semaphore, #tpu.memory_space<semaphore_mem>>
      %dma_start3A_79 = tpu.memref_slice %arg3[%multiple_of3A_26] : memref<1600000xi32, #tpu.memory_space<hbm>> -> memref<800xi32, #tpu.memory_space<hbm>>
      %dma_start3A_80 = tpu.memref_slice %arg3[%multiple_of3A_26] : memref<1600000xi32, #tpu.memory_space<hbm>> -> memref<800xi32, #tpu.memory_space<hbm>>
      tpu.enqueue_dma source(%dma_start3A_80 : memref<800xi32, #tpu.memory_space<hbm>>) target(%arg6 : memref<800xi32, #tpu.memory_space<vmem>>) target_semaphore(%run_scoped3A : memref<!tpu.dma_semaphore, #tpu.memory_space<semaphore_mem>>)
      %dma_wait3A_81 = tpu.memref_slice %arg3[%multiple_of3A_26] : memref<1600000xi32, #tpu.memory_space<hbm>> -> memref<800xi32, #tpu.memory_space<hbm>>
      %dma_wait3A_82 = tpu.memref_slice %arg3[%multiple_of3A_26] : memref<1600000xi32, #tpu.memory_space<hbm>> -> memref<800xi32, #tpu.memory_space<hbm>>
      tpu.wait_dma2 semaphore(%run_scoped3A : memref<!tpu.dma_semaphore, #tpu.memory_space<semaphore_mem>>) src(%dma_wait3A_82 : memref<800xi32, #tpu.memory_space<hbm>>) dst(%arg6 : memref<800xi32, #tpu.memory_space<vmem>>)
      tpu.yield
    }) : () -> ()
    "tpu.region"() ({
      %run_scoped3A = tpu.sem_alloc : memref<!tpu.dma_semaphore, #tpu.memory_space<semaphore_mem>>
      %dma_start3A_79 = tpu.memref_slice %arg4[%multiple_of3A_26] : memref<1600000xi32, #tpu.memory_space<hbm>> -> memref<800xi32, #tpu.memory_space<hbm>>
      %dma_start3A_80 = tpu.memref_slice %arg4[%multiple_of3A_26] : memref<1600000xi32, #tpu.memory_space<hbm>> -> memref<800xi32, #tpu.memory_space<hbm>>
      tpu.enqueue_dma source(%dma_start3A_80 : memref<800xi32, #tpu.memory_space<hbm>>) target(%arg7 : memref<800xi32, #tpu.memory_space<vmem>>) target_semaphore(%run_scoped3A : memref<!tpu.dma_semaphore, #tpu.memory_space<semaphore_mem>>)
      %dma_wait3A_81 = tpu.memref_slice %arg4[%multiple_of3A_26] : memref<1600000xi32, #tpu.memory_space<hbm>> -> memref<800xi32, #tpu.memory_space<hbm>>
      %dma_wait3A_82 = tpu.memref_slice %arg4[%multiple_of3A_26] : memref<1600000xi32, #tpu.memory_space<hbm>> -> memref<800xi32, #tpu.memory_space<hbm>>
      tpu.wait_dma2 semaphore(%run_scoped3A : memref<!tpu.dma_semaphore, #tpu.memory_space<semaphore_mem>>) src(%dma_wait3A_82 : memref<800xi32, #tpu.memory_space<hbm>>) dst(%arg7 : memref<800xi32, #tpu.memory_space<vmem>>)
      tpu.yield
    }) : () -> ()
    %scan3A_27 = arith.constant 0 : i32
    %scan3A_28 = arith.constant 0 : i32
    %scan3A_29 = arith.constant 50 : i32
    %scan3A_30 = arith.addi %scan3A_28, %scan3A_29 : i32
    %scan3A_31 = arith.constant 1 : i32
    scf.for %scan3A_79 = %scan3A_28 to %scan3A_30 step %scan3A_31  : i32 {
      %mul3A_80 = arith.constant 16 : i32
      %mul3A_81 = arith.muli %scan3A_79, %mul3A_80 : i32
      %get3A = arith.index_cast %mul3A_81 : i32 to index
      %get3A_82 = tpu.vector_load %arg6[%get3A] {strides = array<i32>} : memref<800xi32, #tpu.memory_space<vmem>>, vector<16xi32>,
      %get3A_83 = vector.shape_cast %get3A_82 : vector<16xi32> to vector<16xi32>
      %add3A_84 = arith.addi %get3A_83, %get3A_83 : vector<16xi32>
      %add3A_85 = vector.broadcast %arg0 : i32 to vector<16xi32>
      %add3A_86 = arith.addi %add3A_84, %add3A_85 : vector<16xi32>
      %mul3A_87 = arith.constant 16 : i32
      %mul3A_88 = arith.muli %scan3A_79, %mul3A_87 : i32
      %swap3A = arith.index_cast %mul3A_88 : i32 to index
      %swap3A_89 = tpu.vector_load %arg6[%swap3A] {strides = array<i32>} : memref<800xi32, #tpu.memory_space<vmem>>, vector<16xi32>,
      %swap3A_90 = vector.shape_cast %swap3A_89 : vector<16xi32> to vector<16xi32>
      %swap3A_91 = vector.shape_cast %add3A_86 : vector<16xi32> to vector<16xi32>
      tpu.vector_store %arg6[%swap3A], %swap3A_91 {strides = array<i32>} : memref<800xi32, #tpu.memory_space<vmem>>, vector<16xi32>,
    }
    %scan3A_32 = arith.constant 50 : i32
    %dma_start3A = arith.constant 0 : i32
    %dma_start3A_33 = arith.constant 0 : i32
    %dma_start3A_34 = tpu.memref_slice %arg2[%dma_start3A, %dma_start3A_33] : memref<200192x16xf32, #tpu.memory_space<hbm>> -> memref<200192x16xf32, #tpu.memory_space<hbm>>
    tpu.enqueue_indirect_dma source(%dma_start3A_34 : memref<200192x16xf32, #tpu.memory_space<hbm>>) target(%arg8 : memref<800x16xf32, #tpu.memory_space<vmem>>) offsets(%arg6 : memref<800xi32, #tpu.memory_space<vmem>>) semaphore(%arg13 : memref<!tpu.dma_semaphore, #tpu.memory_space<semaphore_mem>>)
    %scan3A_35 = arith.constant 0 : i32
    %scan3A_36 = arith.constant 0 : i32
    %scan3A_37 = arith.constant 62 : i32
    %scan3A_38 = arith.addi %scan3A_36, %scan3A_37 : i32
    %scan3A_39 = arith.constant 1 : i32
    scf.for %scan3A_79 = %scan3A_36 to %scan3A_38 step %scan3A_39  : i32 {
      %mul3A_80 = arith.constant 2 : i32
      %mul3A_81 = arith.muli %mul3A_80, %scan3A_79 : i32
      %add3A_82 = arith.constant 1 : i32
      %add3A_83 = arith.addi %mul3A_81, %add3A_82 : i32
      %mul3A_84 = arith.constant 100000 : i32
      %mul3A_85 = arith.muli %arg1, %mul3A_84 : i32
      %mul3A_86 = arith.constant 800 : i32
      %mul3A_87 = arith.muli %add3A_83, %mul3A_86 : i32
      %add3A_88 = arith.addi %mul3A_85, %mul3A_87 : i32
      %multiple_of3A_89 = tpu.assume_multiple %add3A_88, 8 : i32
      "tpu.region"() ({
        %run_scoped3A = tpu.sem_alloc : memref<!tpu.dma_semaphore, #tpu.memory_space<semaphore_mem>>
        %dma_start3A_122 = tpu.memref_slice %arg3[%multiple_of3A_89] : memref<1600000xi32, #tpu.memory_space<hbm>> -> memref<800xi32, #tpu.memory_space<hbm>>
        %dma_start3A_123 = tpu.memref_slice %arg3[%multiple_of3A_89] : memref<1600000xi32, #tpu.memory_space<hbm>> -> memref<800xi32, #tpu.memory_space<hbm>>
        tpu.enqueue_dma source(%dma_start3A_123 : memref<800xi32, #tpu.memory_space<hbm>>) target(%arg9 : memref<800xi32, #tpu.memory_space<vmem>>) target_semaphore(%run_scoped3A : memref<!tpu.dma_semaphore, #tpu.memory_space<semaphore_mem>>)
        %dma_wait3A_124 = tpu.memref_slice %arg3[%multiple_of3A_89] : memref<1600000xi32, #tpu.memory_space<hbm>> -> memref<800xi32, #tpu.memory_space<hbm>>
        %dma_wait3A_125 = tpu.memref_slice %arg3[%multiple_of3A_89] : memref<1600000xi32, #tpu.memory_space<hbm>> -> memref<800xi32, #tpu.memory_space<hbm>>
        tpu.wait_dma2 semaphore(%run_scoped3A : memref<!tpu.dma_semaphore, #tpu.memory_space<semaphore_mem>>) src(%dma_wait3A_125 : memref<800xi32, #tpu.memory_space<hbm>>) dst(%arg9 : memref<800xi32, #tpu.memory_space<vmem>>)
        tpu.yield
      }) : () -> ()
      "tpu.region"() ({
        %run_scoped3A = tpu.sem_alloc : memref<!tpu.dma_semaphore, #tpu.memory_space<semaphore_mem>>
        %dma_start3A_122 = tpu.memref_slice %arg4[%multiple_of3A_89] : memref<1600000xi32, #tpu.memory_space<hbm>> -> memref<800xi32, #tpu.memory_space<hbm>>
        %dma_start3A_123 = tpu.memref_slice %arg4[%multiple_of3A_89] : memref<1600000xi32, #tpu.memory_space<hbm>> -> memref<800xi32, #tpu.memory_space<hbm>>
        tpu.enqueue_dma source(%dma_start3A_123 : memref<800xi32, #tpu.memory_space<hbm>>) target(%arg10 : memref<800xi32, #tpu.memory_space<vmem>>) target_semaphore(%run_scoped3A : memref<!tpu.dma_semaphore, #tpu.memory_space<semaphore_mem>>)
        %dma_wait3A_124 = tpu.memref_slice %arg4[%multiple_of3A_89] : memref<1600000xi32, #tpu.memory_space<hbm>> -> memref<800xi32, #tpu.memory_space<hbm>>
        %dma_wait3A_125 = tpu.memref_slice %arg4[%multiple_of3A_89] : memref<1600000xi32, #tpu.memory_space<hbm>> -> memref<800xi32, #tpu.memory_space<hbm>>
        tpu.wait_dma2 semaphore(%run_scoped3A : memref<!tpu.dma_semaphore, #tpu.memory_space<semaphore_mem>>) src(%dma_wait3A_125 : memref<800xi32, #tpu.memory_space<hbm>>) dst(%arg10 : memref<800xi32, #tpu.memory_space<vmem>>)
        tpu.yield
      }) : () -> ()
      %scan3A_90 = arith.constant 0 : i32
      %scan3A_91 = arith.constant 0 : i32
      %scan3A_92 = arith.constant 50 : i32
      %scan3A_93 = arith.addi %scan3A_91, %scan3A_92 : i32
      %scan3A_94 = arith.constant 1 : i32
      scf.for %scan3A_122 = %scan3A_91 to %scan3A_93 step %scan3A_94  : i32 {
        %mul3A_123 = arith.constant 16 : i32
        %mul3A_124 = arith.muli %scan3A_122, %mul3A_123 : i32
        %get3A = arith.index_cast %mul3A_124 : i32 to index
        %get3A_125 = tpu.vector_load %arg9[%get3A] {strides = array<i32>} : memref<800xi32, #tpu.memory_space<vmem>>, vector<16xi32>,
        %get3A_126 = vector.shape_cast %get3A_125 : vector<16xi32> to vector<16xi32>
        %add3A_127 = arith.addi %get3A_126, %get3A_126 : vector<16xi32>
        %add3A_128 = vector.broadcast %arg0 : i32 to vector<16xi32>
        %add3A_129 = arith.addi %add3A_127, %add3A_128 : vector<16xi32>
        %mul3A_130 = arith.constant 16 : i32
        %mul3A_131 = arith.muli %scan3A_122, %mul3A_130 : i32
        %swap3A = arith.index_cast %mul3A_131 : i32 to index
        %swap3A_132 = tpu.vector_load %arg9[%swap3A] {strides = array<i32>} : memref<800xi32, #tpu.memory_space<vmem>>, vector<16xi32>,
        %swap3A_133 = vector.shape_cast %swap3A_132 : vector<16xi32> to vector<16xi32>
        %swap3A_134 = vector.shape_cast %add3A_129 : vector<16xi32> to vector<16xi32>
        tpu.vector_store %arg9[%swap3A], %swap3A_134 {strides = array<i32>} : memref<800xi32, #tpu.memory_space<vmem>>, vector<16xi32>,
      }
      %scan3A_95 = arith.constant 50 : i32
      %dma_wait3A_96 = arith.constant 0 : i32
      %dma_wait3A_97 = arith.constant 0 : i32
      %dma_wait3A_98 = tpu.memref_slice %arg2[%dma_wait3A_96, %dma_wait3A_97] : memref<200192x16xf32, #tpu.memory_space<hbm>> -> memref<200192x16xf32, #tpu.memory_space<hbm>>
      tpu.wait_indirect_dma semaphore(%arg13 : memref<!tpu.dma_semaphore, #tpu.memory_space<semaphore_mem>>) src(%dma_wait3A_98 : memref<200192x16xf32, #tpu.memory_space<hbm>>) dst(%arg8 : memref<800x16xf32, #tpu.memory_space<vmem>>)
      %dma_start3A_99 = arith.constant 0 : i32
      %dma_start3A_100 = arith.constant 0 : i32
      %dma_start3A_101 = tpu.memref_slice %arg2[%dma_start3A_99, %dma_start3A_100] : memref<200192x16xf32, #tpu.memory_space<hbm>> -> memref<200192x16xf32, #tpu.memory_space<hbm>>
      tpu.enqueue_indirect_dma source(%dma_start3A_101 : memref<200192x16xf32, #tpu.memory_space<hbm>>) target(%arg11 : memref<800x16xf32, #tpu.memory_space<vmem>>) offsets(%arg9 : memref<800xi32, #tpu.memory_space<vmem>>) semaphore(%arg13 : memref<!tpu.dma_semaphore, #tpu.memory_space<semaphore_mem>>)
      "tpu.region"() ({
        %run_scoped3A = tpu.sem_alloc : memref<!tpu.dma_semaphore, #tpu.memory_space<semaphore_mem>>
        %dma_start3A_122 = arith.constant 0 : i32
        %dma_start3A_123 = arith.constant 0 : i32
        %dma_start3A_124 = tpu.memref_slice %arg12[%dma_start3A_122, %dma_start3A_123] : memref<100096x16xf32, #tpu.memory_space<vmem_shared>> -> memref<100096x16xf32, #tpu.memory_space<vmem_shared>>
        tpu.enqueue_indirect_dma source(%arg8 : memref<800x16xf32, #tpu.memory_space<vmem>>) target(%dma_start3A_124 : memref<100096x16xf32, #tpu.memory_space<vmem_shared>>) offsets(%arg7 : memref<800xi32, #tpu.memory_space<vmem>>) semaphore(%run_scoped3A : memref<!tpu.dma_semaphore, #tpu.memory_space<semaphore_mem>>) {add = true}
        %dma_wait3A_125 = arith.constant 0 : i32
        %dma_wait3A_126 = arith.constant 0 : i32
        %dma_wait3A_127 = tpu.memref_slice %arg12[%dma_wait3A_125, %dma_wait3A_126] : memref<100096x16xf32, #tpu.memory_space<vmem_shared>> -> memref<100096x16xf32, #tpu.memory_space<vmem_shared>>
        tpu.wait_indirect_dma semaphore(%run_scoped3A : memref<!tpu.dma_semaphore, #tpu.memory_space<semaphore_mem>>) src(%arg8 : memref<800x16xf32, #tpu.memory_space<vmem>>) dst(%dma_wait3A_127 : memref<100096x16xf32, #tpu.memory_space<vmem_shared>>)
        tpu.yield
      }) : () -> ()
      %add3A_102 = arith.constant 2 : i32
      %add3A_103 = arith.addi %mul3A_81, %add3A_102 : i32
      %mul3A_104 = arith.constant 100000 : i32
      %mul3A_105 = arith.muli %arg1, %mul3A_104 : i32
      %mul3A_106 = arith.constant 800 : i32
      %mul3A_107 = arith.muli %add3A_103, %mul3A_106 : i32
      %add3A_108 = arith.addi %mul3A_105, %mul3A_107 : i32
      %multiple_of3A_109 = tpu.assume_multiple %add3A_108, 8 : i32
      "tpu.region"() ({
        %run_scoped3A = tpu.sem_alloc : memref<!tpu.dma_semaphore, #tpu.memory_space<semaphore_mem>>
        %dma_start3A_122 = tpu.memref_slice %arg3[%multiple_of3A_109] : memref<1600000xi32, #tpu.memory_space<hbm>> -> memref<800xi32, #tpu.memory_space<hbm>>
        %dma_start3A_123 = tpu.memref_slice %arg3[%multiple_of3A_109] : memref<1600000xi32, #tpu.memory_space<hbm>> -> memref<800xi32, #tpu.memory_space<hbm>>
        tpu.enqueue_dma source(%dma_start3A_123 : memref<800xi32, #tpu.memory_space<hbm>>) target(%arg6 : memref<800xi32, #tpu.memory_space<vmem>>) target_semaphore(%run_scoped3A : memref<!tpu.dma_semaphore, #tpu.memory_space<semaphore_mem>>)
        %dma_wait3A_124 = tpu.memref_slice %arg3[%multiple_of3A_109] : memref<1600000xi32, #tpu.memory_space<hbm>> -> memref<800xi32, #tpu.memory_space<hbm>>
        %dma_wait3A_125 = tpu.memref_slice %arg3[%multiple_of3A_109] : memref<1600000xi32, #tpu.memory_space<hbm>> -> memref<800xi32, #tpu.memory_space<hbm>>
        tpu.wait_dma2 semaphore(%run_scoped3A : memref<!tpu.dma_semaphore, #tpu.memory_space<semaphore_mem>>) src(%dma_wait3A_125 : memref<800xi32, #tpu.memory_space<hbm>>) dst(%arg6 : memref<800xi32, #tpu.memory_space<vmem>>)
        tpu.yield
      }) : () -> ()
      "tpu.region"() ({
        %run_scoped3A = tpu.sem_alloc : memref<!tpu.dma_semaphore, #tpu.memory_space<semaphore_mem>>
        %dma_start3A_122 = tpu.memref_slice %arg4[%multiple_of3A_109] : memref<1600000xi32, #tpu.memory_space<hbm>> -> memref<800xi32, #tpu.memory_space<hbm>>
        %dma_start3A_123 = tpu.memref_slice %arg4[%multiple_of3A_109] : memref<1600000xi32, #tpu.memory_space<hbm>> -> memref<800xi32, #tpu.memory_space<hbm>>
        tpu.enqueue_dma source(%dma_start3A_123 : memref<800xi32, #tpu.memory_space<hbm>>) target(%arg7 : memref<800xi32, #tpu.memory_space<vmem>>) target_semaphore(%run_scoped3A : memref<!tpu.dma_semaphore, #tpu.memory_space<semaphore_mem>>)
        %dma_wait3A_124 = tpu.memref_slice %arg4[%multiple_of3A_109] : memref<1600000xi32, #tpu.memory_space<hbm>> -> memref<800xi32, #tpu.memory_space<hbm>>
        %dma_wait3A_125 = tpu.memref_slice %arg4[%multiple_of3A_109] : memref<1600000xi32, #tpu.memory_space<hbm>> -> memref<800xi32, #tpu.memory_space<hbm>>
        tpu.wait_dma2 semaphore(%run_scoped3A : memref<!tpu.dma_semaphore, #tpu.memory_space<semaphore_mem>>) src(%dma_wait3A_125 : memref<800xi32, #tpu.memory_space<hbm>>) dst(%arg7 : memref<800xi32, #tpu.memory_space<vmem>>)
        tpu.yield
      }) : () -> ()
      %scan3A_110 = arith.constant 0 : i32
      %scan3A_111 = arith.constant 0 : i32
      %scan3A_112 = arith.constant 50 : i32
      %scan3A_113 = arith.addi %scan3A_111, %scan3A_112 : i32
      %scan3A_114 = arith.constant 1 : i32
      scf.for %scan3A_122 = %scan3A_111 to %scan3A_113 step %scan3A_114  : i32 {
        %mul3A_123 = arith.constant 16 : i32
        %mul3A_124 = arith.muli %scan3A_122, %mul3A_123 : i32
        %get3A = arith.index_cast %mul3A_124 : i32 to index
        %get3A_125 = tpu.vector_load %arg6[%get3A] {strides = array<i32>} : memref<800xi32, #tpu.memory_space<vmem>>, vector<16xi32>,
        %get3A_126 = vector.shape_cast %get3A_125 : vector<16xi32> to vector<16xi32>
        %add3A_127 = arith.addi %get3A_126, %get3A_126 : vector<16xi32>
        %add3A_128 = vector.broadcast %arg0 : i32 to vector<16xi32>
        %add3A_129 = arith.addi %add3A_127, %add3A_128 : vector<16xi32>
        %mul3A_130 = arith.constant 16 : i32
        %mul3A_131 = arith.muli %scan3A_122, %mul3A_130 : i32
        %swap3A = arith.index_cast %mul3A_131 : i32 to index
        %swap3A_132 = tpu.vector_load %arg6[%swap3A] {strides = array<i32>} : memref<800xi32, #tpu.memory_space<vmem>>, vector<16xi32>,
        %swap3A_133 = vector.shape_cast %swap3A_132 : vector<16xi32> to vector<16xi32>
        %swap3A_134 = vector.shape_cast %add3A_129 : vector<16xi32> to vector<16xi32>
        tpu.vector_store %arg6[%swap3A], %swap3A_134 {strides = array<i32>} : memref<800xi32, #tpu.memory_space<vmem>>, vector<16xi32>,
      }
      %scan3A_115 = arith.constant 50 : i32
      %dma_wait3A_116 = arith.constant 0 : i32
      %dma_wait3A_117 = arith.constant 0 : i32
      %dma_wait3A_118 = tpu.memref_slice %arg2[%dma_wait3A_116, %dma_wait3A_117] : memref<200192x16xf32, #tpu.memory_space<hbm>> -> memref<200192x16xf32, #tpu.memory_space<hbm>>
      tpu.wait_indirect_dma semaphore(%arg13 : memref<!tpu.dma_semaphore, #tpu.memory_space<semaphore_mem>>) src(%dma_wait3A_118 : memref<200192x16xf32, #tpu.memory_space<hbm>>) dst(%arg11 : memref<800x16xf32, #tpu.memory_space<vmem>>)
      %dma_start3A_119 = arith.constant 0 : i32
      %dma_start3A_120 = arith.constant 0 : i32
      %dma_start3A_121 = tpu.memref_slice %arg2[%dma_start3A_119, %dma_start3A_120] : memref<200192x16xf32, #tpu.memory_space<hbm>> -> memref<200192x16xf32, #tpu.memory_space<hbm>>
      tpu.enqueue_indirect_dma source(%dma_start3A_121 : memref<200192x16xf32, #tpu.memory_space<hbm>>) target(%arg8 : memref<800x16xf32, #tpu.memory_space<vmem>>) offsets(%arg6 : memref<800xi32, #tpu.memory_space<vmem>>) semaphore(%arg13 : memref<!tpu.dma_semaphore, #tpu.memory_space<semaphore_mem>>)
      "tpu.region"() ({
        %run_scoped3A = tpu.sem_alloc : memref<!tpu.dma_semaphore, #tpu.memory_space<semaphore_mem>>
        %dma_start3A_122 = arith.constant 0 : i32
        %dma_start3A_123 = arith.constant 0 : i32
        %dma_start3A_124 = tpu.memref_slice %arg12[%dma_start3A_122, %dma_start3A_123] : memref<100096x16xf32, #tpu.memory_space<vmem_shared>> -> memref<100096x16xf32, #tpu.memory_space<vmem_shared>>
        tpu.enqueue_indirect_dma source(%arg11 : memref<800x16xf32, #tpu.memory_space<vmem>>) target(%dma_start3A_124 : memref<100096x16xf32, #tpu.memory_space<vmem_shared>>) offsets(%arg10 : memref<800xi32, #tpu.memory_space<vmem>>) semaphore(%run_scoped3A : memref<!tpu.dma_semaphore, #tpu.memory_space<semaphore_mem>>) {add = true}
        %dma_wait3A_125 = arith.constant 0 : i32
        %dma_wait3A_126 = arith.constant 0 : i32
        %dma_wait3A_127 = tpu.memref_slice %arg12[%dma_wait3A_125, %dma_wait3A_126] : memref<100096x16xf32, #tpu.memory_space<vmem_shared>> -> memref<100096x16xf32, #tpu.memory_space<vmem_shared>>
        tpu.wait_indirect_dma semaphore(%run_scoped3A : memref<!tpu.dma_semaphore, #tpu.memory_space<semaphore_mem>>) src(%arg11 : memref<800x16xf32, #tpu.memory_space<vmem>>) dst(%dma_wait3A_127 : memref<100096x16xf32, #tpu.memory_space<vmem_shared>>)
        tpu.yield
      }) : () -> ()
    }
    %scan3A_40 = arith.constant 62 : i32
    %dma_wait3A = arith.constant 0 : i32
    %dma_wait3A_41 = arith.constant 0 : i32
    %dma_wait3A_42 = tpu.memref_slice %arg2[%dma_wait3A, %dma_wait3A_41] : memref<200192x16xf32, #tpu.memory_space<hbm>> -> memref<200192x16xf32, #tpu.memory_space<hbm>>
    tpu.wait_indirect_dma semaphore(%arg13 : memref<!tpu.dma_semaphore, #tpu.memory_space<semaphore_mem>>) src(%dma_wait3A_42 : memref<200192x16xf32, #tpu.memory_space<hbm>>) dst(%arg8 : memref<800x16xf32, #tpu.memory_space<vmem>>)
    "tpu.region"() ({
      %run_scoped3A = tpu.sem_alloc : memref<!tpu.dma_semaphore, #tpu.memory_space<semaphore_mem>>
      %dma_start3A_79 = arith.constant 0 : i32
      %dma_start3A_80 = arith.constant 0 : i32
      %dma_start3A_81 = tpu.memref_slice %arg12[%dma_start3A_79, %dma_start3A_80] : memref<100096x16xf32, #tpu.memory_space<vmem_shared>> -> memref<100096x16xf32, #tpu.memory_space<vmem_shared>>
      tpu.enqueue_indirect_dma source(%arg8 : memref<800x16xf32, #tpu.memory_space<vmem>>) target(%dma_start3A_81 : memref<100096x16xf32, #tpu.memory_space<vmem_shared>>) offsets(%arg7 : memref<800xi32, #tpu.memory_space<vmem>>) semaphore(%run_scoped3A : memref<!tpu.dma_semaphore, #tpu.memory_space<semaphore_mem>>) {add = true}
      %dma_wait3A_82 = arith.constant 0 : i32
      %dma_wait3A_83 = arith.constant 0 : i32
      %dma_wait3A_84 = tpu.memref_slice %arg12[%dma_wait3A_82, %dma_wait3A_83] : memref<100096x16xf32, #tpu.memory_space<vmem_shared>> -> memref<100096x16xf32, #tpu.memory_space<vmem_shared>>
      tpu.wait_indirect_dma semaphore(%run_scoped3A : memref<!tpu.dma_semaphore, #tpu.memory_space<semaphore_mem>>) src(%arg8 : memref<800x16xf32, #tpu.memory_space<vmem>>) dst(%dma_wait3A_84 : memref<100096x16xf32, #tpu.memory_space<vmem_shared>>)
      tpu.yield
    }) : () -> ()
    %barrier3A_43 = arith.constant 0 : index
    tpu.barrier barrier_id(%barrier3A_43)
    %mul3A_44 = arith.constant 16 : i32
    %mul3A_45 = arith.muli %arg0, %mul3A_44 : i32
    %multiple_of3A_46 = tpu.assume_multiple %mul3A_45, 8 : i32
    %add3A_47 = arith.constant 0 : i32
    %add3A_48 = arith.addi %multiple_of3A, %add3A_47 : i32
    "tpu.region"() ({
      %run_scoped3A = tpu.sem_alloc : memref<!tpu.dma_semaphore, #tpu.memory_space<semaphore_mem>>
      %dma_start3A_79 = arith.constant 0 : i32
      %dma_start3A_80 = tpu.memref_slice %arg12[%add3A_48, %dma_start3A_79] : memref<100096x16xf32, #tpu.memory_space<vmem_shared>> -> memref<800x16xf32, #tpu.memory_space<vmem_shared>>
      %dma_start3A_81 = arith.constant 0 : i32
      %dma_start3A_82 = tpu.memref_slice %arg12[%add3A_48, %dma_start3A_81] : memref<100096x16xf32, #tpu.memory_space<vmem_shared>> -> memref<800x16xf32, #tpu.memory_space<vmem_shared>>
      tpu.enqueue_dma source(%dma_start3A_82 : memref<800x16xf32, #tpu.memory_space<vmem_shared>>) target(%arg8 : memref<800x16xf32, #tpu.memory_space<vmem>>) target_semaphore(%run_scoped3A : memref<!tpu.dma_semaphore, #tpu.memory_space<semaphore_mem>>)
      %dma_wait3A_83 = arith.constant 0 : i32
      %dma_wait3A_84 = tpu.memref_slice %arg12[%add3A_48, %dma_wait3A_83] : memref<100096x16xf32, #tpu.memory_space<vmem_shared>> -> memref<800x16xf32, #tpu.memory_space<vmem_shared>>
      %dma_wait3A_85 = arith.constant 0 : i32
      %dma_wait3A_86 = tpu.memref_slice %arg12[%add3A_48, %dma_wait3A_85] : memref<100096x16xf32, #tpu.memory_space<vmem_shared>> -> memref<800x16xf32, #tpu.memory_space<vmem_shared>>
      tpu.wait_dma2 semaphore(%run_scoped3A : memref<!tpu.dma_semaphore, #tpu.memory_space<semaphore_mem>>) src(%dma_wait3A_86 : memref<800x16xf32, #tpu.memory_space<vmem_shared>>) dst(%arg8 : memref<800x16xf32, #tpu.memory_space<vmem>>)
      tpu.yield
    }) : () -> ()
    %add3A_49 = arith.constant 0 : i32
    %add3A_50 = arith.addi %multiple_of3A, %add3A_49 : i32
    "tpu.region"() ({
      %run_scoped3A = tpu.sem_alloc : memref<!tpu.dma_semaphore, #tpu.memory_space<semaphore_mem>>
      %dma_start3A_79 = tpu.memref_slice %arg5[%add3A_50, %multiple_of3A_46] : memref<100096x32xf32, #tpu.memory_space<hbm>> -> memref<800x16xf32, #tpu.memory_space<hbm>>
      %dma_start3A_80 = tpu.memref_slice %arg5[%add3A_50, %multiple_of3A_46] : memref<100096x32xf32, #tpu.memory_space<hbm>> -> memref<800x16xf32, #tpu.memory_space<hbm>>
      tpu.enqueue_dma source(%arg8 : memref<800x16xf32, #tpu.memory_space<vmem>>) target(%dma_start3A_80 : memref<800x16xf32, #tpu.memory_space<hbm>>) target_semaphore(%run_scoped3A : memref<!tpu.dma_semaphore, #tpu.memory_space<semaphore_mem>>)
      %dma_wait3A_81 = tpu.memref_slice %arg5[%add3A_50, %multiple_of3A_46] : memref<100096x32xf32, #tpu.memory_space<hbm>> -> memref<800x16xf32, #tpu.memory_space<hbm>>
      %dma_wait3A_82 = tpu.memref_slice %arg5[%add3A_50, %multiple_of3A_46] : memref<100096x32xf32, #tpu.memory_space<hbm>> -> memref<800x16xf32, #tpu.memory_space<hbm>>
      tpu.wait_dma2 semaphore(%run_scoped3A : memref<!tpu.dma_semaphore, #tpu.memory_space<semaphore_mem>>) src(%arg8 : memref<800x16xf32, #tpu.memory_space<vmem>>) dst(%dma_wait3A_82 : memref<800x16xf32, #tpu.memory_space<hbm>>)
      tpu.yield
    }) : () -> ()
    %add3A_51 = arith.constant 800 : i32
    %add3A_52 = arith.addi %multiple_of3A, %add3A_51 : i32
    "tpu.region"() ({
      %run_scoped3A = tpu.sem_alloc : memref<!tpu.dma_semaphore, #tpu.memory_space<semaphore_mem>>
      %dma_start3A_79 = arith.constant 0 : i32
      %dma_start3A_80 = tpu.memref_slice %arg12[%add3A_52, %dma_start3A_79] : memref<100096x16xf32, #tpu.memory_space<vmem_shared>> -> memref<800x16xf32, #tpu.memory_space<vmem_shared>>
      %dma_start3A_81 = arith.constant 0 : i32
      %dma_start3A_82 = tpu.memref_slice %arg12[%add3A_52, %dma_start3A_81] : memref<100096x16xf32, #tpu.memory_space<vmem_shared>> -> memref<800x16xf32, #tpu.memory_space<vmem_shared>>
      tpu.enqueue_dma source(%dma_start3A_82 : memref<800x16xf32, #tpu.memory_space<vmem_shared>>) target(%arg8 : memref<800x16xf32, #tpu.memory_space<vmem>>) target_semaphore(%run_scoped3A : memref<!tpu.dma_semaphore, #tpu.memory_space<semaphore_mem>>)
      %dma_wait3A_83 = arith.constant 0 : i32
      %dma_wait3A_84 = tpu.memref_slice %arg12[%add3A_52, %dma_wait3A_83] : memref<100096x16xf32, #tpu.memory_space<vmem_shared>> -> memref<800x16xf32, #tpu.memory_space<vmem_shared>>
      %dma_wait3A_85 = arith.constant 0 : i32
      %dma_wait3A_86 = tpu.memref_slice %arg12[%add3A_52, %dma_wait3A_85] : memref<100096x16xf32, #tpu.memory_space<vmem_shared>> -> memref<800x16xf32, #tpu.memory_space<vmem_shared>>
      tpu.wait_dma2 semaphore(%run_scoped3A : memref<!tpu.dma_semaphore, #tpu.memory_space<semaphore_mem>>) src(%dma_wait3A_86 : memref<800x16xf32, #tpu.memory_space<vmem_shared>>) dst(%arg8 : memref<800x16xf32, #tpu.memory_space<vmem>>)
      tpu.yield
    }) : () -> ()
    %add3A_53 = arith.constant 800 : i32
    %add3A_54 = arith.addi %multiple_of3A, %add3A_53 : i32
    "tpu.region"() ({
      %run_scoped3A = tpu.sem_alloc : memref<!tpu.dma_semaphore, #tpu.memory_space<semaphore_mem>>
      %dma_start3A_79 = tpu.memref_slice %arg5[%add3A_54, %multiple_of3A_46] : memref<100096x32xf32, #tpu.memory_space<hbm>> -> memref<800x16xf32, #tpu.memory_space<hbm>>
      %dma_start3A_80 = tpu.memref_slice %arg5[%add3A_54, %multiple_of3A_46] : memref<100096x32xf32, #tpu.memory_space<hbm>> -> memref<800x16xf32, #tpu.memory_space<hbm>>
      tpu.enqueue_dma source(%arg8 : memref<800x16xf32, #tpu.memory_space<vmem>>) target(%dma_start3A_80 : memref<800x16xf32, #tpu.memory_space<hbm>>) target_semaphore(%run_scoped3A : memref<!tpu.dma_semaphore, #tpu.memory_space<semaphore_mem>>)
      %dma_wait3A_81 = tpu.memref_slice %arg5[%add3A_54, %multiple_of3A_46] : memref<100096x32xf32, #tpu.memory_space<hbm>> -> memref<800x16xf32, #tpu.memory_space<hbm>>
      %dma_wait3A_82 = tpu.memref_slice %arg5[%add3A_54, %multiple_of3A_46] : memref<100096x32xf32, #tpu.memory_space<hbm>> -> memref<800x16xf32, #tpu.memory_space<hbm>>
      tpu.wait_dma2 semaphore(%run_scoped3A : memref<!tpu.dma_semaphore, #tpu.memory_space<semaphore_mem>>) src(%arg8 : memref<800x16xf32, #tpu.memory_space<vmem>>) dst(%dma_wait3A_82 : memref<800x16xf32, #tpu.memory_space<hbm>>)
      tpu.yield
    }) : () -> ()
    %add3A_55 = arith.constant 1600 : i32
    %add3A_56 = arith.addi %multiple_of3A, %add3A_55 : i32
    "tpu.region"() ({
      %run_scoped3A = tpu.sem_alloc : memref<!tpu.dma_semaphore, #tpu.memory_space<semaphore_mem>>
      %dma_start3A_79 = arith.constant 0 : i32
      %dma_start3A_80 = tpu.memref_slice %arg12[%add3A_56, %dma_start3A_79] : memref<100096x16xf32, #tpu.memory_space<vmem_shared>> -> memref<800x16xf32, #tpu.memory_space<vmem_shared>>
      %dma_start3A_81 = arith.constant 0 : i32
      %dma_start3A_82 = tpu.memref_slice %arg12[%add3A_56, %dma_start3A_81] : memref<100096x16xf32, #tpu.memory_space<vmem_shared>> -> memref<800x16xf32, #tpu.memory_space<vmem_shared>>
      tpu.enqueue_dma source(%dma_start3A_82 : memref<800x16xf32, #tpu.memory_space<vmem_shared>>) target(%arg8 : memref<800x16xf32, #tpu.memory_space<vmem>>) target_semaphore(%run_scoped3A : memref<!tpu.dma_semaphore, #tpu.memory_space<semaphore_mem>>)
      %dma_wait3A_83 = arith.constant 0 : i32
      %dma_wait3A_84 = tpu.memref_slice %arg12[%add3A_56, %dma_wait3A_83] : memref<100096x16xf32, #tpu.memory_space<vmem_shared>> -> memref<800x16xf32, #tpu.memory_space<vmem_shared>>
      %dma_wait3A_85 = arith.constant 0 : i32
      %dma_wait3A_86 = tpu.memref_slice %arg12[%add3A_56, %dma_wait3A_85] : memref<100096x16xf32, #tpu.memory_space<vmem_shared>> -> memref<800x16xf32, #tpu.memory_space<vmem_shared>>
      tpu.wait_dma2 semaphore(%run_scoped3A : memref<!tpu.dma_semaphore, #tpu.memory_space<semaphore_mem>>) src(%dma_wait3A_86 : memref<800x16xf32, #tpu.memory_space<vmem_shared>>) dst(%arg8 : memref<800x16xf32, #tpu.memory_space<vmem>>)
      tpu.yield
    }) : () -> ()
    %add3A_57 = arith.constant 1600 : i32
    %add3A_58 = arith.addi %multiple_of3A, %add3A_57 : i32
    "tpu.region"() ({
      %run_scoped3A = tpu.sem_alloc : memref<!tpu.dma_semaphore, #tpu.memory_space<semaphore_mem>>
      %dma_start3A_79 = tpu.memref_slice %arg5[%add3A_58, %multiple_of3A_46] : memref<100096x32xf32, #tpu.memory_space<hbm>> -> memref<800x16xf32, #tpu.memory_space<hbm>>
      %dma_start3A_80 = tpu.memref_slice %arg5[%add3A_58, %multiple_of3A_46] : memref<100096x32xf32, #tpu.memory_space<hbm>> -> memref<800x16xf32, #tpu.memory_space<hbm>>
      tpu.enqueue_dma source(%arg8 : memref<800x16xf32, #tpu.memory_space<vmem>>) target(%dma_start3A_80 : memref<800x16xf32, #tpu.memory_space<hbm>>) target_semaphore(%run_scoped3A : memref<!tpu.dma_semaphore, #tpu.memory_space<semaphore_mem>>)
      %dma_wait3A_81 = tpu.memref_slice %arg5[%add3A_58, %multiple_of3A_46] : memref<100096x32xf32, #tpu.memory_space<hbm>> -> memref<800x16xf32, #tpu.memory_space<hbm>>
      %dma_wait3A_82 = tpu.memref_slice %arg5[%add3A_58, %multiple_of3A_46] : memref<100096x32xf32, #tpu.memory_space<hbm>> -> memref<800x16xf32, #tpu.memory_space<hbm>>
      tpu.wait_dma2 semaphore(%run_scoped3A : memref<!tpu.dma_semaphore, #tpu.memory_space<semaphore_mem>>) src(%arg8 : memref<800x16xf32, #tpu.memory_space<vmem>>) dst(%dma_wait3A_82 : memref<800x16xf32, #tpu.memory_space<hbm>>)
      tpu.yield
    }) : () -> ()
    %add3A_59 = arith.constant 2400 : i32
    %add3A_60 = arith.addi %multiple_of3A, %add3A_59 : i32
    "tpu.region"() ({
      %run_scoped3A = tpu.sem_alloc : memref<!tpu.dma_semaphore, #tpu.memory_space<semaphore_mem>>
      %dma_start3A_79 = arith.constant 0 : i32
      %dma_start3A_80 = tpu.memref_slice %arg12[%add3A_60, %dma_start3A_79] : memref<100096x16xf32, #tpu.memory_space<vmem_shared>> -> memref<800x16xf32, #tpu.memory_space<vmem_shared>>
      %dma_start3A_81 = arith.constant 0 : i32
      %dma_start3A_82 = tpu.memref_slice %arg12[%add3A_60, %dma_start3A_81] : memref<100096x16xf32, #tpu.memory_space<vmem_shared>> -> memref<800x16xf32, #tpu.memory_space<vmem_shared>>
      tpu.enqueue_dma source(%dma_start3A_82 : memref<800x16xf32, #tpu.memory_space<vmem_shared>>) target(%arg8 : memref<800x16xf32, #tpu.memory_space<vmem>>) target_semaphore(%run_scoped3A : memref<!tpu.dma_semaphore, #tpu.memory_space<semaphore_mem>>)
      %dma_wait3A_83 = arith.constant 0 : i32
      %dma_wait3A_84 = tpu.memref_slice %arg12[%add3A_60, %dma_wait3A_83] : memref<100096x16xf32, #tpu.memory_space<vmem_shared>> -> memref<800x16xf32, #tpu.memory_space<vmem_shared>>
      %dma_wait3A_85 = arith.constant 0 : i32
      %dma_wait3A_86 = tpu.memref_slice %arg12[%add3A_60, %dma_wait3A_85] : memref<100096x16xf32, #tpu.memory_space<vmem_shared>> -> memref<800x16xf32, #tpu.memory_space<vmem_shared>>
      tpu.wait_dma2 semaphore(%run_scoped3A : memref<!tpu.dma_semaphore, #tpu.memory_space<semaphore_mem>>) src(%dma_wait3A_86 : memref<800x16xf32, #tpu.memory_space<vmem_shared>>) dst(%arg8 : memref<800x16xf32, #tpu.memory_space<vmem>>)
      tpu.yield
    }) : () -> ()
    %add3A_61 = arith.constant 2400 : i32
    %add3A_62 = arith.addi %multiple_of3A, %add3A_61 : i32
    "tpu.region"() ({
      %run_scoped3A = tpu.sem_alloc : memref<!tpu.dma_semaphore, #tpu.memory_space<semaphore_mem>>
      %dma_start3A_79 = tpu.memref_slice %arg5[%add3A_62, %multiple_of3A_46] : memref<100096x32xf32, #tpu.memory_space<hbm>> -> memref<800x16xf32, #tpu.memory_space<hbm>>
      %dma_start3A_80 = tpu.memref_slice %arg5[%add3A_62, %multiple_of3A_46] : memref<100096x32xf32, #tpu.memory_space<hbm>> -> memref<800x16xf32, #tpu.memory_space<hbm>>
      tpu.enqueue_dma source(%arg8 : memref<800x16xf32, #tpu.memory_space<vmem>>) target(%dma_start3A_80 : memref<800x16xf32, #tpu.memory_space<hbm>>) target_semaphore(%run_scoped3A : memref<!tpu.dma_semaphore, #tpu.memory_space<semaphore_mem>>)
      %dma_wait3A_81 = tpu.memref_slice %arg5[%add3A_62, %multiple_of3A_46] : memref<100096x32xf32, #tpu.memory_space<hbm>> -> memref<800x16xf32, #tpu.memory_space<hbm>>
      %dma_wait3A_82 = tpu.memref_slice %arg5[%add3A_62, %multiple_of3A_46] : memref<100096x32xf32, #tpu.memory_space<hbm>> -> memref<800x16xf32, #tpu.memory_space<hbm>>
      tpu.wait_dma2 semaphore(%run_scoped3A : memref<!tpu.dma_semaphore, #tpu.memory_space<semaphore_mem>>) src(%arg8 : memref<800x16xf32, #tpu.memory_space<vmem>>) dst(%dma_wait3A_82 : memref<800x16xf32, #tpu.memory_space<hbm>>)
      tpu.yield
    }) : () -> ()
    %add3A_63 = arith.constant 3200 : i32
    %add3A_64 = arith.addi %multiple_of3A, %add3A_63 : i32
    "tpu.region"() ({
      %run_scoped3A = tpu.sem_alloc : memref<!tpu.dma_semaphore, #tpu.memory_space<semaphore_mem>>
      %dma_start3A_79 = arith.constant 0 : i32
      %dma_start3A_80 = tpu.memref_slice %arg12[%add3A_64, %dma_start3A_79] : memref<100096x16xf32, #tpu.memory_space<vmem_shared>> -> memref<800x16xf32, #tpu.memory_space<vmem_shared>>
      %dma_start3A_81 = arith.constant 0 : i32
      %dma_start3A_82 = tpu.memref_slice %arg12[%add3A_64, %dma_start3A_81] : memref<100096x16xf32, #tpu.memory_space<vmem_shared>> -> memref<800x16xf32, #tpu.memory_space<vmem_shared>>
      tpu.enqueue_dma source(%dma_start3A_82 : memref<800x16xf32, #tpu.memory_space<vmem_shared>>) target(%arg8 : memref<800x16xf32, #tpu.memory_space<vmem>>) target_semaphore(%run_scoped3A : memref<!tpu.dma_semaphore, #tpu.memory_space<semaphore_mem>>)
      %dma_wait3A_83 = arith.constant 0 : i32
      %dma_wait3A_84 = tpu.memref_slice %arg12[%add3A_64, %dma_wait3A_83] : memref<100096x16xf32, #tpu.memory_space<vmem_shared>> -> memref<800x16xf32, #tpu.memory_space<vmem_shared>>
      %dma_wait3A_85 = arith.constant 0 : i32
      %dma_wait3A_86 = tpu.memref_slice %arg12[%add3A_64, %dma_wait3A_85] : memref<100096x16xf32, #tpu.memory_space<vmem_shared>> -> memref<800x16xf32, #tpu.memory_space<vmem_shared>>
      tpu.wait_dma2 semaphore(%run_scoped3A : memref<!tpu.dma_semaphore, #tpu.memory_space<semaphore_mem>>) src(%dma_wait3A_86 : memref<800x16xf32, #tpu.memory_space<vmem_shared>>) dst(%arg8 : memref<800x16xf32, #tpu.memory_space<vmem>>)
      tpu.yield
    }) : () -> ()
    %add3A_65 = arith.constant 3200 : i32
    %add3A_66 = arith.addi %multiple_of3A, %add3A_65 : i32
    "tpu.region"() ({
      %run_scoped3A = tpu.sem_alloc : memref<!tpu.dma_semaphore, #tpu.memory_space<semaphore_mem>>
      %dma_start3A_79 = tpu.memref_slice %arg5[%add3A_66, %multiple_of3A_46] : memref<100096x32xf32, #tpu.memory_space<hbm>> -> memref<800x16xf32, #tpu.memory_space<hbm>>
      %dma_start3A_80 = tpu.memref_slice %arg5[%add3A_66, %multiple_of3A_46] : memref<100096x32xf32, #tpu.memory_space<hbm>> -> memref<800x16xf32, #tpu.memory_space<hbm>>
      tpu.enqueue_dma source(%arg8 : memref<800x16xf32, #tpu.memory_space<vmem>>) target(%dma_start3A_80 : memref<800x16xf32, #tpu.memory_space<hbm>>) target_semaphore(%run_scoped3A : memref<!tpu.dma_semaphore, #tpu.memory_space<semaphore_mem>>)
      %dma_wait3A_81 = tpu.memref_slice %arg5[%add3A_66, %multiple_of3A_46] : memref<100096x32xf32, #tpu.memory_space<hbm>> -> memref<800x16xf32, #tpu.memory_space<hbm>>
      %dma_wait3A_82 = tpu.memref_slice %arg5[%add3A_66, %multiple_of3A_46] : memref<100096x32xf32, #tpu.memory_space<hbm>> -> memref<800x16xf32, #tpu.memory_space<hbm>>
      tpu.wait_dma2 semaphore(%run_scoped3A : memref<!tpu.dma_semaphore, #tpu.memory_space<semaphore_mem>>) src(%arg8 : memref<800x16xf32, #tpu.memory_space<vmem>>) dst(%dma_wait3A_82 : memref<800x16xf32, #tpu.memory_space<hbm>>)
      tpu.yield
    }) : () -> ()
    %add3A_67 = arith.constant 4000 : i32
    %add3A_68 = arith.addi %multiple_of3A, %add3A_67 : i32
    "tpu.region"() ({
      %run_scoped3A = tpu.sem_alloc : memref<!tpu.dma_semaphore, #tpu.memory_space<semaphore_mem>>
      %dma_start3A_79 = arith.constant 0 : i32
      %dma_start3A_80 = tpu.memref_slice %arg12[%add3A_68, %dma_start3A_79] : memref<100096x16xf32, #tpu.memory_space<vmem_shared>> -> memref<800x16xf32, #tpu.memory_space<vmem_shared>>
      %dma_start3A_81 = arith.constant 0 : i32
      %dma_start3A_82 = tpu.memref_slice %arg12[%add3A_68, %dma_start3A_81] : memref<100096x16xf32, #tpu.memory_space<vmem_shared>> -> memref<800x16xf32, #tpu.memory_space<vmem_shared>>
      tpu.enqueue_dma source(%dma_start3A_82 : memref<800x16xf32, #tpu.memory_space<vmem_shared>>) target(%arg8 : memref<800x16xf32, #tpu.memory_space<vmem>>) target_semaphore(%run_scoped3A : memref<!tpu.dma_semaphore, #tpu.memory_space<semaphore_mem>>)
      %dma_wait3A_83 = arith.constant 0 : i32
      %dma_wait3A_84 = tpu.memref_slice %arg12[%add3A_68, %dma_wait3A_83] : memref<100096x16xf32, #tpu.memory_space<vmem_shared>> -> memref<800x16xf32, #tpu.memory_space<vmem_shared>>
      %dma_wait3A_85 = arith.constant 0 : i32
      %dma_wait3A_86 = tpu.memref_slice %arg12[%add3A_68, %dma_wait3A_85] : memref<100096x16xf32, #tpu.memory_space<vmem_shared>> -> memref<800x16xf32, #tpu.memory_space<vmem_shared>>
      tpu.wait_dma2 semaphore(%run_scoped3A : memref<!tpu.dma_semaphore, #tpu.memory_space<semaphore_mem>>) src(%dma_wait3A_86 : memref<800x16xf32, #tpu.memory_space<vmem_shared>>) dst(%arg8 : memref<800x16xf32, #tpu.memory_space<vmem>>)
      tpu.yield
    }) : () -> ()
    %add3A_69 = arith.constant 4000 : i32
    %add3A_70 = arith.addi %multiple_of3A, %add3A_69 : i32
    "tpu.region"() ({
      %run_scoped3A = tpu.sem_alloc : memref<!tpu.dma_semaphore, #tpu.memory_space<semaphore_mem>>
      %dma_start3A_79 = tpu.memref_slice %arg5[%add3A_70, %multiple_of3A_46] : memref<100096x32xf32, #tpu.memory_space<hbm>> -> memref<800x16xf32, #tpu.memory_space<hbm>>
      %dma_start3A_80 = tpu.memref_slice %arg5[%add3A_70, %multiple_of3A_46] : memref<100096x32xf32, #tpu.memory_space<hbm>> -> memref<800x16xf32, #tpu.memory_space<hbm>>
      tpu.enqueue_dma source(%arg8 : memref<800x16xf32, #tpu.memory_space<vmem>>) target(%dma_start3A_80 : memref<800x16xf32, #tpu.memory_space<hbm>>) target_semaphore(%run_scoped3A : memref<!tpu.dma_semaphore, #tpu.memory_space<semaphore_mem>>)
      %dma_wait3A_81 = tpu.memref_slice %arg5[%add3A_70, %multiple_of3A_46] : memref<100096x32xf32, #tpu.memory_space<hbm>> -> memref<800x16xf32, #tpu.memory_space<hbm>>
      %dma_wait3A_82 = tpu.memref_slice %arg5[%add3A_70, %multiple_of3A_46] : memref<100096x32xf32, #tpu.memory_space<hbm>> -> memref<800x16xf32, #tpu.memory_space<hbm>>
      tpu.wait_dma2 semaphore(%run_scoped3A : memref<!tpu.dma_semaphore, #tpu.memory_space<semaphore_mem>>) src(%arg8 : memref<800x16xf32, #tpu.memory_space<vmem>>) dst(%dma_wait3A_82 : memref<800x16xf32, #tpu.memory_space<hbm>>)
      tpu.yield
    }) : () -> ()
    %add3A_71 = arith.constant 4800 : i32
    %add3A_72 = arith.addi %multiple_of3A, %add3A_71 : i32
    "tpu.region"() ({
      %run_scoped3A = tpu.sem_alloc : memref<!tpu.dma_semaphore, #tpu.memory_space<semaphore_mem>>
      %dma_start3A_79 = arith.constant 0 : i32
      %dma_start3A_80 = tpu.memref_slice %arg12[%add3A_72, %dma_start3A_79] : memref<100096x16xf32, #tpu.memory_space<vmem_shared>> -> memref<800x16xf32, #tpu.memory_space<vmem_shared>>
      %dma_start3A_81 = arith.constant 0 : i32
      %dma_start3A_82 = tpu.memref_slice %arg12[%add3A_72, %dma_start3A_81] : memref<100096x16xf32, #tpu.memory_space<vmem_shared>> -> memref<800x16xf32, #tpu.memory_space<vmem_shared>>
      tpu.enqueue_dma source(%dma_start3A_82 : memref<800x16xf32, #tpu.memory_space<vmem_shared>>) target(%arg8 : memref<800x16xf32, #tpu.memory_space<vmem>>) target_semaphore(%run_scoped3A : memref<!tpu.dma_semaphore, #tpu.memory_space<semaphore_mem>>)
      %dma_wait3A_83 = arith.constant 0 : i32
      %dma_wait3A_84 = tpu.memref_slice %arg12[%add3A_72, %dma_wait3A_83] : memref<100096x16xf32, #tpu.memory_space<vmem_shared>> -> memref<800x16xf32, #tpu.memory_space<vmem_shared>>
      %dma_wait3A_85 = arith.constant 0 : i32
      %dma_wait3A_86 = tpu.memref_slice %arg12[%add3A_72, %dma_wait3A_85] : memref<100096x16xf32, #tpu.memory_space<vmem_shared>> -> memref<800x16xf32, #tpu.memory_space<vmem_shared>>
      tpu.wait_dma2 semaphore(%run_scoped3A : memref<!tpu.dma_semaphore, #tpu.memory_space<semaphore_mem>>) src(%dma_wait3A_86 : memref<800x16xf32, #tpu.memory_space<vmem_shared>>) dst(%arg8 : memref<800x16xf32, #tpu.memory_space<vmem>>)
      tpu.yield
    }) : () -> ()
    %add3A_73 = arith.constant 4800 : i32
    %add3A_74 = arith.addi %multiple_of3A, %add3A_73 : i32
    "tpu.region"() ({
      %run_scoped3A = tpu.sem_alloc : memref<!tpu.dma_semaphore, #tpu.memory_space<semaphore_mem>>
      %dma_start3A_79 = tpu.memref_slice %arg5[%add3A_74, %multiple_of3A_46] : memref<100096x32xf32, #tpu.memory_space<hbm>> -> memref<800x16xf32, #tpu.memory_space<hbm>>
      %dma_start3A_80 = tpu.memref_slice %arg5[%add3A_74, %multiple_of3A_46] : memref<100096x32xf32, #tpu.memory_space<hbm>> -> memref<800x16xf32, #tpu.memory_space<hbm>>
      tpu.enqueue_dma source(%arg8 : memref<800x16xf32, #tpu.memory_space<vmem>>) target(%dma_start3A_80 : memref<800x16xf32, #tpu.memory_space<hbm>>) target_semaphore(%run_scoped3A : memref<!tpu.dma_semaphore, #tpu.memory_space<semaphore_mem>>)
      %dma_wait3A_81 = tpu.memref_slice %arg5[%add3A_74, %multiple_of3A_46] : memref<100096x32xf32, #tpu.memory_space<hbm>> -> memref<800x16xf32, #tpu.memory_space<hbm>>
      %dma_wait3A_82 = tpu.memref_slice %arg5[%add3A_74, %multiple_of3A_46] : memref<100096x32xf32, #tpu.memory_space<hbm>> -> memref<800x16xf32, #tpu.memory_space<hbm>>
      tpu.wait_dma2 semaphore(%run_scoped3A : memref<!tpu.dma_semaphore, #tpu.memory_space<semaphore_mem>>) src(%arg8 : memref<800x16xf32, #tpu.memory_space<vmem>>) dst(%dma_wait3A_82 : memref<800x16xf32, #tpu.memory_space<hbm>>)
      tpu.yield
    }) : () -> ()
    %add3A_75 = arith.constant 5600 : i32
    %add3A_76 = arith.addi %multiple_of3A, %add3A_75 : i32
    "tpu.region"() ({
      %run_scoped3A = tpu.sem_alloc : memref<!tpu.dma_semaphore, #tpu.memory_space<semaphore_mem>>
      %dma_start3A_79 = arith.constant 0 : i32
      %dma_start3A_80 = arith.constant 0 : i32
      %dma_start3A_81 = tpu.memref_slice %arg8[%dma_start3A_79, %dma_start3A_80] : memref<800x16xf32, #tpu.memory_space<vmem>> -> memref<656x16xf32, #tpu.memory_space<vmem>>
      %dma_start3A_82 = arith.constant 0 : i32
      %dma_start3A_83 = tpu.memref_slice %arg12[%add3A_76, %dma_start3A_82] : memref<100096x16xf32, #tpu.memory_space<vmem_shared>> -> memref<656x16xf32, #tpu.memory_space<vmem_shared>>
      %dma_start3A_84 = arith.constant 0 : i32
      %dma_start3A_85 = arith.constant 0 : i32
      %dma_start3A_86 = tpu.memref_slice %arg8[%dma_start3A_84, %dma_start3A_85] : memref<800x16xf32, #tpu.memory_space<vmem>> -> memref<656x16xf32, #tpu.memory_space<vmem>>
      %dma_start3A_87 = arith.constant 0 : i32
      %dma_start3A_88 = tpu.memref_slice %arg12[%add3A_76, %dma_start3A_87] : memref<100096x16xf32, #tpu.memory_space<vmem_shared>> -> memref<656x16xf32, #tpu.memory_space<vmem_shared>>
      tpu.enqueue_dma source(%dma_start3A_88 : memref<656x16xf32, #tpu.memory_space<vmem_shared>>) target(%dma_start3A_86 : memref<656x16xf32, #tpu.memory_space<vmem>>) target_semaphore(%run_scoped3A : memref<!tpu.dma_semaphore, #tpu.memory_space<semaphore_mem>>)
      %dma_wait3A_89 = arith.constant 0 : i32
      %dma_wait3A_90 = arith.constant 0 : i32
      %dma_wait3A_91 = tpu.memref_slice %arg8[%dma_wait3A_89, %dma_wait3A_90] : memref<800x16xf32, #tpu.memory_space<vmem>> -> memref<656x16xf32, #tpu.memory_space<vmem>>
      %dma_wait3A_92 = arith.constant 0 : i32
      %dma_wait3A_93 = tpu.memref_slice %arg12[%add3A_76, %dma_wait3A_92] : memref<100096x16xf32, #tpu.memory_space<vmem_shared>> -> memref<656x16xf32, #tpu.memory_space<vmem_shared>>
      %dma_wait3A_94 = arith.constant 0 : i32
      %dma_wait3A_95 = arith.constant 0 : i32
      %dma_wait3A_96 = tpu.memref_slice %arg8[%dma_wait3A_94, %dma_wait3A_95] : memref<800x16xf32, #tpu.memory_space<vmem>> -> memref<656x16xf32, #tpu.memory_space<vmem>>
      %dma_wait3A_97 = arith.constant 0 : i32
      %dma_wait3A_98 = tpu.memref_slice %arg12[%add3A_76, %dma_wait3A_97] : memref<100096x16xf32, #tpu.memory_space<vmem_shared>> -> memref<656x16xf32, #tpu.memory_space<vmem_shared>>
      tpu.wait_dma2 semaphore(%run_scoped3A : memref<!tpu.dma_semaphore, #tpu.memory_space<semaphore_mem>>) src(%dma_wait3A_98 : memref<656x16xf32, #tpu.memory_space<vmem_shared>>) dst(%dma_wait3A_96 : memref<656x16xf32, #tpu.memory_space<vmem>>)
      tpu.yield
    }) : () -> ()
    %add3A_77 = arith.constant 5600 : i32
    %add3A_78 = arith.addi %multiple_of3A, %add3A_77 : i32
    "tpu.region"() ({
      %run_scoped3A = tpu.sem_alloc : memref<!tpu.dma_semaphore, #tpu.memory_space<semaphore_mem>>
      %dma_start3A_79 = arith.constant 0 : i32
      %dma_start3A_80 = arith.constant 0 : i32
      %dma_start3A_81 = tpu.memref_slice %arg8[%dma_start3A_79, %dma_start3A_80] : memref<800x16xf32, #tpu.memory_space<vmem>> -> memref<656x16xf32, #tpu.memory_space<vmem>>
      %dma_start3A_82 = tpu.memref_slice %arg5[%add3A_78, %multiple_of3A_46] : memref<100096x32xf32, #tpu.memory_space<hbm>> -> memref<656x16xf32, #tpu.memory_space<hbm>>
      %dma_start3A_83 = tpu.memref_slice %arg5[%add3A_78, %multiple_of3A_46] : memref<100096x32xf32, #tpu.memory_space<hbm>> -> memref<656x16xf32, #tpu.memory_space<hbm>>
      %dma_start3A_84 = arith.constant 0 : i32
      %dma_start3A_85 = arith.constant 0 : i32
      %dma_start3A_86 = tpu.memref_slice %arg8[%dma_start3A_84, %dma_start3A_85] : memref<800x16xf32, #tpu.memory_space<vmem>> -> memref<656x16xf32, #tpu.memory_space<vmem>>
      tpu.enqueue_dma source(%dma_start3A_86 : memref<656x16xf32, #tpu.memory_space<vmem>>) target(%dma_start3A_83 : memref<656x16xf32, #tpu.memory_space<hbm>>) target_semaphore(%run_scoped3A : memref<!tpu.dma_semaphore, #tpu.memory_space<semaphore_mem>>)
      %dma_wait3A_87 = arith.constant 0 : i32
      %dma_wait3A_88 = arith.constant 0 : i32
      %dma_wait3A_89 = tpu.memref_slice %arg8[%dma_wait3A_87, %dma_wait3A_88] : memref<800x16xf32, #tpu.memory_space<vmem>> -> memref<656x16xf32, #tpu.memory_space<vmem>>
      %dma_wait3A_90 = tpu.memref_slice %arg5[%add3A_78, %multiple_of3A_46] : memref<100096x32xf32, #tpu.memory_space<hbm>> -> memref<656x16xf32, #tpu.memory_space<hbm>>
      %dma_wait3A_91 = tpu.memref_slice %arg5[%add3A_78, %multiple_of3A_46] : memref<100096x32xf32, #tpu.memory_space<hbm>> -> memref<656x16xf32, #tpu.memory_space<hbm>>
      %dma_wait3A_92 = arith.constant 0 : i32
      %dma_wait3A_93 = arith.constant 0 : i32
      %dma_wait3A_94 = tpu.memref_slice %arg8[%dma_wait3A_92, %dma_wait3A_93] : memref<800x16xf32, #tpu.memory_space<vmem>> -> memref<656x16xf32, #tpu.memory_space<vmem>>
      tpu.wait_dma2 semaphore(%run_scoped3A : memref<!tpu.dma_semaphore, #tpu.memory_space<semaphore_mem>>) src(%dma_wait3A_94 : memref<656x16xf32, #tpu.memory_space<vmem>>) dst(%dma_wait3A_91 : memref<656x16xf32, #tpu.memory_space<hbm>>)
      tpu.yield
    }) : () -> ()
    return
  }
}

module attributes {stable_mosaic.version = 14 : i64} {
  func.func @_tca_l0_body(%arg0: i32, %arg1: memref<368x16xf32, #tpu.memory_space<vmem>>, %arg2: memref<1x368x16xf32, #tpu.memory_space<vmem>>, %arg3: memref<1x368x16xf32, #tpu.memory_space<vmem>>, %arg4: memref<16x512xf32, #tpu.memory_space<vmem>>, %arg5: memref<1x512xf32, #tpu.memory_space<vmem>>, %arg6: memref<1x512xf32, #tpu.memory_space<vmem>>, %arg7: memref<512x512xf32, #tpu.memory_space<vmem>>, %arg8: memref<1x512xf32, #tpu.memory_space<vmem>>, %arg9: memref<512x32xf32, #tpu.memory_space<vmem>>, %arg10: memref<368x512xf32, #tpu.memory_space<vmem>>, %arg11: memref<1x512xf32, #tpu.memory_space<vmem>>, %arg12: memref<1x512xf32, #tpu.memory_space<vmem>>, %arg13: memref<1x512xf32, #tpu.memory_space<vmem>>) attributes {dimension_semantics = [#tpu.dimension_semantics<arbitrary>], iteration_bounds = array<i64: 17>, scalar_prefetch = 0 : i64, scratch_operands = 0 : i64, tpu.core_type = #tpu.core_type<tc>, window_params = [{transform_indices = @transform_0, window_bounds = array<i64: 368, 16>}, {transform_indices = @transform_1, window_bounds = array<i64: 1, 368, 16>}, {transform_indices = @transform_2, window_bounds = array<i64: 1, 368, 16>}, {pipeline_mode = #tpu.pipeline_mode<synchronous>, transform_indices = @transform_3, window_bounds = array<i64: 16, 512>}, {pipeline_mode = #tpu.pipeline_mode<synchronous>, transform_indices = @transform_4, window_bounds = array<i64: 1, 512>}, {pipeline_mode = #tpu.pipeline_mode<synchronous>, transform_indices = @transform_5, window_bounds = array<i64: 1, 512>}, {pipeline_mode = #tpu.pipeline_mode<synchronous>, transform_indices = @transform_6, window_bounds = array<i64: 512, 512>}, {pipeline_mode = #tpu.pipeline_mode<synchronous>, transform_indices = @transform_7, window_bounds = array<i64: 1, 512>}, {pipeline_mode = #tpu.pipeline_mode<synchronous>, transform_indices = @transform_8, window_bounds = array<i64: 512, 32>}, {transform_indices = @transform_9, window_bounds = array<i64: 368, 512>}, {pipeline_mode = #tpu.pipeline_mode<synchronous>, transform_indices = @transform_10, window_bounds = array<i64: 1, 512>}, {pipeline_mode = #tpu.pipeline_mode<synchronous>, transform_indices = @transform_11, window_bounds = array<i64: 1, 512>}, {pipeline_mode = #tpu.pipeline_mode<synchronous>, transform_indices = @transform_12, window_bounds = array<i64: 1, 512>}]} {
    %get3A = arith.constant 0 : index
    %get3A_0 = arith.constant 0 : index
    %get3A_1 = vector.load %arg1[%get3A, %get3A_0] : memref<368x16xf32, #tpu.memory_space<vmem>>, vector<368x16xf32>
    %get3A_2 = arith.constant 0 : index
    %get3A_3 = arith.constant 0 : index
    %get3A_4 = arith.constant 0 : index
    %get3A_5 = vector.load %arg2[%get3A_2, %get3A_3, %get3A_4] : memref<1x368x16xf32, #tpu.memory_space<vmem>>, vector<1x368x16xf32>
    %get3A_6 = vector.shape_cast %get3A_5 : vector<1x368x16xf32> to vector<368x16xf32>
    %add3A = arith.addf %get3A_1, %get3A_6 : vector<368x16xf32>
    %get3A_7 = arith.constant 0 : index
    %get3A_8 = arith.constant 0 : index
    %get3A_9 = arith.constant 0 : index
    %get3A_10 = vector.load %arg3[%get3A_7, %get3A_8, %get3A_9] : memref<1x368x16xf32, #tpu.memory_space<vmem>>, vector<1x368x16xf32>
    %get3A_11 = vector.shape_cast %get3A_10 : vector<1x368x16xf32> to vector<368x16xf32>
    %add3A_12 = arith.addf %add3A, %get3A_11 : vector<368x16xf32>
    %get3A_13 = arith.constant 0 : index
    %get3A_14 = arith.constant 0 : index
    %get3A_15 = vector.load %arg4[%get3A_13, %get3A_14] : memref<16x512xf32, #tpu.memory_space<vmem>>, vector<16x512xf32>
    %dot_general3A = arith.constant dense<0.000000e+00> : vector<368x512xf32>
    %dot_general3A_16 = tpu.matmul %add3A_12, %get3A_15, %dot_general3A {dimension_numbers = #tpu.dot_dimension_numbers<[1], [0], [0], [1], [0, 0, 1, 1], [], []>, precision = #tpu.contract_precision<fp32>, transpose_lhs_hint = false} : vector<368x16xf32>, vector<16x512xf32>, vector<368x512xf32> -> vector<368x512xf32>
    %get3A_17 = arith.constant 0 : index
    %get3A_18 = arith.constant 0 : index
    %get3A_19 = vector.load %arg5[%get3A_17, %get3A_18] : memref<1x512xf32, #tpu.memory_space<vmem>>, vector<1x512xf32>
    %mul3A = vector.broadcast %get3A_19 : vector<1x512xf32> to vector<368x512xf32>
    %mul3A_20 = arith.mulf %dot_general3A_16, %mul3A : vector<368x512xf32>
    %get3A_21 = arith.constant 0 : index
    %get3A_22 = arith.constant 0 : index
    %get3A_23 = vector.load %arg6[%get3A_21, %get3A_22] : memref<1x512xf32, #tpu.memory_space<vmem>>, vector<1x512xf32>
    %add3A_24 = vector.broadcast %get3A_23 : vector<1x512xf32> to vector<368x512xf32>
    %add3A_25 = arith.addf %mul3A_20, %add3A_24 : vector<368x512xf32>
    %max3A = arith.constant 0.000000e+00 : f32
    %max3A_26 = vector.broadcast %max3A : f32 to vector<368x512xf32>
    %max3A_27 = arith.maximumf %add3A_25, %max3A_26 : vector<368x512xf32>
    %get3A_28 = arith.constant 0 : index
    %get3A_29 = arith.constant 0 : index
    %get3A_30 = vector.load %arg7[%get3A_28, %get3A_29] : memref<512x512xf32, #tpu.memory_space<vmem>>, vector<512x512xf32>
    %convert_element_type3A = arith.truncf %max3A_27 : vector<368x512xf32> to vector<368x512xbf16>
    %convert_element_type3A_31 = arith.truncf %get3A_30 : vector<512x512xf32> to vector<512x512xbf16>
    %dot_general3A_32 = arith.constant dense<0.000000e+00> : vector<368x512xf32>
    %dot_general3A_33 = tpu.matmul %convert_element_type3A, %convert_element_type3A_31, %dot_general3A_32 {dimension_numbers = #tpu.dot_dimension_numbers<[1], [0], [0], [1], [0, 0, 1, 1], [], []>, transpose_lhs_hint = false} : vector<368x512xbf16>, vector<512x512xbf16>, vector<368x512xf32> -> vector<368x512xf32>
    %get3A_34 = arith.constant 0 : index
    %get3A_35 = arith.constant 0 : index
    %get3A_36 = vector.load %arg8[%get3A_34, %get3A_35] : memref<1x512xf32, #tpu.memory_space<vmem>>, vector<1x512xf32>
    %add3A_37 = vector.broadcast %get3A_36 : vector<1x512xf32> to vector<368x512xf32>
    %add3A_38 = arith.addf %dot_general3A_33, %add3A_37 : vector<368x512xf32>
    %swap3A = arith.constant 0 : index
    %swap3A_39 = arith.constant 0 : index
    %swap3A_40 = vector.load %arg10[%swap3A, %swap3A_39] : memref<368x512xf32, #tpu.memory_space<vmem>>, vector<368x512xf32>
    tpu.vector_store %arg10[%swap3A, %swap3A_39], %add3A_38 {strides = array<i32>} : memref<368x512xf32, #tpu.memory_space<vmem>>, vector<368x512xf32>,
    %iota3A = tpu.iota {dimensions = array<i32: 0>} : vector<368x512xi32>
    %mul3A_41 = arith.constant 368 : i32
    %mul3A_42 = arith.muli %arg0, %mul3A_41 : i32
    %add3A_43 = vector.broadcast %mul3A_42 : i32 to vector<368x512xi32>
    %add3A_44 = arith.addi %iota3A, %add3A_43 : vector<368x512xi32>
    %lt3A = arith.constant 6250 : i32
    %lt3A_45 = vector.broadcast %lt3A : i32 to vector<368x512xi32>
    %lt3A_46 = arith.cmpi slt, %add3A_44, %lt3A_45 : vector<368x512xi32>
    %jit3A = arith.constant 0.000000e+00 : f32
    %broadcast_in_dim3A = vector.broadcast %jit3A : f32 to vector<368x512xf32>
    %select_n3A = arith.select %lt3A_46, %add3A_38, %broadcast_in_dim3A : vector<368x512xi1>, vector<368x512xf32>
    %reduce_sum3A = arith.constant dense<0.000000e+00> : vector<512xf32>
    %reduce_sum3A_47 = vector.multi_reduction <add>, %select_n3A, %reduce_sum3A [0] : vector<368x512xf32> to vector<512xf32>
    %broadcast_in_dim3A_48 = vector.shape_cast %reduce_sum3A_47 : vector<512xf32> to vector<1x512xf32>
    %eq3A = arith.constant 0 : i32
    %eq3A_49 = arith.cmpi eq, %arg0, %eq3A : i32
    %convert_element_type3A_50 = arith.extui %eq3A_49 : i1 to i32
    %cond3A = arith.constant 0 : i32
    %cond3A_51 = arith.cmpi ne, %convert_element_type3A_50, %cond3A : i32
    scf.if %cond3A_51 {
      %broadcast_in_dim3A_77 = arith.constant 0.000000e+00 : f32
      %broadcast_in_dim3A_78 = vector.broadcast %broadcast_in_dim3A_77 : f32 to vector<1x512xf32>
      %swap3A_79 = arith.constant 0 : index
      %swap3A_80 = arith.constant 0 : index
      %swap3A_81 = vector.load %arg11[%swap3A_79, %swap3A_80] : memref<1x512xf32, #tpu.memory_space<vmem>>, vector<1x512xf32>
      tpu.vector_store %arg11[%swap3A_79, %swap3A_80], %broadcast_in_dim3A_78 {strides = array<i32>} : memref<1x512xf32, #tpu.memory_space<vmem>>, vector<1x512xf32>,
      %broadcast_in_dim3A_82 = arith.constant 0.000000e+00 : f32
      %broadcast_in_dim3A_83 = vector.broadcast %broadcast_in_dim3A_82 : f32 to vector<1x512xf32>
      %swap3A_84 = arith.constant 0 : index
      %swap3A_85 = arith.constant 0 : index
      %swap3A_86 = vector.load %arg12[%swap3A_84, %swap3A_85] : memref<1x512xf32, #tpu.memory_space<vmem>>, vector<1x512xf32>
      tpu.vector_store %arg12[%swap3A_84, %swap3A_85], %broadcast_in_dim3A_83 {strides = array<i32>} : memref<1x512xf32, #tpu.memory_space<vmem>>, vector<1x512xf32>,
      %get3A_87 = arith.constant 0 : index
      %get3A_88 = arith.constant 0 : index
      %get3A_89 = vector.load %arg9[%get3A_87, %get3A_88] : memref<512x32xf32, #tpu.memory_space<vmem>>, vector<512x32xf32>
      %dot_general3A_90 = arith.constant dense<0.000000e+00> : vector<1x32xf32>
      %dot_general3A_91 = tpu.matmul %broadcast_in_dim3A_48, %get3A_89, %dot_general3A_90 {dimension_numbers = #tpu.dot_dimension_numbers<[1], [0], [0], [1], [0, 0, 1, 1], [], []>, precision = #tpu.contract_precision<fp32>, transpose_lhs_hint = false} : vector<1x512xf32>, vector<512x32xf32>, vector<1x32xf32> -> vector<1x32xf32>
      %div3A = arith.constant 5.888000e+03 : f32
      %div3A_92 = vector.broadcast %div3A : f32 to vector<1x32xf32>
      %div3A_93 = arith.divf %dot_general3A_91, %div3A_92 : vector<1x32xf32>
      %get3A_94 = arith.constant 0 : index
      %get3A_95 = arith.constant 0 : index
      %get3A_96 = vector.load %arg9[%get3A_94, %get3A_95] : memref<512x32xf32, #tpu.memory_space<vmem>>, vector<512x32xf32>
      %dot_general3A_97 = arith.constant dense<0.000000e+00> : vector<1x512xf32>
      %dot_general3A_98 = tpu.matmul %div3A_93, %get3A_96, %dot_general3A_97 {dimension_numbers = #tpu.dot_dimension_numbers<[1], [1], [0], [0], [0, 0, 1, 0], [], []>, precision = #tpu.contract_precision<fp32>, transpose_lhs_hint = false} : vector<1x32xf32>, vector<512x32xf32>, vector<1x512xf32> -> vector<1x512xf32>
      %swap3A_99 = arith.constant 0 : index
      %swap3A_100 = arith.constant 0 : index
      %swap3A_101 = vector.load %arg13[%swap3A_99, %swap3A_100] : memref<1x512xf32, #tpu.memory_space<vmem>>, vector<1x512xf32>
      tpu.vector_store %arg13[%swap3A_99, %swap3A_100], %dot_general3A_98 {strides = array<i32>} : memref<1x512xf32, #tpu.memory_space<vmem>>, vector<1x512xf32>,
    } else {
    }
    %get3A_52 = arith.constant 0 : index
    %get3A_53 = arith.constant 0 : index
    %get3A_54 = vector.load %arg13[%get3A_52, %get3A_53] : memref<1x512xf32, #tpu.memory_space<vmem>>, vector<1x512xf32>
    %sub3A = vector.broadcast %get3A_54 : vector<1x512xf32> to vector<368x512xf32>
    %sub3A_55 = arith.subf %add3A_38, %sub3A : vector<368x512xf32>
    %mul3A_56 = arith.mulf %sub3A_55, %sub3A_55 : vector<368x512xf32>
    %jit3A_57 = arith.constant 0.000000e+00 : f32
    %broadcast_in_dim3A_58 = vector.broadcast %jit3A_57 : f32 to vector<368x512xf32>
    %select_n3A_59 = arith.select %lt3A_46, %mul3A_56, %broadcast_in_dim3A_58 : vector<368x512xi1>, vector<368x512xf32>
    %get3A_60 = arith.constant 0 : index
    %get3A_61 = arith.constant 0 : index
    %get3A_62 = vector.load %arg11[%get3A_60, %get3A_61] : memref<1x512xf32, #tpu.memory_space<vmem>>, vector<1x512xf32>
    %add3A_63 = arith.addf %get3A_62, %broadcast_in_dim3A_48 : vector<1x512xf32>
    %swap3A_64 = arith.constant 0 : index
    %swap3A_65 = arith.constant 0 : index
    %swap3A_66 = vector.load %arg11[%swap3A_64, %swap3A_65] : memref<1x512xf32, #tpu.memory_space<vmem>>, vector<1x512xf32>
    tpu.vector_store %arg11[%swap3A_64, %swap3A_65], %add3A_63 {strides = array<i32>} : memref<1x512xf32, #tpu.memory_space<vmem>>, vector<1x512xf32>,
    %get3A_67 = arith.constant 0 : index
    %get3A_68 = arith.constant 0 : index
    %get3A_69 = vector.load %arg12[%get3A_67, %get3A_68] : memref<1x512xf32, #tpu.memory_space<vmem>>, vector<1x512xf32>
    %reduce_sum3A_70 = arith.constant dense<0.000000e+00> : vector<512xf32>
    %reduce_sum3A_71 = vector.multi_reduction <add>, %select_n3A_59, %reduce_sum3A_70 [0] : vector<368x512xf32> to vector<512xf32>
    %broadcast_in_dim3A_72 = vector.shape_cast %reduce_sum3A_71 : vector<512xf32> to vector<1x512xf32>
    %add3A_73 = arith.addf %get3A_69, %broadcast_in_dim3A_72 : vector<1x512xf32>
    %swap3A_74 = arith.constant 0 : index
    %swap3A_75 = arith.constant 0 : index
    %swap3A_76 = vector.load %arg12[%swap3A_74, %swap3A_75] : memref<1x512xf32, #tpu.memory_space<vmem>>, vector<1x512xf32>
    tpu.vector_store %arg12[%swap3A_74, %swap3A_75], %add3A_73 {strides = array<i32>} : memref<1x512xf32, #tpu.memory_space<vmem>>, vector<1x512xf32>,
    return
  }
  func.func @transform_0(%arg0: i32) -> (i32, i32) {
    %c0_i32 = arith.constant 0 : i32
    %c0_i32_0 = arith.constant 0 : i32
    return %arg0, %c0_i32 : i32, i32
  }
  func.func @transform_1(%arg0: i32) -> (i32, i32, i32) {
    %c0_i32 = arith.constant 0 : i32
    %c0_i32_0 = arith.constant 0 : i32
    %c0_i32_1 = arith.constant 0 : i32
    return %c0_i32, %arg0, %c0_i32_0 : i32, i32, i32
  }
  func.func @transform_2(%arg0: i32) -> (i32, i32, i32) {
    %c1_i32 = arith.constant 1 : i32
    %c0_i32 = arith.constant 0 : i32
    %c0_i32_0 = arith.constant 0 : i32
    return %c1_i32, %arg0, %c0_i32 : i32, i32, i32
  }
  func.func @transform_3(%arg0: i32) -> (i32, i32) {
    %c0_i32 = arith.constant 0 : i32
    %c0_i32_0 = arith.constant 0 : i32
    %c0_i32_1 = arith.constant 0 : i32
    return %c0_i32, %c0_i32_0 : i32, i32
  }
  func.func @transform_4(%arg0: i32) -> (i32, i32) {
    %c0_i32 = arith.constant 0 : i32
    %c0_i32_0 = arith.constant 0 : i32
    %c0_i32_1 = arith.constant 0 : i32
    return %c0_i32, %c0_i32_0 : i32, i32
  }
  func.func @transform_5(%arg0: i32) -> (i32, i32) {
    %c0_i32 = arith.constant 0 : i32
    %c0_i32_0 = arith.constant 0 : i32
    %c0_i32_1 = arith.constant 0 : i32
    return %c0_i32, %c0_i32_0 : i32, i32
  }
  func.func @transform_6(%arg0: i32) -> (i32, i32) {
    %c0_i32 = arith.constant 0 : i32
    %c0_i32_0 = arith.constant 0 : i32
    %c0_i32_1 = arith.constant 0 : i32
    return %c0_i32, %c0_i32_0 : i32, i32
  }
  func.func @transform_7(%arg0: i32) -> (i32, i32) {
    %c0_i32 = arith.constant 0 : i32
    %c0_i32_0 = arith.constant 0 : i32
    %c0_i32_1 = arith.constant 0 : i32
    return %c0_i32, %c0_i32_0 : i32, i32
  }
  func.func @transform_8(%arg0: i32) -> (i32, i32) {
    %c0_i32 = arith.constant 0 : i32
    %c0_i32_0 = arith.constant 0 : i32
    %c0_i32_1 = arith.constant 0 : i32
    return %c0_i32, %c0_i32_0 : i32, i32
  }
  func.func @transform_9(%arg0: i32) -> (i32, i32) {
    %c0_i32 = arith.constant 0 : i32
    %c0_i32_0 = arith.constant 0 : i32
    return %arg0, %c0_i32 : i32, i32
  }
  func.func @transform_10(%arg0: i32) -> (i32, i32) {
    %c0_i32 = arith.constant 0 : i32
    %c0_i32_0 = arith.constant 0 : i32
    %c0_i32_1 = arith.constant 0 : i32
    return %c0_i32, %c0_i32_0 : i32, i32
  }
  func.func @transform_11(%arg0: i32) -> (i32, i32) {
    %c0_i32 = arith.constant 0 : i32
    %c0_i32_0 = arith.constant 0 : i32
    %c0_i32_1 = arith.constant 0 : i32
    return %c0_i32, %c0_i32_0 : i32, i32
  }
  func.func @transform_12(%arg0: i32) -> (i32, i32) {
    %c0_i32 = arith.constant 0 : i32
    %c0_i32_0 = arith.constant 0 : i32
    %c0_i32_1 = arith.constant 0 : i32
    return %c0_i32, %c0_i32_0 : i32, i32
  }
}

module attributes {stable_mosaic.version = 14 : i64} {
  func.func @_tcb_body(%arg0: i32, %arg1: memref<368x512xf32, #tpu.memory_space<vmem>>, %arg2: memref<1x512xf32, #tpu.memory_space<vmem>>, %arg3: memref<1x512xf32, #tpu.memory_space<vmem>>, %arg4: memref<1x512xf32, #tpu.memory_space<vmem>>, %arg5: memref<512x32xf32, #tpu.memory_space<vmem>>, %arg6: memref<1x32xf32, #tpu.memory_space<vmem>>, %arg7: memref<1x32xf32, #tpu.memory_space<vmem>>, %arg8: memref<368x512xf32, #tpu.memory_space<vmem>>) attributes {dimension_semantics = [#tpu.dimension_semantics<arbitrary>], iteration_bounds = array<i64: 17>, scalar_prefetch = 0 : i64, scratch_operands = 0 : i64, tpu.core_type = #tpu.core_type<tc>, window_params = [{transform_indices = @transform_0, window_bounds = array<i64: 368, 512>}, {pipeline_mode = #tpu.pipeline_mode<synchronous>, transform_indices = @transform_1, window_bounds = array<i64: 1, 512>}, {pipeline_mode = #tpu.pipeline_mode<synchronous>, transform_indices = @transform_2, window_bounds = array<i64: 1, 512>}, {pipeline_mode = #tpu.pipeline_mode<synchronous>, transform_indices = @transform_3, window_bounds = array<i64: 1, 512>}, {pipeline_mode = #tpu.pipeline_mode<synchronous>, transform_indices = @transform_4, window_bounds = array<i64: 512, 32>}, {pipeline_mode = #tpu.pipeline_mode<synchronous>, transform_indices = @transform_5, window_bounds = array<i64: 1, 32>}, {pipeline_mode = #tpu.pipeline_mode<synchronous>, transform_indices = @transform_6, window_bounds = array<i64: 1, 32>}, {transform_indices = @transform_7, window_bounds = array<i64: 368, 512>}]} {
    %get3A = arith.constant 0 : index
    %get3A_0 = arith.constant 0 : index
    %get3A_1 = vector.load %arg2[%get3A, %get3A_0] : memref<1x512xf32, #tpu.memory_space<vmem>>, vector<1x512xf32>
    %get3A_2 = arith.constant 0 : index
    %get3A_3 = arith.constant 0 : index
    %get3A_4 = vector.load %arg3[%get3A_2, %get3A_3] : memref<1x512xf32, #tpu.memory_space<vmem>>, vector<1x512xf32>
    %get3A_5 = arith.constant 0 : index
    %get3A_6 = arith.constant 0 : index
    %get3A_7 = vector.load %arg4[%get3A_5, %get3A_6] : memref<1x512xf32, #tpu.memory_space<vmem>>, vector<1x512xf32>
    %get3A_8 = arith.constant 0 : index
    %get3A_9 = arith.constant 0 : index
    %get3A_10 = vector.load %arg5[%get3A_8, %get3A_9] : memref<512x32xf32, #tpu.memory_space<vmem>>, vector<512x32xf32>
    %dot_general3A = arith.constant dense<0.000000e+00> : vector<1x32xf32>
    %dot_general3A_11 = tpu.matmul %get3A_1, %get3A_10, %dot_general3A {dimension_numbers = #tpu.dot_dimension_numbers<[1], [0], [0], [1], [0, 0, 1, 1], [], []>, precision = #tpu.contract_precision<fp32>, transpose_lhs_hint = false} : vector<1x512xf32>, vector<512x32xf32>, vector<1x32xf32> -> vector<1x32xf32>
    %div3A = arith.constant 1.000000e+05 : f32
    %div3A_12 = vector.broadcast %div3A : f32 to vector<1x32xf32>
    %div3A_13 = arith.divf %dot_general3A_11, %div3A_12 : vector<1x32xf32>
    %dot_general3A_14 = arith.constant dense<0.000000e+00> : vector<1x32xf32>
    %dot_general3A_15 = tpu.matmul %get3A_4, %get3A_10, %dot_general3A_14 {dimension_numbers = #tpu.dot_dimension_numbers<[1], [0], [0], [1], [0, 0, 1, 1], [], []>, precision = #tpu.contract_precision<fp32>, transpose_lhs_hint = false} : vector<1x512xf32>, vector<512x32xf32>, vector<1x32xf32> -> vector<1x32xf32>
    %div3A_16 = arith.constant 1.000000e+05 : f32
    %div3A_17 = vector.broadcast %div3A_16 : f32 to vector<1x32xf32>
    %div3A_18 = arith.divf %dot_general3A_15, %div3A_17 : vector<1x32xf32>
    %dot_general3A_19 = arith.constant dense<0.000000e+00> : vector<1x32xf32>
    %dot_general3A_20 = tpu.matmul %get3A_7, %get3A_10, %dot_general3A_19 {dimension_numbers = #tpu.dot_dimension_numbers<[1], [0], [0], [1], [0, 0, 1, 1], [], []>, precision = #tpu.contract_precision<fp32>, transpose_lhs_hint = false} : vector<1x512xf32>, vector<512x32xf32>, vector<1x32xf32> -> vector<1x32xf32>
    %div3A_21 = arith.constant 1.600000e+01 : f32
    %div3A_22 = vector.broadcast %div3A_21 : f32 to vector<1x32xf32>
    %div3A_23 = arith.divf %dot_general3A_20, %div3A_22 : vector<1x32xf32>
    %sub3A = arith.subf %div3A_13, %div3A_23 : vector<1x32xf32>
    %mul3A = arith.mulf %sub3A, %sub3A : vector<1x32xf32>
    %sub3A_24 = arith.subf %div3A_18, %mul3A : vector<1x32xf32>
    %add3A = arith.constant 9.99999974E-6 : f32
    %add3A_25 = vector.broadcast %add3A : f32 to vector<1x32xf32>
    %add3A_26 = arith.addf %sub3A_24, %add3A_25 : vector<1x32xf32>
    %sqrt3A = math.sqrt %add3A_26 : vector<1x32xf32>
    %dot_general3A_27 = arith.constant dense<0.000000e+00> : vector<1x512xf32>
    %dot_general3A_28 = tpu.matmul %div3A_13, %get3A_10, %dot_general3A_27 {dimension_numbers = #tpu.dot_dimension_numbers<[1], [1], [0], [0], [0, 0, 1, 0], [], []>, precision = #tpu.contract_precision<fp32>, transpose_lhs_hint = false} : vector<1x32xf32>, vector<512x32xf32>, vector<1x512xf32> -> vector<1x512xf32>
    %dot_general3A_29 = arith.constant dense<0.000000e+00> : vector<1x512xf32>
    %dot_general3A_30 = tpu.matmul %sqrt3A, %get3A_10, %dot_general3A_29 {dimension_numbers = #tpu.dot_dimension_numbers<[1], [1], [0], [0], [0, 0, 1, 0], [], []>, precision = #tpu.contract_precision<fp32>, transpose_lhs_hint = false} : vector<1x32xf32>, vector<512x32xf32>, vector<1x512xf32> -> vector<1x512xf32>
    %get3A_31 = arith.constant 0 : index
    %get3A_32 = arith.constant 0 : index
    %get3A_33 = vector.load %arg6[%get3A_31, %get3A_32] : memref<1x32xf32, #tpu.memory_space<vmem>>, vector<1x32xf32>
    %dot_general3A_34 = arith.constant dense<0.000000e+00> : vector<1x512xf32>
    %dot_general3A_35 = tpu.matmul %get3A_33, %get3A_10, %dot_general3A_34 {dimension_numbers = #tpu.dot_dimension_numbers<[1], [1], [0], [0], [0, 0, 1, 0], [], []>, precision = #tpu.contract_precision<fp32>, transpose_lhs_hint = false} : vector<1x32xf32>, vector<512x32xf32>, vector<1x512xf32> -> vector<1x512xf32>
    %get3A_36 = arith.constant 0 : index
    %get3A_37 = arith.constant 0 : index
    %get3A_38 = vector.load %arg7[%get3A_36, %get3A_37] : memref<1x32xf32, #tpu.memory_space<vmem>>, vector<1x32xf32>
    %dot_general3A_39 = arith.constant dense<0.000000e+00> : vector<1x512xf32>
    %dot_general3A_40 = tpu.matmul %get3A_38, %get3A_10, %dot_general3A_39 {dimension_numbers = #tpu.dot_dimension_numbers<[1], [1], [0], [0], [0, 0, 1, 0], [], []>, precision = #tpu.contract_precision<fp32>, transpose_lhs_hint = false} : vector<1x32xf32>, vector<512x32xf32>, vector<1x512xf32> -> vector<1x512xf32>
    %get3A_41 = arith.constant 0 : index
    %get3A_42 = arith.constant 0 : index
    %get3A_43 = vector.load %arg1[%get3A_41, %get3A_42] : memref<368x512xf32, #tpu.memory_space<vmem>>, vector<368x512xf32>
    %sub3A_44 = vector.broadcast %dot_general3A_28 : vector<1x512xf32> to vector<368x512xf32>
    %sub3A_45 = arith.subf %get3A_43, %sub3A_44 : vector<368x512xf32>
    %div3A_46 = vector.broadcast %dot_general3A_30 : vector<1x512xf32> to vector<368x512xf32>
    %div3A_47 = arith.divf %sub3A_45, %div3A_46 : vector<368x512xf32>
    %mul3A_48 = vector.broadcast %dot_general3A_35 : vector<1x512xf32> to vector<368x512xf32>
    %mul3A_49 = arith.mulf %div3A_47, %mul3A_48 : vector<368x512xf32>
    %add3A_50 = vector.broadcast %dot_general3A_40 : vector<1x512xf32> to vector<368x512xf32>
    %add3A_51 = arith.addf %mul3A_49, %add3A_50 : vector<368x512xf32>
    %max3A = arith.constant 0.000000e+00 : f32
    %max3A_52 = vector.broadcast %max3A : f32 to vector<368x512xf32>
    %max3A_53 = arith.maximumf %add3A_51, %max3A_52 : vector<368x512xf32>
    %swap3A = arith.constant 0 : index
    %swap3A_54 = arith.constant 0 : index
    %swap3A_55 = vector.load %arg8[%swap3A, %swap3A_54] : memref<368x512xf32, #tpu.memory_space<vmem>>, vector<368x512xf32>
    tpu.vector_store %arg8[%swap3A, %swap3A_54], %max3A_53 {strides = array<i32>} : memref<368x512xf32, #tpu.memory_space<vmem>>, vector<368x512xf32>,
    return
  }
  func.func @transform_0(%arg0: i32) -> (i32, i32) {
    %c0_i32 = arith.constant 0 : i32
    %c0_i32_0 = arith.constant 0 : i32
    return %arg0, %c0_i32 : i32, i32
  }
  func.func @transform_1(%arg0: i32) -> (i32, i32) {
    %c0_i32 = arith.constant 0 : i32
    %c0_i32_0 = arith.constant 0 : i32
    %c0_i32_1 = arith.constant 0 : i32
    return %c0_i32, %c0_i32_0 : i32, i32
  }
  func.func @transform_2(%arg0: i32) -> (i32, i32) {
    %c0_i32 = arith.constant 0 : i32
    %c0_i32_0 = arith.constant 0 : i32
    %c0_i32_1 = arith.constant 0 : i32
    return %c0_i32, %c0_i32_0 : i32, i32
  }
  func.func @transform_3(%arg0: i32) -> (i32, i32) {
    %c0_i32 = arith.constant 0 : i32
    %c0_i32_0 = arith.constant 0 : i32
    %c0_i32_1 = arith.constant 0 : i32
    return %c0_i32, %c0_i32_0 : i32, i32
  }
  func.func @transform_4(%arg0: i32) -> (i32, i32) {
    %c0_i32 = arith.constant 0 : i32
    %c0_i32_0 = arith.constant 0 : i32
    %c0_i32_1 = arith.constant 0 : i32
    return %c0_i32, %c0_i32_0 : i32, i32
  }
  func.func @transform_5(%arg0: i32) -> (i32, i32) {
    %c0_i32 = arith.constant 0 : i32
    %c0_i32_0 = arith.constant 0 : i32
    %c0_i32_1 = arith.constant 0 : i32
    return %c0_i32, %c0_i32_0 : i32, i32
  }
  func.func @transform_6(%arg0: i32) -> (i32, i32) {
    %c0_i32 = arith.constant 0 : i32
    %c0_i32_0 = arith.constant 0 : i32
    %c0_i32_1 = arith.constant 0 : i32
    return %c0_i32, %c0_i32_0 : i32, i32
  }
  func.func @transform_7(%arg0: i32) -> (i32, i32) {
    %c0_i32 = arith.constant 0 : i32
    %c0_i32_0 = arith.constant 0 : i32
    return %arg0, %c0_i32 : i32, i32
  }
}

module attributes {stable_mosaic.version = 14 : i64} {
  func.func @_tca_lw_body(%arg0: i32, %arg1: memref<368x512xf32, #tpu.memory_space<vmem>>, %arg2: memref<368x512xf32, #tpu.memory_space<vmem>>, %arg3: memref<512x512xf32, #tpu.memory_space<vmem>>, %arg4: memref<1x512xf32, #tpu.memory_space<vmem>>, %arg5: memref<512x512xf32, #tpu.memory_space<vmem>>, %arg6: memref<1x512xf32, #tpu.memory_space<vmem>>, %arg7: memref<512x32xf32, #tpu.memory_space<vmem>>, %arg8: memref<368x512xf32, #tpu.memory_space<vmem>>, %arg9: memref<1x512xf32, #tpu.memory_space<vmem>>, %arg10: memref<1x512xf32, #tpu.memory_space<vmem>>, %arg11: memref<1x512xf32, #tpu.memory_space<vmem>>) attributes {dimension_semantics = [#tpu.dimension_semantics<arbitrary>], iteration_bounds = array<i64: 17>, scalar_prefetch = 0 : i64, scratch_operands = 0 : i64, tpu.core_type = #tpu.core_type<tc>, window_params = [{transform_indices = @transform_0, window_bounds = array<i64: 368, 512>}, {transform_indices = @transform_1, window_bounds = array<i64: 368, 512>}, {pipeline_mode = #tpu.pipeline_mode<synchronous>, transform_indices = @transform_2, window_bounds = array<i64: 512, 512>}, {pipeline_mode = #tpu.pipeline_mode<synchronous>, transform_indices = @transform_3, window_bounds = array<i64: 1, 512>}, {pipeline_mode = #tpu.pipeline_mode<synchronous>, transform_indices = @transform_4, window_bounds = array<i64: 512, 512>}, {pipeline_mode = #tpu.pipeline_mode<synchronous>, transform_indices = @transform_5, window_bounds = array<i64: 1, 512>}, {pipeline_mode = #tpu.pipeline_mode<synchronous>, transform_indices = @transform_6, window_bounds = array<i64: 512, 32>}, {transform_indices = @transform_7, window_bounds = array<i64: 368, 512>}, {pipeline_mode = #tpu.pipeline_mode<synchronous>, transform_indices = @transform_8, window_bounds = array<i64: 1, 512>}, {pipeline_mode = #tpu.pipeline_mode<synchronous>, transform_indices = @transform_9, window_bounds = array<i64: 1, 512>}, {pipeline_mode = #tpu.pipeline_mode<synchronous>, transform_indices = @transform_10, window_bounds = array<i64: 1, 512>}]} {
    %get3A = arith.constant 0 : index
    %get3A_0 = arith.constant 0 : index
    %get3A_1 = vector.load %arg1[%get3A, %get3A_0] : memref<368x512xf32, #tpu.memory_space<vmem>>, vector<368x512xf32>
    %get3A_2 = arith.constant 0 : index
    %get3A_3 = arith.constant 0 : index
    %get3A_4 = vector.load %arg2[%get3A_2, %get3A_3] : memref<368x512xf32, #tpu.memory_space<vmem>>, vector<368x512xf32>
    %add3A = arith.addf %get3A_1, %get3A_4 : vector<368x512xf32>
    %get3A_5 = arith.constant 0 : index
    %get3A_6 = arith.constant 0 : index
    %get3A_7 = vector.load %arg3[%get3A_5, %get3A_6] : memref<512x512xf32, #tpu.memory_space<vmem>>, vector<512x512xf32>
    %convert_element_type3A = arith.truncf %add3A : vector<368x512xf32> to vector<368x512xbf16>
    %convert_element_type3A_8 = arith.truncf %get3A_7 : vector<512x512xf32> to vector<512x512xbf16>
    %dot_general3A = arith.constant dense<0.000000e+00> : vector<368x512xf32>
    %dot_general3A_9 = tpu.matmul %convert_element_type3A, %convert_element_type3A_8, %dot_general3A {dimension_numbers = #tpu.dot_dimension_numbers<[1], [0], [0], [1], [0, 0, 1, 1], [], []>, transpose_lhs_hint = false} : vector<368x512xbf16>, vector<512x512xbf16>, vector<368x512xf32> -> vector<368x512xf32>
    %get3A_10 = arith.constant 0 : index
    %get3A_11 = arith.constant 0 : index
    %get3A_12 = vector.load %arg4[%get3A_10, %get3A_11] : memref<1x512xf32, #tpu.memory_space<vmem>>, vector<1x512xf32>
    %add3A_13 = vector.broadcast %get3A_12 : vector<1x512xf32> to vector<368x512xf32>
    %add3A_14 = arith.addf %dot_general3A_9, %add3A_13 : vector<368x512xf32>
    %max3A = arith.constant 0.000000e+00 : f32
    %max3A_15 = vector.broadcast %max3A : f32 to vector<368x512xf32>
    %max3A_16 = arith.maximumf %add3A_14, %max3A_15 : vector<368x512xf32>
    %get3A_17 = arith.constant 0 : index
    %get3A_18 = arith.constant 0 : index
    %get3A_19 = vector.load %arg5[%get3A_17, %get3A_18] : memref<512x512xf32, #tpu.memory_space<vmem>>, vector<512x512xf32>
    %convert_element_type3A_20 = arith.truncf %max3A_16 : vector<368x512xf32> to vector<368x512xbf16>
    %convert_element_type3A_21 = arith.truncf %get3A_19 : vector<512x512xf32> to vector<512x512xbf16>
    %dot_general3A_22 = arith.constant dense<0.000000e+00> : vector<368x512xf32>
    %dot_general3A_23 = tpu.matmul %convert_element_type3A_20, %convert_element_type3A_21, %dot_general3A_22 {dimension_numbers = #tpu.dot_dimension_numbers<[1], [0], [0], [1], [0, 0, 1, 1], [], []>, transpose_lhs_hint = false} : vector<368x512xbf16>, vector<512x512xbf16>, vector<368x512xf32> -> vector<368x512xf32>
    %get3A_24 = arith.constant 0 : index
    %get3A_25 = arith.constant 0 : index
    %get3A_26 = vector.load %arg6[%get3A_24, %get3A_25] : memref<1x512xf32, #tpu.memory_space<vmem>>, vector<1x512xf32>
    %add3A_27 = vector.broadcast %get3A_26 : vector<1x512xf32> to vector<368x512xf32>
    %add3A_28 = arith.addf %dot_general3A_23, %add3A_27 : vector<368x512xf32>
    %swap3A = arith.constant 0 : index
    %swap3A_29 = arith.constant 0 : index
    %swap3A_30 = vector.load %arg8[%swap3A, %swap3A_29] : memref<368x512xf32, #tpu.memory_space<vmem>>, vector<368x512xf32>
    tpu.vector_store %arg8[%swap3A, %swap3A_29], %add3A_28 {strides = array<i32>} : memref<368x512xf32, #tpu.memory_space<vmem>>, vector<368x512xf32>,
    %iota3A = tpu.iota {dimensions = array<i32: 0>} : vector<368x512xi32>
    %mul3A = arith.constant 368 : i32
    %mul3A_31 = arith.muli %arg0, %mul3A : i32
    %add3A_32 = vector.broadcast %mul3A_31 : i32 to vector<368x512xi32>
    %add3A_33 = arith.addi %iota3A, %add3A_32 : vector<368x512xi32>
    %lt3A = arith.constant 6250 : i32
    %lt3A_34 = vector.broadcast %lt3A : i32 to vector<368x512xi32>
    %lt3A_35 = arith.cmpi slt, %add3A_33, %lt3A_34 : vector<368x512xi32>
    %jit3A = arith.constant 0.000000e+00 : f32
    %broadcast_in_dim3A = vector.broadcast %jit3A : f32 to vector<368x512xf32>
    %select_n3A = arith.select %lt3A_35, %add3A_28, %broadcast_in_dim3A : vector<368x512xi1>, vector<368x512xf32>
    %reduce_sum3A = arith.constant dense<0.000000e+00> : vector<512xf32>
    %reduce_sum3A_36 = vector.multi_reduction <add>, %select_n3A, %reduce_sum3A [0] : vector<368x512xf32> to vector<512xf32>
    %broadcast_in_dim3A_37 = vector.shape_cast %reduce_sum3A_36 : vector<512xf32> to vector<1x512xf32>
    %eq3A = arith.constant 0 : i32
    %eq3A_38 = arith.cmpi eq, %arg0, %eq3A : i32
    %convert_element_type3A_39 = arith.extui %eq3A_38 : i1 to i32
    %cond3A = arith.constant 0 : i32
    %cond3A_40 = arith.cmpi ne, %convert_element_type3A_39, %cond3A : i32
    scf.if %cond3A_40 {
      %broadcast_in_dim3A_66 = arith.constant 0.000000e+00 : f32
      %broadcast_in_dim3A_67 = vector.broadcast %broadcast_in_dim3A_66 : f32 to vector<1x512xf32>
      %swap3A_68 = arith.constant 0 : index
      %swap3A_69 = arith.constant 0 : index
      %swap3A_70 = vector.load %arg9[%swap3A_68, %swap3A_69] : memref<1x512xf32, #tpu.memory_space<vmem>>, vector<1x512xf32>
      tpu.vector_store %arg9[%swap3A_68, %swap3A_69], %broadcast_in_dim3A_67 {strides = array<i32>} : memref<1x512xf32, #tpu.memory_space<vmem>>, vector<1x512xf32>,
      %broadcast_in_dim3A_71 = arith.constant 0.000000e+00 : f32
      %broadcast_in_dim3A_72 = vector.broadcast %broadcast_in_dim3A_71 : f32 to vector<1x512xf32>
      %swap3A_73 = arith.constant 0 : index
      %swap3A_74 = arith.constant 0 : index
      %swap3A_75 = vector.load %arg10[%swap3A_73, %swap3A_74] : memref<1x512xf32, #tpu.memory_space<vmem>>, vector<1x512xf32>
      tpu.vector_store %arg10[%swap3A_73, %swap3A_74], %broadcast_in_dim3A_72 {strides = array<i32>} : memref<1x512xf32, #tpu.memory_space<vmem>>, vector<1x512xf32>,
      %get3A_76 = arith.constant 0 : index
      %get3A_77 = arith.constant 0 : index
      %get3A_78 = vector.load %arg7[%get3A_76, %get3A_77] : memref<512x32xf32, #tpu.memory_space<vmem>>, vector<512x32xf32>
      %dot_general3A_79 = arith.constant dense<0.000000e+00> : vector<1x32xf32>
      %dot_general3A_80 = tpu.matmul %broadcast_in_dim3A_37, %get3A_78, %dot_general3A_79 {dimension_numbers = #tpu.dot_dimension_numbers<[1], [0], [0], [1], [0, 0, 1, 1], [], []>, precision = #tpu.contract_precision<fp32>, transpose_lhs_hint = false} : vector<1x512xf32>, vector<512x32xf32>, vector<1x32xf32> -> vector<1x32xf32>
      %div3A = arith.constant 5.888000e+03 : f32
      %div3A_81 = vector.broadcast %div3A : f32 to vector<1x32xf32>
      %div3A_82 = arith.divf %dot_general3A_80, %div3A_81 : vector<1x32xf32>
      %get3A_83 = arith.constant 0 : index
      %get3A_84 = arith.constant 0 : index
      %get3A_85 = vector.load %arg7[%get3A_83, %get3A_84] : memref<512x32xf32, #tpu.memory_space<vmem>>, vector<512x32xf32>
      %dot_general3A_86 = arith.constant dense<0.000000e+00> : vector<1x512xf32>
      %dot_general3A_87 = tpu.matmul %div3A_82, %get3A_85, %dot_general3A_86 {dimension_numbers = #tpu.dot_dimension_numbers<[1], [1], [0], [0], [0, 0, 1, 0], [], []>, precision = #tpu.contract_precision<fp32>, transpose_lhs_hint = false} : vector<1x32xf32>, vector<512x32xf32>, vector<1x512xf32> -> vector<1x512xf32>
      %swap3A_88 = arith.constant 0 : index
      %swap3A_89 = arith.constant 0 : index
      %swap3A_90 = vector.load %arg11[%swap3A_88, %swap3A_89] : memref<1x512xf32, #tpu.memory_space<vmem>>, vector<1x512xf32>
      tpu.vector_store %arg11[%swap3A_88, %swap3A_89], %dot_general3A_87 {strides = array<i32>} : memref<1x512xf32, #tpu.memory_space<vmem>>, vector<1x512xf32>,
    } else {
    }
    %get3A_41 = arith.constant 0 : index
    %get3A_42 = arith.constant 0 : index
    %get3A_43 = vector.load %arg11[%get3A_41, %get3A_42] : memref<1x512xf32, #tpu.memory_space<vmem>>, vector<1x512xf32>
    %sub3A = vector.broadcast %get3A_43 : vector<1x512xf32> to vector<368x512xf32>
    %sub3A_44 = arith.subf %add3A_28, %sub3A : vector<368x512xf32>
    %mul3A_45 = arith.mulf %sub3A_44, %sub3A_44 : vector<368x512xf32>
    %jit3A_46 = arith.constant 0.000000e+00 : f32
    %broadcast_in_dim3A_47 = vector.broadcast %jit3A_46 : f32 to vector<368x512xf32>
    %select_n3A_48 = arith.select %lt3A_35, %mul3A_45, %broadcast_in_dim3A_47 : vector<368x512xi1>, vector<368x512xf32>
    %get3A_49 = arith.constant 0 : index
    %get3A_50 = arith.constant 0 : index
    %get3A_51 = vector.load %arg9[%get3A_49, %get3A_50] : memref<1x512xf32, #tpu.memory_space<vmem>>, vector<1x512xf32>
    %add3A_52 = arith.addf %get3A_51, %broadcast_in_dim3A_37 : vector<1x512xf32>
    %swap3A_53 = arith.constant 0 : index
    %swap3A_54 = arith.constant 0 : index
    %swap3A_55 = vector.load %arg9[%swap3A_53, %swap3A_54] : memref<1x512xf32, #tpu.memory_space<vmem>>, vector<1x512xf32>
    tpu.vector_store %arg9[%swap3A_53, %swap3A_54], %add3A_52 {strides = array<i32>} : memref<1x512xf32, #tpu.memory_space<vmem>>, vector<1x512xf32>,
    %get3A_56 = arith.constant 0 : index
    %get3A_57 = arith.constant 0 : index
    %get3A_58 = vector.load %arg10[%get3A_56, %get3A_57] : memref<1x512xf32, #tpu.memory_space<vmem>>, vector<1x512xf32>
    %reduce_sum3A_59 = arith.constant dense<0.000000e+00> : vector<512xf32>
    %reduce_sum3A_60 = vector.multi_reduction <add>, %select_n3A_48, %reduce_sum3A_59 [0] : vector<368x512xf32> to vector<512xf32>
    %broadcast_in_dim3A_61 = vector.shape_cast %reduce_sum3A_60 : vector<512xf32> to vector<1x512xf32>
    %add3A_62 = arith.addf %get3A_58, %broadcast_in_dim3A_61 : vector<1x512xf32>
    %swap3A_63 = arith.constant 0 : index
    %swap3A_64 = arith.constant 0 : index
    %swap3A_65 = vector.load %arg10[%swap3A_63, %swap3A_64] : memref<1x512xf32, #tpu.memory_space<vmem>>, vector<1x512xf32>
    tpu.vector_store %arg10[%swap3A_63, %swap3A_64], %add3A_62 {strides = array<i32>} : memref<1x512xf32, #tpu.memory_space<vmem>>, vector<1x512xf32>,
    return
  }
  func.func @transform_0(%arg0: i32) -> (i32, i32) {
    %c0_i32 = arith.constant 0 : i32
    %c0_i32_0 = arith.constant 0 : i32
    return %arg0, %c0_i32 : i32, i32
  }
  func.func @transform_1(%arg0: i32) -> (i32, i32) {
    %c0_i32 = arith.constant 0 : i32
    %c0_i32_0 = arith.constant 0 : i32
    return %arg0, %c0_i32 : i32, i32
  }
  func.func @transform_2(%arg0: i32) -> (i32, i32) {
    %c0_i32 = arith.constant 0 : i32
    %c0_i32_0 = arith.constant 0 : i32
    %c0_i32_1 = arith.constant 0 : i32
    return %c0_i32, %c0_i32_0 : i32, i32
  }
  func.func @transform_3(%arg0: i32) -> (i32, i32) {
    %c0_i32 = arith.constant 0 : i32
    %c0_i32_0 = arith.constant 0 : i32
    %c0_i32_1 = arith.constant 0 : i32
    return %c0_i32, %c0_i32_0 : i32, i32
  }
  func.func @transform_4(%arg0: i32) -> (i32, i32) {
    %c0_i32 = arith.constant 0 : i32
    %c0_i32_0 = arith.constant 0 : i32
    %c0_i32_1 = arith.constant 0 : i32
    return %c0_i32, %c0_i32_0 : i32, i32
  }
  func.func @transform_5(%arg0: i32) -> (i32, i32) {
    %c0_i32 = arith.constant 0 : i32
    %c0_i32_0 = arith.constant 0 : i32
    %c0_i32_1 = arith.constant 0 : i32
    return %c0_i32, %c0_i32_0 : i32, i32
  }
  func.func @transform_6(%arg0: i32) -> (i32, i32) {
    %c0_i32 = arith.constant 0 : i32
    %c0_i32_0 = arith.constant 0 : i32
    %c0_i32_1 = arith.constant 0 : i32
    return %c0_i32, %c0_i32_0 : i32, i32
  }
  func.func @transform_7(%arg0: i32) -> (i32, i32) {
    %c0_i32 = arith.constant 0 : i32
    %c0_i32_0 = arith.constant 0 : i32
    return %arg0, %c0_i32 : i32, i32
  }
  func.func @transform_8(%arg0: i32) -> (i32, i32) {
    %c0_i32 = arith.constant 0 : i32
    %c0_i32_0 = arith.constant 0 : i32
    %c0_i32_1 = arith.constant 0 : i32
    return %c0_i32, %c0_i32_0 : i32, i32
  }
  func.func @transform_9(%arg0: i32) -> (i32, i32) {
    %c0_i32 = arith.constant 0 : i32
    %c0_i32_0 = arith.constant 0 : i32
    %c0_i32_1 = arith.constant 0 : i32
    return %c0_i32, %c0_i32_0 : i32, i32
  }
  func.func @transform_10(%arg0: i32) -> (i32, i32) {
    %c0_i32 = arith.constant 0 : i32
    %c0_i32_0 = arith.constant 0 : i32
    %c0_i32_1 = arith.constant 0 : i32
    return %c0_i32, %c0_i32_0 : i32, i32
  }
}

module attributes {stable_mosaic.version = 14 : i64} {
  func.func @_tcb_fin_body(%arg0: i32, %arg1: memref<368x512xf32, #tpu.memory_space<vmem>>, %arg2: memref<1x512xf32, #tpu.memory_space<vmem>>, %arg3: memref<1x512xf32, #tpu.memory_space<vmem>>, %arg4: memref<1x512xf32, #tpu.memory_space<vmem>>, %arg5: memref<512x32xf32, #tpu.memory_space<vmem>>, %arg6: memref<1x32xf32, #tpu.memory_space<vmem>>, %arg7: memref<1x32xf32, #tpu.memory_space<vmem>>, %arg8: memref<512x256xf32, #tpu.memory_space<vmem>>, %arg9: memref<1x256xf32, #tpu.memory_space<vmem>>, %arg10: memref<368x256xf32, #tpu.memory_space<vmem>>) attributes {dimension_semantics = [#tpu.dimension_semantics<arbitrary>], iteration_bounds = array<i64: 17>, scalar_prefetch = 0 : i64, scratch_operands = 0 : i64, tpu.core_type = #tpu.core_type<tc>, window_params = [{transform_indices = @transform_0, window_bounds = array<i64: 368, 512>}, {pipeline_mode = #tpu.pipeline_mode<synchronous>, transform_indices = @transform_1, window_bounds = array<i64: 1, 512>}, {pipeline_mode = #tpu.pipeline_mode<synchronous>, transform_indices = @transform_2, window_bounds = array<i64: 1, 512>}, {pipeline_mode = #tpu.pipeline_mode<synchronous>, transform_indices = @transform_3, window_bounds = array<i64: 1, 512>}, {pipeline_mode = #tpu.pipeline_mode<synchronous>, transform_indices = @transform_4, window_bounds = array<i64: 512, 32>}, {pipeline_mode = #tpu.pipeline_mode<synchronous>, transform_indices = @transform_5, window_bounds = array<i64: 1, 32>}, {pipeline_mode = #tpu.pipeline_mode<synchronous>, transform_indices = @transform_6, window_bounds = array<i64: 1, 32>}, {pipeline_mode = #tpu.pipeline_mode<synchronous>, transform_indices = @transform_7, window_bounds = array<i64: 512, 256>}, {pipeline_mode = #tpu.pipeline_mode<synchronous>, transform_indices = @transform_8, window_bounds = array<i64: 1, 256>}, {transform_indices = @transform_9, window_bounds = array<i64: 368, 256>}]} {
    %get3A = arith.constant 0 : index
    %get3A_0 = arith.constant 0 : index
    %get3A_1 = vector.load %arg2[%get3A, %get3A_0] : memref<1x512xf32, #tpu.memory_space<vmem>>, vector<1x512xf32>
    %get3A_2 = arith.constant 0 : index
    %get3A_3 = arith.constant 0 : index
    %get3A_4 = vector.load %arg3[%get3A_2, %get3A_3] : memref<1x512xf32, #tpu.memory_space<vmem>>, vector<1x512xf32>
    %get3A_5 = arith.constant 0 : index
    %get3A_6 = arith.constant 0 : index
    %get3A_7 = vector.load %arg4[%get3A_5, %get3A_6] : memref<1x512xf32, #tpu.memory_space<vmem>>, vector<1x512xf32>
    %get3A_8 = arith.constant 0 : index
    %get3A_9 = arith.constant 0 : index
    %get3A_10 = vector.load %arg5[%get3A_8, %get3A_9] : memref<512x32xf32, #tpu.memory_space<vmem>>, vector<512x32xf32>
    %dot_general3A = arith.constant dense<0.000000e+00> : vector<1x32xf32>
    %dot_general3A_11 = tpu.matmul %get3A_1, %get3A_10, %dot_general3A {dimension_numbers = #tpu.dot_dimension_numbers<[1], [0], [0], [1], [0, 0, 1, 1], [], []>, precision = #tpu.contract_precision<fp32>, transpose_lhs_hint = false} : vector<1x512xf32>, vector<512x32xf32>, vector<1x32xf32> -> vector<1x32xf32>
    %div3A = arith.constant 1.000000e+05 : f32
    %div3A_12 = vector.broadcast %div3A : f32 to vector<1x32xf32>
    %div3A_13 = arith.divf %dot_general3A_11, %div3A_12 : vector<1x32xf32>
    %dot_general3A_14 = arith.constant dense<0.000000e+00> : vector<1x32xf32>
    %dot_general3A_15 = tpu.matmul %get3A_4, %get3A_10, %dot_general3A_14 {dimension_numbers = #tpu.dot_dimension_numbers<[1], [0], [0], [1], [0, 0, 1, 1], [], []>, precision = #tpu.contract_precision<fp32>, transpose_lhs_hint = false} : vector<1x512xf32>, vector<512x32xf32>, vector<1x32xf32> -> vector<1x32xf32>
    %div3A_16 = arith.constant 1.000000e+05 : f32
    %div3A_17 = vector.broadcast %div3A_16 : f32 to vector<1x32xf32>
    %div3A_18 = arith.divf %dot_general3A_15, %div3A_17 : vector<1x32xf32>
    %dot_general3A_19 = arith.constant dense<0.000000e+00> : vector<1x32xf32>
    %dot_general3A_20 = tpu.matmul %get3A_7, %get3A_10, %dot_general3A_19 {dimension_numbers = #tpu.dot_dimension_numbers<[1], [0], [0], [1], [0, 0, 1, 1], [], []>, precision = #tpu.contract_precision<fp32>, transpose_lhs_hint = false} : vector<1x512xf32>, vector<512x32xf32>, vector<1x32xf32> -> vector<1x32xf32>
    %div3A_21 = arith.constant 1.600000e+01 : f32
    %div3A_22 = vector.broadcast %div3A_21 : f32 to vector<1x32xf32>
    %div3A_23 = arith.divf %dot_general3A_20, %div3A_22 : vector<1x32xf32>
    %sub3A = arith.subf %div3A_13, %div3A_23 : vector<1x32xf32>
    %mul3A = arith.mulf %sub3A, %sub3A : vector<1x32xf32>
    %sub3A_24 = arith.subf %div3A_18, %mul3A : vector<1x32xf32>
    %add3A = arith.constant 9.99999974E-6 : f32
    %add3A_25 = vector.broadcast %add3A : f32 to vector<1x32xf32>
    %add3A_26 = arith.addf %sub3A_24, %add3A_25 : vector<1x32xf32>
    %sqrt3A = math.sqrt %add3A_26 : vector<1x32xf32>
    %dot_general3A_27 = arith.constant dense<0.000000e+00> : vector<1x512xf32>
    %dot_general3A_28 = tpu.matmul %div3A_13, %get3A_10, %dot_general3A_27 {dimension_numbers = #tpu.dot_dimension_numbers<[1], [1], [0], [0], [0, 0, 1, 0], [], []>, precision = #tpu.contract_precision<fp32>, transpose_lhs_hint = false} : vector<1x32xf32>, vector<512x32xf32>, vector<1x512xf32> -> vector<1x512xf32>
    %dot_general3A_29 = arith.constant dense<0.000000e+00> : vector<1x512xf32>
    %dot_general3A_30 = tpu.matmul %sqrt3A, %get3A_10, %dot_general3A_29 {dimension_numbers = #tpu.dot_dimension_numbers<[1], [1], [0], [0], [0, 0, 1, 0], [], []>, precision = #tpu.contract_precision<fp32>, transpose_lhs_hint = false} : vector<1x32xf32>, vector<512x32xf32>, vector<1x512xf32> -> vector<1x512xf32>
    %get3A_31 = arith.constant 0 : index
    %get3A_32 = arith.constant 0 : index
    %get3A_33 = vector.load %arg6[%get3A_31, %get3A_32] : memref<1x32xf32, #tpu.memory_space<vmem>>, vector<1x32xf32>
    %dot_general3A_34 = arith.constant dense<0.000000e+00> : vector<1x512xf32>
    %dot_general3A_35 = tpu.matmul %get3A_33, %get3A_10, %dot_general3A_34 {dimension_numbers = #tpu.dot_dimension_numbers<[1], [1], [0], [0], [0, 0, 1, 0], [], []>, precision = #tpu.contract_precision<fp32>, transpose_lhs_hint = false} : vector<1x32xf32>, vector<512x32xf32>, vector<1x512xf32> -> vector<1x512xf32>
    %get3A_36 = arith.constant 0 : index
    %get3A_37 = arith.constant 0 : index
    %get3A_38 = vector.load %arg7[%get3A_36, %get3A_37] : memref<1x32xf32, #tpu.memory_space<vmem>>, vector<1x32xf32>
    %dot_general3A_39 = arith.constant dense<0.000000e+00> : vector<1x512xf32>
    %dot_general3A_40 = tpu.matmul %get3A_38, %get3A_10, %dot_general3A_39 {dimension_numbers = #tpu.dot_dimension_numbers<[1], [1], [0], [0], [0, 0, 1, 0], [], []>, precision = #tpu.contract_precision<fp32>, transpose_lhs_hint = false} : vector<1x32xf32>, vector<512x32xf32>, vector<1x512xf32> -> vector<1x512xf32>
    %get3A_41 = arith.constant 0 : index
    %get3A_42 = arith.constant 0 : index
    %get3A_43 = vector.load %arg1[%get3A_41, %get3A_42] : memref<368x512xf32, #tpu.memory_space<vmem>>, vector<368x512xf32>
    %sub3A_44 = vector.broadcast %dot_general3A_28 : vector<1x512xf32> to vector<368x512xf32>
    %sub3A_45 = arith.subf %get3A_43, %sub3A_44 : vector<368x512xf32>
    %div3A_46 = vector.broadcast %dot_general3A_30 : vector<1x512xf32> to vector<368x512xf32>
    %div3A_47 = arith.divf %sub3A_45, %div3A_46 : vector<368x512xf32>
    %mul3A_48 = vector.broadcast %dot_general3A_35 : vector<1x512xf32> to vector<368x512xf32>
    %mul3A_49 = arith.mulf %div3A_47, %mul3A_48 : vector<368x512xf32>
    %add3A_50 = vector.broadcast %dot_general3A_40 : vector<1x512xf32> to vector<368x512xf32>
    %add3A_51 = arith.addf %mul3A_49, %add3A_50 : vector<368x512xf32>
    %max3A = arith.constant 0.000000e+00 : f32
    %max3A_52 = vector.broadcast %max3A : f32 to vector<368x512xf32>
    %max3A_53 = arith.maximumf %add3A_51, %max3A_52 : vector<368x512xf32>
    %get3A_54 = arith.constant 0 : index
    %get3A_55 = arith.constant 0 : index
    %get3A_56 = vector.load %arg8[%get3A_54, %get3A_55] : memref<512x256xf32, #tpu.memory_space<vmem>>, vector<512x256xf32>
    %convert_element_type3A = arith.truncf %max3A_53 : vector<368x512xf32> to vector<368x512xbf16>
    %convert_element_type3A_57 = arith.truncf %get3A_56 : vector<512x256xf32> to vector<512x256xbf16>
    %dot_general3A_58 = arith.constant dense<0.000000e+00> : vector<368x256xf32>
    %dot_general3A_59 = tpu.matmul %convert_element_type3A, %convert_element_type3A_57, %dot_general3A_58 {dimension_numbers = #tpu.dot_dimension_numbers<[1], [0], [0], [1], [0, 0, 1, 1], [], []>, transpose_lhs_hint = false} : vector<368x512xbf16>, vector<512x256xbf16>, vector<368x256xf32> -> vector<368x256xf32>
    %get3A_60 = arith.constant 0 : index
    %get3A_61 = arith.constant 0 : index
    %get3A_62 = vector.load %arg9[%get3A_60, %get3A_61] : memref<1x256xf32, #tpu.memory_space<vmem>>, vector<1x256xf32>
    %add3A_63 = vector.broadcast %get3A_62 : vector<1x256xf32> to vector<368x256xf32>
    %add3A_64 = arith.addf %dot_general3A_59, %add3A_63 : vector<368x256xf32>
    %swap3A = arith.constant 0 : index
    %swap3A_65 = arith.constant 0 : index
    %swap3A_66 = vector.load %arg10[%swap3A, %swap3A_65] : memref<368x256xf32, #tpu.memory_space<vmem>>, vector<368x256xf32>
    tpu.vector_store %arg10[%swap3A, %swap3A_65], %add3A_64 {strides = array<i32>} : memref<368x256xf32, #tpu.memory_space<vmem>>, vector<368x256xf32>,
    return
  }
  func.func @transform_0(%arg0: i32) -> (i32, i32) {
    %c0_i32 = arith.constant 0 : i32
    %c0_i32_0 = arith.constant 0 : i32
    return %arg0, %c0_i32 : i32, i32
  }
  func.func @transform_1(%arg0: i32) -> (i32, i32) {
    %c0_i32 = arith.constant 0 : i32
    %c0_i32_0 = arith.constant 0 : i32
    %c0_i32_1 = arith.constant 0 : i32
    return %c0_i32, %c0_i32_0 : i32, i32
  }
  func.func @transform_2(%arg0: i32) -> (i32, i32) {
    %c0_i32 = arith.constant 0 : i32
    %c0_i32_0 = arith.constant 0 : i32
    %c0_i32_1 = arith.constant 0 : i32
    return %c0_i32, %c0_i32_0 : i32, i32
  }
  func.func @transform_3(%arg0: i32) -> (i32, i32) {
    %c0_i32 = arith.constant 0 : i32
    %c0_i32_0 = arith.constant 0 : i32
    %c0_i32_1 = arith.constant 0 : i32
    return %c0_i32, %c0_i32_0 : i32, i32
  }
  func.func @transform_4(%arg0: i32) -> (i32, i32) {
    %c0_i32 = arith.constant 0 : i32
    %c0_i32_0 = arith.constant 0 : i32
    %c0_i32_1 = arith.constant 0 : i32
    return %c0_i32, %c0_i32_0 : i32, i32
  }
  func.func @transform_5(%arg0: i32) -> (i32, i32) {
    %c0_i32 = arith.constant 0 : i32
    %c0_i32_0 = arith.constant 0 : i32
    %c0_i32_1 = arith.constant 0 : i32
    return %c0_i32, %c0_i32_0 : i32, i32
  }
  func.func @transform_6(%arg0: i32) -> (i32, i32) {
    %c0_i32 = arith.constant 0 : i32
    %c0_i32_0 = arith.constant 0 : i32
    %c0_i32_1 = arith.constant 0 : i32
    return %c0_i32, %c0_i32_0 : i32, i32
  }
  func.func @transform_7(%arg0: i32) -> (i32, i32) {
    %c0_i32 = arith.constant 0 : i32
    %c0_i32_0 = arith.constant 0 : i32
    %c0_i32_1 = arith.constant 0 : i32
    return %c0_i32, %c0_i32_0 : i32, i32
  }
  func.func @transform_8(%arg0: i32) -> (i32, i32) {
    %c0_i32 = arith.constant 0 : i32
    %c0_i32_0 = arith.constant 0 : i32
    %c0_i32_1 = arith.constant 0 : i32
    return %c0_i32, %c0_i32_0 : i32, i32
  }
  func.func @transform_9(%arg0: i32) -> (i32, i32) {
    %c0_i32 = arith.constant 0 : i32
    %c0_i32_0 = arith.constant 0 : i32
    return %arg0, %c0_i32 : i32, i32
  }
}

</mosaic_0001>

<sc_bundles>
// kernel: kernel.15.cloned.1.call-start
scs
__scs_entry_jumppad:
0x0: {  	(pc) =	sbr.rel $0x88, $3  }
0x1: {  	(tag) =	ssettag $0x0;
	lr =	simm.s32 $0x1  }
0x2: {  	[smem:$0x3F86] =	sst lr;
	_ =	strace $0xD0000000  }
0x3: {  	_ = 	snop  }
0x4: {  	_ = 	snop  }
0x5: {  	_ = 	snop  }
0x6: {  	_ = 	snop  }
0x7: {  	_ = 	snop  }
__scs_overlays_trampoline_lowered:
0x8: {  	[smem:$0x3F95] =	sst s0  }
0x9: {  	[smem:$0x3F96] =	sst s1  }
0xa: {  	[smem:$0x3F97] =	sst s2  }
0xb: {  	[smem:$0x3F98] =	sst s3  }
0xc: {  	[smem:$0x3F99] =	sst s4  }
0xd: {  	[smem:$0x3F9A] =	sst s5  }
0xe: {  	[smem:$0x3F9B] =	sst s6  }
0xf: {  	[smem:$0x3F9C] =	sst s7  }
0x10: {  	[smem:$0x3F9D] =	sst s8  }
0x11: {  	[smem:$0x3F9E] =	sst s9;
	s0 =	simm.s32 @!p0 $0x0  }
0x12: {  	s1 =	sld [smem:$0x3F84];
	s0 =	simm.s32 @p0 $0x1  }
0x13: {  	[smem:$0x3F9F] =	sst s0;
	s0 =	simm.s32 @!p1 $0x0  }
0x14: {  	s2 =	sld [smem:$0x3F83];
	s0 =	simm.s32 @p1 $0x1  }
0x15: {  	[smem:$0x3FA0] =	sst s0;
	s0 =	simm.s32 @!p2 $0x0  }
0x16: {  	s3 =	sld [smem:$0x3FDB];
	s0 =	simm.s32 @p2 $0x1  }
0x17: {  	s4 =	simm.s32 $0x1BF5;
	[smem:$0x3FA2] =	sst s0  }
0x18: {  	s0 =	sld [smem:$0x3F85];
	_ =	swait.ge [sflag:s4], $0x0  }
0x19: {  	s7 =	sld [smem:$0x3F86]  }
0x1a: {  	s8 =	sadd.s32 $0xFFFFE003, lr  }
0x1b: {  	s9 =	sadd.s32 $0xFFFFFEF7, lr;
	s5 =	simm.s32 $0xFFFFFFFF;
	p2 =	slt.u32 s8, $0xFFFFF086  }
0x1c: {  	p1 =	slt.u32 s9, $0xF7A;
	s5 =	simm.s32 @!p2 $0x0  }
0x1d: {  	s5 =	simm.s32 @p1 $0x1;
	p0 =	seq.s32 s7, s2  }
0x1e: {  	s7 =	smul.u32 @!p0 $0xF7A, s2;
	p2 =	seq.s32 @!p0 s5, $0x0  }
0x1f: {  	s9 =	smul.u32 $0xF7A, s1;
	s8 =	simm.s32 @!p0 $0x1BF5;
	p2 =	por !p2, p0  }
0x20: {  	[sflag:s8] =	ssyncset.s32 @!p0 $0xFFFFF086;
	s6 =	sadd.s32 @!p0 s3, s7;
	s7 =	simm.s32 @!p0 $0x108  }
0x21: {  	s3 =	sadd.s32 s3, s9;
	s6 =	sadd.s32 @!p0 $0x88, s6;
	s7 =	simm.s32 @p2 $0x1082  }
0x22: {  	[simem:s7], [sflag:s8] =	dma.local @!p0 [hbm:s6], $0xF7A  }
0x23: {  	s9 =	sor.u32 $0xD0000000, s2;
	s6 =	simm.s32 $0x108;
	_ =	swait.ge @!p0 [sflag:s8], $0x0  }
0x24: {  	s3 =	sadd.s32 $0x88, s3;
	s6 =	simm.s32 @!p1 $0x1082;
	[sflag:s4] =	ssyncset.s32 $0xFFFFF086  }
0x25: {  	[simem:s6], [sflag:s4] =	dma.local [hbm:s3], $0xF7A  }
0x26: {  	[smem:$0x3F86] =	sst s1;
	(tag) =	ssettag s2;
	_ =	strace s9  }
0x27: {  	s1 =	sld [smem:$0x3F96]  }
0x28: {  	s2 =	sld [smem:$0x3F97]  }
0x29: {  	s4 =	sld [smem:$0x3F99]  }
0x2a: {  	p0 =	seq.s32 s5, $0x0;
	s5 =	sld [smem:$0x3F9A]  }
0x2b: {  	s6 =	sld [smem:$0x3F9B]  }
0x2c: {  	s7 =	sld [smem:$0x3F9C]  }
0x2d: {  	s3 =	simm.s32 $0x108;
	s8 =	sld [smem:$0x3F9D]  }
0x2e: {  	s3 =	simm.s32 @!p0 $0x1082;
	s9 =	sld [smem:$0x3F9E]  }
0x2f: {  	lr =	sadd.s32 s0, s3;
	s0 =	sld [smem:$0x3F95]  }
0x30: {  	s3 =	sld [smem:$0x3F98]  }
0x31: {  	[smem:$0x3FA1] =	sst s10  }
0x32: {  	s10 =	sld [smem:$0x3F9F];
	_ =	sdelay $0x3  }
0x33: {  	p0 =	seq.s32 s10, $0x1;
	s10 =	sld [smem:$0x3FA1];
	_ =	sdelay $0x3  }
0x34: {  	[smem:$0x3FA1] =	sst s10  }
0x35: {  	s10 =	sld [smem:$0x3FA0];
	_ =	sdelay $0x3  }
0x36: {  	p1 =	seq.s32 s10, $0x1;
	s10 =	sld [smem:$0x3FA1];
	_ =	sdelay $0x3  }
0x37: {  	[smem:$0x3FA1] =	sst s10  }
0x38: {  	s10 =	sld [smem:$0x3FA2]  }
0x39: {  	_ = 	snop;
	(pc) =	sbr.ind lr, $3  }
0x3a: {  	_ = 	snop  }
0x3b: {  	_ = 	snop  }
0x3c: {  	p2 =	seq.s32 s10, $0x1;
	s10 =	sld [smem:$0x3FA1]  }
0x3d: {  	_ =	shalt  }
0x3e: {  	_ =	shalt  }
0x3f: {  	_ =	shalt  }
0x40: {  	_ =	shalt  }
0x41: {  	_ =	shalt  }
0x42: {  	_ =	shalt  }
0x43: {  	_ =	shalt  }
0x44: {  	_ =	shalt  }
0x45: {  	_ =	shalt  }
0x46: {  	_ =	shalt  }
0x47: {  	_ =	shalt  }
0x48: {  	_ =	shalt  }
0x49: {  	_ =	shalt  }
0x4a: {  	_ =	shalt  }
0x4b: {  	_ =	shalt  }
0x4c: {  	_ =	shalt  }
0x4d: {  	_ =	shalt  }
0x4e: {  	_ =	shalt  }
0x4f: {  	_ =	shalt  }
0x50: {  	_ =	shalt  }
0x51: {  	_ =	shalt  }
0x52: {  	_ =	shalt  }
0x53: {  	_ =	shalt  }
0x54: {  	_ =	shalt  }
0x55: {  	_ =	shalt  }
0x56: {  	_ =	shalt  }
0x57: {  	_ =	shalt  }
0x58: {  	_ =	shalt  }
0x59: {  	_ =	shalt  }
0x5a: {  	_ =	shalt  }
0x5b: {  	_ =	shalt  }
0x5c: {  	_ =	shalt  }
0x5d: {  	_ =	shalt  }
0x5e: {  	_ =	shalt  }
0x5f: {  	_ =	shalt  }
0x60: {  	_ =	shalt  }
0x61: {  	_ =	shalt  }
0x62: {  	_ =	shalt  }
0x63: {  	_ =	shalt  }
0x64: {  	_ =	shalt  }
0x65: {  	_ =	shalt  }
0x66: {  	_ =	shalt  }
0x67: {  	_ =	shalt  }
0x68: {  	_ =	shalt  }
0x69: {  	_ =	shalt  }
0x6a: {  	_ =	shalt  }
0x6b: {  	_ =	shalt  }
0x6c: {  	_ =	shalt  }
0x6d: {  	_ =	shalt  }
0x6e: {  	_ =	shalt  }
0x6f: {  	_ =	shalt  }
0x70: {  	_ =	shalt  }
0x71: {  	_ =	shalt  }
0x72: {  	_ =	shalt  }
0x73: {  	_ =	shalt  }
0x74: {  	_ =	shalt  }
0x75: {  	_ =	shalt  }
0x76: {  	_ =	shalt  }
0x77: {  	_ =	shalt  }
0x78: {  	_ =	shalt  }
0x79: {  	_ =	shalt  }
0x7a: {  	_ =	shalt  }
0x7b: {  	_ =	shalt  }
0x7c: {  	_ =	shalt  }
0x7d: {  	_ =	shalt  }
0x7e: {  	_ =	shalt  }
0x7f: {  	_ =	shalt  }
0x80: {  	_ =	shalt  }
0x81: {  	_ =	shalt  }
0x82: {  	_ =	shalt  }
0x83: {  	_ =	shalt  }
0x84: {  	_ =	shalt  }
0x85: {  	_ =	shalt  }
0x86: {  	_ =	shalt  }
0x87: {  	_ =	shalt  }
.Lfunc_end0:
.L_simem_size_0:
called_computation_lowered:
.L_overlay_start_0:
0x88: {  	s2 =	sld [smem:$0x3FD9]  }
0x89: {  	s3 =	sld [smem:$0x3FFE];
	_ =	sdelay $0x1  }
0x8a: {  	s1 =	srdreg.scid  }
0x8b: {  	s0 =	sand.u32 $0x1, s1  }
0x8c: {  	s16 =	sshll.u32 s0, $0xA;
	s2 =	sadd.s32 s3, s2  }
0x8d: {  	s2 =	sadd.s32 s2, s16  }
0x8e: {  	[smem:$0x3FAD] =	sst s2  }
0x8f: {  	_ = 	snop  }
0x90: {  	(tm) =	ssettm $0x1  }
0x91: {  	s17 =	sld [smem:$0x3FFB];
	_ =	sdelay $0x3  }
0x92: {  	_ =	strace s17  }
0x93: {  	s2 =	sld [smem:$0x3FFC];
	_ =	sdelay $0x3  }
0x94: {  	_ =	strace s2  }
0x95: {  	s2 =	sld [smem:$0x3FFD];
	_ =	sdelay $0x3  }
0x96: {  	_ =	strace s2  }
0x97: {  	_ =	strace $0x8FFFFFFF  }
0x98: {  	s18 =	sld [smem:$0x3FDB];
	_ =	sdelay $0x1  }
0x99: {  	s19 =	simm.s32 $_scs_section_size  }
0x9a: {  	s4 =	simm.s32 $_size__tile_overlayer_lowered;
	s5 =	simm.s32 $_tile_overlayer_lowered  }
0x9b: {  	s22 =	simm.s32 $0x1BFF;
	s21 =	sshll.u32 s5, $0x1;
	s2 =	sadd.s32 s19, s18  }
0x9c: {  	s6 =	simm.s32 $0x0;
	s20 =	sshll.u32 s4, $0x1;
	s4 =	sadd.s32 s21, s2  }
0x9d: {  	[timem:s6], [sflag:s22] =	dma.local [hbm:s4], s20  }
0x9e: {  	_ =	swait.ge [sflag:s22], s20  }
0x9f: {  	s3 =	ssub.s32 $0x0, s20;
	[sflag:s22] =	ssyncset.done $0x0  }
0xa0: {  	[sflag:s22] =	ssyncadd.s32 s3;
	_ =	sdelay $0x1  }
0xa1: {  	s23 =	simm.s32 $0x1B8B  }
0xa2: {  	_ =	swait.ge [sflag:s23], $0x1  }
0xa3: {  	[sflag:s23] =	ssyncset.done $0x0  }
0xa4: {  	s25 =	simm.s32 $0x1B8E;
	s24 =	sld [smem:$0x3FFE];
	[sflag:s23] =	ssyncadd.s32 $0xFFFFFFFF  }
0xa5: {  	s26 =	simm.s32 $execute0_lowered;
	[smem:$0x3FD2] =	sst s25  }
0xa6: {  	s4 =	sshll.u32 s26, $0x1;
	_ =	strace $0x80000046;
	[dreg:$0x1] =	wrdreg $0xFFFFFFFF  }
0xa7: {  	s28 =	simm.s32 $_size_execute0_lowered;
	s2 =	sadd.s32 s2, s4;
	[dreg:$0x0] =	wrdreg $0x0  }
0xa8: {  	s4 =	sshll.u32 s28, $0x1;
	[dreg:$0x2] =	wrdreg s2  }
0xa9: {  	[dreg:$0x3] =	wrdreg s4  }
0xaa: {  	[dreg:$0x4] =	wrdreg $0xC0  }
0xab: {  	_ =	task [dreg:s6], $0x5FFFF  }
0xac: {  	[dreg:$0x1] =	wrdreg $0xFFFFFFFF  }
0xad: {  	[dreg:$0x0] =	wrdreg $0x60  }
0xae: {  	[dreg:$0x2] =	wrdreg s24  }
0xaf: {  	[dreg:$0x3] =	wrdreg $0xFA00  }
0xb0: {  	[dreg:$0x4] =	wrdreg $0x9  }
0xb1: {  	_ =	task.clear_ibuf [dreg:s6], $0x5FFFF;
	_ =	strace $0x90000046  }
0xb2: {  	s29 =	simm.s32 $0x9;
	_ =	strace $0x80000048  }
0xb3: {  	_ =	swait.ge [sflag:s29], $0x1  }
0xb4: {  	[sflag:s29] =	ssyncadd.s32 $0xFFFFFFFF  }
0xb5: {  	_ =	strace $0x90000048  }
0xb6: {  	_ =	sfence  }
0xb7: {  	s30 =	sld [smem:$0x0];
	_ =	sdelay $0x2  }
0xb8: {  	s31 =	sshll.u32 s1, $0xD;
	s1 =	sshrl.u32 s1, $0x2  }
0xb9: {  	s3 =	sand.u32 $0x4000, s31;
	s1 =	sadd.s32 s1, s30  }
0xba: {  	s0 =	sor.u32 s3, s0;
	s1 =	sshll.u32 s1, $0x11  }
0xbb: {  	s0 =	sor.u32 s1, s0  }
0xbc: {  	s0 =	sadd.s32 $0x8F2B, s0  }
0xbd: {  	[sflag:s0] =	ssyncadd.remote.s32 $0x1  }
0xbe: {  	_ =	sfence.sel $0xFFFF  }
0xbf: {  	[dreg:$0x0] =	wrdreg $0xFFFFFFFF;
	(pc) =	sbr.abs _section_cstart, $3  }
0xc0: {  	[dreg:$0x1] =	wrdreg $0xFFFFFFFF  }
0xc1: {  	_ =	task.clear_ibuf [dreg:s6], $0x2FFFF;
	_ =	strace $0x9FFFFFFF  }
0xc2: {  	(tm) =	ssettm $0x7FFFFFFF  }
0xc3: {  	_ =	shalt  }
tec
execute0_lowered:
.L_overlay_start_1:
0x0: {  	(tag) =	ssettag $0x1  }
0x1: {  	s1 =	srdreg.scid  }
0x2: {  	s1 =	sand.u32 $0x1, s1  }
0x3: {  	p0 =	seq.s32 s1, $0x1  }
.Ltmp0:
0x4: {  	_ = 	snop;
	(pc) =	sbr.rel @p0 .LBB2_8-.Ltmp0, $4  }
0x5: {  	s2 =	rddreg [dreg:$0x0]  }
0x6: {  	s6 =	rddreg [dreg:$0x1];
	s3 =	simm.s32 $0x0  }
0x7: {  	[smem:$0x7FF] =	sst s3  }
0x8: {  	s0 =	rddreg [dreg:$0x2];
	_ =	strace $0x80000047;
	s1 =	stileid.u32  }
0x9: {  	s3 =	smul.u32 $0x1870, s1  }
0xa: {  	s11 =	sadd.s32 $0x6200, s2  }
0xb: {  	s12 =	sadd.s32 $0x37000, s2;
	s9 =	sadd.s32 s3, s6;
	s5 =	sadd.s32 $0x7D0, s3  }
0xc: {  	s8 =	sadd.s32 $0xFA0, s3;
	s13 =	sadd.s32 $0x1770, s3;
	s3 =	sshrl.u32 s3, $0x3  }
0xd: {  	s7 =	sadd.s32 s5, s6;
	s4 =	sadd.s32 s8, s6;
	s2 =	sadd.s32 s13, s6  }
0xe: {  	s10 =	sadd.s32 s12, s3;
	s29 =	sshrl.u32 s5, $0x3;
	s30 =	sshrl.u32 s8, $0x3  }
0xf: {  	s31 =	sshrl.u32 s13, $0x3;
	s13 =	simm.s32 $0x0;
	s8 =	sadd.s32 s12, s29  }
0x10: {  	v0 =	vimm.f32 $0.0e+00;
	s5 =	sadd.s32 s12, s30;
	s3 =	sadd.s32 s12, s31;
	s12 =	simm.s32 $0x40  }
.LBB2_2:
0x11: {  	p0 =	sne.s32 s12, $0x1F00;
	[tilespmem:s13+$0x7D0] =	vst v0;
	s13 =	smov.u32 s12;
	s12 =	sadd.s32 $0x40, s12  }
.Ltmp1:
0x12: {  	(pc) =	sbr.rel @p0 .LBB2_2-.Ltmp1, $2  }
0x13: {  	_ =	sdelay $0x2  }
0x14: {  	s13 =	sshra.s32 s13, $0x2  }
0x15: {  	[tilespmem:s13+$0x7D0] =	vst v0;
	s12 =	simm.s32 $0x7D0;
	s31 =	simm.s32 $0x1  }
0x16: {  	[spmem:s9] =	stream.linear.scatter [tilespmem:s12], [sflag:$0x1], $0x7D0, $0x38;
	[tilespmem:$0x2810] =	vst v63  }
0x17: {  	_ =	swait.ge [sflag:s31], $0x7D0  }
0x18: {  	[sflag:s31] =	ssyncset.done $0x0  }
0x19: {  	[sflag:s31] =	ssyncadd.s32 $0xFFFFF830  }
0x1a: {  	[spmem:s7] =	stream.linear.scatter [tilespmem:s12], [sflag:$0x1], $0x7D0, $0x38;
	[tilespmem:$0x2810] =	vst v63  }
0x1b: {  	_ =	swait.ge [sflag:s31], $0x7D0  }
0x1c: {  	[sflag:s31] =	ssyncset.done $0x0  }
0x1d: {  	[sflag:s31] =	ssyncadd.s32 $0xFFFFF830  }
0x1e: {  	[spmem:s4] =	stream.linear.scatter [tilespmem:s12], [sflag:$0x1], $0x7D0, $0x38;
	[tilespmem:$0x2810] =	vst v63  }
0x1f: {  	_ =	swait.ge [sflag:s31], $0x7D0  }
0x20: {  	[sflag:s31] =	ssyncset.done $0x0  }
0x21: {  	[sflag:s31] =	ssyncadd.s32 $0xFFFFF830  }
0x22: {  	[spmem:s2] =	stream.linear.scatter [tilespmem:s12], [sflag:$0x1], $0x100, $0x38;
	[tilespmem:$0x2810] =	vst v63  }
0x23: {  	_ =	swait.ge [sflag:s31], $0x100  }
0x24: {  	[sflag:s31] =	ssyncset.done $0x0  }
0x25: {  	v0 =	vimm.f32 $1.000000000e+00;
	s13 =	simm.s32 $0x0;
	s12 =	simm.s32 $0x40;
	[sflag:s31] =	ssyncadd.s32 $0xFFFFFF00  }
.LBB2_4:
0x26: {  	p0 =	sne.s32 s12, $0x1F00;
	[tilespmem:s13+$0x7D0] =	vst v0;
	s13 =	smov.u32 s12;
	s12 =	sadd.s32 $0x40, s12  }
.Ltmp2:
0x27: {  	(pc) =	sbr.rel @p0 .LBB2_4-.Ltmp2, $2  }
0x28: {  	_ =	sdelay $0x2  }
0x29: {  	s13 =	sshra.s32 s13, $0x2  }
0x2a: {  	s12 =	smul.u32 $0x30D4, s1  }
0x2b: {  	[tilespmem:s13+$0x7D0] =	vst v0  }
0x2c: {  	[bflag:$0x0] =	sbarrier.arrive $0xFFFF;
	s13 =	sadd.s32 s12, s11  }
0x2d: {  	s12 =	simm.s32 $0x0;
	s11 =	simm.s32 $0x1;
	s14 =	sadd.s32 $0x0, s13  }
0x2e: {  	[tilespmem:s12], [sflag:$0x1] =	stream.linear.gather [hbm4b:s14+s12], $0x7D0, $0x38;
	[tilespmem:$0x2810] =	vst v63  }
0x2f: {  	_ =	swait.ge [sflag:s11], $0x7D0  }
0x30: {  	[sflag:s11] =	ssyncset.done $0x0  }
0x31: {  	s14 =	simm.s32 $0x7D0;
	[sflag:s11] =	ssyncadd.s32 $0xFFFFF830  }
0x32: {  	[spmem:s6] =	stream.indirect.scatter.add.f32 [tilespmem:s14], [sflag:$0x1], $0x1, s12, s14, $0xb8;
	[tilespmem:$0x2810] =	vst v63  }
0x33: {  	_ =	swait.ge [sflag:s11], $0x7D0  }
0x34: {  	s15 =	simm.s32 $0xFA;
	s16 =	simm.s32 $0x1F4;
	[sflag:s11] =	ssyncset.done $0x0  }
.LBB2_6:
0x35: {  	s17 =	sadd.s32 s15, s13  }
0x36: {  	[sflag:s11] =	ssyncadd.s32 $0xFFFFF830;
	s15 =	smov.u32 s16;
	s18 =	sadd.s32 $0xFA, s16  }
0x37: {  	[tilespmem:s12], [sflag:$0x1] =	stream.linear.gather [hbm4b:s17+s12], $0x7D0, $0x38;
	[tilespmem:$0x2810] =	vst v63  }
0x38: {  	p0 =	sne.s32 s16, $0x2FDA;
	_ =	swait.ge [sflag:s11], $0x7D0  }
.Ltmp3:
0x39: {  	[sflag:s11] =	ssyncset.done $0x0;
	(pc) =	sbr.rel @p0 .LBB2_6-.Ltmp3, $4  }
0x3a: {  	[sflag:s11] =	ssyncadd.s32 $0xFFFFF830  }
0x3b: {  	[spmem:s6] =	stream.indirect.scatter.add.f32 [tilespmem:s14], [sflag:$0x1], $0x1, s12, s14, $0xb8;
	[tilespmem:$0x2810] =	vst v63  }
0x3c: {  	_ =	swait.ge [sflag:s11], $0x7D0  }
0x3d: {  	s16 =	smov.u32 s18;
	[sflag:s11] =	ssyncset.done $0x0  }
0x3e: {  	s13 =	sadd.s32 s15, s13;
	[sflag:s11] =	ssyncadd.s32 $0xFFFFF830  }
0x3f: {  	[tilespmem:s12], [sflag:$0x1] =	stream.linear.gather [hbm4b:s13+s12], $0x7D0, $0x38;
	[tilespmem:$0x2810] =	vst v63  }
0x40: {  	_ =	swait.ge [sflag:s11], $0x7D0  }
0x41: {  	[sflag:s11] =	ssyncset.done $0x0  }
0x42: {  	[sflag:s11] =	ssyncadd.s32 $0xFFFFF830  }
0x43: {  	[spmem:s6] =	stream.indirect.scatter.add.f32 [tilespmem:s14], [sflag:$0x1], $0x1, s12, s14, $0xb8;
	[tilespmem:$0x2810] =	vst v63  }
0x44: {  	_ =	swait.ge [sflag:s11], $0x7D0  }
0x45: {  	[sflag:s11] =	ssyncset.done $0x0  }
0x46: {  	[sflag:s11] =	ssyncadd.s32 $0xFFFFF830  }
0x47: {  	s29 =	simm.s32 $0x7D0;
	s30 =	simm.s32 $0x1;
	[bflag:$0x0] =	sbarrier.arrive $0xFFFF  }
0x48: {  	[tilespmem:s29], [sflag:$0x1] =	stream.linear.gather [spmem:s9], $0x7D0, $0x38;
	[tilespmem:$0x2810] =	vst v63  }
0x49: {  	_ =	swait.ge [sflag:s30], $0x7D0  }
0x4a: {  	[sflag:s30] =	ssyncset.done $0x0  }
0x4b: {  	s31 =	simm.s32 $0x0;
	[sflag:s30] =	ssyncadd.s32 $0xFFFFF830  }
0x4c: {  	[hbm4b:s10+s31] =	stream.linear.scatter [tilespmem:s29], [sflag:$0x1], $0x7D0, $0x38;
	[tilespmem:$0x2810] =	vst v63  }
0x4d: {  	_ =	swait.ge [sflag:s30], $0x7D0  }
0x4e: {  	[sflag:s30] =	ssyncset.done $0x0  }
0x4f: {  	[sflag:s30] =	ssyncadd.s32 $0xFFFFF830  }
0x50: {  	[tilespmem:s29], [sflag:$0x1] =	stream.linear.gather [spmem:s7], $0x7D0, $0x38;
	[tilespmem:$0x2810] =	vst v63  }
0x51: {  	_ =	swait.ge [sflag:s30], $0x7D0  }
0x52: {  	[sflag:s30] =	ssyncset.done $0x0  }
0x53: {  	[sflag:s30] =	ssyncadd.s32 $0xFFFFF830  }
0x54: {  	[hbm4b:s8+s31] =	stream.linear.scatter [tilespmem:s29], [sflag:$0x1], $0x7D0, $0x38;
	[tilespmem:$0x2810] =	vst v63  }
0x55: {  	_ =	swait.ge [sflag:s30], $0x7D0  }
0x56: {  	[sflag:s30] =	ssyncset.done $0x0  }
0x57: {  	[sflag:s30] =	ssyncadd.s32 $0xFFFFF830  }
0x58: {  	[tilespmem:s29], [sflag:$0x1] =	stream.linear.gather [spmem:s4], $0x7D0, $0x38;
	[tilespmem:$0x2810] =	vst v63  }
0x59: {  	_ =	swait.ge [sflag:s30], $0x7D0  }
0x5a: {  	[sflag:s30] =	ssyncset.done $0x0  }
0x5b: {  	[sflag:s30] =	ssyncadd.s32 $0xFFFFF830  }
0x5c: {  	[hbm4b:s5+s31] =	stream.linear.scatter [tilespmem:s29], [sflag:$0x1], $0x7D0, $0x38;
	[tilespmem:$0x2810] =	vst v63  }
0x5d: {  	_ =	swait.ge [sflag:s30], $0x7D0  }
0x5e: {  	[sflag:s30] =	ssyncset.done $0x0  }
0x5f: {  	[sflag:s30] =	ssyncadd.s32 $0xFFFFF830  }
0x60: {  	[tilespmem:s29], [sflag:$0x1] =	stream.linear.gather [spmem:s2], $0x100, $0x38;
	[tilespmem:$0x2810] =	vst v63  }
0x61: {  	_ =	swait.ge [sflag:s30], $0x100  }
0x62: {  	[sflag:s30] =	ssyncset.done $0x0  }
0x63: {  	[sflag:s30] =	ssyncadd.s32 $0xFFFFFF00  }
0x64: {  	[hbm4b:s3+s31] =	stream.linear.scatter [tilespmem:s29], [sflag:$0x1], $0x100, $0x38;
	[tilespmem:$0x2810] =	vst v63  }
0x65: {  	_ =	swait.ge [sflag:s30], $0x100  }
0x66: {  	[sflag:s30] =	ssyncset.done $0x0  }
0x67: {  	[sflag:s30] =	ssyncadd.s32 $0xFFFFFF00  }
.LBB2_8:
0x68: {  	_ =	sfence.sel $0x180000  }
0x69: {  	[bflag:$0x0] =	sbarrier.arrive $0xFFFF  }
0x6a: {  	p0 =	sne.s32 s1, $0x0;
	_ =	strace $0x90000047  }
0x6b: {  	s0 =	sadd.s32 @!p0 $0x100000, s0;
	[bflag:$0x2] =	sbarrier.arrive $0xFFFF  }
0x6c: {  	[sflag:s0] =	ssyncadd.tile.s32 @!p0 $0x1;
	_ =	shalt  }
.Lfunc_end2:
_tile_overlayer_lowered:
.L_overlay_start_2:
0x6d: {  	(tag) =	ssettag $0x2  }
0x6e: {  	s0 =	rddreg [dreg:$0x0];
	s2 =	stileid.u32  }
0x6f: {  	s1 =	rddreg [dreg:$0x1];
	p0 =	sne.s32 s2, $0x0  }
0x70: {  	s3 =	rddreg [dreg:$0x2];
	[bflag:$0x3] =	sbarrier.arrive $0xFFFF;
	s2 =	simm.s32 @!p0 $0x1C01  }
0x71: {  	[timem:s3], [sflag:s2] =	dma.local @!p0 [hbm:s0], s1  }
0x72: {  	s0 =	simm.s32 @!p0 $0x1  }
0x73: {  	_ =	swait.ge @!p0 [sflag:s0], s1  }
0x74: {  	s1 =	ssub.s32 @!p0 $0x0, s1;
	[sflag:s0] =	ssyncset.done @!p0 $0x0  }
0x75: {  	[sflag:s0] =	ssyncadd.s32 @!p0 s1  }
0x76: {  	[bflag:$0x3] =	sbarrier.arrive $0xFFFF  }
0x77: {  	_ =	shalt  }

// kernel: kernel.18.cloned.1.call-start
scs
__scs_entry_jumppad:
0x0: {  	(pc) =	sbr.rel $0x88, $3  }
0x1: {  	(tag) =	ssettag $0x0;
	lr =	simm.s32 $0x1  }
0x2: {  	[smem:$0x3F86] =	sst lr;
	_ =	strace $0xD0000000  }
0x3: {  	_ = 	snop  }
0x4: {  	_ = 	snop  }
0x5: {  	_ = 	snop  }
0x6: {  	_ = 	snop  }
0x7: {  	_ = 	snop  }
__scs_overlays_trampoline_lowered:
0x8: {  	[smem:$0x3F95] =	sst s0  }
0x9: {  	[smem:$0x3F96] =	sst s1  }
0xa: {  	[smem:$0x3F97] =	sst s2  }
0xb: {  	[smem:$0x3F98] =	sst s3  }
0xc: {  	[smem:$0x3F99] =	sst s4  }
0xd: {  	[smem:$0x3F9A] =	sst s5  }
0xe: {  	[smem:$0x3F9B] =	sst s6  }
0xf: {  	[smem:$0x3F9C] =	sst s7  }
0x10: {  	[smem:$0x3F9D] =	sst s8  }
0x11: {  	[smem:$0x3F9E] =	sst s9;
	s0 =	simm.s32 @!p0 $0x0  }
0x12: {  	s1 =	sld [smem:$0x3F84];
	s0 =	simm.s32 @p0 $0x1  }
0x13: {  	[smem:$0x3F9F] =	sst s0;
	s0 =	simm.s32 @!p1 $0x0  }
0x14: {  	s2 =	sld [smem:$0x3F83];
	s0 =	simm.s32 @p1 $0x1  }
0x15: {  	[smem:$0x3FA0] =	sst s0;
	s0 =	simm.s32 @!p2 $0x0  }
0x16: {  	s3 =	sld [smem:$0x3FDB];
	s0 =	simm.s32 @p2 $0x1  }
0x17: {  	s4 =	simm.s32 $0x1BF5;
	[smem:$0x3FA2] =	sst s0  }
0x18: {  	s0 =	sld [smem:$0x3F85];
	_ =	swait.ge [sflag:s4], $0x0  }
0x19: {  	s7 =	sld [smem:$0x3F86]  }
0x1a: {  	s8 =	sadd.s32 $0xFFFFE003, lr  }
0x1b: {  	s9 =	sadd.s32 $0xFFFFFEF7, lr;
	s5 =	simm.s32 $0xFFFFFFFF;
	p2 =	slt.u32 s8, $0xFFFFF086  }
0x1c: {  	p1 =	slt.u32 s9, $0xF7A;
	s5 =	simm.s32 @!p2 $0x0  }
0x1d: {  	s5 =	simm.s32 @p1 $0x1;
	p0 =	seq.s32 s7, s2  }
0x1e: {  	s7 =	smul.u32 @!p0 $0xF7A, s2;
	p2 =	seq.s32 @!p0 s5, $0x0  }
0x1f: {  	s9 =	smul.u32 $0xF7A, s1;
	s8 =	simm.s32 @!p0 $0x1BF5;
	p2 =	por !p2, p0  }
0x20: {  	[sflag:s8] =	ssyncset.s32 @!p0 $0xFFFFF086;
	s6 =	sadd.s32 @!p0 s3, s7;
	s7 =	simm.s32 @!p0 $0x108  }
0x21: {  	s3 =	sadd.s32 s3, s9;
	s6 =	sadd.s32 @!p0 $0x88, s6;
	s7 =	simm.s32 @p2 $0x1082  }
0x22: {  	[simem:s7], [sflag:s8] =	dma.local @!p0 [hbm:s6], $0xF7A  }
0x23: {  	s9 =	sor.u32 $0xD0000000, s2;
	s6 =	simm.s32 $0x108;
	_ =	swait.ge @!p0 [sflag:s8], $0x0  }
0x24: {  	s3 =	sadd.s32 $0x88, s3;
	s6 =	simm.s32 @!p1 $0x1082;
	[sflag:s4] =	ssyncset.s32 $0xFFFFF086  }
0x25: {  	[simem:s6], [sflag:s4] =	dma.local [hbm:s3], $0xF7A  }
0x26: {  	[smem:$0x3F86] =	sst s1;
	(tag) =	ssettag s2;
	_ =	strace s9  }
0x27: {  	s1 =	sld [smem:$0x3F96]  }
0x28: {  	s2 =	sld [smem:$0x3F97]  }
0x29: {  	s4 =	sld [smem:$0x3F99]  }
0x2a: {  	p0 =	seq.s32 s5, $0x0;
	s5 =	sld [smem:$0x3F9A]  }
0x2b: {  	s6 =	sld [smem:$0x3F9B]  }
0x2c: {  	s7 =	sld [smem:$0x3F9C]  }
0x2d: {  	s3 =	simm.s32 $0x108;
	s8 =	sld [smem:$0x3F9D]  }
0x2e: {  	s3 =	simm.s32 @!p0 $0x1082;
	s9 =	sld [smem:$0x3F9E]  }
0x2f: {  	lr =	sadd.s32 s0, s3;
	s0 =	sld [smem:$0x3F95]  }
0x30: {  	s3 =	sld [smem:$0x3F98]  }
0x31: {  	[smem:$0x3FA1] =	sst s10  }
0x32: {  	s10 =	sld [smem:$0x3F9F];
	_ =	sdelay $0x3  }
0x33: {  	p0 =	seq.s32 s10, $0x1;
	s10 =	sld [smem:$0x3FA1];
	_ =	sdelay $0x3  }
0x34: {  	[smem:$0x3FA1] =	sst s10  }
0x35: {  	s10 =	sld [smem:$0x3FA0];
	_ =	sdelay $0x3  }
0x36: {  	p1 =	seq.s32 s10, $0x1;
	s10 =	sld [smem:$0x3FA1];
	_ =	sdelay $0x3  }
0x37: {  	[smem:$0x3FA1] =	sst s10  }
0x38: {  	s10 =	sld [smem:$0x3FA2]  }
0x39: {  	_ = 	snop;
	(pc) =	sbr.ind lr, $3  }
0x3a: {  	_ = 	snop  }
0x3b: {  	_ = 	snop  }
0x3c: {  	p2 =	seq.s32 s10, $0x1;
	s10 =	sld [smem:$0x3FA1]  }
0x3d: {  	_ =	shalt  }
0x3e: {  	_ =	shalt  }
0x3f: {  	_ =	shalt  }
0x40: {  	_ =	shalt  }
0x41: {  	_ =	shalt  }
0x42: {  	_ =	shalt  }
0x43: {  	_ =	shalt  }
0x44: {  	_ =	shalt  }
0x45: {  	_ =	shalt  }
0x46: {  	_ =	shalt  }
0x47: {  	_ =	shalt  }
0x48: {  	_ =	shalt  }
0x49: {  	_ =	shalt  }
0x4a: {  	_ =	shalt  }
0x4b: {  	_ =	shalt  }
0x4c: {  	_ =	shalt  }
0x4d: {  	_ =	shalt  }
0x4e: {  	_ =	shalt  }
0x4f: {  	_ =	shalt  }
0x50: {  	_ =	shalt  }
0x51: {  	_ =	shalt  }
0x52: {  	_ =	shalt  }
0x53: {  	_ =	shalt  }
0x54: {  	_ =	shalt  }
0x55: {  	_ =	shalt  }
0x56: {  	_ =	shalt  }
0x57: {  	_ =	shalt  }
0x58: {  	_ =	shalt  }
0x59: {  	_ =	shalt  }
0x5a: {  	_ =	shalt  }
0x5b: {  	_ =	shalt  }
0x5c: {  	_ =	shalt  }
0x5d: {  	_ =	shalt  }
0x5e: {  	_ =	shalt  }
0x5f: {  	_ =	shalt  }
0x60: {  	_ =	shalt  }
0x61: {  	_ =	shalt  }
0x62: {  	_ =	shalt  }
0x63: {  	_ =	shalt  }
0x64: {  	_ =	shalt  }
0x65: {  	_ =	shalt  }
0x66: {  	_ =	shalt  }
0x67: {  	_ =	shalt  }
0x68: {  	_ =	shalt  }
0x69: {  	_ =	shalt  }
0x6a: {  	_ =	shalt  }
0x6b: {  	_ =	shalt  }
0x6c: {  	_ =	shalt  }
0x6d: {  	_ =	shalt  }
0x6e: {  	_ =	shalt  }
0x6f: {  	_ =	shalt  }
0x70: {  	_ =	shalt  }
0x71: {  	_ =	shalt  }
0x72: {  	_ =	shalt  }
0x73: {  	_ =	shalt  }
0x74: {  	_ =	shalt  }
0x75: {  	_ =	shalt  }
0x76: {  	_ =	shalt  }
0x77: {  	_ =	shalt  }
0x78: {  	_ =	shalt  }
0x79: {  	_ =	shalt  }
0x7a: {  	_ =	shalt  }
0x7b: {  	_ =	shalt  }
0x7c: {  	_ =	shalt  }
0x7d: {  	_ =	shalt  }
0x7e: {  	_ =	shalt  }
0x7f: {  	_ =	shalt  }
0x80: {  	_ =	shalt  }
0x81: {  	_ =	shalt  }
0x82: {  	_ =	shalt  }
0x83: {  	_ =	shalt  }
0x84: {  	_ =	shalt  }
0x85: {  	_ =	shalt  }
0x86: {  	_ =	shalt  }
0x87: {  	_ =	shalt  }
.Lfunc_end0:
.L_simem_size_0:
called_computation.1_lowered:
.L_overlay_start_0:
0x88: {  	s2 =	sld [smem:$0x3FD9]  }
0x89: {  	s3 =	sld [smem:$0x3FFE];
	_ =	sdelay $0x1  }
0x8a: {  	s1 =	srdreg.scid  }
0x8b: {  	s0 =	sand.u32 $0x1, s1  }
0x8c: {  	s17 =	sshll.u32 s0, $0xA;
	s2 =	sadd.s32 s3, s2  }
0x8d: {  	s2 =	sadd.s32 s2, s17  }
0x8e: {  	[smem:$0x3FAD] =	sst s2  }
0x8f: {  	_ = 	snop  }
0x90: {  	s2 =	sld [smem:$0x3FD0];
	(tm) =	ssettm $0x1  }
0x91: {  	s18 =	sld [smem:$0x3FFB];
	_ =	sdelay $0x3  }
0x92: {  	_ =	strace s18  }
0x93: {  	s3 =	sld [smem:$0x3FFC];
	_ =	sdelay $0x3  }
0x94: {  	_ =	strace s3  }
0x95: {  	s3 =	sld [smem:$0x3FFD];
	_ =	sdelay $0x3  }
0x96: {  	_ =	strace s3  }
0x97: {  	_ =	strace $0x8FFFFFFF  }
0x98: {  	s19 =	sld [smem:$0x3FDB];
	_ =	sdelay $0x1  }
0x99: {  	s4 =	simm.s32 $_scs_section_size  }
0x9a: {  	s5 =	simm.s32 $_size__tile_overlayer_lowered;
	s6 =	simm.s32 $_tile_overlayer_lowered  }
0x9b: {  	s22 =	simm.s32 $0x1BFF;
	s21 =	sshll.u32 s6, $0x1;
	s3 =	sadd.s32 s4, s19  }
0x9c: {  	s7 =	simm.s32 $0x0;
	s20 =	sshll.u32 s5, $0x1;
	s5 =	sadd.s32 s21, s3  }
0x9d: {  	[timem:s7], [sflag:s22] =	dma.local [hbm:s5], s20  }
0x9e: {  	_ =	swait.ge [sflag:s22], s20  }
0x9f: {  	s4 =	ssub.s32 $0x0, s20;
	[sflag:s22] =	ssyncset.done $0x0  }
0xa0: {  	[sflag:s22] =	ssyncadd.s32 s4;
	_ =	sdelay $0x1  }
0xa1: {  	s23 =	simm.s32 $0x1B8B  }
0xa2: {  	_ =	swait.ge [sflag:s23], $0x1  }
0xa3: {  	[sflag:s23] =	ssyncset.done $0x0  }
0xa4: {  	s25 =	simm.s32 $0x1B8E;
	s24 =	sld [smem:$0x3FFE];
	[sflag:s23] =	ssyncadd.s32 $0xFFFFFFFF  }
0xa5: {  	s26 =	simm.s32 $execute0_lowered;
	[smem:$0x3FD2] =	sst s25  }
0xa6: {  	s5 =	sshll.u32 s26, $0x1;
	_ =	strace $0x80000049;
	[dreg:$0x1] =	wrdreg $0xFFFFFFFF  }
0xa7: {  	s28 =	simm.s32 $_size_execute0_lowered;
	s3 =	sadd.s32 s3, s5;
	[dreg:$0x0] =	wrdreg $0x0  }
0xa8: {  	s5 =	sshll.u32 s28, $0x1;
	[dreg:$0x2] =	wrdreg s3  }
0xa9: {  	[dreg:$0x3] =	wrdreg s5  }
0xaa: {  	[dreg:$0x4] =	wrdreg $0xC0  }
0xab: {  	_ =	task [dreg:s7], $0x5FFFF  }
0xac: {  	[dreg:$0x1] =	wrdreg $0xFFFFFFFF  }
0xad: {  	[dreg:$0x0] =	wrdreg $0x60  }
0xae: {  	[dreg:$0x2] =	wrdreg s2  }
0xaf: {  	[dreg:$0x3] =	wrdreg s24  }
0xb0: {  	[dreg:$0x4] =	wrdreg $0x17700  }
0xb1: {  	[dreg:$0x5] =	wrdreg $0x9  }
0xb2: {  	_ =	task.clear_ibuf [dreg:s7], $0x6FFFF;
	_ =	strace $0x90000049  }
0xb3: {  	s29 =	simm.s32 $0x9;
	_ =	strace $0x8000004B  }
0xb4: {  	_ =	swait.ge [sflag:s29], $0x1  }
0xb5: {  	[sflag:s29] =	ssyncadd.s32 $0xFFFFFFFF  }
0xb6: {  	_ =	strace $0x9000004B  }
0xb7: {  	_ =	sfence  }
0xb8: {  	s30 =	sld [smem:$0x0];
	_ =	sdelay $0x2  }
0xb9: {  	s31 =	sshll.u32 s1, $0xD;
	s1 =	sshrl.u32 s1, $0x2  }
0xba: {  	s3 =	sand.u32 $0x4000, s31;
	s1 =	sadd.s32 s1, s30  }
0xbb: {  	s0 =	sor.u32 s3, s0;
	s1 =	sshll.u32 s1, $0x11  }
0xbc: {  	s0 =	sor.u32 s1, s0  }
0xbd: {  	s0 =	sadd.s32 $0x8F2B, s0  }
0xbe: {  	[sflag:s0] =	ssyncadd.remote.s32 $0x1  }
0xbf: {  	_ =	sfence.sel $0xFFFF  }
0xc0: {  	[dreg:$0x0] =	wrdreg $0xFFFFFFFF;
	(pc) =	sbr.abs _section_cstart, $3  }
0xc1: {  	[dreg:$0x1] =	wrdreg $0xFFFFFFFF  }
0xc2: {  	_ =	task.clear_ibuf [dreg:s7], $0x2FFFF;
	_ =	strace $0x9FFFFFFF  }
0xc3: {  	(tm) =	ssettm $0x7FFFFFFF  }
tec
execute0_lowered:
.L_overlay_start_1:
0x0: {  	(tag) =	ssettag $0x1  }
0x1: {  	s15 =	rddreg [dreg:$0x0]  }
0x2: {  	s5 =	rddreg [dreg:$0x1]  }
0x3: {  	s0 =	srdreg.scid;
	s2 =	rddreg [dreg:$0x2]  }
0x4: {  	s1 =	rddreg [dreg:$0x3];
	s3 =	simm.s32 $0x0;
	s4 =	sand.u32 $0x1, s0  }
0x5: {  	s17 =	simm.s32 $0x2;
	s0 =	stileid.u32;
	s6 =	smul.u32 $0xC3500, s4  }
0x6: {  	s18 =	simm.s32 $0x7D0;
	s19 =	simm.s32 $0x1;
	s7 =	smul.u32 $0xC350, s0  }
0x7: {  	s20 =	simm.s32 $0x0;
	[smem:$0x7FF] =	sst s3;
	s8 =	smul.u32 $0x1870, s0  }
0x8: {  	s29 =	smul.u32 $0x18700, s4;
	_ =	strace $0x8000004A;
	s31 =	ssub.s32 $0x2, s4  }
0x9: {  	s4 =	sadd.s32 $0x37000, s5;
	s9 =	sshrl.u32 s31, $0x1;
	s6 =	sadd.s32 s7, s6  }
0xa: {  	s30 =	sadd.s32 s8, s29;
	s13 =	ssub.s32 s31, s9;
	s16 =	sshrl.u32 s6, $0x3  }
0xb: {  	s6 =	sshrl.u32 s30, $0x3;
	s13 =	smax.u32 s13, $0x1;
	s14 =	sadd.s32 s16, s5  }
0xc: {  	s12 =	sadd.s32 s6, s5;
	s5 =	sadd.s32 s8, s2;
	s15 =	sadd.s32 s16, s15  }
0xd: {  	s16 =	simm.s32 $0xFA0;
	s6 =	sadd.s32 $0x7D0, s5;
	s7 =	sadd.s32 $0xFA0, s5  }
0xe: {  	s8 =	sadd.s32 $0x1770, s5;
	s9 =	sadd.s32 $0x3A200, s12;
	s10 =	sadd.s32 $0x3A2FA, s12  }
0xf: {  	v0 =	vimm.f32 $0.0e+00;
	s11 =	sadd.s32 $0x3A3F4, s12;
	s12 =	sadd.s32 $0x3A4EE, s12;
	s14 =	sadd.s32 $0x6200, s14  }
.LBB2_1:
0x10: {  	s21 =	simm.s32 $0x40;
	s22 =	simm.s32 $0x0  }
.LBB2_2:
0x11: {  	p0 =	sne.s32 s21, $0x1F00;
	[tilespmem:s22+$0xFA0] =	vst v0;
	s22 =	smov.u32 s21;
	s21 =	sadd.s32 $0x40, s21  }
.Ltmp0:
0x12: {  	(pc) =	sbr.rel @p0 .LBB2_2-.Ltmp0, $2  }
0x13: {  	_ =	sdelay $0x2  }
0x14: {  	s22 =	sshra.s32 s22, $0x2  }
0x15: {  	[tilespmem:s22+$0xFA0] =	vst v0  }
0x16: {  	[spmem:s5] =	stream.linear.scatter [tilespmem:s16], [sflag:$0x2], $0x7D0, $0x38;
	[tilespmem:$0x2FE0] =	vst v63  }
0x17: {  	_ =	swait.ge [sflag:s17], $0x7D0  }
0x18: {  	[sflag:s17] =	ssyncset.done $0x0  }
0x19: {  	[sflag:s17] =	ssyncadd.s32 $0xFFFFF830  }
0x1a: {  	[spmem:s6] =	stream.linear.scatter [tilespmem:s16], [sflag:$0x2], $0x7D0, $0x38;
	[tilespmem:$0x2FE0] =	vst v63  }
0x1b: {  	_ =	swait.ge [sflag:s17], $0x7D0  }
0x1c: {  	[sflag:s17] =	ssyncset.done $0x0  }
0x1d: {  	[sflag:s17] =	ssyncadd.s32 $0xFFFFF830  }
0x1e: {  	[spmem:s7] =	stream.linear.scatter [tilespmem:s16], [sflag:$0x2], $0x7D0, $0x38;
	[tilespmem:$0x2FE0] =	vst v63  }
0x1f: {  	_ =	swait.ge [sflag:s17], $0x7D0  }
0x20: {  	[sflag:s17] =	ssyncset.done $0x0  }
0x21: {  	[sflag:s17] =	ssyncadd.s32 $0xFFFFF830  }
0x22: {  	[spmem:s8] =	stream.linear.scatter [tilespmem:s16], [sflag:$0x2], $0x100, $0x38;
	[tilespmem:$0x2FE0] =	vst v63  }
0x23: {  	_ =	swait.ge [sflag:s17], $0x100  }
0x24: {  	[sflag:s17] =	ssyncset.done $0x0  }
0x25: {  	[sflag:s17] =	ssyncadd.s32 $0xFFFFFF00  }
0x26: {  	s21 =	sadd.s32 $0x0, s15;
	[bflag:$0x0] =	sbarrier.arrive $0xFFFF  }
0x27: {  	[tilespmem:s3], [sflag:$0x2] =	stream.linear.gather [hbm4b:s21+s3], $0x7D0, $0x38;
	[tilespmem:$0x2FE0] =	vst v63  }
0x28: {  	_ =	swait.ge [sflag:s17], $0x7D0  }
0x29: {  	[sflag:s17] =	ssyncset.done $0x0  }
0x2a: {  	s31 =	sadd.s32 $0x0, s14;
	[sflag:s17] =	ssyncadd.s32 $0xFFFFF830  }
0x2b: {  	[tilespmem:s18], [sflag:$0x2] =	stream.linear.gather [hbm4b:s31+s3], $0x7D0, $0x38;
	[tilespmem:$0x2FE0] =	vst v63  }
0x2c: {  	_ =	swait.ge [sflag:s17], $0x7D0  }
0x2d: {  	[sflag:s17] =	ssyncset.done $0x0  }
0x2e: {  	[sflag:s17] =	ssyncadd.s32 $0xFFFFF830  }
0x2f: {  	[tilespmem:s16], [sflag:$0x1] =	stream.indirect.gather [hbm4b:s4+s18], $0x1, s3, s18, $0xb8;
	[tilespmem:$0x2FE0] =	vst v63  }
0x30: {  	_ =	swait.ge [sflag:s19], $0x7D0  }
0x31: {  	[sflag:s19] =	ssyncset.done $0x0  }
0x32: {  	[sflag:s19] =	ssyncadd.s32 $0xFFFFF830  }
0x33: {  	[spmem:s2] =	stream.indirect.scatter.add.f32 [tilespmem:s16], [sflag:$0x2], $0x1, s18, s18, $0xb8;
	[tilespmem:$0x2FE0] =	vst v63  }
0x34: {  	_ =	swait.ge [sflag:s17], $0x7D0  }
0x35: {  	s22 =	simm.s32 $0x1F4;
	s21 =	simm.s32 $0xFA;
	[sflag:s17] =	ssyncset.done $0x0  }
.LBB2_4:
0x36: {  	s23 =	sadd.s32 s21, s15  }
0x37: {  	[sflag:s17] =	ssyncadd.s32 $0xFFFFF830;
	s24 =	smov.u32 s22;
	s25 =	sadd.s32 $0xFA, s22  }
0x38: {  	[tilespmem:s3], [sflag:$0x2] =	stream.linear.gather [hbm4b:s23+s3], $0x7D0, $0x38;
	[tilespmem:$0x2FE0] =	vst v63  }
0x39: {  	p0 =	sne.s32 s22, $0x1770;
	_ =	swait.ge [sflag:s17], $0x7D0  }
0x3a: {  	[sflag:s17] =	ssyncset.done $0x0  }
0x3b: {  	s22 =	sadd.s32 s21, s14;
	s21 =	smov.u32 s24;
	[sflag:s17] =	ssyncadd.s32 $0xFFFFF830  }
0x3c: {  	[tilespmem:s18], [sflag:$0x2] =	stream.linear.gather [hbm4b:s22+s3], $0x7D0, $0x38;
	[tilespmem:$0x2FE0] =	vst v63  }
0x3d: {  	_ =	swait.ge [sflag:s17], $0x7D0  }
0x3e: {  	[sflag:s17] =	ssyncset.done $0x0  }
0x3f: {  	[sflag:s17] =	ssyncadd.s32 $0xFFFFF830  }
0x40: {  	[tilespmem:s16], [sflag:$0x1] =	stream.indirect.gather [hbm4b:s4+s18], $0x1, s3, s18, $0xb8;
	[tilespmem:$0x2FE0] =	vst v63  }
0x41: {  	_ =	swait.ge [sflag:s19], $0x7D0  }
.Ltmp1:
0x42: {  	[sflag:s19] =	ssyncset.done $0x0;
	(pc) =	sbr.rel @p0 .LBB2_4-.Ltmp1, $4  }
0x43: {  	[sflag:s19] =	ssyncadd.s32 $0xFFFFF830  }
0x44: {  	[spmem:s2] =	stream.indirect.scatter.add.f32 [tilespmem:s16], [sflag:$0x2], $0x1, s18, s18, $0xb8;
	[tilespmem:$0x2FE0] =	vst v63  }
0x45: {  	_ =	swait.ge [sflag:s17], $0x7D0  }
0x46: {  	s22 =	smov.u32 s25;
	[sflag:s17] =	ssyncset.done $0x0  }
0x47: {  	s22 =	sadd.s32 s21, s15;
	[sflag:s17] =	ssyncadd.s32 $0xFFFFF830  }
0x48: {  	[tilespmem:s3], [sflag:$0x2] =	stream.linear.gather [hbm4b:s22+s3], $0x7D0, $0x38;
	[tilespmem:$0x2FE0] =	vst v63  }
0x49: {  	_ =	swait.ge [sflag:s17], $0x7D0  }
0x4a: {  	[sflag:s17] =	ssyncset.done $0x0  }
0x4b: {  	s31 =	sadd.s32 s21, s14;
	[sflag:s17] =	ssyncadd.s32 $0xFFFFF830  }
0x4c: {  	[tilespmem:s18], [sflag:$0x2] =	stream.linear.gather [hbm4b:s31+s3], $0x7D0, $0x38;
	[tilespmem:$0x2FE0] =	vst v63  }
0x4d: {  	_ =	swait.ge [sflag:s17], $0x7D0  }
0x4e: {  	[sflag:s17] =	ssyncset.done $0x0  }
0x4f: {  	[sflag:s17] =	ssyncadd.s32 $0xFFFFF830  }
0x50: {  	[tilespmem:s16], [sflag:$0x1] =	stream.indirect.gather [hbm4b:s4+s18], $0x1, s3, s18, $0xb8;
	[tilespmem:$0x2FE0] =	vst v63  }
0x51: {  	_ =	swait.ge [sflag:s19], $0x7D0  }
0x52: {  	[sflag:s19] =	ssyncset.done $0x0  }
0x53: {  	[sflag:s19] =	ssyncadd.s32 $0xFFFFF830  }
0x54: {  	[spmem:s2] =	stream.indirect.scatter.add.f32 [tilespmem:s16], [sflag:$0x2], $0x1, s18, s18, $0xb8;
	[tilespmem:$0x2FE0] =	vst v63  }
0x55: {  	_ =	swait.ge [sflag:s17], $0x7D0  }
0x56: {  	[sflag:s17] =	ssyncset.done $0x0  }
0x57: {  	[sflag:s17] =	ssyncadd.s32 $0xFFFFF830  }
0x58: {  	[bflag:$0x0] =	sbarrier.arrive $0xFFFF  }
0x59: {  	[tilespmem:s16], [sflag:$0x2] =	stream.linear.gather [spmem:s5], $0x7D0, $0x38;
	[tilespmem:$0x2FE0] =	vst v63  }
0x5a: {  	_ =	swait.ge [sflag:s17], $0x7D0  }
0x5b: {  	[sflag:s17] =	ssyncset.done $0x0  }
0x5c: {  	[sflag:s17] =	ssyncadd.s32 $0xFFFFF830  }
0x5d: {  	[hbm4b:s9+s3] =	stream.linear.scatter [tilespmem:s16], [sflag:$0x2], $0x7D0, $0x38;
	[tilespmem:$0x2FE0] =	vst v63  }
0x5e: {  	_ =	swait.ge [sflag:s17], $0x7D0  }
0x5f: {  	[sflag:s17] =	ssyncset.done $0x0  }
0x60: {  	[sflag:s17] =	ssyncadd.s32 $0xFFFFF830  }
0x61: {  	[tilespmem:s16], [sflag:$0x2] =	stream.linear.gather [spmem:s6], $0x7D0, $0x38;
	[tilespmem:$0x2FE0] =	vst v63  }
0x62: {  	_ =	swait.ge [sflag:s17], $0x7D0  }
0x63: {  	[sflag:s17] =	ssyncset.done $0x0  }
0x64: {  	[sflag:s17] =	ssyncadd.s32 $0xFFFFF830  }
0x65: {  	[hbm4b:s10+s3] =	stream.linear.scatter [tilespmem:s16], [sflag:$0x2], $0x7D0, $0x38;
	[tilespmem:$0x2FE0] =	vst v63  }
0x66: {  	_ =	swait.ge [sflag:s17], $0x7D0  }
0x67: {  	[sflag:s17] =	ssyncset.done $0x0  }
0x68: {  	[sflag:s17] =	ssyncadd.s32 $0xFFFFF830  }
0x69: {  	[tilespmem:s16], [sflag:$0x2] =	stream.linear.gather [spmem:s7], $0x7D0, $0x38;
	[tilespmem:$0x2FE0] =	vst v63  }
0x6a: {  	_ =	swait.ge [sflag:s17], $0x7D0  }
0x6b: {  	[sflag:s17] =	ssyncset.done $0x0  }
0x6c: {  	[sflag:s17] =	ssyncadd.s32 $0xFFFFF830  }
0x6d: {  	[hbm4b:s11+s3] =	stream.linear.scatter [tilespmem:s16], [sflag:$0x2], $0x7D0, $0x38;
	[tilespmem:$0x2FE0] =	vst v63  }
0x6e: {  	_ =	swait.ge [sflag:s17], $0x7D0  }
0x6f: {  	[sflag:s17] =	ssyncset.done $0x0  }
0x70: {  	[sflag:s17] =	ssyncadd.s32 $0xFFFFF830  }
0x71: {  	[tilespmem:s16], [sflag:$0x2] =	stream.linear.gather [spmem:s8], $0x100, $0x38;
	[tilespmem:$0x2FE0] =	vst v63  }
0x72: {  	s20 =	sadd.s32 $0x1, s20;
	_ =	swait.ge [sflag:s17], $0x100  }
0x73: {  	p0 =	sne.s32 s20, s13;
	[sflag:s17] =	ssyncset.done $0x0  }
.Ltmp2:
0x74: {  	[sflag:s17] =	ssyncadd.s32 $0xFFFFFF00;
	(pc) =	sbr.rel @p0 .LBB2_1-.Ltmp2, $4  }
0x75: {  	[hbm4b:s12+s3] =	stream.linear.scatter [tilespmem:s16], [sflag:$0x2], $0x100, $0x38;
	[tilespmem:$0x2FE0] =	vst v63  }
0x76: {  	_ =	swait.ge [sflag:s17], $0x100  }
0x77: {  	[sflag:s17] =	ssyncset.done $0x0  }
0x78: {  	[sflag:s17] =	ssyncadd.s32 $0xFFFFFF00  }
0x79: {  	_ =	sfence.sel $0x180000  }
0x7a: {  	[bflag:$0x0] =	sbarrier.arrive $0xFFFF  }
0x7b: {  	p0 =	sne.s32 s0, $0x0;
	_ =	strace $0x9000004A  }
0x7c: {  	s0 =	sadd.s32 @!p0 $0x100000, s1;
	[bflag:$0x2] =	sbarrier.arrive $0xFFFF  }
0x7d: {  	[sflag:s0] =	ssyncadd.tile.s32 @!p0 $0x1;
	_ =	shalt  }
.Lfunc_end2:
_tile_overlayer_lowered:
.L_overlay_start_2:
0x7e: {  	(tag) =	ssettag $0x2  }
0x7f: {  	s0 =	rddreg [dreg:$0x0];
	s2 =	stileid.u32  }
0x80: {  	s1 =	rddreg [dreg:$0x1];
	p0 =	sne.s32 s2, $0x0  }
0x81: {  	s3 =	rddreg [dreg:$0x2];
	[bflag:$0x3] =	sbarrier.arrive $0xFFFF;
	s2 =	simm.s32 @!p0 $0x1C02  }
0x82: {  	[timem:s3], [sflag:s2] =	dma.local @!p0 [hbm:s0], s1  }
0x83: {  	s0 =	simm.s32 @!p0 $0x2  }
0x84: {  	_ =	swait.ge @!p0 [sflag:s0], s1  }
0x85: {  	s1 =	ssub.s32 @!p0 $0x0, s1;
	[sflag:s0] =	ssyncset.done @!p0 $0x0  }
0x86: {  	[sflag:s0] =	ssyncadd.s32 @!p0 s1  }
0x87: {  	[bflag:$0x3] =	sbarrier.arrive $0xFFFF  }
0x88: {  	_ =	shalt  }

// kernel: kernel.21.cloned.1.call-start
scs
__scs_entry_jumppad:
0x0: {  	(pc) =	sbr.rel $0x88, $3  }
0x1: {  	(tag) =	ssettag $0x0;
	lr =	simm.s32 $0x1  }
0x2: {  	[smem:$0x3F86] =	sst lr;
	_ =	strace $0xD0000000  }
0x3: {  	_ = 	snop  }
0x4: {  	_ = 	snop  }
0x5: {  	_ = 	snop  }
0x6: {  	_ = 	snop  }
0x7: {  	_ = 	snop  }
__scs_overlays_trampoline_lowered:
0x8: {  	[smem:$0x3F95] =	sst s0  }
0x9: {  	[smem:$0x3F96] =	sst s1  }
0xa: {  	[smem:$0x3F97] =	sst s2  }
0xb: {  	[smem:$0x3F98] =	sst s3  }
0xc: {  	[smem:$0x3F99] =	sst s4  }
0xd: {  	[smem:$0x3F9A] =	sst s5  }
0xe: {  	[smem:$0x3F9B] =	sst s6  }
0xf: {  	[smem:$0x3F9C] =	sst s7  }
0x10: {  	[smem:$0x3F9D] =	sst s8  }
0x11: {  	[smem:$0x3F9E] =	sst s9;
	s0 =	simm.s32 @!p0 $0x0  }
0x12: {  	s1 =	sld [smem:$0x3F84];
	s0 =	simm.s32 @p0 $0x1  }
0x13: {  	[smem:$0x3F9F] =	sst s0;
	s0 =	simm.s32 @!p1 $0x0  }
0x14: {  	s2 =	sld [smem:$0x3F83];
	s0 =	simm.s32 @p1 $0x1  }
0x15: {  	[smem:$0x3FA0] =	sst s0;
	s0 =	simm.s32 @!p2 $0x0  }
0x16: {  	s3 =	sld [smem:$0x3FDB];
	s0 =	simm.s32 @p2 $0x1  }
0x17: {  	s4 =	simm.s32 $0x1BF5;
	[smem:$0x3FA2] =	sst s0  }
0x18: {  	s0 =	sld [smem:$0x3F85];
	_ =	swait.ge [sflag:s4], $0x0  }
0x19: {  	s7 =	sld [smem:$0x3F86]  }
0x1a: {  	s8 =	sadd.s32 $0xFFFFE003, lr  }
0x1b: {  	s9 =	sadd.s32 $0xFFFFFEF7, lr;
	s5 =	simm.s32 $0xFFFFFFFF;
	p2 =	slt.u32 s8, $0xFFFFF086  }
0x1c: {  	p1 =	slt.u32 s9, $0xF7A;
	s5 =	simm.s32 @!p2 $0x0  }
0x1d: {  	s5 =	simm.s32 @p1 $0x1;
	p0 =	seq.s32 s7, s2  }
0x1e: {  	s7 =	smul.u32 @!p0 $0xF7A, s2;
	p2 =	seq.s32 @!p0 s5, $0x0  }
0x1f: {  	s9 =	smul.u32 $0xF7A, s1;
	s8 =	simm.s32 @!p0 $0x1BF5;
	p2 =	por !p2, p0  }
0x20: {  	[sflag:s8] =	ssyncset.s32 @!p0 $0xFFFFF086;
	s6 =	sadd.s32 @!p0 s3, s7;
	s7 =	simm.s32 @!p0 $0x108  }
0x21: {  	s3 =	sadd.s32 s3, s9;
	s6 =	sadd.s32 @!p0 $0x88, s6;
	s7 =	simm.s32 @p2 $0x1082  }
0x22: {  	[simem:s7], [sflag:s8] =	dma.local @!p0 [hbm:s6], $0xF7A  }
0x23: {  	s9 =	sor.u32 $0xD0000000, s2;
	s6 =	simm.s32 $0x108;
	_ =	swait.ge @!p0 [sflag:s8], $0x0  }
0x24: {  	s3 =	sadd.s32 $0x88, s3;
	s6 =	simm.s32 @!p1 $0x1082;
	[sflag:s4] =	ssyncset.s32 $0xFFFFF086  }
0x25: {  	[simem:s6], [sflag:s4] =	dma.local [hbm:s3], $0xF7A  }
0x26: {  	[smem:$0x3F86] =	sst s1;
	(tag) =	ssettag s2;
	_ =	strace s9  }
0x27: {  	s1 =	sld [smem:$0x3F96]  }
0x28: {  	s2 =	sld [smem:$0x3F97]  }
0x29: {  	s4 =	sld [smem:$0x3F99]  }
0x2a: {  	p0 =	seq.s32 s5, $0x0;
	s5 =	sld [smem:$0x3F9A]  }
0x2b: {  	s6 =	sld [smem:$0x3F9B]  }
0x2c: {  	s7 =	sld [smem:$0x3F9C]  }
0x2d: {  	s3 =	simm.s32 $0x108;
	s8 =	sld [smem:$0x3F9D]  }
0x2e: {  	s3 =	simm.s32 @!p0 $0x1082;
	s9 =	sld [smem:$0x3F9E]  }
0x2f: {  	lr =	sadd.s32 s0, s3;
	s0 =	sld [smem:$0x3F95]  }
0x30: {  	s3 =	sld [smem:$0x3F98]  }
0x31: {  	[smem:$0x3FA1] =	sst s10  }
0x32: {  	s10 =	sld [smem:$0x3F9F];
	_ =	sdelay $0x3  }
0x33: {  	p0 =	seq.s32 s10, $0x1;
	s10 =	sld [smem:$0x3FA1];
	_ =	sdelay $0x3  }
0x34: {  	[smem:$0x3FA1] =	sst s10  }
0x35: {  	s10 =	sld [smem:$0x3FA0];
	_ =	sdelay $0x3  }
0x36: {  	p1 =	seq.s32 s10, $0x1;
	s10 =	sld [smem:$0x3FA1];
	_ =	sdelay $0x3  }
0x37: {  	[smem:$0x3FA1] =	sst s10  }
0x38: {  	s10 =	sld [smem:$0x3FA2]  }
0x39: {  	_ = 	snop;
	(pc) =	sbr.ind lr, $3  }
0x3a: {  	_ = 	snop  }
0x3b: {  	_ = 	snop  }
0x3c: {  	p2 =	seq.s32 s10, $0x1;
	s10 =	sld [smem:$0x3FA1]  }
0x3d: {  	_ =	shalt  }
0x3e: {  	_ =	shalt  }
0x3f: {  	_ =	shalt  }
0x40: {  	_ =	shalt  }
0x41: {  	_ =	shalt  }
0x42: {  	_ =	shalt  }
0x43: {  	_ =	shalt  }
0x44: {  	_ =	shalt  }
0x45: {  	_ =	shalt  }
0x46: {  	_ =	shalt  }
0x47: {  	_ =	shalt  }
0x48: {  	_ =	shalt  }
0x49: {  	_ =	shalt  }
0x4a: {  	_ =	shalt  }
0x4b: {  	_ =	shalt  }
0x4c: {  	_ =	shalt  }
0x4d: {  	_ =	shalt  }
0x4e: {  	_ =	shalt  }
0x4f: {  	_ =	shalt  }
0x50: {  	_ =	shalt  }
0x51: {  	_ =	shalt  }
0x52: {  	_ =	shalt  }
0x53: {  	_ =	shalt  }
0x54: {  	_ =	shalt  }
0x55: {  	_ =	shalt  }
0x56: {  	_ =	shalt  }
0x57: {  	_ =	shalt  }
0x58: {  	_ =	shalt  }
0x59: {  	_ =	shalt  }
0x5a: {  	_ =	shalt  }
0x5b: {  	_ =	shalt  }
0x5c: {  	_ =	shalt  }
0x5d: {  	_ =	shalt  }
0x5e: {  	_ =	shalt  }
0x5f: {  	_ =	shalt  }
0x60: {  	_ =	shalt  }
0x61: {  	_ =	shalt  }
0x62: {  	_ =	shalt  }
0x63: {  	_ =	shalt  }
0x64: {  	_ =	shalt  }
0x65: {  	_ =	shalt  }
0x66: {  	_ =	shalt  }
0x67: {  	_ =	shalt  }
0x68: {  	_ =	shalt  }
0x69: {  	_ =	shalt  }
0x6a: {  	_ =	shalt  }
0x6b: {  	_ =	shalt  }
0x6c: {  	_ =	shalt  }
0x6d: {  	_ =	shalt  }
0x6e: {  	_ =	shalt  }
0x6f: {  	_ =	shalt  }
0x70: {  	_ =	shalt  }
0x71: {  	_ =	shalt  }
0x72: {  	_ =	shalt  }
0x73: {  	_ =	shalt  }
0x74: {  	_ =	shalt  }
0x75: {  	_ =	shalt  }
0x76: {  	_ =	shalt  }
0x77: {  	_ =	shalt  }
0x78: {  	_ =	shalt  }
0x79: {  	_ =	shalt  }
0x7a: {  	_ =	shalt  }
0x7b: {  	_ =	shalt  }
0x7c: {  	_ =	shalt  }
0x7d: {  	_ =	shalt  }
0x7e: {  	_ =	shalt  }
0x7f: {  	_ =	shalt  }
0x80: {  	_ =	shalt  }
0x81: {  	_ =	shalt  }
0x82: {  	_ =	shalt  }
0x83: {  	_ =	shalt  }
0x84: {  	_ =	shalt  }
0x85: {  	_ =	shalt  }
0x86: {  	_ =	shalt  }
0x87: {  	_ =	shalt  }
.Lfunc_end0:
.L_simem_size_0:
called_computation.2_lowered:
.L_overlay_start_0:
0x88: {  	s2 =	sld [smem:$0x3FD9]  }
0x89: {  	s3 =	sld [smem:$0x3FFE];
	_ =	sdelay $0x1  }
0x8a: {  	s1 =	srdreg.scid  }
0x8b: {  	s0 =	sand.u32 $0x1, s1  }
0x8c: {  	s17 =	sshll.u32 s0, $0xA;
	s2 =	sadd.s32 s3, s2  }
0x8d: {  	s2 =	sadd.s32 s2, s17  }
0x8e: {  	[smem:$0x3FAD] =	sst s2  }
0x8f: {  	_ = 	snop  }
0x90: {  	s2 =	sld [smem:$0x3FD0];
	(tm) =	ssettm $0x1  }
0x91: {  	s18 =	sld [smem:$0x3FFB];
	_ =	sdelay $0x3  }
0x92: {  	_ =	strace s18  }
0x93: {  	s3 =	sld [smem:$0x3FFC];
	_ =	sdelay $0x3  }
0x94: {  	_ =	strace s3  }
0x95: {  	s3 =	sld [smem:$0x3FFD];
	_ =	sdelay $0x3  }
0x96: {  	_ =	strace s3  }
0x97: {  	_ =	strace $0x8FFFFFFF  }
0x98: {  	s19 =	sld [smem:$0x3FDB];
	_ =	sdelay $0x1  }
0x99: {  	s4 =	simm.s32 $_scs_section_size  }
0x9a: {  	s5 =	simm.s32 $_size__tile_overlayer_lowered;
	s6 =	simm.s32 $_tile_overlayer_lowered  }
0x9b: {  	s22 =	simm.s32 $0x1BFF;
	s21 =	sshll.u32 s6, $0x1;
	s3 =	sadd.s32 s4, s19  }
0x9c: {  	s7 =	simm.s32 $0x0;
	s20 =	sshll.u32 s5, $0x1;
	s5 =	sadd.s32 s21, s3  }
0x9d: {  	[timem:s7], [sflag:s22] =	dma.local [hbm:s5], s20  }
0x9e: {  	_ =	swait.ge [sflag:s22], s20  }
0x9f: {  	s4 =	ssub.s32 $0x0, s20;
	[sflag:s22] =	ssyncset.done $0x0  }
0xa0: {  	[sflag:s22] =	ssyncadd.s32 s4;
	_ =	sdelay $0x1  }
0xa1: {  	s23 =	simm.s32 $0x1B8B  }
0xa2: {  	_ =	swait.ge [sflag:s23], $0x1  }
0xa3: {  	[sflag:s23] =	ssyncset.done $0x0  }
0xa4: {  	s25 =	simm.s32 $0x1B8E;
	s24 =	sld [smem:$0x3FFE];
	[sflag:s23] =	ssyncadd.s32 $0xFFFFFFFF  }
0xa5: {  	s26 =	simm.s32 $execute0_lowered;
	[smem:$0x3FD2] =	sst s25  }
0xa6: {  	s5 =	sshll.u32 s26, $0x1;
	_ =	strace $0x8000004C;
	[dreg:$0x1] =	wrdreg $0xFFFFFFFF  }
0xa7: {  	s28 =	simm.s32 $_size_execute0_lowered;
	s3 =	sadd.s32 s3, s5;
	[dreg:$0x0] =	wrdreg $0x0  }
0xa8: {  	s5 =	sshll.u32 s28, $0x1;
	[dreg:$0x2] =	wrdreg s3  }
0xa9: {  	[dreg:$0x3] =	wrdreg s5  }
0xaa: {  	[dreg:$0x4] =	wrdreg $0xC0  }
0xab: {  	_ =	task [dreg:s7], $0x5FFFF  }
0xac: {  	[dreg:$0x1] =	wrdreg $0xFFFFFFFF  }
0xad: {  	[dreg:$0x0] =	wrdreg $0x60  }
0xae: {  	[dreg:$0x2] =	wrdreg s24  }
0xaf: {  	[dreg:$0x3] =	wrdreg s2  }
0xb0: {  	[dreg:$0x4] =	wrdreg $0x70800  }
0xb1: {  	[dreg:$0x5] =	wrdreg $0x9  }
0xb2: {  	_ =	task.clear_ibuf [dreg:s7], $0x6FFFF;
	_ =	strace $0x9000004C  }
0xb3: {  	s29 =	simm.s32 $0x9;
	_ =	strace $0x8000004E  }
0xb4: {  	_ =	swait.ge [sflag:s29], $0x1  }
0xb5: {  	[sflag:s29] =	ssyncadd.s32 $0xFFFFFFFF  }
0xb6: {  	_ =	strace $0x9000004E  }
0xb7: {  	_ =	sfence  }
0xb8: {  	s30 =	sld [smem:$0x0];
	_ =	sdelay $0x2  }
0xb9: {  	s31 =	sshll.u32 s1, $0xD;
	s1 =	sshrl.u32 s1, $0x2  }
0xba: {  	s3 =	sand.u32 $0x4000, s31;
	s1 =	sadd.s32 s1, s30  }
0xbb: {  	s0 =	sor.u32 s3, s0;
	s1 =	sshll.u32 s1, $0x11  }
0xbc: {  	s0 =	sor.u32 s1, s0  }
0xbd: {  	s0 =	sadd.s32 $0x8F2B, s0  }
0xbe: {  	[sflag:s0] =	ssyncadd.remote.s32 $0x1  }
0xbf: {  	_ =	sfence.sel $0xFFFF  }
0xc0: {  	[dreg:$0x0] =	wrdreg $0xFFFFFFFF;
	(pc) =	sbr.abs _section_cstart, $3  }
0xc1: {  	[dreg:$0x1] =	wrdreg $0xFFFFFFFF  }
0xc2: {  	_ =	task.clear_ibuf [dreg:s7], $0x2FFFF;
	_ =	strace $0x9FFFFFFF  }
0xc3: {  	(tm) =	ssettm $0x7FFFFFFF  }
tec
execute0_lowered:
.L_overlay_start_1:
0x0: {  	(tag) =	ssettag $0x1  }
0x1: {  	s3 =	rddreg [dreg:$0x0]  }
0x2: {  	s1 =	rddreg [dreg:$0x1]  }
0x3: {  	s2 =	rddreg [dreg:$0x2];
	s0 =	srdreg.scid  }
0x4: {  	s4 =	simm.s32 $0x0;
	s26 =	stileid.u32;
	s29 =	simm.s32 $0x640  }
0x5: {  	s30 =	simm.s32 $0x2;
	s31 =	simm.s32 $0x320;
	s7 =	smul.u32 $0x1870, s26  }
0x6: {  	s14 =	sand.u32 $0x1, s0;
	[smem:$0x7FF] =	sst s4;
	s8 =	smul.u32 $0x61C00, s26  }
0x7: {  	s5 =	sadd.s32 $0xE2200, s3;
	s21 =	smul.u32 $0x30E00, s26;
	s0 =	ssub.s32 $0x2, s14  }
0x8: {  	_ =	strace $0x8000004D;
	s16 =	sshll.u32 s14, $0x4;
	v0 =	vmov s14;
	s14 =	simm.s32 $0x10  }
0x9: {  	s6 =	sshrl.u32 s0, $0x1;
	s9 =	sadd.s32 $0x320, s7;
	s10 =	sadd.s32 $0x640, s7  }
0xa: {  	s11 =	sadd.s32 $0x960, s7;
	s12 =	sadd.s32 $0xC80, s7;
	s13 =	sadd.s32 $0xFA0, s7  }
0xb: {  	s15 =	sadd.s32 $0x12C0, s7;
	s18 =	sadd.s32 $0x15E0, s7;
	s19 =	sor.u32 s16, s21  }
0xc: {  	s8 =	sshrl.u32 s8, $0x2;
	s0 =	ssub.s32 s0, s6;
	s17 =	sshll.u32 s9, $0x5  }
0xd: {  	s22 =	sshll.u32 s10, $0x5;
	s23 =	sshll.u32 s11, $0x5;
	s20 =	sshll.u32 s12, $0x5  }
0xe: {  	s24 =	sshll.u32 s13, $0x5;
	s25 =	sshll.u32 s15, $0x5;
	s6 =	sadd.s32 $0x6200, s3  }
0xf: {  	s9 =	sshll.u32 s9, $0x4;
	s3 =	sadd.s32 $0x143E00, s3;
	s7 =	sadd.s32 s8, s2  }
0x10: {  	s10 =	sshll.u32 s10, $0x4;
	s11 =	sshll.u32 s11, $0x4;
	s12 =	sshll.u32 s12, $0x4  }
0x11: {  	s17 =	sor.u32 s16, s17;
	s21 =	sor.u32 s16, s22;
	s22 =	sor.u32 s16, s23  }
0x12: {  	s20 =	sor.u32 s16, s20;
	s23 =	sshll.u32 s18, $0x5;
	s24 =	sor.u32 s16, s24  }
0x13: {  	s25 =	sor.u32 s16, s25;
	s8 =	sadd.s32 s9, s2;
	s9 =	sadd.s32 s10, s2  }
0x14: {  	s10 =	sadd.s32 s11, s2;
	s11 =	sadd.s32 s12, s2;
	s12 =	sshll.u32 s13, $0x4  }
0x15: {  	s28 =	smax.u32 s0, $0x1;
	s0 =	simm.s32 $0x3840;
	s16 =	sor.u32 s16, s23  }
0x16: {  	s23 =	sshrl.u32 s19, $0x3;
	s17 =	sshrl.u32 s17, $0x3;
	s19 =	sshrl.u32 s21, $0x3  }
0x17: {  	s21 =	sshrl.u32 s22, $0x3;
	s22 =	sshrl.u32 s20, $0x3;
	s13 =	sadd.s32 s3, s23  }
0x18: {  	s24 =	sshrl.u32 s24, $0x3;
	s17 =	sadd.s32 s3, s17;
	[dreg:$0x4] =	wrdreg s13  }
0x19: {  	s20 =	sadd.s32 s12, s2;
	s23 =	sadd.s32 s3, s22;
	[dreg:$0x5] =	wrdreg s17  }
0x1a: {  	s16 =	sshrl.u32 s16, $0x3;
	s13 =	sadd.s32 s3, s19;
	[dreg:$0x8] =	wrdreg s23  }
0x1b: {  	s17 =	sshrl.u32 s25, $0x3;
	s19 =	smul.u32 $0x186A0, s26;
	s23 =	sshll.u32 s15, $0x4  }
0x1c: {  	s15 =	simm.s32 $0x20;
	[dreg:$0x6] =	wrdreg s13;
	s13 =	sadd.s32 s3, s21  }
0x1d: {  	s21 =	sadd.s32 s23, s2;
	[dreg:$0x7] =	wrdreg s13;
	s13 =	sadd.s32 s3, s24  }
0x1e: {  	s24 =	sshll.u32 s18, $0x4;
	[dreg:$0x9] =	wrdreg s13;
	s13 =	sadd.s32 s3, s17  }
0x1f: {  	s25 =	sshrl.u32 s19, $0x3;
	s3 =	sadd.s32 s3, s16;
	[dreg:$0xa] =	wrdreg s13  }
0x20: {  	s22 =	sadd.s32 s24, s2;
	s26 =	sadd.s32 s1, s25;
	[dreg:$0xb] =	wrdreg s3  }
0x21: {  	s12 =	sadd.s32 s6, s25;
	s25 =	sadd.s32 $0x320, s19;
	[dreg:$0xc] =	wrdreg s26  }
0x22: {  	s16 =	simm.s32 $0x0;
	[dreg:$0xd] =	wrdreg s12;
	s26 =	sadd.s32 $0x640, s19  }
0x23: {  	v1 =	vimm.f32 $0.0e+00;
	s3 =	simm.s32 $0x3B60;
	s12 =	simm.s32 $0x1;
	s13 =	simm.s32 $0x3E80  }
.LBB2_1:
0x24: {  	s17 =	simm.s32 $0x40;
	s18 =	simm.s32 $0x0  }
.LBB2_2:
0x25: {  	p0 =	sne.s32 s17, $0xC7C0;
	[tilespmem:s18+$0x640] =	vst v1;
	s18 =	smov.u32 s17;
	s17 =	sadd.s32 $0x40, s17  }
.Ltmp0:
0x26: {  	(pc) =	sbr.rel @p0 .LBB2_2-.Ltmp0, $2  }
0x27: {  	_ =	sdelay $0x2  }
0x28: {  	s18 =	sshra.s32 s18, $0x2  }
0x29: {  	[tilespmem:s18+$0x640] =	vst v1  }
0x2a: {  	[spmem:s7] =	stream.linear.scatter [tilespmem:s29], [sflag:$0x2], $0x3200, $0x38;
	[tilespmem:$0x1F780] =	vst v63  }
0x2b: {  	_ =	swait.ge [sflag:s30], $0x3200  }
0x2c: {  	[sflag:s30] =	ssyncset.done $0x0  }
0x2d: {  	[sflag:s30] =	ssyncadd.s32 $0xFFFFCE00  }
0x2e: {  	[spmem:s8] =	stream.linear.scatter [tilespmem:s29], [sflag:$0x2], $0x3200, $0x38;
	[tilespmem:$0x1F780] =	vst v63  }
0x2f: {  	_ =	swait.ge [sflag:s30], $0x3200  }
0x30: {  	[sflag:s30] =	ssyncset.done $0x0  }
0x31: {  	[sflag:s30] =	ssyncadd.s32 $0xFFFFCE00  }
0x32: {  	[spmem:s9] =	stream.linear.scatter [tilespmem:s29], [sflag:$0x2], $0x3200, $0x38;
	[tilespmem:$0x1F780] =	vst v63  }
0x33: {  	_ =	swait.ge [sflag:s30], $0x3200  }
0x34: {  	[sflag:s30] =	ssyncset.done $0x0  }
0x35: {  	[sflag:s30] =	ssyncadd.s32 $0xFFFFCE00  }
0x36: {  	[spmem:s10] =	stream.linear.scatter [tilespmem:s29], [sflag:$0x2], $0x3200, $0x38;
	[tilespmem:$0x1F780] =	vst v63  }
0x37: {  	_ =	swait.ge [sflag:s30], $0x3200  }
0x38: {  	[sflag:s30] =	ssyncset.done $0x0  }
0x39: {  	[sflag:s30] =	ssyncadd.s32 $0xFFFFCE00  }
0x3a: {  	[spmem:s11] =	stream.linear.scatter [tilespmem:s29], [sflag:$0x2], $0x3200, $0x38;
	[tilespmem:$0x1F780] =	vst v63  }
0x3b: {  	_ =	swait.ge [sflag:s30], $0x3200  }
0x3c: {  	[sflag:s30] =	ssyncset.done $0x0  }
0x3d: {  	[sflag:s30] =	ssyncadd.s32 $0xFFFFCE00  }
0x3e: {  	[spmem:s20] =	stream.linear.scatter [tilespmem:s29], [sflag:$0x2], $0x3200, $0x38;
	[tilespmem:$0x1F780] =	vst v63  }
0x3f: {  	_ =	swait.ge [sflag:s30], $0x3200  }
0x40: {  	[sflag:s30] =	ssyncset.done $0x0  }
0x41: {  	[sflag:s30] =	ssyncadd.s32 $0xFFFFCE00  }
0x42: {  	[spmem:s21] =	stream.linear.scatter [tilespmem:s29], [sflag:$0x2], $0x3200, $0x38;
	[tilespmem:$0x1F780] =	vst v63  }
0x43: {  	_ =	swait.ge [sflag:s30], $0x3200  }
0x44: {  	[sflag:s30] =	ssyncset.done $0x0  }
0x45: {  	[sflag:s30] =	ssyncadd.s32 $0xFFFFCE00  }
0x46: {  	[spmem:s22] =	stream.linear.scatter [tilespmem:s29], [sflag:$0x2], $0x2900, $0x38;
	[tilespmem:$0x1F780] =	vst v63  }
0x47: {  	_ =	swait.ge [sflag:s30], $0x2900  }
0x48: {  	[sflag:s30] =	ssyncset.done $0x0  }
0x49: {  	[sflag:s30] =	ssyncadd.s32 $0xFFFFD700  }
0x4a: {  	[bflag:$0x0] =	sbarrier.arrive $0xFFFF  }
0x4b: {  	s17 =	simm.s32 $0x0;
	s23 =	rddreg [dreg:$0xc]  }
0x4c: {  	[tilespmem:s17], [sflag:$0x2] =	stream.linear.gather [hbm4b:s23+s17], $0x320, $0x38;
	[tilespmem:$0x1F780] =	vst v63  }
0x4d: {  	_ =	swait.ge [sflag:s30], $0x320  }
0x4e: {  	[sflag:s30] =	ssyncset.done $0x0  }
0x4f: {  	s24 =	rddreg [dreg:$0xd];
	[sflag:s30] =	ssyncadd.s32 $0xFFFFFCE0  }
0x50: {  	[tilespmem:s31], [sflag:$0x2] =	stream.linear.gather [hbm4b:s24+s17], $0x320, $0x38;
	[tilespmem:$0x1F780] =	vst v63  }
0x51: {  	_ =	swait.ge [sflag:s30], $0x320  }
0x52: {  	[sflag:s30] =	ssyncset.done $0x0  }
0x53: {  	s18 =	simm.s32 $0x40;
	s17 =	simm.s32 $0x0;
	[sflag:s30] =	ssyncadd.s32 $0xFFFFFCE0  }
.LBB2_4:
0x54: {  	p0 =	sne.s32 s18, $0xC40;
	v2 =	vld [tilespmem:s17+$0x0];
	_ =	sdelay $0x2  }
.Ltmp1:
0x55: {  	(pc) =	sbr.rel @p0 .LBB2_4-.Ltmp1, $4  }
0x56: {  	_ = 	snop  }
0x57: {  	v2 =	vshll.u32 v2, $0x1  }
0x58: {  	v2 =	vor.u32 v0, v2  }
0x59: {  	[tilespmem:s17+$0x0] =	vst v2;
	s17 =	sshra.s32 s18, $0x2;
	s18 =	sadd.s32 $0x40, s18  }
0x5a: {  	v2 =	vld [tilespmem:s17+$0x0];
	_ =	sdelay $0x4  }
0x5b: {  	v2 =	vshll.u32 v2, $0x1  }
0x5c: {  	v2 =	vor.u32 v0, v2  }
0x5d: {  	s18 =	simm.s32 $0x0;
	[tilespmem:s17+$0x0] =	vst v2;
	s17 =	simm.s32 $0x0  }
0x5e: {  	[tilespmem:s29], [sflag:$0x1] =	stream.indirect.gather [hbm4b:s5+s31], $0x10, s17, s31, $0xb8;
	[tilespmem:$0x1F780] =	vst v63  }
.LBB2_6:
0x5f: {  	s19 =	smul.u32 $0x640, s18;
	_ =	sdelay $0x1  }
0x60: {  	s23 =	sadd.s32 s19, s25  }
0x61: {  	s23 =	sshrl.u32 s23, $0x3  }
0x62: {  	s24 =	sadd.s32 s1, s23  }
0x63: {  	[tilespmem:s0], [sflag:$0x2] =	stream.linear.gather [hbm4b:s24+s17], $0x320, $0x38;
	[tilespmem:$0x1F780] =	vst v63  }
0x64: {  	_ =	swait.ge [sflag:s30], $0x320  }
0x65: {  	[sflag:s30] =	ssyncset.done $0x0  }
0x66: {  	s23 =	sadd.s32 s6, s23;
	[sflag:s30] =	ssyncadd.s32 $0xFFFFFCE0  }
0x67: {  	[tilespmem:s3], [sflag:$0x2] =	stream.linear.gather [hbm4b:s23+s17], $0x320, $0x38;
	[tilespmem:$0x1F780] =	vst v63  }
0x68: {  	_ =	swait.ge [sflag:s30], $0x320  }
0x69: {  	[sflag:s30] =	ssyncset.done $0x0  }
0x6a: {  	s24 =	simm.s32 $0x40;
	s23 =	simm.s32 $0x0;
	[sflag:s30] =	ssyncadd.s32 $0xFFFFFCE0  }
.LBB2_7:
0x6b: {  	p0 =	sne.s32 s24, $0xC40;
	v2 =	vld [tilespmem:s23+$0x3840];
	_ =	sdelay $0x2  }
.Ltmp2:
0x6c: {  	(pc) =	sbr.rel @p0 .LBB2_7-.Ltmp2, $4  }
0x6d: {  	_ = 	snop  }
0x6e: {  	v2 =	vshll.u32 v2, $0x1  }
0x6f: {  	v2 =	vor.u32 v0, v2  }
0x70: {  	[tilespmem:s23+$0x3840] =	vst v2;
	s23 =	sshra.s32 s24, $0x2;
	s24 =	sadd.s32 $0x40, s24  }
0x71: {  	v2 =	vld [tilespmem:s23+$0x3840];
	_ =	sdelay $0x4  }
0x72: {  	v2 =	vshll.u32 v2, $0x1  }
0x73: {  	v2 =	vor.u32 v0, v2  }
0x74: {  	[tilespmem:s23+$0x3840] =	vst v2  }
0x75: {  	_ =	swait.ge [sflag:s12], $0x3200  }
0x76: {  	[sflag:s12] =	ssyncset.done $0x0  }
0x77: {  	[sflag:s12] =	ssyncadd.s32 $0xFFFFCE00  }
0x78: {  	[tilespmem:s13], [sflag:$0x1] =	stream.indirect.gather [hbm4b:s5+s31], $0x10, s0, s31, $0xb8;
	[tilespmem:$0x1F780] =	vst v63  }
0x79: {  	_ = 	snop  }
0x7a: {  	[spmem:s2] =	stream.indirect.scatter.add.f32 [tilespmem:s29], [sflag:$0x2], $0x10, s31, s31, $0xb8;
	[tilespmem:$0x1F780] =	vst v63  }
0x7b: {  	s19 =	sadd.s32 s19, s26;
	_ =	swait.ge [sflag:s30], $0x3200  }
0x7c: {  	s19 =	sshrl.u32 s19, $0x3;
	[sflag:s30] =	ssyncset.done $0x0  }
0x7d: {  	s24 =	simm.s32 $0x0;
	s23 =	sadd.s32 s1, s19;
	[sflag:s30] =	ssyncadd.s32 $0xFFFFCE00  }
0x7e: {  	[tilespmem:s24], [sflag:$0x2] =	stream.linear.gather [hbm4b:s23+s24], $0x320, $0x38;
	[tilespmem:$0x1F780] =	vst v63  }
0x7f: {  	_ =	swait.ge [sflag:s30], $0x320  }
0x80: {  	[sflag:s30] =	ssyncset.done $0x0  }
0x81: {  	s19 =	sadd.s32 s6, s19;
	[sflag:s30] =	ssyncadd.s32 $0xFFFFFCE0  }
0x82: {  	[tilespmem:s31], [sflag:$0x2] =	stream.linear.gather [hbm4b:s19+s24], $0x320, $0x38;
	[tilespmem:$0x1F780] =	vst v63  }
0x83: {  	_ =	swait.ge [sflag:s30], $0x320  }
0x84: {  	[sflag:s30] =	ssyncset.done $0x0  }
0x85: {  	s23 =	simm.s32 $0x40;
	s19 =	simm.s32 $0x0;
	[sflag:s30] =	ssyncadd.s32 $0xFFFFFCE0  }
.LBB2_9:
0x86: {  	p0 =	sne.s32 s23, $0xC40;
	v2 =	vld [tilespmem:s19+$0x0];
	_ =	sdelay $0x2  }
.Ltmp3:
0x87: {  	(pc) =	sbr.rel @p0 .LBB2_9-.Ltmp3, $4  }
0x88: {  	_ = 	snop  }
0x89: {  	v2 =	vshll.u32 v2, $0x1  }
0x8a: {  	v2 =	vor.u32 v0, v2  }
0x8b: {  	[tilespmem:s19+$0x0] =	vst v2;
	s19 =	sshra.s32 s23, $0x2;
	s23 =	sadd.s32 $0x40, s23  }
0x8c: {  	v2 =	vld [tilespmem:s19+$0x0];
	_ =	sdelay $0x4  }
0x8d: {  	v2 =	vshll.u32 v2, $0x1  }
0x8e: {  	v2 =	vor.u32 v0, v2  }
0x8f: {  	[tilespmem:s19+$0x0] =	vst v2  }
0x90: {  	_ =	swait.ge [sflag:s12], $0x3200  }
0x91: {  	s18 =	sadd.s32 $0x1, s18;
	[sflag:s12] =	ssyncset.done $0x0  }
0x92: {  	p0 =	sne.s32 s18, $0x3E;
	[sflag:s12] =	ssyncadd.s32 $0xFFFFCE00  }
0x93: {  	[tilespmem:s29], [sflag:$0x1] =	stream.indirect.gather [hbm4b:s5+s31], $0x10, s4, s31, $0xb8;
	[tilespmem:$0x1F780] =	vst v63  }
.Ltmp4:
0x94: {  	_ = 	snop;
	(pc) =	sbr.rel @p0 .LBB2_6-.Ltmp4, $4  }
0x95: {  	[spmem:s2] =	stream.indirect.scatter.add.f32 [tilespmem:s13], [sflag:$0x2], $0x10, s3, s31, $0xb8;
	[tilespmem:$0x1F780] =	vst v63  }
0x96: {  	_ =	swait.ge [sflag:s30], $0x3200  }
0x97: {  	[sflag:s30] =	ssyncset.done $0x0  }
0x98: {  	[sflag:s30] =	ssyncadd.s32 $0xFFFFCE00  }
0x99: {  	_ =	swait.ge [sflag:s12], $0x3200  }
0x9a: {  	[sflag:s12] =	ssyncset.done $0x0  }
0x9b: {  	[sflag:s12] =	ssyncadd.s32 $0xFFFFCE00  }
0x9c: {  	[spmem:s2] =	stream.indirect.scatter.add.f32 [tilespmem:s29], [sflag:$0x2], $0x10, s31, s31, $0xb8;
	[tilespmem:$0x1F780] =	vst v63  }
0x9d: {  	_ =	swait.ge [sflag:s30], $0x3200  }
0x9e: {  	[sflag:s30] =	ssyncset.done $0x0  }
0x9f: {  	[sflag:s30] =	ssyncadd.s32 $0xFFFFCE00  }
0xa0: {  	[bflag:$0x0] =	sbarrier.arrive $0xFFFF  }
0xa1: {  	[tilespmem:s29], [sflag:$0x2] =	stream.linear.gather [spmem:s7], $0x3200, $0x38;
	[tilespmem:$0x1F780] =	vst v63  }
0xa2: {  	_ =	swait.ge [sflag:s30], $0x3200  }
0xa3: {  	[sflag:s30] =	ssyncset.done $0x0  }
0xa4: {  	s17 =	rddreg [dreg:$0x4];
	[sflag:s30] =	ssyncadd.s32 $0xFFFFCE00  }
0xa5: {  	[hbm4b:s17+s14] =	stream.strided.scatter [tilespmem:s29], [sflag:$0x2], $0x3200, s15, s14, $0x38;
	[tilespmem:$0x1F780] =	vst v63  }
0xa6: {  	_ =	swait.ge [sflag:s30], $0x3200  }
0xa7: {  	[sflag:s30] =	ssyncset.done $0x0  }
0xa8: {  	[sflag:s30] =	ssyncadd.s32 $0xFFFFCE00  }
0xa9: {  	[tilespmem:s29], [sflag:$0x2] =	stream.linear.gather [spmem:s8], $0x3200, $0x38;
	[tilespmem:$0x1F780] =	vst v63  }
0xaa: {  	_ =	swait.ge [sflag:s30], $0x3200  }
0xab: {  	[sflag:s30] =	ssyncset.done $0x0  }
0xac: {  	s19 =	rddreg [dreg:$0x5];
	[sflag:s30] =	ssyncadd.s32 $0xFFFFCE00  }
0xad: {  	[hbm4b:s19+s14] =	stream.strided.scatter [tilespmem:s29], [sflag:$0x2], $0x3200, s15, s14, $0x38;
	[tilespmem:$0x1F780] =	vst v63  }
0xae: {  	_ =	swait.ge [sflag:s30], $0x3200  }
0xaf: {  	[sflag:s30] =	ssyncset.done $0x0  }
0xb0: {  	[sflag:s30] =	ssyncadd.s32 $0xFFFFCE00  }
0xb1: {  	[tilespmem:s29], [sflag:$0x2] =	stream.linear.gather [spmem:s9], $0x3200, $0x38;
	[tilespmem:$0x1F780] =	vst v63  }
0xb2: {  	_ =	swait.ge [sflag:s30], $0x3200  }
0xb3: {  	[sflag:s30] =	ssyncset.done $0x0  }
0xb4: {  	s23 =	rddreg [dreg:$0x6];
	[sflag:s30] =	ssyncadd.s32 $0xFFFFCE00  }
0xb5: {  	[hbm4b:s23+s14] =	stream.strided.scatter [tilespmem:s29], [sflag:$0x2], $0x3200, s15, s14, $0x38;
	[tilespmem:$0x1F780] =	vst v63  }
0xb6: {  	_ =	swait.ge [sflag:s30], $0x3200  }
0xb7: {  	[sflag:s30] =	ssyncset.done $0x0  }
0xb8: {  	[sflag:s30] =	ssyncadd.s32 $0xFFFFCE00  }
0xb9: {  	[tilespmem:s29], [sflag:$0x2] =	stream.linear.gather [spmem:s10], $0x3200, $0x38;
	[tilespmem:$0x1F780] =	vst v63  }
0xba: {  	_ =	swait.ge [sflag:s30], $0x3200  }
0xbb: {  	[sflag:s30] =	ssyncset.done $0x0  }
0xbc: {  	s24 =	rddreg [dreg:$0x7];
	[sflag:s30] =	ssyncadd.s32 $0xFFFFCE00  }
0xbd: {  	[hbm4b:s24+s14] =	stream.strided.scatter [tilespmem:s29], [sflag:$0x2], $0x3200, s15, s14, $0x38;
	[tilespmem:$0x1F780] =	vst v63  }
0xbe: {  	_ =	swait.ge [sflag:s30], $0x3200  }
0xbf: {  	[sflag:s30] =	ssyncset.done $0x0  }
0xc0: {  	[sflag:s30] =	ssyncadd.s32 $0xFFFFCE00  }
0xc1: {  	[tilespmem:s29], [sflag:$0x2] =	stream.linear.gather [spmem:s11], $0x3200, $0x38;
	[tilespmem:$0x1F780] =	vst v63  }
0xc2: {  	_ =	swait.ge [sflag:s30], $0x3200  }
0xc3: {  	[sflag:s30] =	ssyncset.done $0x0  }
0xc4: {  	s18 =	rddreg [dreg:$0x8];
	[sflag:s30] =	ssyncadd.s32 $0xFFFFCE00  }
0xc5: {  	[hbm4b:s18+s14] =	stream.strided.scatter [tilespmem:s29], [sflag:$0x2], $0x3200, s15, s14, $0x38;
	[tilespmem:$0x1F780] =	vst v63  }
0xc6: {  	_ =	swait.ge [sflag:s30], $0x3200  }
0xc7: {  	[sflag:s30] =	ssyncset.done $0x0  }
0xc8: {  	[sflag:s30] =	ssyncadd.s32 $0xFFFFCE00  }
0xc9: {  	[tilespmem:s29], [sflag:$0x2] =	stream.linear.gather [spmem:s20], $0x3200, $0x38;
	[tilespmem:$0x1F780] =	vst v63  }
0xca: {  	_ =	swait.ge [sflag:s30], $0x3200  }
0xcb: {  	[sflag:s30] =	ssyncset.done $0x0  }
0xcc: {  	s19 =	rddreg [dreg:$0x9];
	[sflag:s30] =	ssyncadd.s32 $0xFFFFCE00  }
0xcd: {  	[hbm4b:s19+s14] =	stream.strided.scatter [tilespmem:s29], [sflag:$0x2], $0x3200, s15, s14, $0x38;
	[tilespmem:$0x1F780] =	vst v63  }
0xce: {  	_ =	swait.ge [sflag:s30], $0x3200  }
0xcf: {  	[sflag:s30] =	ssyncset.done $0x0  }
0xd0: {  	[sflag:s30] =	ssyncadd.s32 $0xFFFFCE00  }
0xd1: {  	[tilespmem:s29], [sflag:$0x2] =	stream.linear.gather [spmem:s21], $0x3200, $0x38;
	[tilespmem:$0x1F780] =	vst v63  }
0xd2: {  	_ =	swait.ge [sflag:s30], $0x3200  }
0xd3: {  	[sflag:s30] =	ssyncset.done $0x0  }
0xd4: {  	s23 =	rddreg [dreg:$0xa];
	[sflag:s30] =	ssyncadd.s32 $0xFFFFCE00  }
0xd5: {  	[hbm4b:s23+s14] =	stream.strided.scatter [tilespmem:s29], [sflag:$0x2], $0x3200, s15, s14, $0x38;
	[tilespmem:$0x1F780] =	vst v63  }
0xd6: {  	_ =	swait.ge [sflag:s30], $0x3200  }
0xd7: {  	[sflag:s30] =	ssyncset.done $0x0  }
0xd8: {  	[sflag:s30] =	ssyncadd.s32 $0xFFFFCE00  }
0xd9: {  	[tilespmem:s29], [sflag:$0x2] =	stream.linear.gather [spmem:s22], $0x2900, $0x38;
	[tilespmem:$0x1F780] =	vst v63  }
0xda: {  	s16 =	sadd.s32 $0x1, s16;
	_ =	swait.ge [sflag:s30], $0x2900  }
0xdb: {  	p0 =	sne.s32 s16, s28;
	[sflag:s30] =	ssyncset.done $0x0  }
.Ltmp5:
0xdc: {  	s24 =	rddreg [dreg:$0xb];
	[sflag:s30] =	ssyncadd.s32 $0xFFFFD700;
	(pc) =	sbr.rel @p0 .LBB2_1-.Ltmp5, $4  }
0xdd: {  	[hbm4b:s24+s14] =	stream.strided.scatter [tilespmem:s29], [sflag:$0x2], $0x2900, s15, s14, $0x38;
	[tilespmem:$0x1F780] =	vst v63  }
0xde: {  	_ =	swait.ge [sflag:s30], $0x2900  }
0xdf: {  	[sflag:s30] =	ssyncset.done $0x0  }
0xe0: {  	[sflag:s30] =	ssyncadd.s32 $0xFFFFD700  }
0xe1: {  	_ =	sfence.sel $0x180000  }
0xe2: {  	[bflag:$0x0] =	sbarrier.arrive $0xFFFF  }
0xe3: {  	_ =	strace $0x9000004D  }
0xe4: {  	s0 =	stileid.u32;
	[bflag:$0x2] =	sbarrier.arrive $0xFFFF  }
0xe5: {  	p0 =	sne.s32 s0, $0x0;
	s0 =	rddreg [dreg:$0x3]  }
0xe6: {  	s0 =	sadd.s32 @!p0 $0x100000, s0  }
0xe7: {  	[sflag:s0] =	ssyncadd.tile.s32 @!p0 $0x1;
	_ =	shalt  }
.Lfunc_end2:
_tile_overlayer_lowered:
.L_overlay_start_2:
0xe8: {  	(tag) =	ssettag $0x2  }
0xe9: {  	s0 =	rddreg [dreg:$0x0];
	s2 =	stileid.u32  }
0xea: {  	s1 =	rddreg [dreg:$0x1];
	p0 =	sne.s32 s2, $0x0  }
0xeb: {  	s3 =	rddreg [dreg:$0x2];
	[bflag:$0x3] =	sbarrier.arrive $0xFFFF;
	s2 =	simm.s32 @!p0 $0x1C02  }
0xec: {  	[timem:s3], [sflag:s2] =	dma.local @!p0 [hbm:s0], s1  }
0xed: {  	s0 =	simm.s32 @!p0 $0x2  }
0xee: {  	_ =	swait.ge @!p0 [sflag:s0], s1  }
0xef: {  	s1 =	ssub.s32 @!p0 $0x0, s1;
	[sflag:s0] =	ssyncset.done @!p0 $0x0  }
0xf0: {  	[sflag:s0] =	ssyncadd.s32 @!p0 s1  }
0xf1: {  	[bflag:$0x3] =	sbarrier.arrive $0xFFFF  }
0xf2: {  	_ =	shalt  }

// kernel: kernel.24.cloned.1.call-start
scs
__scs_entry_jumppad:
0x0: {  	(pc) =	sbr.rel $0x88, $3  }
0x1: {  	(tag) =	ssettag $0x0;
	lr =	simm.s32 $0x1  }
0x2: {  	[smem:$0x3F86] =	sst lr;
	_ =	strace $0xD0000000  }
0x3: {  	_ = 	snop  }
0x4: {  	_ = 	snop  }
0x5: {  	_ = 	snop  }
0x6: {  	_ = 	snop  }
0x7: {  	_ = 	snop  }
__scs_overlays_trampoline_lowered:
0x8: {  	[smem:$0x3F95] =	sst s0  }
0x9: {  	[smem:$0x3F96] =	sst s1  }
0xa: {  	[smem:$0x3F97] =	sst s2  }
0xb: {  	[smem:$0x3F98] =	sst s3  }
0xc: {  	[smem:$0x3F99] =	sst s4  }
0xd: {  	[smem:$0x3F9A] =	sst s5  }
0xe: {  	[smem:$0x3F9B] =	sst s6  }
0xf: {  	[smem:$0x3F9C] =	sst s7  }
0x10: {  	[smem:$0x3F9D] =	sst s8  }
0x11: {  	[smem:$0x3F9E] =	sst s9;
	s0 =	simm.s32 @!p0 $0x0  }
0x12: {  	s1 =	sld [smem:$0x3F84];
	s0 =	simm.s32 @p0 $0x1  }
0x13: {  	[smem:$0x3F9F] =	sst s0;
	s0 =	simm.s32 @!p1 $0x0  }
0x14: {  	s2 =	sld [smem:$0x3F83];
	s0 =	simm.s32 @p1 $0x1  }
0x15: {  	[smem:$0x3FA0] =	sst s0;
	s0 =	simm.s32 @!p2 $0x0  }
0x16: {  	s3 =	sld [smem:$0x3FDB];
	s0 =	simm.s32 @p2 $0x1  }
0x17: {  	s4 =	simm.s32 $0x1BF5;
	[smem:$0x3FA2] =	sst s0  }
0x18: {  	s0 =	sld [smem:$0x3F85];
	_ =	swait.ge [sflag:s4], $0x0  }
0x19: {  	s7 =	sld [smem:$0x3F86]  }
0x1a: {  	s8 =	sadd.s32 $0xFFFFE003, lr  }
0x1b: {  	s9 =	sadd.s32 $0xFFFFFEF7, lr;
	s5 =	simm.s32 $0xFFFFFFFF;
	p2 =	slt.u32 s8, $0xFFFFF086  }
0x1c: {  	p1 =	slt.u32 s9, $0xF7A;
	s5 =	simm.s32 @!p2 $0x0  }
0x1d: {  	s5 =	simm.s32 @p1 $0x1;
	p0 =	seq.s32 s7, s2  }
0x1e: {  	s7 =	smul.u32 @!p0 $0xF7A, s2;
	p2 =	seq.s32 @!p0 s5, $0x0  }
0x1f: {  	s9 =	smul.u32 $0xF7A, s1;
	s8 =	simm.s32 @!p0 $0x1BF5;
	p2 =	por !p2, p0  }
0x20: {  	[sflag:s8] =	ssyncset.s32 @!p0 $0xFFFFF086;
	s6 =	sadd.s32 @!p0 s3, s7;
	s7 =	simm.s32 @!p0 $0x108  }
0x21: {  	s3 =	sadd.s32 s3, s9;
	s6 =	sadd.s32 @!p0 $0x88, s6;
	s7 =	simm.s32 @p2 $0x1082  }
0x22: {  	[simem:s7], [sflag:s8] =	dma.local @!p0 [hbm:s6], $0xF7A  }
0x23: {  	s9 =	sor.u32 $0xD0000000, s2;
	s6 =	simm.s32 $0x108;
	_ =	swait.ge @!p0 [sflag:s8], $0x0  }
0x24: {  	s3 =	sadd.s32 $0x88, s3;
	s6 =	simm.s32 @!p1 $0x1082;
	[sflag:s4] =	ssyncset.s32 $0xFFFFF086  }
0x25: {  	[simem:s6], [sflag:s4] =	dma.local [hbm:s3], $0xF7A  }
0x26: {  	[smem:$0x3F86] =	sst s1;
	(tag) =	ssettag s2;
	_ =	strace s9  }
0x27: {  	s1 =	sld [smem:$0x3F96]  }
0x28: {  	s2 =	sld [smem:$0x3F97]  }
0x29: {  	s4 =	sld [smem:$0x3F99]  }
0x2a: {  	p0 =	seq.s32 s5, $0x0;
	s5 =	sld [smem:$0x3F9A]  }
0x2b: {  	s6 =	sld [smem:$0x3F9B]  }
0x2c: {  	s7 =	sld [smem:$0x3F9C]  }
0x2d: {  	s3 =	simm.s32 $0x108;
	s8 =	sld [smem:$0x3F9D]  }
0x2e: {  	s3 =	simm.s32 @!p0 $0x1082;
	s9 =	sld [smem:$0x3F9E]  }
0x2f: {  	lr =	sadd.s32 s0, s3;
	s0 =	sld [smem:$0x3F95]  }
0x30: {  	s3 =	sld [smem:$0x3F98]  }
0x31: {  	[smem:$0x3FA1] =	sst s10  }
0x32: {  	s10 =	sld [smem:$0x3F9F];
	_ =	sdelay $0x3  }
0x33: {  	p0 =	seq.s32 s10, $0x1;
	s10 =	sld [smem:$0x3FA1];
	_ =	sdelay $0x3  }
0x34: {  	[smem:$0x3FA1] =	sst s10  }
0x35: {  	s10 =	sld [smem:$0x3FA0];
	_ =	sdelay $0x3  }
0x36: {  	p1 =	seq.s32 s10, $0x1;
	s10 =	sld [smem:$0x3FA1];
	_ =	sdelay $0x3  }
0x37: {  	[smem:$0x3FA1] =	sst s10  }
0x38: {  	s10 =	sld [smem:$0x3FA2]  }
0x39: {  	_ = 	snop;
	(pc) =	sbr.ind lr, $3  }
0x3a: {  	_ = 	snop  }
0x3b: {  	_ = 	snop  }
0x3c: {  	p2 =	seq.s32 s10, $0x1;
	s10 =	sld [smem:$0x3FA1]  }
0x3d: {  	_ =	shalt  }
0x3e: {  	_ =	shalt  }
0x3f: {  	_ =	shalt  }
0x40: {  	_ =	shalt  }
0x41: {  	_ =	shalt  }
0x42: {  	_ =	shalt  }
0x43: {  	_ =	shalt  }
0x44: {  	_ =	shalt  }
0x45: {  	_ =	shalt  }
0x46: {  	_ =	shalt  }
0x47: {  	_ =	shalt  }
0x48: {  	_ =	shalt  }
0x49: {  	_ =	shalt  }
0x4a: {  	_ =	shalt  }
0x4b: {  	_ =	shalt  }
0x4c: {  	_ =	shalt  }
0x4d: {  	_ =	shalt  }
0x4e: {  	_ =	shalt  }
0x4f: {  	_ =	shalt  }
0x50: {  	_ =	shalt  }
0x51: {  	_ =	shalt  }
0x52: {  	_ =	shalt  }
0x53: {  	_ =	shalt  }
0x54: {  	_ =	shalt  }
0x55: {  	_ =	shalt  }
0x56: {  	_ =	shalt  }
0x57: {  	_ =	shalt  }
0x58: {  	_ =	shalt  }
0x59: {  	_ =	shalt  }
0x5a: {  	_ =	shalt  }
0x5b: {  	_ =	shalt  }
0x5c: {  	_ =	shalt  }
0x5d: {  	_ =	shalt  }
0x5e: {  	_ =	shalt  }
0x5f: {  	_ =	shalt  }
0x60: {  	_ =	shalt  }
0x61: {  	_ =	shalt  }
0x62: {  	_ =	shalt  }
0x63: {  	_ =	shalt  }
0x64: {  	_ =	shalt  }
0x65: {  	_ =	shalt  }
0x66: {  	_ =	shalt  }
0x67: {  	_ =	shalt  }
0x68: {  	_ =	shalt  }
0x69: {  	_ =	shalt  }
0x6a: {  	_ =	shalt  }
0x6b: {  	_ =	shalt  }
0x6c: {  	_ =	shalt  }
0x6d: {  	_ =	shalt  }
0x6e: {  	_ =	shalt  }
0x6f: {  	_ =	shalt  }
0x70: {  	_ =	shalt  }
0x71: {  	_ =	shalt  }
0x72: {  	_ =	shalt  }
0x73: {  	_ =	shalt  }
0x74: {  	_ =	shalt  }
0x75: {  	_ =	shalt  }
0x76: {  	_ =	shalt  }
0x77: {  	_ =	shalt  }
0x78: {  	_ =	shalt  }
0x79: {  	_ =	shalt  }
0x7a: {  	_ =	shalt  }
0x7b: {  	_ =	shalt  }
0x7c: {  	_ =	shalt  }
0x7d: {  	_ =	shalt  }
0x7e: {  	_ =	shalt  }
0x7f: {  	_ =	shalt  }
0x80: {  	_ =	shalt  }
0x81: {  	_ =	shalt  }
0x82: {  	_ =	shalt  }
0x83: {  	_ =	shalt  }
0x84: {  	_ =	shalt  }
0x85: {  	_ =	shalt  }
0x86: {  	_ =	shalt  }
0x87: {  	_ =	shalt  }
.Lfunc_end0:
.L_simem_size_0:
called_computation.3_lowered:
.L_overlay_start_0:
0x88: {  	s2 =	sld [smem:$0x3FD9]  }
0x89: {  	s3 =	sld [smem:$0x3FFE];
	_ =	sdelay $0x1  }
0x8a: {  	s1 =	srdreg.scid  }
0x8b: {  	s0 =	sand.u32 $0x1, s1  }
0x8c: {  	s17 =	sshll.u32 s0, $0xA;
	s2 =	sadd.s32 s3, s2  }
0x8d: {  	s2 =	sadd.s32 s2, s17  }
0x8e: {  	[smem:$0x3FAD] =	sst s2  }
0x8f: {  	_ = 	snop  }
0x90: {  	s2 =	sld [smem:$0x3FD0];
	(tm) =	ssettm $0x1  }
0x91: {  	s18 =	sld [smem:$0x3FFB];
	_ =	sdelay $0x3  }
0x92: {  	_ =	strace s18  }
0x93: {  	s3 =	sld [smem:$0x3FFC];
	_ =	sdelay $0x3  }
0x94: {  	_ =	strace s3  }
0x95: {  	s3 =	sld [smem:$0x3FFD];
	_ =	sdelay $0x3  }
0x96: {  	_ =	strace s3  }
0x97: {  	_ =	strace $0x8FFFFFFF  }
0x98: {  	s19 =	sld [smem:$0x3FDB];
	_ =	sdelay $0x1  }
0x99: {  	s4 =	simm.s32 $_scs_section_size  }
0x9a: {  	s5 =	simm.s32 $_size__tile_overlayer_lowered;
	s6 =	simm.s32 $_tile_overlayer_lowered  }
0x9b: {  	s22 =	simm.s32 $0x1BFF;
	s21 =	sshll.u32 s6, $0x1;
	s3 =	sadd.s32 s4, s19  }
0x9c: {  	s7 =	simm.s32 $0x0;
	s20 =	sshll.u32 s5, $0x1;
	s5 =	sadd.s32 s21, s3  }
0x9d: {  	[timem:s7], [sflag:s22] =	dma.local [hbm:s5], s20  }
0x9e: {  	_ =	swait.ge [sflag:s22], s20  }
0x9f: {  	s4 =	ssub.s32 $0x0, s20;
	[sflag:s22] =	ssyncset.done $0x0  }
0xa0: {  	[sflag:s22] =	ssyncadd.s32 s4;
	_ =	sdelay $0x1  }
0xa1: {  	s23 =	simm.s32 $0x1B8B  }
0xa2: {  	_ =	swait.ge [sflag:s23], $0x1  }
0xa3: {  	[sflag:s23] =	ssyncset.done $0x0  }
0xa4: {  	s25 =	simm.s32 $0x1B8E;
	s24 =	sld [smem:$0x3FFE];
	[sflag:s23] =	ssyncadd.s32 $0xFFFFFFFF  }
0xa5: {  	s26 =	simm.s32 $execute0_lowered;
	[smem:$0x3FD2] =	sst s25  }
0xa6: {  	s5 =	sshll.u32 s26, $0x1;
	_ =	strace $0x8000004F;
	[dreg:$0x1] =	wrdreg $0xFFFFFFFF  }
0xa7: {  	s28 =	simm.s32 $_size_execute0_lowered;
	s3 =	sadd.s32 s3, s5;
	[dreg:$0x0] =	wrdreg $0x0  }
0xa8: {  	s5 =	sshll.u32 s28, $0x1;
	[dreg:$0x2] =	wrdreg s3  }
0xa9: {  	[dreg:$0x3] =	wrdreg s5  }
0xaa: {  	[dreg:$0x4] =	wrdreg $0xC0  }
0xab: {  	_ =	task [dreg:s7], $0x5FFFF  }
0xac: {  	[dreg:$0x1] =	wrdreg $0xFFFFFFFF  }
0xad: {  	[dreg:$0x0] =	wrdreg $0x60  }
0xae: {  	[dreg:$0x2] =	wrdreg s24  }
0xaf: {  	[dreg:$0x3] =	wrdreg s2  }
0xb0: {  	[dreg:$0x4] =	wrdreg $0x70800  }
0xb1: {  	[dreg:$0x5] =	wrdreg $0x9  }
0xb2: {  	_ =	task.clear_ibuf [dreg:s7], $0x6FFFF;
	_ =	strace $0x9000004F  }
0xb3: {  	s29 =	simm.s32 $0x9;
	_ =	strace $0x80000051  }
0xb4: {  	_ =	swait.ge [sflag:s29], $0x1  }
0xb5: {  	[sflag:s29] =	ssyncadd.s32 $0xFFFFFFFF  }
0xb6: {  	_ =	strace $0x90000051  }
0xb7: {  	_ =	sfence  }
0xb8: {  	s30 =	sld [smem:$0x0];
	_ =	sdelay $0x2  }
0xb9: {  	s31 =	sshll.u32 s1, $0xD;
	s1 =	sshrl.u32 s1, $0x2  }
0xba: {  	s3 =	sand.u32 $0x4000, s31;
	s1 =	sadd.s32 s1, s30  }
0xbb: {  	s0 =	sor.u32 s3, s0;
	s1 =	sshll.u32 s1, $0x11  }
0xbc: {  	s0 =	sor.u32 s1, s0  }
0xbd: {  	s0 =	sadd.s32 $0x8F2B, s0  }
0xbe: {  	[sflag:s0] =	ssyncadd.remote.s32 $0x1  }
0xbf: {  	_ =	sfence.sel $0xFFFF  }
0xc0: {  	[dreg:$0x0] =	wrdreg $0xFFFFFFFF;
	(pc) =	sbr.abs _section_cstart, $3  }
0xc1: {  	[dreg:$0x1] =	wrdreg $0xFFFFFFFF  }
0xc2: {  	_ =	task.clear_ibuf [dreg:s7], $0x2FFFF;
	_ =	strace $0x9FFFFFFF  }
0xc3: {  	(tm) =	ssettm $0x7FFFFFFF  }
tec
execute0_lowered:
.L_overlay_start_1:
0x0: {  	(tag) =	ssettag $0x1  }
0x1: {  	s3 =	rddreg [dreg:$0x0]  }
0x2: {  	s1 =	rddreg [dreg:$0x1]  }
0x3: {  	s2 =	rddreg [dreg:$0x2];
	s0 =	srdreg.scid  }
0x4: {  	s4 =	simm.s32 $0x0;
	s26 =	stileid.u32;
	s29 =	simm.s32 $0x640  }
0x5: {  	s30 =	simm.s32 $0x2;
	s31 =	simm.s32 $0x320;
	s7 =	smul.u32 $0x1870, s26  }
0x6: {  	s14 =	sand.u32 $0x1, s0;
	[smem:$0x7FF] =	sst s4;
	s8 =	smul.u32 $0x61C00, s26  }
0x7: {  	s5 =	sadd.s32 $0xE2200, s3;
	s21 =	smul.u32 $0x30E00, s26;
	s0 =	ssub.s32 $0x2, s14  }
0x8: {  	_ =	strace $0x80000050;
	s16 =	sshll.u32 s14, $0x4;
	v0 =	vmov s14;
	s14 =	simm.s32 $0x10  }
0x9: {  	s6 =	sshrl.u32 s0, $0x1;
	s9 =	sadd.s32 $0x320, s7;
	s10 =	sadd.s32 $0x640, s7  }
0xa: {  	s11 =	sadd.s32 $0x960, s7;
	s12 =	sadd.s32 $0xC80, s7;
	s13 =	sadd.s32 $0xFA0, s7  }
0xb: {  	s15 =	sadd.s32 $0x12C0, s7;
	s18 =	sadd.s32 $0x15E0, s7;
	s19 =	sor.u32 s16, s21  }
0xc: {  	s8 =	sshrl.u32 s8, $0x2;
	s0 =	ssub.s32 s0, s6;
	s17 =	sshll.u32 s9, $0x5  }
0xd: {  	s22 =	sshll.u32 s10, $0x5;
	s23 =	sshll.u32 s11, $0x5;
	s20 =	sshll.u32 s12, $0x5  }
0xe: {  	s24 =	sshll.u32 s13, $0x5;
	s25 =	sshll.u32 s15, $0x5;
	s6 =	sadd.s32 $0x6200, s3  }
0xf: {  	s9 =	sshll.u32 s9, $0x4;
	s3 =	sadd.s32 $0x143E00, s3;
	s7 =	sadd.s32 s8, s2  }
0x10: {  	s10 =	sshll.u32 s10, $0x4;
	s11 =	sshll.u32 s11, $0x4;
	s12 =	sshll.u32 s12, $0x4  }
0x11: {  	s17 =	sor.u32 s16, s17;
	s21 =	sor.u32 s16, s22;
	s22 =	sor.u32 s16, s23  }
0x12: {  	s20 =	sor.u32 s16, s20;
	s23 =	sshll.u32 s18, $0x5;
	s24 =	sor.u32 s16, s24  }
0x13: {  	s25 =	sor.u32 s16, s25;
	s8 =	sadd.s32 s9, s2;
	s9 =	sadd.s32 s10, s2  }
0x14: {  	s10 =	sadd.s32 s11, s2;
	s11 =	sadd.s32 s12, s2;
	s12 =	sshll.u32 s13, $0x4  }
0x15: {  	s28 =	smax.u32 s0, $0x1;
	s0 =	simm.s32 $0x3840;
	s16 =	sor.u32 s16, s23  }
0x16: {  	s23 =	sshrl.u32 s19, $0x3;
	s17 =	sshrl.u32 s17, $0x3;
	s19 =	sshrl.u32 s21, $0x3  }
0x17: {  	s21 =	sshrl.u32 s22, $0x3;
	s22 =	sshrl.u32 s20, $0x3;
	s13 =	sadd.s32 s3, s23  }
0x18: {  	s24 =	sshrl.u32 s24, $0x3;
	s17 =	sadd.s32 s3, s17;
	[dreg:$0x4] =	wrdreg s13  }
0x19: {  	s20 =	sadd.s32 s12, s2;
	s23 =	sadd.s32 s3, s22;
	[dreg:$0x5] =	wrdreg s17  }
0x1a: {  	s16 =	sshrl.u32 s16, $0x3;
	s13 =	sadd.s32 s3, s19;
	[dreg:$0x8] =	wrdreg s23  }
0x1b: {  	s17 =	sshrl.u32 s25, $0x3;
	s19 =	smul.u32 $0x186A0, s26;
	s23 =	sshll.u32 s15, $0x4  }
0x1c: {  	s15 =	simm.s32 $0x20;
	[dreg:$0x6] =	wrdreg s13;
	s13 =	sadd.s32 s3, s21  }
0x1d: {  	s21 =	sadd.s32 s23, s2;
	[dreg:$0x7] =	wrdreg s13;
	s13 =	sadd.s32 s3, s24  }
0x1e: {  	s24 =	sshll.u32 s18, $0x4;
	[dreg:$0x9] =	wrdreg s13;
	s13 =	sadd.s32 s3, s17  }
0x1f: {  	s25 =	sshrl.u32 s19, $0x3;
	s3 =	sadd.s32 s3, s16;
	[dreg:$0xa] =	wrdreg s13  }
0x20: {  	s22 =	sadd.s32 s24, s2;
	s26 =	sadd.s32 s1, s25;
	[dreg:$0xb] =	wrdreg s3  }
0x21: {  	s12 =	sadd.s32 s6, s25;
	s25 =	sadd.s32 $0x320, s19;
	[dreg:$0xc] =	wrdreg s26  }
0x22: {  	s16 =	simm.s32 $0x0;
	[dreg:$0xd] =	wrdreg s12;
	s26 =	sadd.s32 $0x640, s19  }
0x23: {  	v1 =	vimm.f32 $0.0e+00;
	s3 =	simm.s32 $0x3B60;
	s12 =	simm.s32 $0x1;
	s13 =	simm.s32 $0x3E80  }
.LBB2_1:
0x24: {  	s17 =	simm.s32 $0x40;
	s18 =	simm.s32 $0x0  }
.LBB2_2:
0x25: {  	p0 =	sne.s32 s17, $0xC7C0;
	[tilespmem:s18+$0x640] =	vst v1;
	s18 =	smov.u32 s17;
	s17 =	sadd.s32 $0x40, s17  }
.Ltmp0:
0x26: {  	(pc) =	sbr.rel @p0 .LBB2_2-.Ltmp0, $2  }
0x27: {  	_ =	sdelay $0x2  }
0x28: {  	s18 =	sshra.s32 s18, $0x2  }
0x29: {  	[tilespmem:s18+$0x640] =	vst v1  }
0x2a: {  	[spmem:s7] =	stream.linear.scatter [tilespmem:s29], [sflag:$0x2], $0x3200, $0x38;
	[tilespmem:$0x1F780] =	vst v63  }
0x2b: {  	_ =	swait.ge [sflag:s30], $0x3200  }
0x2c: {  	[sflag:s30] =	ssyncset.done $0x0  }
0x2d: {  	[sflag:s30] =	ssyncadd.s32 $0xFFFFCE00  }
0x2e: {  	[spmem:s8] =	stream.linear.scatter [tilespmem:s29], [sflag:$0x2], $0x3200, $0x38;
	[tilespmem:$0x1F780] =	vst v63  }
0x2f: {  	_ =	swait.ge [sflag:s30], $0x3200  }
0x30: {  	[sflag:s30] =	ssyncset.done $0x0  }
0x31: {  	[sflag:s30] =	ssyncadd.s32 $0xFFFFCE00  }
0x32: {  	[spmem:s9] =	stream.linear.scatter [tilespmem:s29], [sflag:$0x2], $0x3200, $0x38;
	[tilespmem:$0x1F780] =	vst v63  }
0x33: {  	_ =	swait.ge [sflag:s30], $0x3200  }
0x34: {  	[sflag:s30] =	ssyncset.done $0x0  }
0x35: {  	[sflag:s30] =	ssyncadd.s32 $0xFFFFCE00  }
0x36: {  	[spmem:s10] =	stream.linear.scatter [tilespmem:s29], [sflag:$0x2], $0x3200, $0x38;
	[tilespmem:$0x1F780] =	vst v63  }
0x37: {  	_ =	swait.ge [sflag:s30], $0x3200  }
0x38: {  	[sflag:s30] =	ssyncset.done $0x0  }
0x39: {  	[sflag:s30] =	ssyncadd.s32 $0xFFFFCE00  }
0x3a: {  	[spmem:s11] =	stream.linear.scatter [tilespmem:s29], [sflag:$0x2], $0x3200, $0x38;
	[tilespmem:$0x1F780] =	vst v63  }
0x3b: {  	_ =	swait.ge [sflag:s30], $0x3200  }
0x3c: {  	[sflag:s30] =	ssyncset.done $0x0  }
0x3d: {  	[sflag:s30] =	ssyncadd.s32 $0xFFFFCE00  }
0x3e: {  	[spmem:s20] =	stream.linear.scatter [tilespmem:s29], [sflag:$0x2], $0x3200, $0x38;
	[tilespmem:$0x1F780] =	vst v63  }
0x3f: {  	_ =	swait.ge [sflag:s30], $0x3200  }
0x40: {  	[sflag:s30] =	ssyncset.done $0x0  }
0x41: {  	[sflag:s30] =	ssyncadd.s32 $0xFFFFCE00  }
0x42: {  	[spmem:s21] =	stream.linear.scatter [tilespmem:s29], [sflag:$0x2], $0x3200, $0x38;
	[tilespmem:$0x1F780] =	vst v63  }
0x43: {  	_ =	swait.ge [sflag:s30], $0x3200  }
0x44: {  	[sflag:s30] =	ssyncset.done $0x0  }
0x45: {  	[sflag:s30] =	ssyncadd.s32 $0xFFFFCE00  }
0x46: {  	[spmem:s22] =	stream.linear.scatter [tilespmem:s29], [sflag:$0x2], $0x2900, $0x38;
	[tilespmem:$0x1F780] =	vst v63  }
0x47: {  	_ =	swait.ge [sflag:s30], $0x2900  }
0x48: {  	[sflag:s30] =	ssyncset.done $0x0  }
0x49: {  	[sflag:s30] =	ssyncadd.s32 $0xFFFFD700  }
0x4a: {  	[bflag:$0x0] =	sbarrier.arrive $0xFFFF  }
0x4b: {  	s17 =	simm.s32 $0x0;
	s23 =	rddreg [dreg:$0xc]  }
0x4c: {  	[tilespmem:s17], [sflag:$0x2] =	stream.linear.gather [hbm4b:s23+s17], $0x320, $0x38;
	[tilespmem:$0x1F780] =	vst v63  }
0x4d: {  	_ =	swait.ge [sflag:s30], $0x320  }
0x4e: {  	[sflag:s30] =	ssyncset.done $0x0  }
0x4f: {  	s24 =	rddreg [dreg:$0xd];
	[sflag:s30] =	ssyncadd.s32 $0xFFFFFCE0  }
0x50: {  	[tilespmem:s31], [sflag:$0x2] =	stream.linear.gather [hbm4b:s24+s17], $0x320, $0x38;
	[tilespmem:$0x1F780] =	vst v63  }
0x51: {  	_ =	swait.ge [sflag:s30], $0x320  }
0x52: {  	[sflag:s30] =	ssyncset.done $0x0  }
0x53: {  	s18 =	simm.s32 $0x40;
	s17 =	simm.s32 $0x0;
	[sflag:s30] =	ssyncadd.s32 $0xFFFFFCE0  }
.LBB2_4:
0x54: {  	p0 =	sne.s32 s18, $0xC40;
	v2 =	vld [tilespmem:s17+$0x0];
	_ =	sdelay $0x2  }
.Ltmp1:
0x55: {  	(pc) =	sbr.rel @p0 .LBB2_4-.Ltmp1, $4  }
0x56: {  	_ = 	snop  }
0x57: {  	v2 =	vshll.u32 v2, $0x1  }
0x58: {  	v2 =	vor.u32 v0, v2  }
0x59: {  	[tilespmem:s17+$0x0] =	vst v2;
	s17 =	sshra.s32 s18, $0x2;
	s18 =	sadd.s32 $0x40, s18  }
0x5a: {  	v2 =	vld [tilespmem:s17+$0x0];
	_ =	sdelay $0x4  }
0x5b: {  	v2 =	vshll.u32 v2, $0x1  }
0x5c: {  	v2 =	vor.u32 v0, v2  }
0x5d: {  	s18 =	simm.s32 $0x0;
	[tilespmem:s17+$0x0] =	vst v2;
	s17 =	simm.s32 $0x0  }
0x5e: {  	[tilespmem:s29], [sflag:$0x1] =	stream.indirect.gather [hbm4b:s5+s31], $0x10, s17, s31, $0xb8;
	[tilespmem:$0x1F780] =	vst v63  }
.LBB2_6:
0x5f: {  	s19 =	smul.u32 $0x640, s18;
	_ =	sdelay $0x1  }
0x60: {  	s23 =	sadd.s32 s19, s25  }
0x61: {  	s23 =	sshrl.u32 s23, $0x3  }
0x62: {  	s24 =	sadd.s32 s1, s23  }
0x63: {  	[tilespmem:s0], [sflag:$0x2] =	stream.linear.gather [hbm4b:s24+s17], $0x320, $0x38;
	[tilespmem:$0x1F780] =	vst v63  }
0x64: {  	_ =	swait.ge [sflag:s30], $0x320  }
0x65: {  	[sflag:s30] =	ssyncset.done $0x0  }
0x66: {  	s23 =	sadd.s32 s6, s23;
	[sflag:s30] =	ssyncadd.s32 $0xFFFFFCE0  }
0x67: {  	[tilespmem:s3], [sflag:$0x2] =	stream.linear.gather [hbm4b:s23+s17], $0x320, $0x38;
	[tilespmem:$0x1F780] =	vst v63  }
0x68: {  	_ =	swait.ge [sflag:s30], $0x320  }
0x69: {  	[sflag:s30] =	ssyncset.done $0x0  }
0x6a: {  	s24 =	simm.s32 $0x40;
	s23 =	simm.s32 $0x0;
	[sflag:s30] =	ssyncadd.s32 $0xFFFFFCE0  }
.LBB2_7:
0x6b: {  	p0 =	sne.s32 s24, $0xC40;
	v2 =	vld [tilespmem:s23+$0x3840];
	_ =	sdelay $0x2  }
.Ltmp2:
0x6c: {  	(pc) =	sbr.rel @p0 .LBB2_7-.Ltmp2, $4  }
0x6d: {  	_ = 	snop  }
0x6e: {  	v2 =	vshll.u32 v2, $0x1  }
0x6f: {  	v2 =	vor.u32 v0, v2  }
0x70: {  	[tilespmem:s23+$0x3840] =	vst v2;
	s23 =	sshra.s32 s24, $0x2;
	s24 =	sadd.s32 $0x40, s24  }
0x71: {  	v2 =	vld [tilespmem:s23+$0x3840];
	_ =	sdelay $0x4  }
0x72: {  	v2 =	vshll.u32 v2, $0x1  }
0x73: {  	v2 =	vor.u32 v0, v2  }
0x74: {  	[tilespmem:s23+$0x3840] =	vst v2  }
0x75: {  	_ =	swait.ge [sflag:s12], $0x3200  }
0x76: {  	[sflag:s12] =	ssyncset.done $0x0  }
0x77: {  	[sflag:s12] =	ssyncadd.s32 $0xFFFFCE00  }
0x78: {  	[tilespmem:s13], [sflag:$0x1] =	stream.indirect.gather [hbm4b:s5+s31], $0x10, s0, s31, $0xb8;
	[tilespmem:$0x1F780] =	vst v63  }
0x79: {  	_ = 	snop  }
0x7a: {  	[spmem:s2] =	stream.indirect.scatter.add.f32 [tilespmem:s29], [sflag:$0x2], $0x10, s31, s31, $0xb8;
	[tilespmem:$0x1F780] =	vst v63  }
0x7b: {  	s19 =	sadd.s32 s19, s26;
	_ =	swait.ge [sflag:s30], $0x3200  }
0x7c: {  	s19 =	sshrl.u32 s19, $0x3;
	[sflag:s30] =	ssyncset.done $0x0  }
0x7d: {  	s24 =	simm.s32 $0x0;
	s23 =	sadd.s32 s1, s19;
	[sflag:s30] =	ssyncadd.s32 $0xFFFFCE00  }
0x7e: {  	[tilespmem:s24], [sflag:$0x2] =	stream.linear.gather [hbm4b:s23+s24], $0x320, $0x38;
	[tilespmem:$0x1F780] =	vst v63  }
0x7f: {  	_ =	swait.ge [sflag:s30], $0x320  }
0x80: {  	[sflag:s30] =	ssyncset.done $0x0  }
0x81: {  	s19 =	sadd.s32 s6, s19;
	[sflag:s30] =	ssyncadd.s32 $0xFFFFFCE0  }
0x82: {  	[tilespmem:s31], [sflag:$0x2] =	stream.linear.gather [hbm4b:s19+s24], $0x320, $0x38;
	[tilespmem:$0x1F780] =	vst v63  }
0x83: {  	_ =	swait.ge [sflag:s30], $0x320  }
0x84: {  	[sflag:s30] =	ssyncset.done $0x0  }
0x85: {  	s23 =	simm.s32 $0x40;
	s19 =	simm.s32 $0x0;
	[sflag:s30] =	ssyncadd.s32 $0xFFFFFCE0  }
.LBB2_9:
0x86: {  	p0 =	sne.s32 s23, $0xC40;
	v2 =	vld [tilespmem:s19+$0x0];
	_ =	sdelay $0x2  }
.Ltmp3:
0x87: {  	(pc) =	sbr.rel @p0 .LBB2_9-.Ltmp3, $4  }
0x88: {  	_ = 	snop  }
0x89: {  	v2 =	vshll.u32 v2, $0x1  }
0x8a: {  	v2 =	vor.u32 v0, v2  }
0x8b: {  	[tilespmem:s19+$0x0] =	vst v2;
	s19 =	sshra.s32 s23, $0x2;
	s23 =	sadd.s32 $0x40, s23  }
0x8c: {  	v2 =	vld [tilespmem:s19+$0x0];
	_ =	sdelay $0x4  }
0x8d: {  	v2 =	vshll.u32 v2, $0x1  }
0x8e: {  	v2 =	vor.u32 v0, v2  }
0x8f: {  	[tilespmem:s19+$0x0] =	vst v2  }
0x90: {  	_ =	swait.ge [sflag:s12], $0x3200  }
0x91: {  	s18 =	sadd.s32 $0x1, s18;
	[sflag:s12] =	ssyncset.done $0x0  }
0x92: {  	p0 =	sne.s32 s18, $0x3E;
	[sflag:s12] =	ssyncadd.s32 $0xFFFFCE00  }
0x93: {  	[tilespmem:s29], [sflag:$0x1] =	stream.indirect.gather [hbm4b:s5+s31], $0x10, s4, s31, $0xb8;
	[tilespmem:$0x1F780] =	vst v63  }
.Ltmp4:
0x94: {  	_ = 	snop;
	(pc) =	sbr.rel @p0 .LBB2_6-.Ltmp4, $4  }
0x95: {  	[spmem:s2] =	stream.indirect.scatter.add.f32 [tilespmem:s13], [sflag:$0x2], $0x10, s3, s31, $0xb8;
	[tilespmem:$0x1F780] =	vst v63  }
0x96: {  	_ =	swait.ge [sflag:s30], $0x3200  }
0x97: {  	[sflag:s30] =	ssyncset.done $0x0  }
0x98: {  	[sflag:s30] =	ssyncadd.s32 $0xFFFFCE00  }
0x99: {  	_ =	swait.ge [sflag:s12], $0x3200  }
0x9a: {  	[sflag:s12] =	ssyncset.done $0x0  }
0x9b: {  	[sflag:s12] =	ssyncadd.s32 $0xFFFFCE00  }
0x9c: {  	[spmem:s2] =	stream.indirect.scatter.add.f32 [tilespmem:s29], [sflag:$0x2], $0x10, s31, s31, $0xb8;
	[tilespmem:$0x1F780] =	vst v63  }
0x9d: {  	_ =	swait.ge [sflag:s30], $0x3200  }
0x9e: {  	[sflag:s30] =	ssyncset.done $0x0  }
0x9f: {  	[sflag:s30] =	ssyncadd.s32 $0xFFFFCE00  }
0xa0: {  	[bflag:$0x0] =	sbarrier.arrive $0xFFFF  }
0xa1: {  	[tilespmem:s29], [sflag:$0x2] =	stream.linear.gather [spmem:s7], $0x3200, $0x38;
	[tilespmem:$0x1F780] =	vst v63  }
0xa2: {  	_ =	swait.ge [sflag:s30], $0x3200  }
0xa3: {  	[sflag:s30] =	ssyncset.done $0x0  }
0xa4: {  	s17 =	rddreg [dreg:$0x4];
	[sflag:s30] =	ssyncadd.s32 $0xFFFFCE00  }
0xa5: {  	[hbm4b:s17+s14] =	stream.strided.scatter [tilespmem:s29], [sflag:$0x2], $0x3200, s15, s14, $0x38;
	[tilespmem:$0x1F780] =	vst v63  }
0xa6: {  	_ =	swait.ge [sflag:s30], $0x3200  }
0xa7: {  	[sflag:s30] =	ssyncset.done $0x0  }
0xa8: {  	[sflag:s30] =	ssyncadd.s32 $0xFFFFCE00  }
0xa9: {  	[tilespmem:s29], [sflag:$0x2] =	stream.linear.gather [spmem:s8], $0x3200, $0x38;
	[tilespmem:$0x1F780] =	vst v63  }
0xaa: {  	_ =	swait.ge [sflag:s30], $0x3200  }
0xab: {  	[sflag:s30] =	ssyncset.done $0x0  }
0xac: {  	s19 =	rddreg [dreg:$0x5];
	[sflag:s30] =	ssyncadd.s32 $0xFFFFCE00  }
0xad: {  	[hbm4b:s19+s14] =	stream.strided.scatter [tilespmem:s29], [sflag:$0x2], $0x3200, s15, s14, $0x38;
	[tilespmem:$0x1F780] =	vst v63  }
0xae: {  	_ =	swait.ge [sflag:s30], $0x3200  }
0xaf: {  	[sflag:s30] =	ssyncset.done $0x0  }
0xb0: {  	[sflag:s30] =	ssyncadd.s32 $0xFFFFCE00  }
0xb1: {  	[tilespmem:s29], [sflag:$0x2] =	stream.linear.gather [spmem:s9], $0x3200, $0x38;
	[tilespmem:$0x1F780] =	vst v63  }
0xb2: {  	_ =	swait.ge [sflag:s30], $0x3200  }
0xb3: {  	[sflag:s30] =	ssyncset.done $0x0  }
0xb4: {  	s23 =	rddreg [dreg:$0x6];
	[sflag:s30] =	ssyncadd.s32 $0xFFFFCE00  }
0xb5: {  	[hbm4b:s23+s14] =	stream.strided.scatter [tilespmem:s29], [sflag:$0x2], $0x3200, s15, s14, $0x38;
	[tilespmem:$0x1F780] =	vst v63  }
0xb6: {  	_ =	swait.ge [sflag:s30], $0x3200  }
0xb7: {  	[sflag:s30] =	ssyncset.done $0x0  }
0xb8: {  	[sflag:s30] =	ssyncadd.s32 $0xFFFFCE00  }
0xb9: {  	[tilespmem:s29], [sflag:$0x2] =	stream.linear.gather [spmem:s10], $0x3200, $0x38;
	[tilespmem:$0x1F780] =	vst v63  }
0xba: {  	_ =	swait.ge [sflag:s30], $0x3200  }
0xbb: {  	[sflag:s30] =	ssyncset.done $0x0  }
0xbc: {  	s24 =	rddreg [dreg:$0x7];
	[sflag:s30] =	ssyncadd.s32 $0xFFFFCE00  }
0xbd: {  	[hbm4b:s24+s14] =	stream.strided.scatter [tilespmem:s29], [sflag:$0x2], $0x3200, s15, s14, $0x38;
	[tilespmem:$0x1F780] =	vst v63  }
0xbe: {  	_ =	swait.ge [sflag:s30], $0x3200  }
0xbf: {  	[sflag:s30] =	ssyncset.done $0x0  }
0xc0: {  	[sflag:s30] =	ssyncadd.s32 $0xFFFFCE00  }
0xc1: {  	[tilespmem:s29], [sflag:$0x2] =	stream.linear.gather [spmem:s11], $0x3200, $0x38;
	[tilespmem:$0x1F780] =	vst v63  }
0xc2: {  	_ =	swait.ge [sflag:s30], $0x3200  }
0xc3: {  	[sflag:s30] =	ssyncset.done $0x0  }
0xc4: {  	s18 =	rddreg [dreg:$0x8];
	[sflag:s30] =	ssyncadd.s32 $0xFFFFCE00  }
0xc5: {  	[hbm4b:s18+s14] =	stream.strided.scatter [tilespmem:s29], [sflag:$0x2], $0x3200, s15, s14, $0x38;
	[tilespmem:$0x1F780] =	vst v63  }
0xc6: {  	_ =	swait.ge [sflag:s30], $0x3200  }
0xc7: {  	[sflag:s30] =	ssyncset.done $0x0  }
0xc8: {  	[sflag:s30] =	ssyncadd.s32 $0xFFFFCE00  }
0xc9: {  	[tilespmem:s29], [sflag:$0x2] =	stream.linear.gather [spmem:s20], $0x3200, $0x38;
	[tilespmem:$0x1F780] =	vst v63  }
0xca: {  	_ =	swait.ge [sflag:s30], $0x3200  }
0xcb: {  	[sflag:s30] =	ssyncset.done $0x0  }
0xcc: {  	s19 =	rddreg [dreg:$0x9];
	[sflag:s30] =	ssyncadd.s32 $0xFFFFCE00  }
0xcd: {  	[hbm4b:s19+s14] =	stream.strided.scatter [tilespmem:s29], [sflag:$0x2], $0x3200, s15, s14, $0x38;
	[tilespmem:$0x1F780] =	vst v63  }
0xce: {  	_ =	swait.ge [sflag:s30], $0x3200  }
0xcf: {  	[sflag:s30] =	ssyncset.done $0x0  }
0xd0: {  	[sflag:s30] =	ssyncadd.s32 $0xFFFFCE00  }
0xd1: {  	[tilespmem:s29], [sflag:$0x2] =	stream.linear.gather [spmem:s21], $0x3200, $0x38;
	[tilespmem:$0x1F780] =	vst v63  }
0xd2: {  	_ =	swait.ge [sflag:s30], $0x3200  }
0xd3: {  	[sflag:s30] =	ssyncset.done $0x0  }
0xd4: {  	s23 =	rddreg [dreg:$0xa];
	[sflag:s30] =	ssyncadd.s32 $0xFFFFCE00  }
0xd5: {  	[hbm4b:s23+s14] =	stream.strided.scatter [tilespmem:s29], [sflag:$0x2], $0x3200, s15, s14, $0x38;
	[tilespmem:$0x1F780] =	vst v63  }
0xd6: {  	_ =	swait.ge [sflag:s30], $0x3200  }
0xd7: {  	[sflag:s30] =	ssyncset.done $0x0  }
0xd8: {  	[sflag:s30] =	ssyncadd.s32 $0xFFFFCE00  }
0xd9: {  	[tilespmem:s29], [sflag:$0x2] =	stream.linear.gather [spmem:s22], $0x2900, $0x38;
	[tilespmem:$0x1F780] =	vst v63  }
0xda: {  	s16 =	sadd.s32 $0x1, s16;
	_ =	swait.ge [sflag:s30], $0x2900  }
0xdb: {  	p0 =	sne.s32 s16, s28;
	[sflag:s30] =	ssyncset.done $0x0  }
.Ltmp5:
0xdc: {  	s24 =	rddreg [dreg:$0xb];
	[sflag:s30] =	ssyncadd.s32 $0xFFFFD700;
	(pc) =	sbr.rel @p0 .LBB2_1-.Ltmp5, $4  }
0xdd: {  	[hbm4b:s24+s14] =	stream.strided.scatter [tilespmem:s29], [sflag:$0x2], $0x2900, s15, s14, $0x38;
	[tilespmem:$0x1F780] =	vst v63  }
0xde: {  	_ =	swait.ge [sflag:s30], $0x2900  }
0xdf: {  	[sflag:s30] =	ssyncset.done $0x0  }
0xe0: {  	[sflag:s30] =	ssyncadd.s32 $0xFFFFD700  }
0xe1: {  	_ =	sfence.sel $0x180000  }
0xe2: {  	[bflag:$0x0] =	sbarrier.arrive $0xFFFF  }
0xe3: {  	_ =	strace $0x90000050  }
0xe4: {  	s0 =	stileid.u32;
	[bflag:$0x2] =	sbarrier.arrive $0xFFFF  }
0xe5: {  	p0 =	sne.s32 s0, $0x0;
	s0 =	rddreg [dreg:$0x3]  }
0xe6: {  	s0 =	sadd.s32 @!p0 $0x100000, s0  }
0xe7: {  	[sflag:s0] =	ssyncadd.tile.s32 @!p0 $0x1;
	_ =	shalt  }
.Lfunc_end2:
_tile_overlayer_lowered:
.L_overlay_start_2:
0xe8: {  	(tag) =	ssettag $0x2  }
0xe9: {  	s0 =	rddreg [dreg:$0x0];
	s2 =	stileid.u32  }
0xea: {  	s1 =	rddreg [dreg:$0x1];
	p0 =	sne.s32 s2, $0x0  }
0xeb: {  	s3 =	rddreg [dreg:$0x2];
	[bflag:$0x3] =	sbarrier.arrive $0xFFFF;
	s2 =	simm.s32 @!p0 $0x1C02  }
0xec: {  	[timem:s3], [sflag:s2] =	dma.local @!p0 [hbm:s0], s1  }
0xed: {  	s0 =	simm.s32 @!p0 $0x2  }
0xee: {  	_ =	swait.ge @!p0 [sflag:s0], s1  }
0xef: {  	s1 =	ssub.s32 @!p0 $0x0, s1;
	[sflag:s0] =	ssyncset.done @!p0 $0x0  }
0xf0: {  	[sflag:s0] =	ssyncadd.s32 @!p0 s1  }
0xf1: {  	[bflag:$0x3] =	sbarrier.arrive $0xFFFF  }
0xf2: {  	_ =	shalt  }

// kernel: kernel.27.cloned.1.call-start
scs
__scs_entry_jumppad:
0x0: {  	(pc) =	sbr.rel $0x88, $3  }
0x1: {  	(tag) =	ssettag $0x0;
	lr =	simm.s32 $0x1  }
0x2: {  	[smem:$0x3F86] =	sst lr;
	_ =	strace $0xD0000000  }
0x3: {  	_ = 	snop  }
0x4: {  	_ = 	snop  }
0x5: {  	_ = 	snop  }
0x6: {  	_ = 	snop  }
0x7: {  	_ = 	snop  }
__scs_overlays_trampoline_lowered:
0x8: {  	[smem:$0x3F95] =	sst s0  }
0x9: {  	[smem:$0x3F96] =	sst s1  }
0xa: {  	[smem:$0x3F97] =	sst s2  }
0xb: {  	[smem:$0x3F98] =	sst s3  }
0xc: {  	[smem:$0x3F99] =	sst s4  }
0xd: {  	[smem:$0x3F9A] =	sst s5  }
0xe: {  	[smem:$0x3F9B] =	sst s6  }
0xf: {  	[smem:$0x3F9C] =	sst s7  }
0x10: {  	[smem:$0x3F9D] =	sst s8  }
0x11: {  	[smem:$0x3F9E] =	sst s9;
	s0 =	simm.s32 @!p0 $0x0  }
0x12: {  	s1 =	sld [smem:$0x3F84];
	s0 =	simm.s32 @p0 $0x1  }
0x13: {  	[smem:$0x3F9F] =	sst s0;
	s0 =	simm.s32 @!p1 $0x0  }
0x14: {  	s2 =	sld [smem:$0x3F83];
	s0 =	simm.s32 @p1 $0x1  }
0x15: {  	[smem:$0x3FA0] =	sst s0;
	s0 =	simm.s32 @!p2 $0x0  }
0x16: {  	s3 =	sld [smem:$0x3FDB];
	s0 =	simm.s32 @p2 $0x1  }
0x17: {  	s4 =	simm.s32 $0x1BF5;
	[smem:$0x3FA2] =	sst s0  }
0x18: {  	s0 =	sld [smem:$0x3F85];
	_ =	swait.ge [sflag:s4], $0x0  }
0x19: {  	s7 =	sld [smem:$0x3F86]  }
0x1a: {  	s8 =	sadd.s32 $0xFFFFE003, lr  }
0x1b: {  	s9 =	sadd.s32 $0xFFFFFEF7, lr;
	s5 =	simm.s32 $0xFFFFFFFF;
	p2 =	slt.u32 s8, $0xFFFFF086  }
0x1c: {  	p1 =	slt.u32 s9, $0xF7A;
	s5 =	simm.s32 @!p2 $0x0  }
0x1d: {  	s5 =	simm.s32 @p1 $0x1;
	p0 =	seq.s32 s7, s2  }
0x1e: {  	s7 =	smul.u32 @!p0 $0xF7A, s2;
	p2 =	seq.s32 @!p0 s5, $0x0  }
0x1f: {  	s9 =	smul.u32 $0xF7A, s1;
	s8 =	simm.s32 @!p0 $0x1BF5;
	p2 =	por !p2, p0  }
0x20: {  	[sflag:s8] =	ssyncset.s32 @!p0 $0xFFFFF086;
	s6 =	sadd.s32 @!p0 s3, s7;
	s7 =	simm.s32 @!p0 $0x108  }
0x21: {  	s3 =	sadd.s32 s3, s9;
	s6 =	sadd.s32 @!p0 $0x88, s6;
	s7 =	simm.s32 @p2 $0x1082  }
0x22: {  	[simem:s7], [sflag:s8] =	dma.local @!p0 [hbm:s6], $0xF7A  }
0x23: {  	s9 =	sor.u32 $0xD0000000, s2;
	s6 =	simm.s32 $0x108;
	_ =	swait.ge @!p0 [sflag:s8], $0x0  }
0x24: {  	s3 =	sadd.s32 $0x88, s3;
	s6 =	simm.s32 @!p1 $0x1082;
	[sflag:s4] =	ssyncset.s32 $0xFFFFF086  }
0x25: {  	[simem:s6], [sflag:s4] =	dma.local [hbm:s3], $0xF7A  }
0x26: {  	[smem:$0x3F86] =	sst s1;
	(tag) =	ssettag s2;
	_ =	strace s9  }
0x27: {  	s1 =	sld [smem:$0x3F96]  }
0x28: {  	s2 =	sld [smem:$0x3F97]  }
0x29: {  	s4 =	sld [smem:$0x3F99]  }
0x2a: {  	p0 =	seq.s32 s5, $0x0;
	s5 =	sld [smem:$0x3F9A]  }
0x2b: {  	s6 =	sld [smem:$0x3F9B]  }
0x2c: {  	s7 =	sld [smem:$0x3F9C]  }
0x2d: {  	s3 =	simm.s32 $0x108;
	s8 =	sld [smem:$0x3F9D]  }
0x2e: {  	s3 =	simm.s32 @!p0 $0x1082;
	s9 =	sld [smem:$0x3F9E]  }
0x2f: {  	lr =	sadd.s32 s0, s3;
	s0 =	sld [smem:$0x3F95]  }
0x30: {  	s3 =	sld [smem:$0x3F98]  }
0x31: {  	[smem:$0x3FA1] =	sst s10  }
0x32: {  	s10 =	sld [smem:$0x3F9F];
	_ =	sdelay $0x3  }
0x33: {  	p0 =	seq.s32 s10, $0x1;
	s10 =	sld [smem:$0x3FA1];
	_ =	sdelay $0x3  }
0x34: {  	[smem:$0x3FA1] =	sst s10  }
0x35: {  	s10 =	sld [smem:$0x3FA0];
	_ =	sdelay $0x3  }
0x36: {  	p1 =	seq.s32 s10, $0x1;
	s10 =	sld [smem:$0x3FA1];
	_ =	sdelay $0x3  }
0x37: {  	[smem:$0x3FA1] =	sst s10  }
0x38: {  	s10 =	sld [smem:$0x3FA2]  }
0x39: {  	_ = 	snop;
	(pc) =	sbr.ind lr, $3  }
0x3a: {  	_ = 	snop  }
0x3b: {  	_ = 	snop  }
0x3c: {  	p2 =	seq.s32 s10, $0x1;
	s10 =	sld [smem:$0x3FA1]  }
0x3d: {  	_ =	shalt  }
0x3e: {  	_ =	shalt  }
0x3f: {  	_ =	shalt  }
0x40: {  	_ =	shalt  }
0x41: {  	_ =	shalt  }
0x42: {  	_ =	shalt  }
0x43: {  	_ =	shalt  }
0x44: {  	_ =	shalt  }
0x45: {  	_ =	shalt  }
0x46: {  	_ =	shalt  }
0x47: {  	_ =	shalt  }
0x48: {  	_ =	shalt  }
0x49: {  	_ =	shalt  }
0x4a: {  	_ =	shalt  }
0x4b: {  	_ =	shalt  }
0x4c: {  	_ =	shalt  }
0x4d: {  	_ =	shalt  }
0x4e: {  	_ =	shalt  }
0x4f: {  	_ =	shalt  }
0x50: {  	_ =	shalt  }
0x51: {  	_ =	shalt  }
0x52: {  	_ =	shalt  }
0x53: {  	_ =	shalt  }
0x54: {  	_ =	shalt  }
0x55: {  	_ =	shalt  }
0x56: {  	_ =	shalt  }
0x57: {  	_ =	shalt  }
0x58: {  	_ =	shalt  }
0x59: {  	_ =	shalt  }
0x5a: {  	_ =	shalt  }
0x5b: {  	_ =	shalt  }
0x5c: {  	_ =	shalt  }
0x5d: {  	_ =	shalt  }
0x5e: {  	_ =	shalt  }
0x5f: {  	_ =	shalt  }
0x60: {  	_ =	shalt  }
0x61: {  	_ =	shalt  }
0x62: {  	_ =	shalt  }
0x63: {  	_ =	shalt  }
0x64: {  	_ =	shalt  }
0x65: {  	_ =	shalt  }
0x66: {  	_ =	shalt  }
0x67: {  	_ =	shalt  }
0x68: {  	_ =	shalt  }
0x69: {  	_ =	shalt  }
0x6a: {  	_ =	shalt  }
0x6b: {  	_ =	shalt  }
0x6c: {  	_ =	shalt  }
0x6d: {  	_ =	shalt  }
0x6e: {  	_ =	shalt  }
0x6f: {  	_ =	shalt  }
0x70: {  	_ =	shalt  }
0x71: {  	_ =	shalt  }
0x72: {  	_ =	shalt  }
0x73: {  	_ =	shalt  }
0x74: {  	_ =	shalt  }
0x75: {  	_ =	shalt  }
0x76: {  	_ =	shalt  }
0x77: {  	_ =	shalt  }
0x78: {  	_ =	shalt  }
0x79: {  	_ =	shalt  }
0x7a: {  	_ =	shalt  }
0x7b: {  	_ =	shalt  }
0x7c: {  	_ =	shalt  }
0x7d: {  	_ =	shalt  }
0x7e: {  	_ =	shalt  }
0x7f: {  	_ =	shalt  }
0x80: {  	_ =	shalt  }
0x81: {  	_ =	shalt  }
0x82: {  	_ =	shalt  }
0x83: {  	_ =	shalt  }
0x84: {  	_ =	shalt  }
0x85: {  	_ =	shalt  }
0x86: {  	_ =	shalt  }
0x87: {  	_ =	shalt  }
.Lfunc_end0:
.L_simem_size_0:
called_computation.4_lowered:
.L_overlay_start_0:
0x88: {  	s2 =	sld [smem:$0x3FD9]  }
0x89: {  	s3 =	sld [smem:$0x3FFE];
	_ =	sdelay $0x1  }
0x8a: {  	s1 =	srdreg.scid  }
0x8b: {  	s0 =	sand.u32 $0x1, s1  }
0x8c: {  	s17 =	sshll.u32 s0, $0xA;
	s2 =	sadd.s32 s3, s2  }
0x8d: {  	s2 =	sadd.s32 s2, s17  }
0x8e: {  	[smem:$0x3FAD] =	sst s2  }
0x8f: {  	_ = 	snop  }
0x90: {  	s2 =	sld [smem:$0x3FD0];
	(tm) =	ssettm $0x1  }
0x91: {  	s18 =	sld [smem:$0x3FFB];
	_ =	sdelay $0x3  }
0x92: {  	_ =	strace s18  }
0x93: {  	s3 =	sld [smem:$0x3FFC];
	_ =	sdelay $0x3  }
0x94: {  	_ =	strace s3  }
0x95: {  	s3 =	sld [smem:$0x3FFD];
	_ =	sdelay $0x3  }
0x96: {  	_ =	strace s3  }
0x97: {  	_ =	strace $0x8FFFFFFF  }
0x98: {  	s19 =	sld [smem:$0x3FDB];
	_ =	sdelay $0x1  }
0x99: {  	s4 =	simm.s32 $_scs_section_size  }
0x9a: {  	s5 =	simm.s32 $_size__tile_overlayer_lowered;
	s6 =	simm.s32 $_tile_overlayer_lowered  }
0x9b: {  	s22 =	simm.s32 $0x1BFF;
	s21 =	sshll.u32 s6, $0x1;
	s3 =	sadd.s32 s4, s19  }
0x9c: {  	s7 =	simm.s32 $0x0;
	s20 =	sshll.u32 s5, $0x1;
	s5 =	sadd.s32 s21, s3  }
0x9d: {  	[timem:s7], [sflag:s22] =	dma.local [hbm:s5], s20  }
0x9e: {  	_ =	swait.ge [sflag:s22], s20  }
0x9f: {  	s4 =	ssub.s32 $0x0, s20;
	[sflag:s22] =	ssyncset.done $0x0  }
0xa0: {  	[sflag:s22] =	ssyncadd.s32 s4;
	_ =	sdelay $0x1  }
0xa1: {  	s23 =	simm.s32 $0x1B8B  }
0xa2: {  	_ =	swait.ge [sflag:s23], $0x1  }
0xa3: {  	[sflag:s23] =	ssyncset.done $0x0  }
0xa4: {  	s25 =	simm.s32 $0x1B8E;
	s24 =	sld [smem:$0x3FFE];
	[sflag:s23] =	ssyncadd.s32 $0xFFFFFFFF  }
0xa5: {  	s26 =	simm.s32 $execute0_lowered;
	[smem:$0x3FD2] =	sst s25  }
0xa6: {  	s5 =	sshll.u32 s26, $0x1;
	_ =	strace $0x80000052;
	[dreg:$0x1] =	wrdreg $0xFFFFFFFF  }
0xa7: {  	s28 =	simm.s32 $_size_execute0_lowered;
	s3 =	sadd.s32 s3, s5;
	[dreg:$0x0] =	wrdreg $0x0  }
0xa8: {  	s5 =	sshll.u32 s28, $0x1;
	[dreg:$0x2] =	wrdreg s3  }
0xa9: {  	[dreg:$0x3] =	wrdreg s5  }
0xaa: {  	[dreg:$0x4] =	wrdreg $0xC0  }
0xab: {  	_ =	task [dreg:s7], $0x5FFFF  }
0xac: {  	[dreg:$0x1] =	wrdreg $0xFFFFFFFF  }
0xad: {  	[dreg:$0x0] =	wrdreg $0x60  }
0xae: {  	[dreg:$0x2] =	wrdreg s24  }
0xaf: {  	[dreg:$0x3] =	wrdreg s2  }
0xb0: {  	[dreg:$0x4] =	wrdreg $0x70800  }
0xb1: {  	[dreg:$0x5] =	wrdreg $0x9  }
0xb2: {  	_ =	task.clear_ibuf [dreg:s7], $0x6FFFF;
	_ =	strace $0x90000052  }
0xb3: {  	s29 =	simm.s32 $0x9;
	_ =	strace $0x80000054  }
0xb4: {  	_ =	swait.ge [sflag:s29], $0x1  }
0xb5: {  	[sflag:s29] =	ssyncadd.s32 $0xFFFFFFFF  }
0xb6: {  	_ =	strace $0x90000054  }
0xb7: {  	_ =	sfence  }
0xb8: {  	s30 =	sld [smem:$0x0];
	_ =	sdelay $0x2  }
0xb9: {  	s31 =	sshll.u32 s1, $0xD;
	s1 =	sshrl.u32 s1, $0x2  }
0xba: {  	s3 =	sand.u32 $0x4000, s31;
	s1 =	sadd.s32 s1, s30  }
0xbb: {  	s0 =	sor.u32 s3, s0;
	s1 =	sshll.u32 s1, $0x11  }
0xbc: {  	s0 =	sor.u32 s1, s0  }
0xbd: {  	s0 =	sadd.s32 $0x8F2B, s0  }
0xbe: {  	[sflag:s0] =	ssyncadd.remote.s32 $0x1  }
0xbf: {  	_ =	sfence.sel $0xFFFF  }
0xc0: {  	[dreg:$0x0] =	wrdreg $0xFFFFFFFF;
	(pc) =	sbr.abs _section_cstart, $3  }
0xc1: {  	[dreg:$0x1] =	wrdreg $0xFFFFFFFF  }
0xc2: {  	_ =	task.clear_ibuf [dreg:s7], $0x2FFFF;
	_ =	strace $0x9FFFFFFF  }
0xc3: {  	(tm) =	ssettm $0x7FFFFFFF  }
tec
execute0_lowered:
.L_overlay_start_1:
0x0: {  	(tag) =	ssettag $0x1  }
0x1: {  	s3 =	rddreg [dreg:$0x0]  }
0x2: {  	s1 =	rddreg [dreg:$0x1]  }
0x3: {  	s2 =	rddreg [dreg:$0x2];
	s0 =	srdreg.scid  }
0x4: {  	s4 =	simm.s32 $0x0;
	s26 =	stileid.u32;
	s29 =	simm.s32 $0x640  }
0x5: {  	s30 =	simm.s32 $0x2;
	s31 =	simm.s32 $0x320;
	s7 =	smul.u32 $0x1870, s26  }
0x6: {  	s14 =	sand.u32 $0x1, s0;
	[smem:$0x7FF] =	sst s4;
	s8 =	smul.u32 $0x61C00, s26  }
0x7: {  	s5 =	sadd.s32 $0xE2200, s3;
	s21 =	smul.u32 $0x30E00, s26;
	s0 =	ssub.s32 $0x2, s14  }
0x8: {  	_ =	strace $0x80000053;
	s16 =	sshll.u32 s14, $0x4;
	v0 =	vmov s14;
	s14 =	simm.s32 $0x10  }
0x9: {  	s6 =	sshrl.u32 s0, $0x1;
	s9 =	sadd.s32 $0x320, s7;
	s10 =	sadd.s32 $0x640, s7  }
0xa: {  	s11 =	sadd.s32 $0x960, s7;
	s12 =	sadd.s32 $0xC80, s7;
	s13 =	sadd.s32 $0xFA0, s7  }
0xb: {  	s15 =	sadd.s32 $0x12C0, s7;
	s18 =	sadd.s32 $0x15E0, s7;
	s19 =	sor.u32 s16, s21  }
0xc: {  	s8 =	sshrl.u32 s8, $0x2;
	s0 =	ssub.s32 s0, s6;
	s17 =	sshll.u32 s9, $0x5  }
0xd: {  	s22 =	sshll.u32 s10, $0x5;
	s23 =	sshll.u32 s11, $0x5;
	s20 =	sshll.u32 s12, $0x5  }
0xe: {  	s24 =	sshll.u32 s13, $0x5;
	s25 =	sshll.u32 s15, $0x5;
	s6 =	sadd.s32 $0x6200, s3  }
0xf: {  	s9 =	sshll.u32 s9, $0x4;
	s3 =	sadd.s32 $0x143E00, s3;
	s7 =	sadd.s32 s8, s2  }
0x10: {  	s10 =	sshll.u32 s10, $0x4;
	s11 =	sshll.u32 s11, $0x4;
	s12 =	sshll.u32 s12, $0x4  }
0x11: {  	s17 =	sor.u32 s16, s17;
	s21 =	sor.u32 s16, s22;
	s22 =	sor.u32 s16, s23  }
0x12: {  	s20 =	sor.u32 s16, s20;
	s23 =	sshll.u32 s18, $0x5;
	s24 =	sor.u32 s16, s24  }
0x13: {  	s25 =	sor.u32 s16, s25;
	s8 =	sadd.s32 s9, s2;
	s9 =	sadd.s32 s10, s2  }
0x14: {  	s10 =	sadd.s32 s11, s2;
	s11 =	sadd.s32 s12, s2;
	s12 =	sshll.u32 s13, $0x4  }
0x15: {  	s28 =	smax.u32 s0, $0x1;
	s0 =	simm.s32 $0x3840;
	s16 =	sor.u32 s16, s23  }
0x16: {  	s23 =	sshrl.u32 s19, $0x3;
	s17 =	sshrl.u32 s17, $0x3;
	s19 =	sshrl.u32 s21, $0x3  }
0x17: {  	s21 =	sshrl.u32 s22, $0x3;
	s22 =	sshrl.u32 s20, $0x3;
	s13 =	sadd.s32 s3, s23  }
0x18: {  	s24 =	sshrl.u32 s24, $0x3;
	s17 =	sadd.s32 s3, s17;
	[dreg:$0x4] =	wrdreg s13  }
0x19: {  	s20 =	sadd.s32 s12, s2;
	s23 =	sadd.s32 s3, s22;
	[dreg:$0x5] =	wrdreg s17  }
0x1a: {  	s16 =	sshrl.u32 s16, $0x3;
	s13 =	sadd.s32 s3, s19;
	[dreg:$0x8] =	wrdreg s23  }
0x1b: {  	s17 =	sshrl.u32 s25, $0x3;
	s19 =	smul.u32 $0x186A0, s26;
	s23 =	sshll.u32 s15, $0x4  }
0x1c: {  	s15 =	simm.s32 $0x20;
	[dreg:$0x6] =	wrdreg s13;
	s13 =	sadd.s32 s3, s21  }
0x1d: {  	s21 =	sadd.s32 s23, s2;
	[dreg:$0x7] =	wrdreg s13;
	s13 =	sadd.s32 s3, s24  }
0x1e: {  	s24 =	sshll.u32 s18, $0x4;
	[dreg:$0x9] =	wrdreg s13;
	s13 =	sadd.s32 s3, s17  }
0x1f: {  	s25 =	sshrl.u32 s19, $0x3;
	s3 =	sadd.s32 s3, s16;
	[dreg:$0xa] =	wrdreg s13  }
0x20: {  	s22 =	sadd.s32 s24, s2;
	s26 =	sadd.s32 s1, s25;
	[dreg:$0xb] =	wrdreg s3  }
0x21: {  	s12 =	sadd.s32 s6, s25;
	s25 =	sadd.s32 $0x320, s19;
	[dreg:$0xc] =	wrdreg s26  }
0x22: {  	s16 =	simm.s32 $0x0;
	[dreg:$0xd] =	wrdreg s12;
	s26 =	sadd.s32 $0x640, s19  }
0x23: {  	v1 =	vimm.f32 $0.0e+00;
	s3 =	simm.s32 $0x3B60;
	s12 =	simm.s32 $0x1;
	s13 =	simm.s32 $0x3E80  }
.LBB2_1:
0x24: {  	s17 =	simm.s32 $0x40;
	s18 =	simm.s32 $0x0  }
.LBB2_2:
0x25: {  	p0 =	sne.s32 s17, $0xC7C0;
	[tilespmem:s18+$0x640] =	vst v1;
	s18 =	smov.u32 s17;
	s17 =	sadd.s32 $0x40, s17  }
.Ltmp0:
0x26: {  	(pc) =	sbr.rel @p0 .LBB2_2-.Ltmp0, $2  }
0x27: {  	_ =	sdelay $0x2  }
0x28: {  	s18 =	sshra.s32 s18, $0x2  }
0x29: {  	[tilespmem:s18+$0x640] =	vst v1  }
0x2a: {  	[spmem:s7] =	stream.linear.scatter [tilespmem:s29], [sflag:$0x2], $0x3200, $0x38;
	[tilespmem:$0x1F780] =	vst v63  }
0x2b: {  	_ =	swait.ge [sflag:s30], $0x3200  }
0x2c: {  	[sflag:s30] =	ssyncset.done $0x0  }
0x2d: {  	[sflag:s30] =	ssyncadd.s32 $0xFFFFCE00  }
0x2e: {  	[spmem:s8] =	stream.linear.scatter [tilespmem:s29], [sflag:$0x2], $0x3200, $0x38;
	[tilespmem:$0x1F780] =	vst v63  }
0x2f: {  	_ =	swait.ge [sflag:s30], $0x3200  }
0x30: {  	[sflag:s30] =	ssyncset.done $0x0  }
0x31: {  	[sflag:s30] =	ssyncadd.s32 $0xFFFFCE00  }
0x32: {  	[spmem:s9] =	stream.linear.scatter [tilespmem:s29], [sflag:$0x2], $0x3200, $0x38;
	[tilespmem:$0x1F780] =	vst v63  }
0x33: {  	_ =	swait.ge [sflag:s30], $0x3200  }
0x34: {  	[sflag:s30] =	ssyncset.done $0x0  }
0x35: {  	[sflag:s30] =	ssyncadd.s32 $0xFFFFCE00  }
0x36: {  	[spmem:s10] =	stream.linear.scatter [tilespmem:s29], [sflag:$0x2], $0x3200, $0x38;
	[tilespmem:$0x1F780] =	vst v63  }
0x37: {  	_ =	swait.ge [sflag:s30], $0x3200  }
0x38: {  	[sflag:s30] =	ssyncset.done $0x0  }
0x39: {  	[sflag:s30] =	ssyncadd.s32 $0xFFFFCE00  }
0x3a: {  	[spmem:s11] =	stream.linear.scatter [tilespmem:s29], [sflag:$0x2], $0x3200, $0x38;
	[tilespmem:$0x1F780] =	vst v63  }
0x3b: {  	_ =	swait.ge [sflag:s30], $0x3200  }
0x3c: {  	[sflag:s30] =	ssyncset.done $0x0  }
0x3d: {  	[sflag:s30] =	ssyncadd.s32 $0xFFFFCE00  }
0x3e: {  	[spmem:s20] =	stream.linear.scatter [tilespmem:s29], [sflag:$0x2], $0x3200, $0x38;
	[tilespmem:$0x1F780] =	vst v63  }
0x3f: {  	_ =	swait.ge [sflag:s30], $0x3200  }
0x40: {  	[sflag:s30] =	ssyncset.done $0x0  }
0x41: {  	[sflag:s30] =	ssyncadd.s32 $0xFFFFCE00  }
0x42: {  	[spmem:s21] =	stream.linear.scatter [tilespmem:s29], [sflag:$0x2], $0x3200, $0x38;
	[tilespmem:$0x1F780] =	vst v63  }
0x43: {  	_ =	swait.ge [sflag:s30], $0x3200  }
0x44: {  	[sflag:s30] =	ssyncset.done $0x0  }
0x45: {  	[sflag:s30] =	ssyncadd.s32 $0xFFFFCE00  }
0x46: {  	[spmem:s22] =	stream.linear.scatter [tilespmem:s29], [sflag:$0x2], $0x2900, $0x38;
	[tilespmem:$0x1F780] =	vst v63  }
0x47: {  	_ =	swait.ge [sflag:s30], $0x2900  }
0x48: {  	[sflag:s30] =	ssyncset.done $0x0  }
0x49: {  	[sflag:s30] =	ssyncadd.s32 $0xFFFFD700  }
0x4a: {  	[bflag:$0x0] =	sbarrier.arrive $0xFFFF  }
0x4b: {  	s17 =	simm.s32 $0x0;
	s23 =	rddreg [dreg:$0xc]  }
0x4c: {  	[tilespmem:s17], [sflag:$0x2] =	stream.linear.gather [hbm4b:s23+s17], $0x320, $0x38;
	[tilespmem:$0x1F780] =	vst v63  }
0x4d: {  	_ =	swait.ge [sflag:s30], $0x320  }
0x4e: {  	[sflag:s30] =	ssyncset.done $0x0  }
0x4f: {  	s24 =	rddreg [dreg:$0xd];
	[sflag:s30] =	ssyncadd.s32 $0xFFFFFCE0  }
0x50: {  	[tilespmem:s31], [sflag:$0x2] =	stream.linear.gather [hbm4b:s24+s17], $0x320, $0x38;
	[tilespmem:$0x1F780] =	vst v63  }
0x51: {  	_ =	swait.ge [sflag:s30], $0x320  }
0x52: {  	[sflag:s30] =	ssyncset.done $0x0  }
0x53: {  	s18 =	simm.s32 $0x40;
	s17 =	simm.s32 $0x0;
	[sflag:s30] =	ssyncadd.s32 $0xFFFFFCE0  }
.LBB2_4:
0x54: {  	p0 =	sne.s32 s18, $0xC40;
	v2 =	vld [tilespmem:s17+$0x0];
	_ =	sdelay $0x2  }
.Ltmp1:
0x55: {  	(pc) =	sbr.rel @p0 .LBB2_4-.Ltmp1, $4  }
0x56: {  	_ = 	snop  }
0x57: {  	v2 =	vshll.u32 v2, $0x1  }
0x58: {  	v2 =	vor.u32 v0, v2  }
0x59: {  	[tilespmem:s17+$0x0] =	vst v2;
	s17 =	sshra.s32 s18, $0x2;
	s18 =	sadd.s32 $0x40, s18  }
0x5a: {  	v2 =	vld [tilespmem:s17+$0x0];
	_ =	sdelay $0x4  }
0x5b: {  	v2 =	vshll.u32 v2, $0x1  }
0x5c: {  	v2 =	vor.u32 v0, v2  }
0x5d: {  	s18 =	simm.s32 $0x0;
	[tilespmem:s17+$0x0] =	vst v2;
	s17 =	simm.s32 $0x0  }
0x5e: {  	[tilespmem:s29], [sflag:$0x1] =	stream.indirect.gather [hbm4b:s5+s31], $0x10, s17, s31, $0xb8;
	[tilespmem:$0x1F780] =	vst v63  }
.LBB2_6:
0x5f: {  	s19 =	smul.u32 $0x640, s18;
	_ =	sdelay $0x1  }
0x60: {  	s23 =	sadd.s32 s19, s25  }
0x61: {  	s23 =	sshrl.u32 s23, $0x3  }
0x62: {  	s24 =	sadd.s32 s1, s23  }
0x63: {  	[tilespmem:s0], [sflag:$0x2] =	stream.linear.gather [hbm4b:s24+s17], $0x320, $0x38;
	[tilespmem:$0x1F780] =	vst v63  }
0x64: {  	_ =	swait.ge [sflag:s30], $0x320  }
0x65: {  	[sflag:s30] =	ssyncset.done $0x0  }
0x66: {  	s23 =	sadd.s32 s6, s23;
	[sflag:s30] =	ssyncadd.s32 $0xFFFFFCE0  }
0x67: {  	[tilespmem:s3], [sflag:$0x2] =	stream.linear.gather [hbm4b:s23+s17], $0x320, $0x38;
	[tilespmem:$0x1F780] =	vst v63  }
0x68: {  	_ =	swait.ge [sflag:s30], $0x320  }
0x69: {  	[sflag:s30] =	ssyncset.done $0x0  }
0x6a: {  	s24 =	simm.s32 $0x40;
	s23 =	simm.s32 $0x0;
	[sflag:s30] =	ssyncadd.s32 $0xFFFFFCE0  }
.LBB2_7:
0x6b: {  	p0 =	sne.s32 s24, $0xC40;
	v2 =	vld [tilespmem:s23+$0x3840];
	_ =	sdelay $0x2  }
.Ltmp2:
0x6c: {  	(pc) =	sbr.rel @p0 .LBB2_7-.Ltmp2, $4  }
0x6d: {  	_ = 	snop  }
0x6e: {  	v2 =	vshll.u32 v2, $0x1  }
0x6f: {  	v2 =	vor.u32 v0, v2  }
0x70: {  	[tilespmem:s23+$0x3840] =	vst v2;
	s23 =	sshra.s32 s24, $0x2;
	s24 =	sadd.s32 $0x40, s24  }
0x71: {  	v2 =	vld [tilespmem:s23+$0x3840];
	_ =	sdelay $0x4  }
0x72: {  	v2 =	vshll.u32 v2, $0x1  }
0x73: {  	v2 =	vor.u32 v0, v2  }
0x74: {  	[tilespmem:s23+$0x3840] =	vst v2  }
0x75: {  	_ =	swait.ge [sflag:s12], $0x3200  }
0x76: {  	[sflag:s12] =	ssyncset.done $0x0  }
0x77: {  	[sflag:s12] =	ssyncadd.s32 $0xFFFFCE00  }
0x78: {  	[tilespmem:s13], [sflag:$0x1] =	stream.indirect.gather [hbm4b:s5+s31], $0x10, s0, s31, $0xb8;
	[tilespmem:$0x1F780] =	vst v63  }
0x79: {  	_ = 	snop  }
0x7a: {  	[spmem:s2] =	stream.indirect.scatter.add.f32 [tilespmem:s29], [sflag:$0x2], $0x10, s31, s31, $0xb8;
	[tilespmem:$0x1F780] =	vst v63  }
0x7b: {  	s19 =	sadd.s32 s19, s26;
	_ =	swait.ge [sflag:s30], $0x3200  }
0x7c: {  	s19 =	sshrl.u32 s19, $0x3;
	[sflag:s30] =	ssyncset.done $0x0  }
0x7d: {  	s24 =	simm.s32 $0x0;
	s23 =	sadd.s32 s1, s19;
	[sflag:s30] =	ssyncadd.s32 $0xFFFFCE00  }
0x7e: {  	[tilespmem:s24], [sflag:$0x2] =	stream.linear.gather [hbm4b:s23+s24], $0x320, $0x38;
	[tilespmem:$0x1F780] =	vst v63  }
0x7f: {  	_ =	swait.ge [sflag:s30], $0x320  }
0x80: {  	[sflag:s30] =	ssyncset.done $0x0  }
0x81: {  	s19 =	sadd.s32 s6, s19;
	[sflag:s30] =	ssyncadd.s32 $0xFFFFFCE0  }
0x82: {  	[tilespmem:s31], [sflag:$0x2] =	stream.linear.gather [hbm4b:s19+s24], $0x320, $0x38;
	[tilespmem:$0x1F780] =	vst v63  }
0x83: {  	_ =	swait.ge [sflag:s30], $0x320  }
0x84: {  	[sflag:s30] =	ssyncset.done $0x0  }
0x85: {  	s23 =	simm.s32 $0x40;
	s19 =	simm.s32 $0x0;
	[sflag:s30] =	ssyncadd.s32 $0xFFFFFCE0  }
.LBB2_9:
0x86: {  	p0 =	sne.s32 s23, $0xC40;
	v2 =	vld [tilespmem:s19+$0x0];
	_ =	sdelay $0x2  }
.Ltmp3:
0x87: {  	(pc) =	sbr.rel @p0 .LBB2_9-.Ltmp3, $4  }
0x88: {  	_ = 	snop  }
0x89: {  	v2 =	vshll.u32 v2, $0x1  }
0x8a: {  	v2 =	vor.u32 v0, v2  }
0x8b: {  	[tilespmem:s19+$0x0] =	vst v2;
	s19 =	sshra.s32 s23, $0x2;
	s23 =	sadd.s32 $0x40, s23  }
0x8c: {  	v2 =	vld [tilespmem:s19+$0x0];
	_ =	sdelay $0x4  }
0x8d: {  	v2 =	vshll.u32 v2, $0x1  }
0x8e: {  	v2 =	vor.u32 v0, v2  }
0x8f: {  	[tilespmem:s19+$0x0] =	vst v2  }
0x90: {  	_ =	swait.ge [sflag:s12], $0x3200  }
0x91: {  	s18 =	sadd.s32 $0x1, s18;
	[sflag:s12] =	ssyncset.done $0x0  }
0x92: {  	p0 =	sne.s32 s18, $0x3E;
	[sflag:s12] =	ssyncadd.s32 $0xFFFFCE00  }
0x93: {  	[tilespmem:s29], [sflag:$0x1] =	stream.indirect.gather [hbm4b:s5+s31], $0x10, s4, s31, $0xb8;
	[tilespmem:$0x1F780] =	vst v63  }
.Ltmp4:
0x94: {  	_ = 	snop;
	(pc) =	sbr.rel @p0 .LBB2_6-.Ltmp4, $4  }
0x95: {  	[spmem:s2] =	stream.indirect.scatter.add.f32 [tilespmem:s13], [sflag:$0x2], $0x10, s3, s31, $0xb8;
	[tilespmem:$0x1F780] =	vst v63  }
0x96: {  	_ =	swait.ge [sflag:s30], $0x3200  }
0x97: {  	[sflag:s30] =	ssyncset.done $0x0  }
0x98: {  	[sflag:s30] =	ssyncadd.s32 $0xFFFFCE00  }
0x99: {  	_ =	swait.ge [sflag:s12], $0x3200  }
0x9a: {  	[sflag:s12] =	ssyncset.done $0x0  }
0x9b: {  	[sflag:s12] =	ssyncadd.s32 $0xFFFFCE00  }
0x9c: {  	[spmem:s2] =	stream.indirect.scatter.add.f32 [tilespmem:s29], [sflag:$0x2], $0x10, s31, s31, $0xb8;
	[tilespmem:$0x1F780] =	vst v63  }
0x9d: {  	_ =	swait.ge [sflag:s30], $0x3200  }
0x9e: {  	[sflag:s30] =	ssyncset.done $0x0  }
0x9f: {  	[sflag:s30] =	ssyncadd.s32 $0xFFFFCE00  }
0xa0: {  	[bflag:$0x0] =	sbarrier.arrive $0xFFFF  }
0xa1: {  	[tilespmem:s29], [sflag:$0x2] =	stream.linear.gather [spmem:s7], $0x3200, $0x38;
	[tilespmem:$0x1F780] =	vst v63  }
0xa2: {  	_ =	swait.ge [sflag:s30], $0x3200  }
0xa3: {  	[sflag:s30] =	ssyncset.done $0x0  }
0xa4: {  	s17 =	rddreg [dreg:$0x4];
	[sflag:s30] =	ssyncadd.s32 $0xFFFFCE00  }
0xa5: {  	[hbm4b:s17+s14] =	stream.strided.scatter [tilespmem:s29], [sflag:$0x2], $0x3200, s15, s14, $0x38;
	[tilespmem:$0x1F780] =	vst v63  }
0xa6: {  	_ =	swait.ge [sflag:s30], $0x3200  }
0xa7: {  	[sflag:s30] =	ssyncset.done $0x0  }
0xa8: {  	[sflag:s30] =	ssyncadd.s32 $0xFFFFCE00  }
0xa9: {  	[tilespmem:s29], [sflag:$0x2] =	stream.linear.gather [spmem:s8], $0x3200, $0x38;
	[tilespmem:$0x1F780] =	vst v63  }
0xaa: {  	_ =	swait.ge [sflag:s30], $0x3200  }
0xab: {  	[sflag:s30] =	ssyncset.done $0x0  }
0xac: {  	s19 =	rddreg [dreg:$0x5];
	[sflag:s30] =	ssyncadd.s32 $0xFFFFCE00  }
0xad: {  	[hbm4b:s19+s14] =	stream.strided.scatter [tilespmem:s29], [sflag:$0x2], $0x3200, s15, s14, $0x38;
	[tilespmem:$0x1F780] =	vst v63  }
0xae: {  	_ =	swait.ge [sflag:s30], $0x3200  }
0xaf: {  	[sflag:s30] =	ssyncset.done $0x0  }
0xb0: {  	[sflag:s30] =	ssyncadd.s32 $0xFFFFCE00  }
0xb1: {  	[tilespmem:s29], [sflag:$0x2] =	stream.linear.gather [spmem:s9], $0x3200, $0x38;
	[tilespmem:$0x1F780] =	vst v63  }
0xb2: {  	_ =	swait.ge [sflag:s30], $0x3200  }
0xb3: {  	[sflag:s30] =	ssyncset.done $0x0  }
0xb4: {  	s23 =	rddreg [dreg:$0x6];
	[sflag:s30] =	ssyncadd.s32 $0xFFFFCE00  }
0xb5: {  	[hbm4b:s23+s14] =	stream.strided.scatter [tilespmem:s29], [sflag:$0x2], $0x3200, s15, s14, $0x38;
	[tilespmem:$0x1F780] =	vst v63  }
0xb6: {  	_ =	swait.ge [sflag:s30], $0x3200  }
0xb7: {  	[sflag:s30] =	ssyncset.done $0x0  }
0xb8: {  	[sflag:s30] =	ssyncadd.s32 $0xFFFFCE00  }
0xb9: {  	[tilespmem:s29], [sflag:$0x2] =	stream.linear.gather [spmem:s10], $0x3200, $0x38;
	[tilespmem:$0x1F780] =	vst v63  }
0xba: {  	_ =	swait.ge [sflag:s30], $0x3200  }
0xbb: {  	[sflag:s30] =	ssyncset.done $0x0  }
0xbc: {  	s24 =	rddreg [dreg:$0x7];
	[sflag:s30] =	ssyncadd.s32 $0xFFFFCE00  }
0xbd: {  	[hbm4b:s24+s14] =	stream.strided.scatter [tilespmem:s29], [sflag:$0x2], $0x3200, s15, s14, $0x38;
	[tilespmem:$0x1F780] =	vst v63  }
0xbe: {  	_ =	swait.ge [sflag:s30], $0x3200  }
0xbf: {  	[sflag:s30] =	ssyncset.done $0x0  }
0xc0: {  	[sflag:s30] =	ssyncadd.s32 $0xFFFFCE00  }
0xc1: {  	[tilespmem:s29], [sflag:$0x2] =	stream.linear.gather [spmem:s11], $0x3200, $0x38;
	[tilespmem:$0x1F780] =	vst v63  }
0xc2: {  	_ =	swait.ge [sflag:s30], $0x3200  }
0xc3: {  	[sflag:s30] =	ssyncset.done $0x0  }
0xc4: {  	s18 =	rddreg [dreg:$0x8];
	[sflag:s30] =	ssyncadd.s32 $0xFFFFCE00  }
0xc5: {  	[hbm4b:s18+s14] =	stream.strided.scatter [tilespmem:s29], [sflag:$0x2], $0x3200, s15, s14, $0x38;
	[tilespmem:$0x1F780] =	vst v63  }
0xc6: {  	_ =	swait.ge [sflag:s30], $0x3200  }
0xc7: {  	[sflag:s30] =	ssyncset.done $0x0  }
0xc8: {  	[sflag:s30] =	ssyncadd.s32 $0xFFFFCE00  }
0xc9: {  	[tilespmem:s29], [sflag:$0x2] =	stream.linear.gather [spmem:s20], $0x3200, $0x38;
	[tilespmem:$0x1F780] =	vst v63  }
0xca: {  	_ =	swait.ge [sflag:s30], $0x3200  }
0xcb: {  	[sflag:s30] =	ssyncset.done $0x0  }
0xcc: {  	s19 =	rddreg [dreg:$0x9];
	[sflag:s30] =	ssyncadd.s32 $0xFFFFCE00  }
0xcd: {  	[hbm4b:s19+s14] =	stream.strided.scatter [tilespmem:s29], [sflag:$0x2], $0x3200, s15, s14, $0x38;
	[tilespmem:$0x1F780] =	vst v63  }
0xce: {  	_ =	swait.ge [sflag:s30], $0x3200  }
0xcf: {  	[sflag:s30] =	ssyncset.done $0x0  }
0xd0: {  	[sflag:s30] =	ssyncadd.s32 $0xFFFFCE00  }
0xd1: {  	[tilespmem:s29], [sflag:$0x2] =	stream.linear.gather [spmem:s21], $0x3200, $0x38;
	[tilespmem:$0x1F780] =	vst v63  }
0xd2: {  	_ =	swait.ge [sflag:s30], $0x3200  }
0xd3: {  	[sflag:s30] =	ssyncset.done $0x0  }
0xd4: {  	s23 =	rddreg [dreg:$0xa];
	[sflag:s30] =	ssyncadd.s32 $0xFFFFCE00  }
0xd5: {  	[hbm4b:s23+s14] =	stream.strided.scatter [tilespmem:s29], [sflag:$0x2], $0x3200, s15, s14, $0x38;
	[tilespmem:$0x1F780] =	vst v63  }
0xd6: {  	_ =	swait.ge [sflag:s30], $0x3200  }
0xd7: {  	[sflag:s30] =	ssyncset.done $0x0  }
0xd8: {  	[sflag:s30] =	ssyncadd.s32 $0xFFFFCE00  }
0xd9: {  	[tilespmem:s29], [sflag:$0x2] =	stream.linear.gather [spmem:s22], $0x2900, $0x38;
	[tilespmem:$0x1F780] =	vst v63  }
0xda: {  	s16 =	sadd.s32 $0x1, s16;
	_ =	swait.ge [sflag:s30], $0x2900  }
0xdb: {  	p0 =	sne.s32 s16, s28;
	[sflag:s30] =	ssyncset.done $0x0  }
.Ltmp5:
0xdc: {  	s24 =	rddreg [dreg:$0xb];
	[sflag:s30] =	ssyncadd.s32 $0xFFFFD700;
	(pc) =	sbr.rel @p0 .LBB2_1-.Ltmp5, $4  }
0xdd: {  	[hbm4b:s24+s14] =	stream.strided.scatter [tilespmem:s29], [sflag:$0x2], $0x2900, s15, s14, $0x38;
	[tilespmem:$0x1F780] =	vst v63  }
0xde: {  	_ =	swait.ge [sflag:s30], $0x2900  }
0xdf: {  	[sflag:s30] =	ssyncset.done $0x0  }
0xe0: {  	[sflag:s30] =	ssyncadd.s32 $0xFFFFD700  }
0xe1: {  	_ =	sfence.sel $0x180000  }
0xe2: {  	[bflag:$0x0] =	sbarrier.arrive $0xFFFF  }
0xe3: {  	_ =	strace $0x90000053  }
0xe4: {  	s0 =	stileid.u32;
	[bflag:$0x2] =	sbarrier.arrive $0xFFFF  }
0xe5: {  	p0 =	sne.s32 s0, $0x0;
	s0 =	rddreg [dreg:$0x3]  }
0xe6: {  	s0 =	sadd.s32 @!p0 $0x100000, s0  }
0xe7: {  	[sflag:s0] =	ssyncadd.tile.s32 @!p0 $0x1;
	_ =	shalt  }
.Lfunc_end2:
_tile_overlayer_lowered:
.L_overlay_start_2:
0xe8: {  	(tag) =	ssettag $0x2  }
0xe9: {  	s0 =	rddreg [dreg:$0x0];
	s2 =	stileid.u32  }
0xea: {  	s1 =	rddreg [dreg:$0x1];
	p0 =	sne.s32 s2, $0x0  }
0xeb: {  	s3 =	rddreg [dreg:$0x2];
	[bflag:$0x3] =	sbarrier.arrive $0xFFFF;
	s2 =	simm.s32 @!p0 $0x1C02  }
0xec: {  	[timem:s3], [sflag:s2] =	dma.local @!p0 [hbm:s0], s1  }
0xed: {  	s0 =	simm.s32 @!p0 $0x2  }
0xee: {  	_ =	swait.ge @!p0 [sflag:s0], s1  }
0xef: {  	s1 =	ssub.s32 @!p0 $0x0, s1;
	[sflag:s0] =	ssyncset.done @!p0 $0x0  }
0xf0: {  	[sflag:s0] =	ssyncadd.s32 @!p0 s1  }
0xf1: {  	[bflag:$0x3] =	sbarrier.arrive $0xFFFF  }
0xf2: {  	_ =	shalt  }

</sc_bundles>
